<compile_context>
chip_gen: v7x
topology: tpu7x:2x2x1
jax: 0.10.2.dev20260603
libtpu: 0.0.44.dev20260713+nightly
codegen_flags: <defaults>
</compile_context>

<pallas_src>
import functools

import jax
import jax.numpy as jnp
from jax import lax
from jax.experimental import pallas as pl
from jax.experimental.pallas import tpu as pltpu
from jax.experimental.pallas import tpu_sc as plsc

DEPTH = 1000
BATCH = 1024
GROUP = 26
NC, NS, LANES = 2, 16, 16
NW = NC * NS
DCH = 40
NDC = DEPTH // DCH
NSLAB = GROUP * NDC
JMAX = (NSLAB + NW - 1) // NW

_mesh = plsc.VectorSubcoreMesh(core_axis_name="c", subcore_axis_name="s")


@functools.partial(
    pl.kernel,
    out_type=jax.ShapeDtypeStruct((GROUP, DEPTH, BATCH), jnp.float32),
    mesh=_mesh,
    compiler_params=pltpu.CompilerParams(needs_layout_passes=False),
    scratch_types=[
        pltpu.VMEM((1, BATCH), jnp.int32),
        pltpu.VMEM((1, BATCH), jnp.int32),
        pltpu.VMEM((1, DCH, BATCH), jnp.float32),
        pltpu.VMEM((1, DCH, BATCH), jnp.float32),
        pltpu.SemaphoreType.DMA,
        pltpu.SemaphoreType.DMA,
    ],
)
def _sc_onehot_t(idxt_hbm, zeros_hbm, out_hbm, col_v, colp_v, buf0, buf1,
                 sem0, sem1):
    wid = lax.axis_index("s") * NC + lax.axis_index("c")
    pltpu.sync_copy(zeros_hbm, buf0)
    pltpu.sync_copy(zeros_hbm, buf1)

    bufs = (buf0, buf1)
    sems = (sem0, sem1)
    ones = jnp.full((LANES,), 1.0, jnp.float32)
    zsf = jnp.zeros((LANES,), jnp.float32)
    z16 = jnp.zeros((LANES,), jnp.int32)
    lane = lax.iota(jnp.int32, LANES)

    def params(j):
        s = wid + NW * j
        g = s // NDC
        d0 = (s - g * NDC) * DCH
        return s, g, d0

    def scatter_slab(buf, col, d0, val):
        def body(k, carry):
            v16 = col[0, pl.ds(LANES * k, LANES)]
            b16 = lane + LANES * k
            m = (v16 >= d0) & (v16 < d0 + DCH)
            plsc.store_scatter(buf, [z16, v16 - d0, b16], val, mask=m)
            return carry
        lax.fori_loop(0, BATCH // LANES, body, 0)

    def dma(buf, g, d0, sem):
        return pltpu.make_async_copy(
            buf, out_hbm.at[pl.ds(g, 1), pl.ds(d0, DCH)], sem)

    for j in range(JMAX):
        b = j % 2
        buf = bufs[b]
        if j >= 2:
            sp, gp, d0p = params(j - 2)

            @pl.when(sp < NSLAB)
            def _():
                dma(buf, 0, 0, sems[b]).wait()
                pltpu.sync_copy(idxt_hbm.at[pl.ds(gp, 1)], colp_v)
                scatter_slab(buf, colp_v, d0p, zsf)

        s, g, d0 = params(j)

        @pl.when(s < NSLAB)
        def _():
            pltpu.sync_copy(idxt_hbm.at[pl.ds(g, 1)], col_v)
            scatter_slab(buf, col_v, d0, ones)
            dma(buf, g, d0, sems[b]).start()

    for j in (JMAX - 2, JMAX - 1):
        s, g, d0 = params(j)

        @pl.when(s < NSLAB)
        def _():
            dma(bufs[j % 2], 0, 0, sems[j % 2]).wait()


def kernel(inputs):
    idxt = inputs.T
    zeros = jnp.zeros((1, DCH, BATCH), jnp.float32)
    out_t = _sc_onehot_t(idxt, zeros)
    return out_t.transpose(2, 0, 1)

# --- scband reference (transcript-rebuilt; emitter-appended) ---
"""Pipeline reference for scband-one-hot-49778670960933 (READ-ONLY COPY).

The authoritative reference and input builder live on the scoring server;
editing this copy changes nothing except your own understanding.
"""

import jax, jax.numpy as jnp
import numpy as np

DEPTH = 1000

def setup_inputs(seed: int = 0) -> dict:
    key = jax.random.key(seed)
    inputs = jax.random.randint(key, (1024, 26), 0, DEPTH, dtype=jnp.int64 if jax.config.jax_enable_x64 else jnp.int32)
    return {"inputs": inputs}

def reference(inputs):
    # tf.one_hot(inputs, depth=DEPTH) -> float32 one-hot along new last axis
    return jax.nn.one_hot(inputs, DEPTH, dtype=jnp.float32)

if __name__ == "__main__":
    import jax
    _d = setup_inputs()
    print(jax.jit(kernel)(*tuple(_d.values())))

</pallas_src>

<mosaic_0001>
#map = affine_map<(d0, d1) -> (0, 0)>
#map1 = affine_map<(d0, d1) -> (0, 0, 0)>
module attributes {stable_mosaic.version = 14 : i64} {
  func.func @_sc_onehot_t(%arg0: i32, %arg1: i32, %arg2: memref<26x1024xi32, #tpu.memory_space<hbm>>, %arg3: memref<1x40x1024xf32, #tpu.memory_space<hbm>>, %arg4: memref<26x1000x1024xf32, #tpu.memory_space<hbm>>, %arg5: memref<1x1024xi32, #tpu.memory_space<vmem>>, %arg6: memref<1x1024xi32, #tpu.memory_space<vmem>>, %arg7: memref<1x40x1024xf32, #tpu.memory_space<vmem>>, %arg8: memref<1x40x1024xf32, #tpu.memory_space<vmem>>, %arg9: memref<!tpu.dma_semaphore, #tpu.memory_space<semaphore_mem>>, %arg10: memref<!tpu.dma_semaphore, #tpu.memory_space<semaphore_mem>>) attributes {dimension_semantics = [#tpu.dimension_semantics<core_parallel>, #tpu.dimension_semantics<subcore_parallel>], iteration_bounds = array<i64: 2, 16>, scalar_prefetch = 0 : i64, scratch_operands = 6 : i64, tpu.core_type = #tpu.core_type<sc_vector_subcore>, window_params = [{transform_indices = #map}, {transform_indices = #map1}, {transform_indices = #map1}]} {
    %mul3A = arith.constant 2 : i32
    %mul3A_0 = arith.muli %arg1, %mul3A : i32
    %add3A = arith.addi %mul3A_0, %arg0 : i32
    "tpu.region"() ({
      %run_scoped3A = tpu.sem_alloc : memref<!tpu.dma_semaphore, #tpu.memory_space<semaphore_mem>>
      tpu.enqueue_dma source(%arg3 : memref<1x40x1024xf32, #tpu.memory_space<hbm>>) target(%arg7 : memref<1x40x1024xf32, #tpu.memory_space<vmem>>) target_semaphore(%run_scoped3A : memref<!tpu.dma_semaphore, #tpu.memory_space<semaphore_mem>>)
      tpu.wait_dma2 semaphore(%run_scoped3A : memref<!tpu.dma_semaphore, #tpu.memory_space<semaphore_mem>>) src(%arg3 : memref<1x40x1024xf32, #tpu.memory_space<hbm>>) dst(%arg7 : memref<1x40x1024xf32, #tpu.memory_space<vmem>>)
      tpu.yield
    }) : () -> ()
    "tpu.region"() ({
      %run_scoped3A = tpu.sem_alloc : memref<!tpu.dma_semaphore, #tpu.memory_space<semaphore_mem>>
      tpu.enqueue_dma source(%arg3 : memref<1x40x1024xf32, #tpu.memory_space<hbm>>) target(%arg8 : memref<1x40x1024xf32, #tpu.memory_space<vmem>>) target_semaphore(%run_scoped3A : memref<!tpu.dma_semaphore, #tpu.memory_space<semaphore_mem>>)
      tpu.wait_dma2 semaphore(%run_scoped3A : memref<!tpu.dma_semaphore, #tpu.memory_space<semaphore_mem>>) src(%arg3 : memref<1x40x1024xf32, #tpu.memory_space<hbm>>) dst(%arg8 : memref<1x40x1024xf32, #tpu.memory_space<vmem>>)
      tpu.yield
    }) : () -> ()
    %broadcast_in_dim3A = arith.constant 1.000000e+00 : f32
    %broadcast_in_dim3A_1 = vector.broadcast %broadcast_in_dim3A : f32 to vector<16xf32>
    %broadcast_in_dim3A_2 = arith.constant 0.000000e+00 : f32
    %broadcast_in_dim3A_3 = vector.broadcast %broadcast_in_dim3A_2 : f32 to vector<16xf32>
    %broadcast_in_dim3A_4 = arith.constant 0 : i32
    %broadcast_in_dim3A_5 = vector.broadcast %broadcast_in_dim3A_4 : i32 to vector<16xi32>
    %iota3A = tpu.iota {dimensions = array<i32: 0>} : vector<16xi32>
    %add3A_6 = arith.constant 0 : i32
    %add3A_7 = arith.addi %add3A, %add3A_6 : i32
    %jit3A = arith.constant 25 : i32
    %div3A = arith.divsi %add3A_7, %jit3A : i32
    %sign3A = arith.constant 0 : i32
    %sign3A_8 = arith.cmpi sgt, %add3A_7, %sign3A : i32
    %sign3A_9 = arith.extui %sign3A_8 : i1 to i32
    %sign3A_10 = arith.constant 0 : i32
    %sign3A_11 = arith.cmpi slt, %add3A_7, %sign3A_10 : i32
    %sign3A_12 = arith.extui %sign3A_11 : i1 to i32
    %sign3A_13 = arith.subi %sign3A_9, %sign3A_12 : i32
    %sign3A_14 = arith.constant 0 : i32
    %sign3A_15 = arith.cmpi sgt, %jit3A, %sign3A_14 : i32
    %sign3A_16 = arith.extui %sign3A_15 : i1 to i32
    %sign3A_17 = arith.constant 0 : i32
    %sign3A_18 = arith.cmpi slt, %jit3A, %sign3A_17 : i32
    %sign3A_19 = arith.extui %sign3A_18 : i1 to i32
    %sign3A_20 = arith.subi %sign3A_16, %sign3A_19 : i32
    %ne3A = arith.cmpi ne, %sign3A_13, %sign3A_20 : i32
    %rem3A = arith.remsi %add3A_7, %jit3A : i32
    %ne3A_21 = arith.constant 0 : i32
    %ne3A_22 = arith.cmpi ne, %rem3A, %ne3A_21 : i32
    %and3A = arith.andi %ne3A, %ne3A_22 : i1
    %sub3A = arith.constant 1 : i32
    %sub3A_23 = arith.subi %div3A, %sub3A : i32
    %select_n3A = arith.select %and3A, %sub3A_23, %div3A : i32
    %mul3A_24 = arith.constant 25 : i32
    %mul3A_25 = arith.muli %select_n3A, %mul3A_24 : i32
    %sub3A_26 = arith.subi %add3A_7, %mul3A_25 : i32
    %mul3A_27 = arith.constant 40 : i32
    %mul3A_28 = arith.muli %sub3A_26, %mul3A_27 : i32
    %lt3A = arith.constant 650 : i32
    %lt3A_29 = arith.cmpi slt, %add3A_7, %lt3A : i32
    %convert_element_type3A = arith.extui %lt3A_29 : i1 to i32
    %cond3A = arith.constant 0 : i32
    %cond3A_30 = arith.cmpi ne, %convert_element_type3A, %cond3A : i32
    scf.if %cond3A_30 {
      "tpu.region"() ({
        %run_scoped3A = tpu.sem_alloc : memref<!tpu.dma_semaphore, #tpu.memory_space<semaphore_mem>>
        %dma_start3A_1515 = arith.constant 0 : i32
        %dma_start3A_1516 = tpu.memref_slice %arg2[%select_n3A, %dma_start3A_1515] : memref<26x1024xi32, #tpu.memory_space<hbm>> -> memref<1x1024xi32, #tpu.memory_space<hbm>>
        %dma_start3A_1517 = arith.constant 0 : i32
        %dma_start3A_1518 = tpu.memref_slice %arg2[%select_n3A, %dma_start3A_1517] : memref<26x1024xi32, #tpu.memory_space<hbm>> -> memref<1x1024xi32, #tpu.memory_space<hbm>>
        tpu.enqueue_dma source(%dma_start3A_1518 : memref<1x1024xi32, #tpu.memory_space<hbm>>) target(%arg5 : memref<1x1024xi32, #tpu.memory_space<vmem>>) target_semaphore(%run_scoped3A : memref<!tpu.dma_semaphore, #tpu.memory_space<semaphore_mem>>)
        %dma_wait3A = arith.constant 0 : i32
        %dma_wait3A_1519 = tpu.memref_slice %arg2[%select_n3A, %dma_wait3A] : memref<26x1024xi32, #tpu.memory_space<hbm>> -> memref<1x1024xi32, #tpu.memory_space<hbm>>
        %dma_wait3A_1520 = arith.constant 0 : i32
        %dma_wait3A_1521 = tpu.memref_slice %arg2[%select_n3A, %dma_wait3A_1520] : memref<26x1024xi32, #tpu.memory_space<hbm>> -> memref<1x1024xi32, #tpu.memory_space<hbm>>
        tpu.wait_dma2 semaphore(%run_scoped3A : memref<!tpu.dma_semaphore, #tpu.memory_space<semaphore_mem>>) src(%dma_wait3A_1521 : memref<1x1024xi32, #tpu.memory_space<hbm>>) dst(%arg5 : memref<1x1024xi32, #tpu.memory_space<vmem>>)
        tpu.yield
      }) : () -> ()
      %scan3A = arith.constant 0 : i32
      %scan3A_1507 = arith.constant 0 : i32
      %scan3A_1508 = arith.constant 64 : i32
      %scan3A_1509 = arith.addi %scan3A_1507, %scan3A_1508 : i32
      %scan3A_1510 = arith.constant 1 : i32
      scf.for %scan3A_1515 = %scan3A_1507 to %scan3A_1509 step %scan3A_1510  : i32 {
        %mul3A_1516 = arith.constant 16 : i32
        %mul3A_1517 = arith.muli %mul3A_1516, %scan3A_1515 : i32
        %get3A = arith.constant 0 : i32
        %get3A_1518 = arith.index_cast %get3A : i32 to index
        %get3A_1519 = arith.index_cast %mul3A_1517 : i32 to index
        %get3A_1520 = tpu.vector_load %arg5[%get3A_1518, %get3A_1519] {strides = array<i32>} : memref<1x1024xi32, #tpu.memory_space<vmem>>, vector<16xi32>,
        %mul3A_1521 = arith.constant 16 : i32
        %mul3A_1522 = arith.muli %mul3A_1521, %scan3A_1515 : i32
        %add3A_1523 = vector.broadcast %mul3A_1522 : i32 to vector<16xi32>
        %add3A_1524 = arith.addi %iota3A, %add3A_1523 : vector<16xi32>
        %ge3A = vector.broadcast %mul3A_28 : i32 to vector<16xi32>
        %ge3A_1525 = arith.cmpi sge, %get3A_1520, %ge3A : vector<16xi32>
        %add3A_1526 = arith.constant 40 : i32
        %add3A_1527 = arith.addi %mul3A_28, %add3A_1526 : i32
        %lt3A_1528 = vector.broadcast %add3A_1527 : i32 to vector<16xi32>
        %lt3A_1529 = arith.cmpi slt, %get3A_1520, %lt3A_1528 : vector<16xi32>
        %and3A_1530 = arith.andi %ge3A_1525, %lt3A_1529 : vector<16xi1>
        %sub3A_1531 = vector.broadcast %mul3A_28 : i32 to vector<16xi32>
        %sub3A_1532 = arith.subi %get3A_1520, %sub3A_1531 : vector<16xi32>
        tpu.vector_store_idx %arg7[%broadcast_in_dim3A_5, %sub3A_1532, %add3A_1524], %broadcast_in_dim3A_1 masked %and3A_1530 : memref<1x40x1024xf32, #tpu.memory_space<vmem>>[vector<16xi32>, vector<16xi32>, vector<16xi32>], vector<16xf32>, vector<16xi1>
      }
      %scan3A_1511 = arith.constant 64 : i32
      %dma_start3A = arith.constant 0 : i32
      %dma_start3A_1512 = tpu.memref_slice %arg4[%select_n3A, %mul3A_28, %dma_start3A] : memref<26x1000x1024xf32, #tpu.memory_space<hbm>> -> memref<1x40x1024xf32, #tpu.memory_space<hbm>>
      %dma_start3A_1513 = arith.constant 0 : i32
      %dma_start3A_1514 = tpu.memref_slice %arg4[%select_n3A, %mul3A_28, %dma_start3A_1513] : memref<26x1000x1024xf32, #tpu.memory_space<hbm>> -> memref<1x40x1024xf32, #tpu.memory_space<hbm>>
      tpu.enqueue_dma source(%arg7 : memref<1x40x1024xf32, #tpu.memory_space<vmem>>) target(%dma_start3A_1514 : memref<1x40x1024xf32, #tpu.memory_space<hbm>>) target_semaphore(%arg9 : memref<!tpu.dma_semaphore, #tpu.memory_space<semaphore_mem>>)
    } else {
    }
    %add3A_31 = arith.constant 32 : i32
    %add3A_32 = arith.addi %add3A, %add3A_31 : i32
    %jit3A_33 = arith.constant 25 : i32
    %div3A_34 = arith.divsi %add3A_32, %jit3A_33 : i32
    %sign3A_35 = arith.constant 0 : i32
    %sign3A_36 = arith.cmpi sgt, %add3A_32, %sign3A_35 : i32
    %sign3A_37 = arith.extui %sign3A_36 : i1 to i32
    %sign3A_38 = arith.constant 0 : i32
    %sign3A_39 = arith.cmpi slt, %add3A_32, %sign3A_38 : i32
    %sign3A_40 = arith.extui %sign3A_39 : i1 to i32
    %sign3A_41 = arith.subi %sign3A_37, %sign3A_40 : i32
    %sign3A_42 = arith.constant 0 : i32
    %sign3A_43 = arith.cmpi sgt, %jit3A_33, %sign3A_42 : i32
    %sign3A_44 = arith.extui %sign3A_43 : i1 to i32
    %sign3A_45 = arith.constant 0 : i32
    %sign3A_46 = arith.cmpi slt, %jit3A_33, %sign3A_45 : i32
    %sign3A_47 = arith.extui %sign3A_46 : i1 to i32
    %sign3A_48 = arith.subi %sign3A_44, %sign3A_47 : i32
    %ne3A_49 = arith.cmpi ne, %sign3A_41, %sign3A_48 : i32
    %rem3A_50 = arith.remsi %add3A_32, %jit3A_33 : i32
    %ne3A_51 = arith.constant 0 : i32
    %ne3A_52 = arith.cmpi ne, %rem3A_50, %ne3A_51 : i32
    %and3A_53 = arith.andi %ne3A_49, %ne3A_52 : i1
    %sub3A_54 = arith.constant 1 : i32
    %sub3A_55 = arith.subi %div3A_34, %sub3A_54 : i32
    %select_n3A_56 = arith.select %and3A_53, %sub3A_55, %div3A_34 : i32
    %mul3A_57 = arith.constant 25 : i32
    %mul3A_58 = arith.muli %select_n3A_56, %mul3A_57 : i32
    %sub3A_59 = arith.subi %add3A_32, %mul3A_58 : i32
    %mul3A_60 = arith.constant 40 : i32
    %mul3A_61 = arith.muli %sub3A_59, %mul3A_60 : i32
    %lt3A_62 = arith.constant 650 : i32
    %lt3A_63 = arith.cmpi slt, %add3A_32, %lt3A_62 : i32
    %convert_element_type3A_64 = arith.extui %lt3A_63 : i1 to i32
    %cond3A_65 = arith.constant 0 : i32
    %cond3A_66 = arith.cmpi ne, %convert_element_type3A_64, %cond3A_65 : i32
    scf.if %cond3A_66 {
      "tpu.region"() ({
        %run_scoped3A = tpu.sem_alloc : memref<!tpu.dma_semaphore, #tpu.memory_space<semaphore_mem>>
        %dma_start3A_1515 = arith.constant 0 : i32
        %dma_start3A_1516 = tpu.memref_slice %arg2[%select_n3A_56, %dma_start3A_1515] : memref<26x1024xi32, #tpu.memory_space<hbm>> -> memref<1x1024xi32, #tpu.memory_space<hbm>>
        %dma_start3A_1517 = arith.constant 0 : i32
        %dma_start3A_1518 = tpu.memref_slice %arg2[%select_n3A_56, %dma_start3A_1517] : memref<26x1024xi32, #tpu.memory_space<hbm>> -> memref<1x1024xi32, #tpu.memory_space<hbm>>
        tpu.enqueue_dma source(%dma_start3A_1518 : memref<1x1024xi32, #tpu.memory_space<hbm>>) target(%arg5 : memref<1x1024xi32, #tpu.memory_space<vmem>>) target_semaphore(%run_scoped3A : memref<!tpu.dma_semaphore, #tpu.memory_space<semaphore_mem>>)
        %dma_wait3A = arith.constant 0 : i32
        %dma_wait3A_1519 = tpu.memref_slice %arg2[%select_n3A_56, %dma_wait3A] : memref<26x1024xi32, #tpu.memory_space<hbm>> -> memref<1x1024xi32, #tpu.memory_space<hbm>>
        %dma_wait3A_1520 = arith.constant 0 : i32
        %dma_wait3A_1521 = tpu.memref_slice %arg2[%select_n3A_56, %dma_wait3A_1520] : memref<26x1024xi32, #tpu.memory_space<hbm>> -> memref<1x1024xi32, #tpu.memory_space<hbm>>
        tpu.wait_dma2 semaphore(%run_scoped3A : memref<!tpu.dma_semaphore, #tpu.memory_space<semaphore_mem>>) src(%dma_wait3A_1521 : memref<1x1024xi32, #tpu.memory_space<hbm>>) dst(%arg5 : memref<1x1024xi32, #tpu.memory_space<vmem>>)
        tpu.yield
      }) : () -> ()
      %scan3A = arith.constant 0 : i32
      %scan3A_1507 = arith.constant 0 : i32
      %scan3A_1508 = arith.constant 64 : i32
      %scan3A_1509 = arith.addi %scan3A_1507, %scan3A_1508 : i32
      %scan3A_1510 = arith.constant 1 : i32
      scf.for %scan3A_1515 = %scan3A_1507 to %scan3A_1509 step %scan3A_1510  : i32 {
        %mul3A_1516 = arith.constant 16 : i32
        %mul3A_1517 = arith.muli %mul3A_1516, %scan3A_1515 : i32
        %get3A = arith.constant 0 : i32
        %get3A_1518 = arith.index_cast %get3A : i32 to index
        %get3A_1519 = arith.index_cast %mul3A_1517 : i32 to index
        %get3A_1520 = tpu.vector_load %arg5[%get3A_1518, %get3A_1519] {strides = array<i32>} : memref<1x1024xi32, #tpu.memory_space<vmem>>, vector<16xi32>,
        %mul3A_1521 = arith.constant 16 : i32
        %mul3A_1522 = arith.muli %mul3A_1521, %scan3A_1515 : i32
        %add3A_1523 = vector.broadcast %mul3A_1522 : i32 to vector<16xi32>
        %add3A_1524 = arith.addi %iota3A, %add3A_1523 : vector<16xi32>
        %ge3A = vector.broadcast %mul3A_61 : i32 to vector<16xi32>
        %ge3A_1525 = arith.cmpi sge, %get3A_1520, %ge3A : vector<16xi32>
        %add3A_1526 = arith.constant 40 : i32
        %add3A_1527 = arith.addi %mul3A_61, %add3A_1526 : i32
        %lt3A_1528 = vector.broadcast %add3A_1527 : i32 to vector<16xi32>
        %lt3A_1529 = arith.cmpi slt, %get3A_1520, %lt3A_1528 : vector<16xi32>
        %and3A_1530 = arith.andi %ge3A_1525, %lt3A_1529 : vector<16xi1>
        %sub3A_1531 = vector.broadcast %mul3A_61 : i32 to vector<16xi32>
        %sub3A_1532 = arith.subi %get3A_1520, %sub3A_1531 : vector<16xi32>
        tpu.vector_store_idx %arg8[%broadcast_in_dim3A_5, %sub3A_1532, %add3A_1524], %broadcast_in_dim3A_1 masked %and3A_1530 : memref<1x40x1024xf32, #tpu.memory_space<vmem>>[vector<16xi32>, vector<16xi32>, vector<16xi32>], vector<16xf32>, vector<16xi1>
      }
      %scan3A_1511 = arith.constant 64 : i32
      %dma_start3A = arith.constant 0 : i32
      %dma_start3A_1512 = tpu.memref_slice %arg4[%select_n3A_56, %mul3A_61, %dma_start3A] : memref<26x1000x1024xf32, #tpu.memory_space<hbm>> -> memref<1x40x1024xf32, #tpu.memory_space<hbm>>
      %dma_start3A_1513 = arith.constant 0 : i32
      %dma_start3A_1514 = tpu.memref_slice %arg4[%select_n3A_56, %mul3A_61, %dma_start3A_1513] : memref<26x1000x1024xf32, #tpu.memory_space<hbm>> -> memref<1x40x1024xf32, #tpu.memory_space<hbm>>
      tpu.enqueue_dma source(%arg8 : memref<1x40x1024xf32, #tpu.memory_space<vmem>>) target(%dma_start3A_1514 : memref<1x40x1024xf32, #tpu.memory_space<hbm>>) target_semaphore(%arg10 : memref<!tpu.dma_semaphore, #tpu.memory_space<semaphore_mem>>)
    } else {
    }
    %add3A_67 = arith.constant 0 : i32
    %add3A_68 = arith.addi %add3A, %add3A_67 : i32
    %jit3A_69 = arith.constant 25 : i32
    %div3A_70 = arith.divsi %add3A_68, %jit3A_69 : i32
    %sign3A_71 = arith.constant 0 : i32
    %sign3A_72 = arith.cmpi sgt, %add3A_68, %sign3A_71 : i32
    %sign3A_73 = arith.extui %sign3A_72 : i1 to i32
    %sign3A_74 = arith.constant 0 : i32
    %sign3A_75 = arith.cmpi slt, %add3A_68, %sign3A_74 : i32
    %sign3A_76 = arith.extui %sign3A_75 : i1 to i32
    %sign3A_77 = arith.subi %sign3A_73, %sign3A_76 : i32
    %sign3A_78 = arith.constant 0 : i32
    %sign3A_79 = arith.cmpi sgt, %jit3A_69, %sign3A_78 : i32
    %sign3A_80 = arith.extui %sign3A_79 : i1 to i32
    %sign3A_81 = arith.constant 0 : i32
    %sign3A_82 = arith.cmpi slt, %jit3A_69, %sign3A_81 : i32
    %sign3A_83 = arith.extui %sign3A_82 : i1 to i32
    %sign3A_84 = arith.subi %sign3A_80, %sign3A_83 : i32
    %ne3A_85 = arith.cmpi ne, %sign3A_77, %sign3A_84 : i32
    %rem3A_86 = arith.remsi %add3A_68, %jit3A_69 : i32
    %ne3A_87 = arith.constant 0 : i32
    %ne3A_88 = arith.cmpi ne, %rem3A_86, %ne3A_87 : i32
    %and3A_89 = arith.andi %ne3A_85, %ne3A_88 : i1
    %sub3A_90 = arith.constant 1 : i32
    %sub3A_91 = arith.subi %div3A_70, %sub3A_90 : i32
    %select_n3A_92 = arith.select %and3A_89, %sub3A_91, %div3A_70 : i32
    %mul3A_93 = arith.constant 25 : i32
    %mul3A_94 = arith.muli %select_n3A_92, %mul3A_93 : i32
    %sub3A_95 = arith.subi %add3A_68, %mul3A_94 : i32
    %mul3A_96 = arith.constant 40 : i32
    %mul3A_97 = arith.muli %sub3A_95, %mul3A_96 : i32
    %lt3A_98 = arith.constant 650 : i32
    %lt3A_99 = arith.cmpi slt, %add3A_68, %lt3A_98 : i32
    %convert_element_type3A_100 = arith.extui %lt3A_99 : i1 to i32
    %cond3A_101 = arith.constant 0 : i32
    %cond3A_102 = arith.cmpi ne, %convert_element_type3A_100, %cond3A_101 : i32
    scf.if %cond3A_102 {
      %dma_wait3A = arith.constant 0 : i32
      %dma_wait3A_1507 = arith.constant 0 : i32
      %dma_wait3A_1508 = arith.constant 0 : i32
      %dma_wait3A_1509 = tpu.memref_slice %arg4[%dma_wait3A, %dma_wait3A_1507, %dma_wait3A_1508] : memref<26x1000x1024xf32, #tpu.memory_space<hbm>> -> memref<1x40x1024xf32, #tpu.memory_space<hbm>>
      %dma_wait3A_1510 = arith.constant 0 : i32
      %dma_wait3A_1511 = arith.constant 0 : i32
      %dma_wait3A_1512 = arith.constant 0 : i32
      %dma_wait3A_1513 = tpu.memref_slice %arg4[%dma_wait3A_1510, %dma_wait3A_1511, %dma_wait3A_1512] : memref<26x1000x1024xf32, #tpu.memory_space<hbm>> -> memref<1x40x1024xf32, #tpu.memory_space<hbm>>
      tpu.wait_dma2 semaphore(%arg9 : memref<!tpu.dma_semaphore, #tpu.memory_space<semaphore_mem>>) src(%arg7 : memref<1x40x1024xf32, #tpu.memory_space<vmem>>) dst(%dma_wait3A_1513 : memref<1x40x1024xf32, #tpu.memory_space<hbm>>)
      "tpu.region"() ({
        %run_scoped3A = tpu.sem_alloc : memref<!tpu.dma_semaphore, #tpu.memory_space<semaphore_mem>>
        %dma_start3A = arith.constant 0 : i32
        %dma_start3A_1519 = tpu.memref_slice %arg2[%select_n3A_92, %dma_start3A] : memref<26x1024xi32, #tpu.memory_space<hbm>> -> memref<1x1024xi32, #tpu.memory_space<hbm>>
        %dma_start3A_1520 = arith.constant 0 : i32
        %dma_start3A_1521 = tpu.memref_slice %arg2[%select_n3A_92, %dma_start3A_1520] : memref<26x1024xi32, #tpu.memory_space<hbm>> -> memref<1x1024xi32, #tpu.memory_space<hbm>>
        tpu.enqueue_dma source(%dma_start3A_1521 : memref<1x1024xi32, #tpu.memory_space<hbm>>) target(%arg6 : memref<1x1024xi32, #tpu.memory_space<vmem>>) target_semaphore(%run_scoped3A : memref<!tpu.dma_semaphore, #tpu.memory_space<semaphore_mem>>)
        %dma_wait3A_1522 = arith.constant 0 : i32
        %dma_wait3A_1523 = tpu.memref_slice %arg2[%select_n3A_92, %dma_wait3A_1522] : memref<26x1024xi32, #tpu.memory_space<hbm>> -> memref<1x1024xi32, #tpu.memory_space<hbm>>
        %dma_wait3A_1524 = arith.constant 0 : i32
        %dma_wait3A_1525 = tpu.memref_slice %arg2[%select_n3A_92, %dma_wait3A_1524] : memref<26x1024xi32, #tpu.memory_space<hbm>> -> memref<1x1024xi32, #tpu.memory_space<hbm>>
        tpu.wait_dma2 semaphore(%run_scoped3A : memref<!tpu.dma_semaphore, #tpu.memory_space<semaphore_mem>>) src(%dma_wait3A_1525 : memref<1x1024xi32, #tpu.memory_space<hbm>>) dst(%arg6 : memref<1x1024xi32, #tpu.memory_space<vmem>>)
        tpu.yield
      }) : () -> ()
      %scan3A = arith.constant 0 : i32
      %scan3A_1514 = arith.constant 0 : i32
      %scan3A_1515 = arith.constant 64 : i32
      %scan3A_1516 = arith.addi %scan3A_1514, %scan3A_1515 : i32
      %scan3A_1517 = arith.constant 1 : i32
      scf.for %scan3A_1519 = %scan3A_1514 to %scan3A_1516 step %scan3A_1517  : i32 {
        %mul3A_1520 = arith.constant 16 : i32
        %mul3A_1521 = arith.muli %mul3A_1520, %scan3A_1519 : i32
        %get3A = arith.constant 0 : i32
        %get3A_1522 = arith.index_cast %get3A : i32 to index
        %get3A_1523 = arith.index_cast %mul3A_1521 : i32 to index
        %get3A_1524 = tpu.vector_load %arg6[%get3A_1522, %get3A_1523] {strides = array<i32>} : memref<1x1024xi32, #tpu.memory_space<vmem>>, vector<16xi32>,
        %mul3A_1525 = arith.constant 16 : i32
        %mul3A_1526 = arith.muli %mul3A_1525, %scan3A_1519 : i32
        %add3A_1527 = vector.broadcast %mul3A_1526 : i32 to vector<16xi32>
        %add3A_1528 = arith.addi %iota3A, %add3A_1527 : vector<16xi32>
        %ge3A = vector.broadcast %mul3A_97 : i32 to vector<16xi32>
        %ge3A_1529 = arith.cmpi sge, %get3A_1524, %ge3A : vector<16xi32>
        %add3A_1530 = arith.constant 40 : i32
        %add3A_1531 = arith.addi %mul3A_97, %add3A_1530 : i32
        %lt3A_1532 = vector.broadcast %add3A_1531 : i32 to vector<16xi32>
        %lt3A_1533 = arith.cmpi slt, %get3A_1524, %lt3A_1532 : vector<16xi32>
        %and3A_1534 = arith.andi %ge3A_1529, %lt3A_1533 : vector<16xi1>
        %sub3A_1535 = vector.broadcast %mul3A_97 : i32 to vector<16xi32>
        %sub3A_1536 = arith.subi %get3A_1524, %sub3A_1535 : vector<16xi32>
        tpu.vector_store_idx %arg7[%broadcast_in_dim3A_5, %sub3A_1536, %add3A_1528], %broadcast_in_dim3A_3 masked %and3A_1534 : memref<1x40x1024xf32, #tpu.memory_space<vmem>>[vector<16xi32>, vector<16xi32>, vector<16xi32>], vector<16xf32>, vector<16xi1>
      }
      %scan3A_1518 = arith.constant 64 : i32
    } else {
    }
    %add3A_103 = arith.constant 64 : i32
    %add3A_104 = arith.addi %add3A, %add3A_103 : i32
    %jit3A_105 = arith.constant 25 : i32
    %div3A_106 = arith.divsi %add3A_104, %jit3A_105 : i32
    %sign3A_107 = arith.constant 0 : i32
    %sign3A_108 = arith.cmpi sgt, %add3A_104, %sign3A_107 : i32
    %sign3A_109 = arith.extui %sign3A_108 : i1 to i32
    %sign3A_110 = arith.constant 0 : i32
    %sign3A_111 = arith.cmpi slt, %add3A_104, %sign3A_110 : i32
    %sign3A_112 = arith.extui %sign3A_111 : i1 to i32
    %sign3A_113 = arith.subi %sign3A_109, %sign3A_112 : i32
    %sign3A_114 = arith.constant 0 : i32
    %sign3A_115 = arith.cmpi sgt, %jit3A_105, %sign3A_114 : i32
    %sign3A_116 = arith.extui %sign3A_115 : i1 to i32
    %sign3A_117 = arith.constant 0 : i32
    %sign3A_118 = arith.cmpi slt, %jit3A_105, %sign3A_117 : i32
    %sign3A_119 = arith.extui %sign3A_118 : i1 to i32
    %sign3A_120 = arith.subi %sign3A_116, %sign3A_119 : i32
    %ne3A_121 = arith.cmpi ne, %sign3A_113, %sign3A_120 : i32
    %rem3A_122 = arith.remsi %add3A_104, %jit3A_105 : i32
    %ne3A_123 = arith.constant 0 : i32
    %ne3A_124 = arith.cmpi ne, %rem3A_122, %ne3A_123 : i32
    %and3A_125 = arith.andi %ne3A_121, %ne3A_124 : i1
    %sub3A_126 = arith.constant 1 : i32
    %sub3A_127 = arith.subi %div3A_106, %sub3A_126 : i32
    %select_n3A_128 = arith.select %and3A_125, %sub3A_127, %div3A_106 : i32
    %mul3A_129 = arith.constant 25 : i32
    %mul3A_130 = arith.muli %select_n3A_128, %mul3A_129 : i32
    %sub3A_131 = arith.subi %add3A_104, %mul3A_130 : i32
    %mul3A_132 = arith.constant 40 : i32
    %mul3A_133 = arith.muli %sub3A_131, %mul3A_132 : i32
    %lt3A_134 = arith.constant 650 : i32
    %lt3A_135 = arith.cmpi slt, %add3A_104, %lt3A_134 : i32
    %convert_element_type3A_136 = arith.extui %lt3A_135 : i1 to i32
    %cond3A_137 = arith.constant 0 : i32
    %cond3A_138 = arith.cmpi ne, %convert_element_type3A_136, %cond3A_137 : i32
    scf.if %cond3A_138 {
      "tpu.region"() ({
        %run_scoped3A = tpu.sem_alloc : memref<!tpu.dma_semaphore, #tpu.memory_space<semaphore_mem>>
        %dma_start3A_1515 = arith.constant 0 : i32
        %dma_start3A_1516 = tpu.memref_slice %arg2[%select_n3A_128, %dma_start3A_1515] : memref<26x1024xi32, #tpu.memory_space<hbm>> -> memref<1x1024xi32, #tpu.memory_space<hbm>>
        %dma_start3A_1517 = arith.constant 0 : i32
        %dma_start3A_1518 = tpu.memref_slice %arg2[%select_n3A_128, %dma_start3A_1517] : memref<26x1024xi32, #tpu.memory_space<hbm>> -> memref<1x1024xi32, #tpu.memory_space<hbm>>
        tpu.enqueue_dma source(%dma_start3A_1518 : memref<1x1024xi32, #tpu.memory_space<hbm>>) target(%arg5 : memref<1x1024xi32, #tpu.memory_space<vmem>>) target_semaphore(%run_scoped3A : memref<!tpu.dma_semaphore, #tpu.memory_space<semaphore_mem>>)
        %dma_wait3A = arith.constant 0 : i32
        %dma_wait3A_1519 = tpu.memref_slice %arg2[%select_n3A_128, %dma_wait3A] : memref<26x1024xi32, #tpu.memory_space<hbm>> -> memref<1x1024xi32, #tpu.memory_space<hbm>>
        %dma_wait3A_1520 = arith.constant 0 : i32
        %dma_wait3A_1521 = tpu.memref_slice %arg2[%select_n3A_128, %dma_wait3A_1520] : memref<26x1024xi32, #tpu.memory_space<hbm>> -> memref<1x1024xi32, #tpu.memory_space<hbm>>
        tpu.wait_dma2 semaphore(%run_scoped3A : memref<!tpu.dma_semaphore, #tpu.memory_space<semaphore_mem>>) src(%dma_wait3A_1521 : memref<1x1024xi32, #tpu.memory_space<hbm>>) dst(%arg5 : memref<1x1024xi32, #tpu.memory_space<vmem>>)
        tpu.yield
      }) : () -> ()
      %scan3A = arith.constant 0 : i32
      %scan3A_1507 = arith.constant 0 : i32
      %scan3A_1508 = arith.constant 64 : i32
      %scan3A_1509 = arith.addi %scan3A_1507, %scan3A_1508 : i32
      %scan3A_1510 = arith.constant 1 : i32
      scf.for %scan3A_1515 = %scan3A_1507 to %scan3A_1509 step %scan3A_1510  : i32 {
        %mul3A_1516 = arith.constant 16 : i32
        %mul3A_1517 = arith.muli %mul3A_1516, %scan3A_1515 : i32
        %get3A = arith.constant 0 : i32
        %get3A_1518 = arith.index_cast %get3A : i32 to index
        %get3A_1519 = arith.index_cast %mul3A_1517 : i32 to index
        %get3A_1520 = tpu.vector_load %arg5[%get3A_1518, %get3A_1519] {strides = array<i32>} : memref<1x1024xi32, #tpu.memory_space<vmem>>, vector<16xi32>,
        %mul3A_1521 = arith.constant 16 : i32
        %mul3A_1522 = arith.muli %mul3A_1521, %scan3A_1515 : i32
        %add3A_1523 = vector.broadcast %mul3A_1522 : i32 to vector<16xi32>
        %add3A_1524 = arith.addi %iota3A, %add3A_1523 : vector<16xi32>
        %ge3A = vector.broadcast %mul3A_133 : i32 to vector<16xi32>
        %ge3A_1525 = arith.cmpi sge, %get3A_1520, %ge3A : vector<16xi32>
        %add3A_1526 = arith.constant 40 : i32
        %add3A_1527 = arith.addi %mul3A_133, %add3A_1526 : i32
        %lt3A_1528 = vector.broadcast %add3A_1527 : i32 to vector<16xi32>
        %lt3A_1529 = arith.cmpi slt, %get3A_1520, %lt3A_1528 : vector<16xi32>
        %and3A_1530 = arith.andi %ge3A_1525, %lt3A_1529 : vector<16xi1>
        %sub3A_1531 = vector.broadcast %mul3A_133 : i32 to vector<16xi32>
        %sub3A_1532 = arith.subi %get3A_1520, %sub3A_1531 : vector<16xi32>
        tpu.vector_store_idx %arg7[%broadcast_in_dim3A_5, %sub3A_1532, %add3A_1524], %broadcast_in_dim3A_1 masked %and3A_1530 : memref<1x40x1024xf32, #tpu.memory_space<vmem>>[vector<16xi32>, vector<16xi32>, vector<16xi32>], vector<16xf32>, vector<16xi1>
      }
      %scan3A_1511 = arith.constant 64 : i32
      %dma_start3A = arith.constant 0 : i32
      %dma_start3A_1512 = tpu.memref_slice %arg4[%select_n3A_128, %mul3A_133, %dma_start3A] : memref<26x1000x1024xf32, #tpu.memory_space<hbm>> -> memref<1x40x1024xf32, #tpu.memory_space<hbm>>
      %dma_start3A_1513 = arith.constant 0 : i32
      %dma_start3A_1514 = tpu.memref_slice %arg4[%select_n3A_128, %mul3A_133, %dma_start3A_1513] : memref<26x1000x1024xf32, #tpu.memory_space<hbm>> -> memref<1x40x1024xf32, #tpu.memory_space<hbm>>
      tpu.enqueue_dma source(%arg7 : memref<1x40x1024xf32, #tpu.memory_space<vmem>>) target(%dma_start3A_1514 : memref<1x40x1024xf32, #tpu.memory_space<hbm>>) target_semaphore(%arg9 : memref<!tpu.dma_semaphore, #tpu.memory_space<semaphore_mem>>)
    } else {
    }
    %add3A_139 = arith.constant 32 : i32
    %add3A_140 = arith.addi %add3A, %add3A_139 : i32
    %jit3A_141 = arith.constant 25 : i32
    %div3A_142 = arith.divsi %add3A_140, %jit3A_141 : i32
    %sign3A_143 = arith.constant 0 : i32
    %sign3A_144 = arith.cmpi sgt, %add3A_140, %sign3A_143 : i32
    %sign3A_145 = arith.extui %sign3A_144 : i1 to i32
    %sign3A_146 = arith.constant 0 : i32
    %sign3A_147 = arith.cmpi slt, %add3A_140, %sign3A_146 : i32
    %sign3A_148 = arith.extui %sign3A_147 : i1 to i32
    %sign3A_149 = arith.subi %sign3A_145, %sign3A_148 : i32
    %sign3A_150 = arith.constant 0 : i32
    %sign3A_151 = arith.cmpi sgt, %jit3A_141, %sign3A_150 : i32
    %sign3A_152 = arith.extui %sign3A_151 : i1 to i32
    %sign3A_153 = arith.constant 0 : i32
    %sign3A_154 = arith.cmpi slt, %jit3A_141, %sign3A_153 : i32
    %sign3A_155 = arith.extui %sign3A_154 : i1 to i32
    %sign3A_156 = arith.subi %sign3A_152, %sign3A_155 : i32
    %ne3A_157 = arith.cmpi ne, %sign3A_149, %sign3A_156 : i32
    %rem3A_158 = arith.remsi %add3A_140, %jit3A_141 : i32
    %ne3A_159 = arith.constant 0 : i32
    %ne3A_160 = arith.cmpi ne, %rem3A_158, %ne3A_159 : i32
    %and3A_161 = arith.andi %ne3A_157, %ne3A_160 : i1
    %sub3A_162 = arith.constant 1 : i32
    %sub3A_163 = arith.subi %div3A_142, %sub3A_162 : i32
    %select_n3A_164 = arith.select %and3A_161, %sub3A_163, %div3A_142 : i32
    %mul3A_165 = arith.constant 25 : i32
    %mul3A_166 = arith.muli %select_n3A_164, %mul3A_165 : i32
    %sub3A_167 = arith.subi %add3A_140, %mul3A_166 : i32
    %mul3A_168 = arith.constant 40 : i32
    %mul3A_169 = arith.muli %sub3A_167, %mul3A_168 : i32
    %lt3A_170 = arith.constant 650 : i32
    %lt3A_171 = arith.cmpi slt, %add3A_140, %lt3A_170 : i32
    %convert_element_type3A_172 = arith.extui %lt3A_171 : i1 to i32
    %cond3A_173 = arith.constant 0 : i32
    %cond3A_174 = arith.cmpi ne, %convert_element_type3A_172, %cond3A_173 : i32
    scf.if %cond3A_174 {
      %dma_wait3A = arith.constant 0 : i32
      %dma_wait3A_1507 = arith.constant 0 : i32
      %dma_wait3A_1508 = arith.constant 0 : i32
      %dma_wait3A_1509 = tpu.memref_slice %arg4[%dma_wait3A, %dma_wait3A_1507, %dma_wait3A_1508] : memref<26x1000x1024xf32, #tpu.memory_space<hbm>> -> memref<1x40x1024xf32, #tpu.memory_space<hbm>>
      %dma_wait3A_1510 = arith.constant 0 : i32
      %dma_wait3A_1511 = arith.constant 0 : i32
      %dma_wait3A_1512 = arith.constant 0 : i32
      %dma_wait3A_1513 = tpu.memref_slice %arg4[%dma_wait3A_1510, %dma_wait3A_1511, %dma_wait3A_1512] : memref<26x1000x1024xf32, #tpu.memory_space<hbm>> -> memref<1x40x1024xf32, #tpu.memory_space<hbm>>
      tpu.wait_dma2 semaphore(%arg10 : memref<!tpu.dma_semaphore, #tpu.memory_space<semaphore_mem>>) src(%arg8 : memref<1x40x1024xf32, #tpu.memory_space<vmem>>) dst(%dma_wait3A_1513 : memref<1x40x1024xf32, #tpu.memory_space<hbm>>)
      "tpu.region"() ({
        %run_scoped3A = tpu.sem_alloc : memref<!tpu.dma_semaphore, #tpu.memory_space<semaphore_mem>>
        %dma_start3A = arith.constant 0 : i32
        %dma_start3A_1519 = tpu.memref_slice %arg2[%select_n3A_164, %dma_start3A] : memref<26x1024xi32, #tpu.memory_space<hbm>> -> memref<1x1024xi32, #tpu.memory_space<hbm>>
        %dma_start3A_1520 = arith.constant 0 : i32
        %dma_start3A_1521 = tpu.memref_slice %arg2[%select_n3A_164, %dma_start3A_1520] : memref<26x1024xi32, #tpu.memory_space<hbm>> -> memref<1x1024xi32, #tpu.memory_space<hbm>>
        tpu.enqueue_dma source(%dma_start3A_1521 : memref<1x1024xi32, #tpu.memory_space<hbm>>) target(%arg6 : memref<1x1024xi32, #tpu.memory_space<vmem>>) target_semaphore(%run_scoped3A : memref<!tpu.dma_semaphore, #tpu.memory_space<semaphore_mem>>)
        %dma_wait3A_1522 = arith.constant 0 : i32
        %dma_wait3A_1523 = tpu.memref_slice %arg2[%select_n3A_164, %dma_wait3A_1522] : memref<26x1024xi32, #tpu.memory_space<hbm>> -> memref<1x1024xi32, #tpu.memory_space<hbm>>
        %dma_wait3A_1524 = arith.constant 0 : i32
        %dma_wait3A_1525 = tpu.memref_slice %arg2[%select_n3A_164, %dma_wait3A_1524] : memref<26x1024xi32, #tpu.memory_space<hbm>> -> memref<1x1024xi32, #tpu.memory_space<hbm>>
        tpu.wait_dma2 semaphore(%run_scoped3A : memref<!tpu.dma_semaphore, #tpu.memory_space<semaphore_mem>>) src(%dma_wait3A_1525 : memref<1x1024xi32, #tpu.memory_space<hbm>>) dst(%arg6 : memref<1x1024xi32, #tpu.memory_space<vmem>>)
        tpu.yield
      }) : () -> ()
      %scan3A = arith.constant 0 : i32
      %scan3A_1514 = arith.constant 0 : i32
      %scan3A_1515 = arith.constant 64 : i32
      %scan3A_1516 = arith.addi %scan3A_1514, %scan3A_1515 : i32
      %scan3A_1517 = arith.constant 1 : i32
      scf.for %scan3A_1519 = %scan3A_1514 to %scan3A_1516 step %scan3A_1517  : i32 {
        %mul3A_1520 = arith.constant 16 : i32
        %mul3A_1521 = arith.muli %mul3A_1520, %scan3A_1519 : i32
        %get3A = arith.constant 0 : i32
        %get3A_1522 = arith.index_cast %get3A : i32 to index
        %get3A_1523 = arith.index_cast %mul3A_1521 : i32 to index
        %get3A_1524 = tpu.vector_load %arg6[%get3A_1522, %get3A_1523] {strides = array<i32>} : memref<1x1024xi32, #tpu.memory_space<vmem>>, vector<16xi32>,
        %mul3A_1525 = arith.constant 16 : i32
        %mul3A_1526 = arith.muli %mul3A_1525, %scan3A_1519 : i32
        %add3A_1527 = vector.broadcast %mul3A_1526 : i32 to vector<16xi32>
        %add3A_1528 = arith.addi %iota3A, %add3A_1527 : vector<16xi32>
        %ge3A = vector.broadcast %mul3A_169 : i32 to vector<16xi32>
        %ge3A_1529 = arith.cmpi sge, %get3A_1524, %ge3A : vector<16xi32>
        %add3A_1530 = arith.constant 40 : i32
        %add3A_1531 = arith.addi %mul3A_169, %add3A_1530 : i32
        %lt3A_1532 = vector.broadcast %add3A_1531 : i32 to vector<16xi32>
        %lt3A_1533 = arith.cmpi slt, %get3A_1524, %lt3A_1532 : vector<16xi32>
        %and3A_1534 = arith.andi %ge3A_1529, %lt3A_1533 : vector<16xi1>
        %sub3A_1535 = vector.broadcast %mul3A_169 : i32 to vector<16xi32>
        %sub3A_1536 = arith.subi %get3A_1524, %sub3A_1535 : vector<16xi32>
        tpu.vector_store_idx %arg8[%broadcast_in_dim3A_5, %sub3A_1536, %add3A_1528], %broadcast_in_dim3A_3 masked %and3A_1534 : memref<1x40x1024xf32, #tpu.memory_space<vmem>>[vector<16xi32>, vector<16xi32>, vector<16xi32>], vector<16xf32>, vector<16xi1>
      }
      %scan3A_1518 = arith.constant 64 : i32
    } else {
    }
    %add3A_175 = arith.constant 96 : i32
    %add3A_176 = arith.addi %add3A, %add3A_175 : i32
    %jit3A_177 = arith.constant 25 : i32
    %div3A_178 = arith.divsi %add3A_176, %jit3A_177 : i32
    %sign3A_179 = arith.constant 0 : i32
    %sign3A_180 = arith.cmpi sgt, %add3A_176, %sign3A_179 : i32
    %sign3A_181 = arith.extui %sign3A_180 : i1 to i32
    %sign3A_182 = arith.constant 0 : i32
    %sign3A_183 = arith.cmpi slt, %add3A_176, %sign3A_182 : i32
    %sign3A_184 = arith.extui %sign3A_183 : i1 to i32
    %sign3A_185 = arith.subi %sign3A_181, %sign3A_184 : i32
    %sign3A_186 = arith.constant 0 : i32
    %sign3A_187 = arith.cmpi sgt, %jit3A_177, %sign3A_186 : i32
    %sign3A_188 = arith.extui %sign3A_187 : i1 to i32
    %sign3A_189 = arith.constant 0 : i32
    %sign3A_190 = arith.cmpi slt, %jit3A_177, %sign3A_189 : i32
    %sign3A_191 = arith.extui %sign3A_190 : i1 to i32
    %sign3A_192 = arith.subi %sign3A_188, %sign3A_191 : i32
    %ne3A_193 = arith.cmpi ne, %sign3A_185, %sign3A_192 : i32
    %rem3A_194 = arith.remsi %add3A_176, %jit3A_177 : i32
    %ne3A_195 = arith.constant 0 : i32
    %ne3A_196 = arith.cmpi ne, %rem3A_194, %ne3A_195 : i32
    %and3A_197 = arith.andi %ne3A_193, %ne3A_196 : i1
    %sub3A_198 = arith.constant 1 : i32
    %sub3A_199 = arith.subi %div3A_178, %sub3A_198 : i32
    %select_n3A_200 = arith.select %and3A_197, %sub3A_199, %div3A_178 : i32
    %mul3A_201 = arith.constant 25 : i32
    %mul3A_202 = arith.muli %select_n3A_200, %mul3A_201 : i32
    %sub3A_203 = arith.subi %add3A_176, %mul3A_202 : i32
    %mul3A_204 = arith.constant 40 : i32
    %mul3A_205 = arith.muli %sub3A_203, %mul3A_204 : i32
    %lt3A_206 = arith.constant 650 : i32
    %lt3A_207 = arith.cmpi slt, %add3A_176, %lt3A_206 : i32
    %convert_element_type3A_208 = arith.extui %lt3A_207 : i1 to i32
    %cond3A_209 = arith.constant 0 : i32
    %cond3A_210 = arith.cmpi ne, %convert_element_type3A_208, %cond3A_209 : i32
    scf.if %cond3A_210 {
      "tpu.region"() ({
        %run_scoped3A = tpu.sem_alloc : memref<!tpu.dma_semaphore, #tpu.memory_space<semaphore_mem>>
        %dma_start3A_1515 = arith.constant 0 : i32
        %dma_start3A_1516 = tpu.memref_slice %arg2[%select_n3A_200, %dma_start3A_1515] : memref<26x1024xi32, #tpu.memory_space<hbm>> -> memref<1x1024xi32, #tpu.memory_space<hbm>>
        %dma_start3A_1517 = arith.constant 0 : i32
        %dma_start3A_1518 = tpu.memref_slice %arg2[%select_n3A_200, %dma_start3A_1517] : memref<26x1024xi32, #tpu.memory_space<hbm>> -> memref<1x1024xi32, #tpu.memory_space<hbm>>
        tpu.enqueue_dma source(%dma_start3A_1518 : memref<1x1024xi32, #tpu.memory_space<hbm>>) target(%arg5 : memref<1x1024xi32, #tpu.memory_space<vmem>>) target_semaphore(%run_scoped3A : memref<!tpu.dma_semaphore, #tpu.memory_space<semaphore_mem>>)
        %dma_wait3A = arith.constant 0 : i32
        %dma_wait3A_1519 = tpu.memref_slice %arg2[%select_n3A_200, %dma_wait3A] : memref<26x1024xi32, #tpu.memory_space<hbm>> -> memref<1x1024xi32, #tpu.memory_space<hbm>>
        %dma_wait3A_1520 = arith.constant 0 : i32
        %dma_wait3A_1521 = tpu.memref_slice %arg2[%select_n3A_200, %dma_wait3A_1520] : memref<26x1024xi32, #tpu.memory_space<hbm>> -> memref<1x1024xi32, #tpu.memory_space<hbm>>
        tpu.wait_dma2 semaphore(%run_scoped3A : memref<!tpu.dma_semaphore, #tpu.memory_space<semaphore_mem>>) src(%dma_wait3A_1521 : memref<1x1024xi32, #tpu.memory_space<hbm>>) dst(%arg5 : memref<1x1024xi32, #tpu.memory_space<vmem>>)
        tpu.yield
      }) : () -> ()
      %scan3A = arith.constant 0 : i32
      %scan3A_1507 = arith.constant 0 : i32
      %scan3A_1508 = arith.constant 64 : i32
      %scan3A_1509 = arith.addi %scan3A_1507, %scan3A_1508 : i32
      %scan3A_1510 = arith.constant 1 : i32
      scf.for %scan3A_1515 = %scan3A_1507 to %scan3A_1509 step %scan3A_1510  : i32 {
        %mul3A_1516 = arith.constant 16 : i32
        %mul3A_1517 = arith.muli %mul3A_1516, %scan3A_1515 : i32
        %get3A = arith.constant 0 : i32
        %get3A_1518 = arith.index_cast %get3A : i32 to index
        %get3A_1519 = arith.index_cast %mul3A_1517 : i32 to index
        %get3A_1520 = tpu.vector_load %arg5[%get3A_1518, %get3A_1519] {strides = array<i32>} : memref<1x1024xi32, #tpu.memory_space<vmem>>, vector<16xi32>,
        %mul3A_1521 = arith.constant 16 : i32
        %mul3A_1522 = arith.muli %mul3A_1521, %scan3A_1515 : i32
        %add3A_1523 = vector.broadcast %mul3A_1522 : i32 to vector<16xi32>
        %add3A_1524 = arith.addi %iota3A, %add3A_1523 : vector<16xi32>
        %ge3A = vector.broadcast %mul3A_205 : i32 to vector<16xi32>
        %ge3A_1525 = arith.cmpi sge, %get3A_1520, %ge3A : vector<16xi32>
        %add3A_1526 = arith.constant 40 : i32
        %add3A_1527 = arith.addi %mul3A_205, %add3A_1526 : i32
        %lt3A_1528 = vector.broadcast %add3A_1527 : i32 to vector<16xi32>
        %lt3A_1529 = arith.cmpi slt, %get3A_1520, %lt3A_1528 : vector<16xi32>
        %and3A_1530 = arith.andi %ge3A_1525, %lt3A_1529 : vector<16xi1>
        %sub3A_1531 = vector.broadcast %mul3A_205 : i32 to vector<16xi32>
        %sub3A_1532 = arith.subi %get3A_1520, %sub3A_1531 : vector<16xi32>
        tpu.vector_store_idx %arg8[%broadcast_in_dim3A_5, %sub3A_1532, %add3A_1524], %broadcast_in_dim3A_1 masked %and3A_1530 : memref<1x40x1024xf32, #tpu.memory_space<vmem>>[vector<16xi32>, vector<16xi32>, vector<16xi32>], vector<16xf32>, vector<16xi1>
      }
      %scan3A_1511 = arith.constant 64 : i32
      %dma_start3A = arith.constant 0 : i32
      %dma_start3A_1512 = tpu.memref_slice %arg4[%select_n3A_200, %mul3A_205, %dma_start3A] : memref<26x1000x1024xf32, #tpu.memory_space<hbm>> -> memref<1x40x1024xf32, #tpu.memory_space<hbm>>
      %dma_start3A_1513 = arith.constant 0 : i32
      %dma_start3A_1514 = tpu.memref_slice %arg4[%select_n3A_200, %mul3A_205, %dma_start3A_1513] : memref<26x1000x1024xf32, #tpu.memory_space<hbm>> -> memref<1x40x1024xf32, #tpu.memory_space<hbm>>
      tpu.enqueue_dma source(%arg8 : memref<1x40x1024xf32, #tpu.memory_space<vmem>>) target(%dma_start3A_1514 : memref<1x40x1024xf32, #tpu.memory_space<hbm>>) target_semaphore(%arg10 : memref<!tpu.dma_semaphore, #tpu.memory_space<semaphore_mem>>)
    } else {
    }
    %add3A_211 = arith.constant 64 : i32
    %add3A_212 = arith.addi %add3A, %add3A_211 : i32
    %jit3A_213 = arith.constant 25 : i32
    %div3A_214 = arith.divsi %add3A_212, %jit3A_213 : i32
    %sign3A_215 = arith.constant 0 : i32
    %sign3A_216 = arith.cmpi sgt, %add3A_212, %sign3A_215 : i32
    %sign3A_217 = arith.extui %sign3A_216 : i1 to i32
    %sign3A_218 = arith.constant 0 : i32
    %sign3A_219 = arith.cmpi slt, %add3A_212, %sign3A_218 : i32
    %sign3A_220 = arith.extui %sign3A_219 : i1 to i32
    %sign3A_221 = arith.subi %sign3A_217, %sign3A_220 : i32
    %sign3A_222 = arith.constant 0 : i32
    %sign3A_223 = arith.cmpi sgt, %jit3A_213, %sign3A_222 : i32
    %sign3A_224 = arith.extui %sign3A_223 : i1 to i32
    %sign3A_225 = arith.constant 0 : i32
    %sign3A_226 = arith.cmpi slt, %jit3A_213, %sign3A_225 : i32
    %sign3A_227 = arith.extui %sign3A_226 : i1 to i32
    %sign3A_228 = arith.subi %sign3A_224, %sign3A_227 : i32
    %ne3A_229 = arith.cmpi ne, %sign3A_221, %sign3A_228 : i32
    %rem3A_230 = arith.remsi %add3A_212, %jit3A_213 : i32
    %ne3A_231 = arith.constant 0 : i32
    %ne3A_232 = arith.cmpi ne, %rem3A_230, %ne3A_231 : i32
    %and3A_233 = arith.andi %ne3A_229, %ne3A_232 : i1
    %sub3A_234 = arith.constant 1 : i32
    %sub3A_235 = arith.subi %div3A_214, %sub3A_234 : i32
    %select_n3A_236 = arith.select %and3A_233, %sub3A_235, %div3A_214 : i32
    %mul3A_237 = arith.constant 25 : i32
    %mul3A_238 = arith.muli %select_n3A_236, %mul3A_237 : i32
    %sub3A_239 = arith.subi %add3A_212, %mul3A_238 : i32
    %mul3A_240 = arith.constant 40 : i32
    %mul3A_241 = arith.muli %sub3A_239, %mul3A_240 : i32
    %lt3A_242 = arith.constant 650 : i32
    %lt3A_243 = arith.cmpi slt, %add3A_212, %lt3A_242 : i32
    %convert_element_type3A_244 = arith.extui %lt3A_243 : i1 to i32
    %cond3A_245 = arith.constant 0 : i32
    %cond3A_246 = arith.cmpi ne, %convert_element_type3A_244, %cond3A_245 : i32
    scf.if %cond3A_246 {
      %dma_wait3A = arith.constant 0 : i32
      %dma_wait3A_1507 = arith.constant 0 : i32
      %dma_wait3A_1508 = arith.constant 0 : i32
      %dma_wait3A_1509 = tpu.memref_slice %arg4[%dma_wait3A, %dma_wait3A_1507, %dma_wait3A_1508] : memref<26x1000x1024xf32, #tpu.memory_space<hbm>> -> memref<1x40x1024xf32, #tpu.memory_space<hbm>>
      %dma_wait3A_1510 = arith.constant 0 : i32
      %dma_wait3A_1511 = arith.constant 0 : i32
      %dma_wait3A_1512 = arith.constant 0 : i32
      %dma_wait3A_1513 = tpu.memref_slice %arg4[%dma_wait3A_1510, %dma_wait3A_1511, %dma_wait3A_1512] : memref<26x1000x1024xf32, #tpu.memory_space<hbm>> -> memref<1x40x1024xf32, #tpu.memory_space<hbm>>
      tpu.wait_dma2 semaphore(%arg9 : memref<!tpu.dma_semaphore, #tpu.memory_space<semaphore_mem>>) src(%arg7 : memref<1x40x1024xf32, #tpu.memory_space<vmem>>) dst(%dma_wait3A_1513 : memref<1x40x1024xf32, #tpu.memory_space<hbm>>)
      "tpu.region"() ({
        %run_scoped3A = tpu.sem_alloc : memref<!tpu.dma_semaphore, #tpu.memory_space<semaphore_mem>>
        %dma_start3A = arith.constant 0 : i32
        %dma_start3A_1519 = tpu.memref_slice %arg2[%select_n3A_236, %dma_start3A] : memref<26x1024xi32, #tpu.memory_space<hbm>> -> memref<1x1024xi32, #tpu.memory_space<hbm>>
        %dma_start3A_1520 = arith.constant 0 : i32
        %dma_start3A_1521 = tpu.memref_slice %arg2[%select_n3A_236, %dma_start3A_1520] : memref<26x1024xi32, #tpu.memory_space<hbm>> -> memref<1x1024xi32, #tpu.memory_space<hbm>>
        tpu.enqueue_dma source(%dma_start3A_1521 : memref<1x1024xi32, #tpu.memory_space<hbm>>) target(%arg6 : memref<1x1024xi32, #tpu.memory_space<vmem>>) target_semaphore(%run_scoped3A : memref<!tpu.dma_semaphore, #tpu.memory_space<semaphore_mem>>)
        %dma_wait3A_1522 = arith.constant 0 : i32
        %dma_wait3A_1523 = tpu.memref_slice %arg2[%select_n3A_236, %dma_wait3A_1522] : memref<26x1024xi32, #tpu.memory_space<hbm>> -> memref<1x1024xi32, #tpu.memory_space<hbm>>
        %dma_wait3A_1524 = arith.constant 0 : i32
        %dma_wait3A_1525 = tpu.memref_slice %arg2[%select_n3A_236, %dma_wait3A_1524] : memref<26x1024xi32, #tpu.memory_space<hbm>> -> memref<1x1024xi32, #tpu.memory_space<hbm>>
        tpu.wait_dma2 semaphore(%run_scoped3A : memref<!tpu.dma_semaphore, #tpu.memory_space<semaphore_mem>>) src(%dma_wait3A_1525 : memref<1x1024xi32, #tpu.memory_space<hbm>>) dst(%arg6 : memref<1x1024xi32, #tpu.memory_space<vmem>>)
        tpu.yield
      }) : () -> ()
      %scan3A = arith.constant 0 : i32
      %scan3A_1514 = arith.constant 0 : i32
      %scan3A_1515 = arith.constant 64 : i32
      %scan3A_1516 = arith.addi %scan3A_1514, %scan3A_1515 : i32
      %scan3A_1517 = arith.constant 1 : i32
      scf.for %scan3A_1519 = %scan3A_1514 to %scan3A_1516 step %scan3A_1517  : i32 {
        %mul3A_1520 = arith.constant 16 : i32
        %mul3A_1521 = arith.muli %mul3A_1520, %scan3A_1519 : i32
        %get3A = arith.constant 0 : i32
        %get3A_1522 = arith.index_cast %get3A : i32 to index
        %get3A_1523 = arith.index_cast %mul3A_1521 : i32 to index
        %get3A_1524 = tpu.vector_load %arg6[%get3A_1522, %get3A_1523] {strides = array<i32>} : memref<1x1024xi32, #tpu.memory_space<vmem>>, vector<16xi32>,
        %mul3A_1525 = arith.constant 16 : i32
        %mul3A_1526 = arith.muli %mul3A_1525, %scan3A_1519 : i32
        %add3A_1527 = vector.broadcast %mul3A_1526 : i32 to vector<16xi32>
        %add3A_1528 = arith.addi %iota3A, %add3A_1527 : vector<16xi32>
        %ge3A = vector.broadcast %mul3A_241 : i32 to vector<16xi32>
        %ge3A_1529 = arith.cmpi sge, %get3A_1524, %ge3A : vector<16xi32>
        %add3A_1530 = arith.constant 40 : i32
        %add3A_1531 = arith.addi %mul3A_241, %add3A_1530 : i32
        %lt3A_1532 = vector.broadcast %add3A_1531 : i32 to vector<16xi32>
        %lt3A_1533 = arith.cmpi slt, %get3A_1524, %lt3A_1532 : vector<16xi32>
        %and3A_1534 = arith.andi %ge3A_1529, %lt3A_1533 : vector<16xi1>
        %sub3A_1535 = vector.broadcast %mul3A_241 : i32 to vector<16xi32>
        %sub3A_1536 = arith.subi %get3A_1524, %sub3A_1535 : vector<16xi32>
        tpu.vector_store_idx %arg7[%broadcast_in_dim3A_5, %sub3A_1536, %add3A_1528], %broadcast_in_dim3A_3 masked %and3A_1534 : memref<1x40x1024xf32, #tpu.memory_space<vmem>>[vector<16xi32>, vector<16xi32>, vector<16xi32>], vector<16xf32>, vector<16xi1>
      }
      %scan3A_1518 = arith.constant 64 : i32
    } else {
    }
    %add3A_247 = arith.constant 128 : i32
    %add3A_248 = arith.addi %add3A, %add3A_247 : i32
    %jit3A_249 = arith.constant 25 : i32
    %div3A_250 = arith.divsi %add3A_248, %jit3A_249 : i32
    %sign3A_251 = arith.constant 0 : i32
    %sign3A_252 = arith.cmpi sgt, %add3A_248, %sign3A_251 : i32
    %sign3A_253 = arith.extui %sign3A_252 : i1 to i32
    %sign3A_254 = arith.constant 0 : i32
    %sign3A_255 = arith.cmpi slt, %add3A_248, %sign3A_254 : i32
    %sign3A_256 = arith.extui %sign3A_255 : i1 to i32
    %sign3A_257 = arith.subi %sign3A_253, %sign3A_256 : i32
    %sign3A_258 = arith.constant 0 : i32
    %sign3A_259 = arith.cmpi sgt, %jit3A_249, %sign3A_258 : i32
    %sign3A_260 = arith.extui %sign3A_259 : i1 to i32
    %sign3A_261 = arith.constant 0 : i32
    %sign3A_262 = arith.cmpi slt, %jit3A_249, %sign3A_261 : i32
    %sign3A_263 = arith.extui %sign3A_262 : i1 to i32
    %sign3A_264 = arith.subi %sign3A_260, %sign3A_263 : i32
    %ne3A_265 = arith.cmpi ne, %sign3A_257, %sign3A_264 : i32
    %rem3A_266 = arith.remsi %add3A_248, %jit3A_249 : i32
    %ne3A_267 = arith.constant 0 : i32
    %ne3A_268 = arith.cmpi ne, %rem3A_266, %ne3A_267 : i32
    %and3A_269 = arith.andi %ne3A_265, %ne3A_268 : i1
    %sub3A_270 = arith.constant 1 : i32
    %sub3A_271 = arith.subi %div3A_250, %sub3A_270 : i32
    %select_n3A_272 = arith.select %and3A_269, %sub3A_271, %div3A_250 : i32
    %mul3A_273 = arith.constant 25 : i32
    %mul3A_274 = arith.muli %select_n3A_272, %mul3A_273 : i32
    %sub3A_275 = arith.subi %add3A_248, %mul3A_274 : i32
    %mul3A_276 = arith.constant 40 : i32
    %mul3A_277 = arith.muli %sub3A_275, %mul3A_276 : i32
    %lt3A_278 = arith.constant 650 : i32
    %lt3A_279 = arith.cmpi slt, %add3A_248, %lt3A_278 : i32
    %convert_element_type3A_280 = arith.extui %lt3A_279 : i1 to i32
    %cond3A_281 = arith.constant 0 : i32
    %cond3A_282 = arith.cmpi ne, %convert_element_type3A_280, %cond3A_281 : i32
    scf.if %cond3A_282 {
      "tpu.region"() ({
        %run_scoped3A = tpu.sem_alloc : memref<!tpu.dma_semaphore, #tpu.memory_space<semaphore_mem>>
        %dma_start3A_1515 = arith.constant 0 : i32
        %dma_start3A_1516 = tpu.memref_slice %arg2[%select_n3A_272, %dma_start3A_1515] : memref<26x1024xi32, #tpu.memory_space<hbm>> -> memref<1x1024xi32, #tpu.memory_space<hbm>>
        %dma_start3A_1517 = arith.constant 0 : i32
        %dma_start3A_1518 = tpu.memref_slice %arg2[%select_n3A_272, %dma_start3A_1517] : memref<26x1024xi32, #tpu.memory_space<hbm>> -> memref<1x1024xi32, #tpu.memory_space<hbm>>
        tpu.enqueue_dma source(%dma_start3A_1518 : memref<1x1024xi32, #tpu.memory_space<hbm>>) target(%arg5 : memref<1x1024xi32, #tpu.memory_space<vmem>>) target_semaphore(%run_scoped3A : memref<!tpu.dma_semaphore, #tpu.memory_space<semaphore_mem>>)
        %dma_wait3A = arith.constant 0 : i32
        %dma_wait3A_1519 = tpu.memref_slice %arg2[%select_n3A_272, %dma_wait3A] : memref<26x1024xi32, #tpu.memory_space<hbm>> -> memref<1x1024xi32, #tpu.memory_space<hbm>>
        %dma_wait3A_1520 = arith.constant 0 : i32
        %dma_wait3A_1521 = tpu.memref_slice %arg2[%select_n3A_272, %dma_wait3A_1520] : memref<26x1024xi32, #tpu.memory_space<hbm>> -> memref<1x1024xi32, #tpu.memory_space<hbm>>
        tpu.wait_dma2 semaphore(%run_scoped3A : memref<!tpu.dma_semaphore, #tpu.memory_space<semaphore_mem>>) src(%dma_wait3A_1521 : memref<1x1024xi32, #tpu.memory_space<hbm>>) dst(%arg5 : memref<1x1024xi32, #tpu.memory_space<vmem>>)
        tpu.yield
      }) : () -> ()
      %scan3A = arith.constant 0 : i32
      %scan3A_1507 = arith.constant 0 : i32
      %scan3A_1508 = arith.constant 64 : i32
      %scan3A_1509 = arith.addi %scan3A_1507, %scan3A_1508 : i32
      %scan3A_1510 = arith.constant 1 : i32
      scf.for %scan3A_1515 = %scan3A_1507 to %scan3A_1509 step %scan3A_1510  : i32 {
        %mul3A_1516 = arith.constant 16 : i32
        %mul3A_1517 = arith.muli %mul3A_1516, %scan3A_1515 : i32
        %get3A = arith.constant 0 : i32
        %get3A_1518 = arith.index_cast %get3A : i32 to index
        %get3A_1519 = arith.index_cast %mul3A_1517 : i32 to index
        %get3A_1520 = tpu.vector_load %arg5[%get3A_1518, %get3A_1519] {strides = array<i32>} : memref<1x1024xi32, #tpu.memory_space<vmem>>, vector<16xi32>,
        %mul3A_1521 = arith.constant 16 : i32
        %mul3A_1522 = arith.muli %mul3A_1521, %scan3A_1515 : i32
        %add3A_1523 = vector.broadcast %mul3A_1522 : i32 to vector<16xi32>
        %add3A_1524 = arith.addi %iota3A, %add3A_1523 : vector<16xi32>
        %ge3A = vector.broadcast %mul3A_277 : i32 to vector<16xi32>
        %ge3A_1525 = arith.cmpi sge, %get3A_1520, %ge3A : vector<16xi32>
        %add3A_1526 = arith.constant 40 : i32
        %add3A_1527 = arith.addi %mul3A_277, %add3A_1526 : i32
        %lt3A_1528 = vector.broadcast %add3A_1527 : i32 to vector<16xi32>
        %lt3A_1529 = arith.cmpi slt, %get3A_1520, %lt3A_1528 : vector<16xi32>
        %and3A_1530 = arith.andi %ge3A_1525, %lt3A_1529 : vector<16xi1>
        %sub3A_1531 = vector.broadcast %mul3A_277 : i32 to vector<16xi32>
        %sub3A_1532 = arith.subi %get3A_1520, %sub3A_1531 : vector<16xi32>
        tpu.vector_store_idx %arg7[%broadcast_in_dim3A_5, %sub3A_1532, %add3A_1524], %broadcast_in_dim3A_1 masked %and3A_1530 : memref<1x40x1024xf32, #tpu.memory_space<vmem>>[vector<16xi32>, vector<16xi32>, vector<16xi32>], vector<16xf32>, vector<16xi1>
      }
      %scan3A_1511 = arith.constant 64 : i32
      %dma_start3A = arith.constant 0 : i32
      %dma_start3A_1512 = tpu.memref_slice %arg4[%select_n3A_272, %mul3A_277, %dma_start3A] : memref<26x1000x1024xf32, #tpu.memory_space<hbm>> -> memref<1x40x1024xf32, #tpu.memory_space<hbm>>
      %dma_start3A_1513 = arith.constant 0 : i32
      %dma_start3A_1514 = tpu.memref_slice %arg4[%select_n3A_272, %mul3A_277, %dma_start3A_1513] : memref<26x1000x1024xf32, #tpu.memory_space<hbm>> -> memref<1x40x1024xf32, #tpu.memory_space<hbm>>
      tpu.enqueue_dma source(%arg7 : memref<1x40x1024xf32, #tpu.memory_space<vmem>>) target(%dma_start3A_1514 : memref<1x40x1024xf32, #tpu.memory_space<hbm>>) target_semaphore(%arg9 : memref<!tpu.dma_semaphore, #tpu.memory_space<semaphore_mem>>)
    } else {
    }
    %add3A_283 = arith.constant 96 : i32
    %add3A_284 = arith.addi %add3A, %add3A_283 : i32
    %jit3A_285 = arith.constant 25 : i32
    %div3A_286 = arith.divsi %add3A_284, %jit3A_285 : i32
    %sign3A_287 = arith.constant 0 : i32
    %sign3A_288 = arith.cmpi sgt, %add3A_284, %sign3A_287 : i32
    %sign3A_289 = arith.extui %sign3A_288 : i1 to i32
    %sign3A_290 = arith.constant 0 : i32
    %sign3A_291 = arith.cmpi slt, %add3A_284, %sign3A_290 : i32
    %sign3A_292 = arith.extui %sign3A_291 : i1 to i32
    %sign3A_293 = arith.subi %sign3A_289, %sign3A_292 : i32
    %sign3A_294 = arith.constant 0 : i32
    %sign3A_295 = arith.cmpi sgt, %jit3A_285, %sign3A_294 : i32
    %sign3A_296 = arith.extui %sign3A_295 : i1 to i32
    %sign3A_297 = arith.constant 0 : i32
    %sign3A_298 = arith.cmpi slt, %jit3A_285, %sign3A_297 : i32
    %sign3A_299 = arith.extui %sign3A_298 : i1 to i32
    %sign3A_300 = arith.subi %sign3A_296, %sign3A_299 : i32
    %ne3A_301 = arith.cmpi ne, %sign3A_293, %sign3A_300 : i32
    %rem3A_302 = arith.remsi %add3A_284, %jit3A_285 : i32
    %ne3A_303 = arith.constant 0 : i32
    %ne3A_304 = arith.cmpi ne, %rem3A_302, %ne3A_303 : i32
    %and3A_305 = arith.andi %ne3A_301, %ne3A_304 : i1
    %sub3A_306 = arith.constant 1 : i32
    %sub3A_307 = arith.subi %div3A_286, %sub3A_306 : i32
    %select_n3A_308 = arith.select %and3A_305, %sub3A_307, %div3A_286 : i32
    %mul3A_309 = arith.constant 25 : i32
    %mul3A_310 = arith.muli %select_n3A_308, %mul3A_309 : i32
    %sub3A_311 = arith.subi %add3A_284, %mul3A_310 : i32
    %mul3A_312 = arith.constant 40 : i32
    %mul3A_313 = arith.muli %sub3A_311, %mul3A_312 : i32
    %lt3A_314 = arith.constant 650 : i32
    %lt3A_315 = arith.cmpi slt, %add3A_284, %lt3A_314 : i32
    %convert_element_type3A_316 = arith.extui %lt3A_315 : i1 to i32
    %cond3A_317 = arith.constant 0 : i32
    %cond3A_318 = arith.cmpi ne, %convert_element_type3A_316, %cond3A_317 : i32
    scf.if %cond3A_318 {
      %dma_wait3A = arith.constant 0 : i32
      %dma_wait3A_1507 = arith.constant 0 : i32
      %dma_wait3A_1508 = arith.constant 0 : i32
      %dma_wait3A_1509 = tpu.memref_slice %arg4[%dma_wait3A, %dma_wait3A_1507, %dma_wait3A_1508] : memref<26x1000x1024xf32, #tpu.memory_space<hbm>> -> memref<1x40x1024xf32, #tpu.memory_space<hbm>>
      %dma_wait3A_1510 = arith.constant 0 : i32
      %dma_wait3A_1511 = arith.constant 0 : i32
      %dma_wait3A_1512 = arith.constant 0 : i32
      %dma_wait3A_1513 = tpu.memref_slice %arg4[%dma_wait3A_1510, %dma_wait3A_1511, %dma_wait3A_1512] : memref<26x1000x1024xf32, #tpu.memory_space<hbm>> -> memref<1x40x1024xf32, #tpu.memory_space<hbm>>
      tpu.wait_dma2 semaphore(%arg10 : memref<!tpu.dma_semaphore, #tpu.memory_space<semaphore_mem>>) src(%arg8 : memref<1x40x1024xf32, #tpu.memory_space<vmem>>) dst(%dma_wait3A_1513 : memref<1x40x1024xf32, #tpu.memory_space<hbm>>)
      "tpu.region"() ({
        %run_scoped3A = tpu.sem_alloc : memref<!tpu.dma_semaphore, #tpu.memory_space<semaphore_mem>>
        %dma_start3A = arith.constant 0 : i32
        %dma_start3A_1519 = tpu.memref_slice %arg2[%select_n3A_308, %dma_start3A] : memref<26x1024xi32, #tpu.memory_space<hbm>> -> memref<1x1024xi32, #tpu.memory_space<hbm>>
        %dma_start3A_1520 = arith.constant 0 : i32
        %dma_start3A_1521 = tpu.memref_slice %arg2[%select_n3A_308, %dma_start3A_1520] : memref<26x1024xi32, #tpu.memory_space<hbm>> -> memref<1x1024xi32, #tpu.memory_space<hbm>>
        tpu.enqueue_dma source(%dma_start3A_1521 : memref<1x1024xi32, #tpu.memory_space<hbm>>) target(%arg6 : memref<1x1024xi32, #tpu.memory_space<vmem>>) target_semaphore(%run_scoped3A : memref<!tpu.dma_semaphore, #tpu.memory_space<semaphore_mem>>)
        %dma_wait3A_1522 = arith.constant 0 : i32
        %dma_wait3A_1523 = tpu.memref_slice %arg2[%select_n3A_308, %dma_wait3A_1522] : memref<26x1024xi32, #tpu.memory_space<hbm>> -> memref<1x1024xi32, #tpu.memory_space<hbm>>
        %dma_wait3A_1524 = arith.constant 0 : i32
        %dma_wait3A_1525 = tpu.memref_slice %arg2[%select_n3A_308, %dma_wait3A_1524] : memref<26x1024xi32, #tpu.memory_space<hbm>> -> memref<1x1024xi32, #tpu.memory_space<hbm>>
        tpu.wait_dma2 semaphore(%run_scoped3A : memref<!tpu.dma_semaphore, #tpu.memory_space<semaphore_mem>>) src(%dma_wait3A_1525 : memref<1x1024xi32, #tpu.memory_space<hbm>>) dst(%arg6 : memref<1x1024xi32, #tpu.memory_space<vmem>>)
        tpu.yield
      }) : () -> ()
      %scan3A = arith.constant 0 : i32
      %scan3A_1514 = arith.constant 0 : i32
      %scan3A_1515 = arith.constant 64 : i32
      %scan3A_1516 = arith.addi %scan3A_1514, %scan3A_1515 : i32
      %scan3A_1517 = arith.constant 1 : i32
      scf.for %scan3A_1519 = %scan3A_1514 to %scan3A_1516 step %scan3A_1517  : i32 {
        %mul3A_1520 = arith.constant 16 : i32
        %mul3A_1521 = arith.muli %mul3A_1520, %scan3A_1519 : i32
        %get3A = arith.constant 0 : i32
        %get3A_1522 = arith.index_cast %get3A : i32 to index
        %get3A_1523 = arith.index_cast %mul3A_1521 : i32 to index
        %get3A_1524 = tpu.vector_load %arg6[%get3A_1522, %get3A_1523] {strides = array<i32>} : memref<1x1024xi32, #tpu.memory_space<vmem>>, vector<16xi32>,
        %mul3A_1525 = arith.constant 16 : i32
        %mul3A_1526 = arith.muli %mul3A_1525, %scan3A_1519 : i32
        %add3A_1527 = vector.broadcast %mul3A_1526 : i32 to vector<16xi32>
        %add3A_1528 = arith.addi %iota3A, %add3A_1527 : vector<16xi32>
        %ge3A = vector.broadcast %mul3A_313 : i32 to vector<16xi32>
        %ge3A_1529 = arith.cmpi sge, %get3A_1524, %ge3A : vector<16xi32>
        %add3A_1530 = arith.constant 40 : i32
        %add3A_1531 = arith.addi %mul3A_313, %add3A_1530 : i32
        %lt3A_1532 = vector.broadcast %add3A_1531 : i32 to vector<16xi32>
        %lt3A_1533 = arith.cmpi slt, %get3A_1524, %lt3A_1532 : vector<16xi32>
        %and3A_1534 = arith.andi %ge3A_1529, %lt3A_1533 : vector<16xi1>
        %sub3A_1535 = vector.broadcast %mul3A_313 : i32 to vector<16xi32>
        %sub3A_1536 = arith.subi %get3A_1524, %sub3A_1535 : vector<16xi32>
        tpu.vector_store_idx %arg8[%broadcast_in_dim3A_5, %sub3A_1536, %add3A_1528], %broadcast_in_dim3A_3 masked %and3A_1534 : memref<1x40x1024xf32, #tpu.memory_space<vmem>>[vector<16xi32>, vector<16xi32>, vector<16xi32>], vector<16xf32>, vector<16xi1>
      }
      %scan3A_1518 = arith.constant 64 : i32
    } else {
    }
    %add3A_319 = arith.constant 160 : i32
    %add3A_320 = arith.addi %add3A, %add3A_319 : i32
    %jit3A_321 = arith.constant 25 : i32
    %div3A_322 = arith.divsi %add3A_320, %jit3A_321 : i32
    %sign3A_323 = arith.constant 0 : i32
    %sign3A_324 = arith.cmpi sgt, %add3A_320, %sign3A_323 : i32
    %sign3A_325 = arith.extui %sign3A_324 : i1 to i32
    %sign3A_326 = arith.constant 0 : i32
    %sign3A_327 = arith.cmpi slt, %add3A_320, %sign3A_326 : i32
    %sign3A_328 = arith.extui %sign3A_327 : i1 to i32
    %sign3A_329 = arith.subi %sign3A_325, %sign3A_328 : i32
    %sign3A_330 = arith.constant 0 : i32
    %sign3A_331 = arith.cmpi sgt, %jit3A_321, %sign3A_330 : i32
    %sign3A_332 = arith.extui %sign3A_331 : i1 to i32
    %sign3A_333 = arith.constant 0 : i32
    %sign3A_334 = arith.cmpi slt, %jit3A_321, %sign3A_333 : i32
    %sign3A_335 = arith.extui %sign3A_334 : i1 to i32
    %sign3A_336 = arith.subi %sign3A_332, %sign3A_335 : i32
    %ne3A_337 = arith.cmpi ne, %sign3A_329, %sign3A_336 : i32
    %rem3A_338 = arith.remsi %add3A_320, %jit3A_321 : i32
    %ne3A_339 = arith.constant 0 : i32
    %ne3A_340 = arith.cmpi ne, %rem3A_338, %ne3A_339 : i32
    %and3A_341 = arith.andi %ne3A_337, %ne3A_340 : i1
    %sub3A_342 = arith.constant 1 : i32
    %sub3A_343 = arith.subi %div3A_322, %sub3A_342 : i32
    %select_n3A_344 = arith.select %and3A_341, %sub3A_343, %div3A_322 : i32
    %mul3A_345 = arith.constant 25 : i32
    %mul3A_346 = arith.muli %select_n3A_344, %mul3A_345 : i32
    %sub3A_347 = arith.subi %add3A_320, %mul3A_346 : i32
    %mul3A_348 = arith.constant 40 : i32
    %mul3A_349 = arith.muli %sub3A_347, %mul3A_348 : i32
    %lt3A_350 = arith.constant 650 : i32
    %lt3A_351 = arith.cmpi slt, %add3A_320, %lt3A_350 : i32
    %convert_element_type3A_352 = arith.extui %lt3A_351 : i1 to i32
    %cond3A_353 = arith.constant 0 : i32
    %cond3A_354 = arith.cmpi ne, %convert_element_type3A_352, %cond3A_353 : i32
    scf.if %cond3A_354 {
      "tpu.region"() ({
        %run_scoped3A = tpu.sem_alloc : memref<!tpu.dma_semaphore, #tpu.memory_space<semaphore_mem>>
        %dma_start3A_1515 = arith.constant 0 : i32
        %dma_start3A_1516 = tpu.memref_slice %arg2[%select_n3A_344, %dma_start3A_1515] : memref<26x1024xi32, #tpu.memory_space<hbm>> -> memref<1x1024xi32, #tpu.memory_space<hbm>>
        %dma_start3A_1517 = arith.constant 0 : i32
        %dma_start3A_1518 = tpu.memref_slice %arg2[%select_n3A_344, %dma_start3A_1517] : memref<26x1024xi32, #tpu.memory_space<hbm>> -> memref<1x1024xi32, #tpu.memory_space<hbm>>
        tpu.enqueue_dma source(%dma_start3A_1518 : memref<1x1024xi32, #tpu.memory_space<hbm>>) target(%arg5 : memref<1x1024xi32, #tpu.memory_space<vmem>>) target_semaphore(%run_scoped3A : memref<!tpu.dma_semaphore, #tpu.memory_space<semaphore_mem>>)
        %dma_wait3A = arith.constant 0 : i32
        %dma_wait3A_1519 = tpu.memref_slice %arg2[%select_n3A_344, %dma_wait3A] : memref<26x1024xi32, #tpu.memory_space<hbm>> -> memref<1x1024xi32, #tpu.memory_space<hbm>>
        %dma_wait3A_1520 = arith.constant 0 : i32
        %dma_wait3A_1521 = tpu.memref_slice %arg2[%select_n3A_344, %dma_wait3A_1520] : memref<26x1024xi32, #tpu.memory_space<hbm>> -> memref<1x1024xi32, #tpu.memory_space<hbm>>
        tpu.wait_dma2 semaphore(%run_scoped3A : memref<!tpu.dma_semaphore, #tpu.memory_space<semaphore_mem>>) src(%dma_wait3A_1521 : memref<1x1024xi32, #tpu.memory_space<hbm>>) dst(%arg5 : memref<1x1024xi32, #tpu.memory_space<vmem>>)
        tpu.yield
      }) : () -> ()
      %scan3A = arith.constant 0 : i32
      %scan3A_1507 = arith.constant 0 : i32
      %scan3A_1508 = arith.constant 64 : i32
      %scan3A_1509 = arith.addi %scan3A_1507, %scan3A_1508 : i32
      %scan3A_1510 = arith.constant 1 : i32
      scf.for %scan3A_1515 = %scan3A_1507 to %scan3A_1509 step %scan3A_1510  : i32 {
        %mul3A_1516 = arith.constant 16 : i32
        %mul3A_1517 = arith.muli %mul3A_1516, %scan3A_1515 : i32
        %get3A = arith.constant 0 : i32
        %get3A_1518 = arith.index_cast %get3A : i32 to index
        %get3A_1519 = arith.index_cast %mul3A_1517 : i32 to index
        %get3A_1520 = tpu.vector_load %arg5[%get3A_1518, %get3A_1519] {strides = array<i32>} : memref<1x1024xi32, #tpu.memory_space<vmem>>, vector<16xi32>,
        %mul3A_1521 = arith.constant 16 : i32
        %mul3A_1522 = arith.muli %mul3A_1521, %scan3A_1515 : i32
        %add3A_1523 = vector.broadcast %mul3A_1522 : i32 to vector<16xi32>
        %add3A_1524 = arith.addi %iota3A, %add3A_1523 : vector<16xi32>
        %ge3A = vector.broadcast %mul3A_349 : i32 to vector<16xi32>
        %ge3A_1525 = arith.cmpi sge, %get3A_1520, %ge3A : vector<16xi32>
        %add3A_1526 = arith.constant 40 : i32
        %add3A_1527 = arith.addi %mul3A_349, %add3A_1526 : i32
        %lt3A_1528 = vector.broadcast %add3A_1527 : i32 to vector<16xi32>
        %lt3A_1529 = arith.cmpi slt, %get3A_1520, %lt3A_1528 : vector<16xi32>
        %and3A_1530 = arith.andi %ge3A_1525, %lt3A_1529 : vector<16xi1>
        %sub3A_1531 = vector.broadcast %mul3A_349 : i32 to vector<16xi32>
        %sub3A_1532 = arith.subi %get3A_1520, %sub3A_1531 : vector<16xi32>
        tpu.vector_store_idx %arg8[%broadcast_in_dim3A_5, %sub3A_1532, %add3A_1524], %broadcast_in_dim3A_1 masked %and3A_1530 : memref<1x40x1024xf32, #tpu.memory_space<vmem>>[vector<16xi32>, vector<16xi32>, vector<16xi32>], vector<16xf32>, vector<16xi1>
      }
      %scan3A_1511 = arith.constant 64 : i32
      %dma_start3A = arith.constant 0 : i32
      %dma_start3A_1512 = tpu.memref_slice %arg4[%select_n3A_344, %mul3A_349, %dma_start3A] : memref<26x1000x1024xf32, #tpu.memory_space<hbm>> -> memref<1x40x1024xf32, #tpu.memory_space<hbm>>
      %dma_start3A_1513 = arith.constant 0 : i32
      %dma_start3A_1514 = tpu.memref_slice %arg4[%select_n3A_344, %mul3A_349, %dma_start3A_1513] : memref<26x1000x1024xf32, #tpu.memory_space<hbm>> -> memref<1x40x1024xf32, #tpu.memory_space<hbm>>
      tpu.enqueue_dma source(%arg8 : memref<1x40x1024xf32, #tpu.memory_space<vmem>>) target(%dma_start3A_1514 : memref<1x40x1024xf32, #tpu.memory_space<hbm>>) target_semaphore(%arg10 : memref<!tpu.dma_semaphore, #tpu.memory_space<semaphore_mem>>)
    } else {
    }
    %add3A_355 = arith.constant 128 : i32
    %add3A_356 = arith.addi %add3A, %add3A_355 : i32
    %jit3A_357 = arith.constant 25 : i32
    %div3A_358 = arith.divsi %add3A_356, %jit3A_357 : i32
    %sign3A_359 = arith.constant 0 : i32
    %sign3A_360 = arith.cmpi sgt, %add3A_356, %sign3A_359 : i32
    %sign3A_361 = arith.extui %sign3A_360 : i1 to i32
    %sign3A_362 = arith.constant 0 : i32
    %sign3A_363 = arith.cmpi slt, %add3A_356, %sign3A_362 : i32
    %sign3A_364 = arith.extui %sign3A_363 : i1 to i32
    %sign3A_365 = arith.subi %sign3A_361, %sign3A_364 : i32
    %sign3A_366 = arith.constant 0 : i32
    %sign3A_367 = arith.cmpi sgt, %jit3A_357, %sign3A_366 : i32
    %sign3A_368 = arith.extui %sign3A_367 : i1 to i32
    %sign3A_369 = arith.constant 0 : i32
    %sign3A_370 = arith.cmpi slt, %jit3A_357, %sign3A_369 : i32
    %sign3A_371 = arith.extui %sign3A_370 : i1 to i32
    %sign3A_372 = arith.subi %sign3A_368, %sign3A_371 : i32
    %ne3A_373 = arith.cmpi ne, %sign3A_365, %sign3A_372 : i32
    %rem3A_374 = arith.remsi %add3A_356, %jit3A_357 : i32
    %ne3A_375 = arith.constant 0 : i32
    %ne3A_376 = arith.cmpi ne, %rem3A_374, %ne3A_375 : i32
    %and3A_377 = arith.andi %ne3A_373, %ne3A_376 : i1
    %sub3A_378 = arith.constant 1 : i32
    %sub3A_379 = arith.subi %div3A_358, %sub3A_378 : i32
    %select_n3A_380 = arith.select %and3A_377, %sub3A_379, %div3A_358 : i32
    %mul3A_381 = arith.constant 25 : i32
    %mul3A_382 = arith.muli %select_n3A_380, %mul3A_381 : i32
    %sub3A_383 = arith.subi %add3A_356, %mul3A_382 : i32
    %mul3A_384 = arith.constant 40 : i32
    %mul3A_385 = arith.muli %sub3A_383, %mul3A_384 : i32
    %lt3A_386 = arith.constant 650 : i32
    %lt3A_387 = arith.cmpi slt, %add3A_356, %lt3A_386 : i32
    %convert_element_type3A_388 = arith.extui %lt3A_387 : i1 to i32
    %cond3A_389 = arith.constant 0 : i32
    %cond3A_390 = arith.cmpi ne, %convert_element_type3A_388, %cond3A_389 : i32
    scf.if %cond3A_390 {
      %dma_wait3A = arith.constant 0 : i32
      %dma_wait3A_1507 = arith.constant 0 : i32
      %dma_wait3A_1508 = arith.constant 0 : i32
      %dma_wait3A_1509 = tpu.memref_slice %arg4[%dma_wait3A, %dma_wait3A_1507, %dma_wait3A_1508] : memref<26x1000x1024xf32, #tpu.memory_space<hbm>> -> memref<1x40x1024xf32, #tpu.memory_space<hbm>>
      %dma_wait3A_1510 = arith.constant 0 : i32
      %dma_wait3A_1511 = arith.constant 0 : i32
      %dma_wait3A_1512 = arith.constant 0 : i32
      %dma_wait3A_1513 = tpu.memref_slice %arg4[%dma_wait3A_1510, %dma_wait3A_1511, %dma_wait3A_1512] : memref<26x1000x1024xf32, #tpu.memory_space<hbm>> -> memref<1x40x1024xf32, #tpu.memory_space<hbm>>
      tpu.wait_dma2 semaphore(%arg9 : memref<!tpu.dma_semaphore, #tpu.memory_space<semaphore_mem>>) src(%arg7 : memref<1x40x1024xf32, #tpu.memory_space<vmem>>) dst(%dma_wait3A_1513 : memref<1x40x1024xf32, #tpu.memory_space<hbm>>)
      "tpu.region"() ({
        %run_scoped3A = tpu.sem_alloc : memref<!tpu.dma_semaphore, #tpu.memory_space<semaphore_mem>>
        %dma_start3A = arith.constant 0 : i32
        %dma_start3A_1519 = tpu.memref_slice %arg2[%select_n3A_380, %dma_start3A] : memref<26x1024xi32, #tpu.memory_space<hbm>> -> memref<1x1024xi32, #tpu.memory_space<hbm>>
        %dma_start3A_1520 = arith.constant 0 : i32
        %dma_start3A_1521 = tpu.memref_slice %arg2[%select_n3A_380, %dma_start3A_1520] : memref<26x1024xi32, #tpu.memory_space<hbm>> -> memref<1x1024xi32, #tpu.memory_space<hbm>>
        tpu.enqueue_dma source(%dma_start3A_1521 : memref<1x1024xi32, #tpu.memory_space<hbm>>) target(%arg6 : memref<1x1024xi32, #tpu.memory_space<vmem>>) target_semaphore(%run_scoped3A : memref<!tpu.dma_semaphore, #tpu.memory_space<semaphore_mem>>)
        %dma_wait3A_1522 = arith.constant 0 : i32
        %dma_wait3A_1523 = tpu.memref_slice %arg2[%select_n3A_380, %dma_wait3A_1522] : memref<26x1024xi32, #tpu.memory_space<hbm>> -> memref<1x1024xi32, #tpu.memory_space<hbm>>
        %dma_wait3A_1524 = arith.constant 0 : i32
        %dma_wait3A_1525 = tpu.memref_slice %arg2[%select_n3A_380, %dma_wait3A_1524] : memref<26x1024xi32, #tpu.memory_space<hbm>> -> memref<1x1024xi32, #tpu.memory_space<hbm>>
        tpu.wait_dma2 semaphore(%run_scoped3A : memref<!tpu.dma_semaphore, #tpu.memory_space<semaphore_mem>>) src(%dma_wait3A_1525 : memref<1x1024xi32, #tpu.memory_space<hbm>>) dst(%arg6 : memref<1x1024xi32, #tpu.memory_space<vmem>>)
        tpu.yield
      }) : () -> ()
      %scan3A = arith.constant 0 : i32
      %scan3A_1514 = arith.constant 0 : i32
      %scan3A_1515 = arith.constant 64 : i32
      %scan3A_1516 = arith.addi %scan3A_1514, %scan3A_1515 : i32
      %scan3A_1517 = arith.constant 1 : i32
      scf.for %scan3A_1519 = %scan3A_1514 to %scan3A_1516 step %scan3A_1517  : i32 {
        %mul3A_1520 = arith.constant 16 : i32
        %mul3A_1521 = arith.muli %mul3A_1520, %scan3A_1519 : i32
        %get3A = arith.constant 0 : i32
        %get3A_1522 = arith.index_cast %get3A : i32 to index
        %get3A_1523 = arith.index_cast %mul3A_1521 : i32 to index
        %get3A_1524 = tpu.vector_load %arg6[%get3A_1522, %get3A_1523] {strides = array<i32>} : memref<1x1024xi32, #tpu.memory_space<vmem>>, vector<16xi32>,
        %mul3A_1525 = arith.constant 16 : i32
        %mul3A_1526 = arith.muli %mul3A_1525, %scan3A_1519 : i32
        %add3A_1527 = vector.broadcast %mul3A_1526 : i32 to vector<16xi32>
        %add3A_1528 = arith.addi %iota3A, %add3A_1527 : vector<16xi32>
        %ge3A = vector.broadcast %mul3A_385 : i32 to vector<16xi32>
        %ge3A_1529 = arith.cmpi sge, %get3A_1524, %ge3A : vector<16xi32>
        %add3A_1530 = arith.constant 40 : i32
        %add3A_1531 = arith.addi %mul3A_385, %add3A_1530 : i32
        %lt3A_1532 = vector.broadcast %add3A_1531 : i32 to vector<16xi32>
        %lt3A_1533 = arith.cmpi slt, %get3A_1524, %lt3A_1532 : vector<16xi32>
        %and3A_1534 = arith.andi %ge3A_1529, %lt3A_1533 : vector<16xi1>
        %sub3A_1535 = vector.broadcast %mul3A_385 : i32 to vector<16xi32>
        %sub3A_1536 = arith.subi %get3A_1524, %sub3A_1535 : vector<16xi32>
        tpu.vector_store_idx %arg7[%broadcast_in_dim3A_5, %sub3A_1536, %add3A_1528], %broadcast_in_dim3A_3 masked %and3A_1534 : memref<1x40x1024xf32, #tpu.memory_space<vmem>>[vector<16xi32>, vector<16xi32>, vector<16xi32>], vector<16xf32>, vector<16xi1>
      }
      %scan3A_1518 = arith.constant 64 : i32
    } else {
    }
    %add3A_391 = arith.constant 192 : i32
    %add3A_392 = arith.addi %add3A, %add3A_391 : i32
    %jit3A_393 = arith.constant 25 : i32
    %div3A_394 = arith.divsi %add3A_392, %jit3A_393 : i32
    %sign3A_395 = arith.constant 0 : i32
    %sign3A_396 = arith.cmpi sgt, %add3A_392, %sign3A_395 : i32
    %sign3A_397 = arith.extui %sign3A_396 : i1 to i32
    %sign3A_398 = arith.constant 0 : i32
    %sign3A_399 = arith.cmpi slt, %add3A_392, %sign3A_398 : i32
    %sign3A_400 = arith.extui %sign3A_399 : i1 to i32
    %sign3A_401 = arith.subi %sign3A_397, %sign3A_400 : i32
    %sign3A_402 = arith.constant 0 : i32
    %sign3A_403 = arith.cmpi sgt, %jit3A_393, %sign3A_402 : i32
    %sign3A_404 = arith.extui %sign3A_403 : i1 to i32
    %sign3A_405 = arith.constant 0 : i32
    %sign3A_406 = arith.cmpi slt, %jit3A_393, %sign3A_405 : i32
    %sign3A_407 = arith.extui %sign3A_406 : i1 to i32
    %sign3A_408 = arith.subi %sign3A_404, %sign3A_407 : i32
    %ne3A_409 = arith.cmpi ne, %sign3A_401, %sign3A_408 : i32
    %rem3A_410 = arith.remsi %add3A_392, %jit3A_393 : i32
    %ne3A_411 = arith.constant 0 : i32
    %ne3A_412 = arith.cmpi ne, %rem3A_410, %ne3A_411 : i32
    %and3A_413 = arith.andi %ne3A_409, %ne3A_412 : i1
    %sub3A_414 = arith.constant 1 : i32
    %sub3A_415 = arith.subi %div3A_394, %sub3A_414 : i32
    %select_n3A_416 = arith.select %and3A_413, %sub3A_415, %div3A_394 : i32
    %mul3A_417 = arith.constant 25 : i32
    %mul3A_418 = arith.muli %select_n3A_416, %mul3A_417 : i32
    %sub3A_419 = arith.subi %add3A_392, %mul3A_418 : i32
    %mul3A_420 = arith.constant 40 : i32
    %mul3A_421 = arith.muli %sub3A_419, %mul3A_420 : i32
    %lt3A_422 = arith.constant 650 : i32
    %lt3A_423 = arith.cmpi slt, %add3A_392, %lt3A_422 : i32
    %convert_element_type3A_424 = arith.extui %lt3A_423 : i1 to i32
    %cond3A_425 = arith.constant 0 : i32
    %cond3A_426 = arith.cmpi ne, %convert_element_type3A_424, %cond3A_425 : i32
    scf.if %cond3A_426 {
      "tpu.region"() ({
        %run_scoped3A = tpu.sem_alloc : memref<!tpu.dma_semaphore, #tpu.memory_space<semaphore_mem>>
        %dma_start3A_1515 = arith.constant 0 : i32
        %dma_start3A_1516 = tpu.memref_slice %arg2[%select_n3A_416, %dma_start3A_1515] : memref<26x1024xi32, #tpu.memory_space<hbm>> -> memref<1x1024xi32, #tpu.memory_space<hbm>>
        %dma_start3A_1517 = arith.constant 0 : i32
        %dma_start3A_1518 = tpu.memref_slice %arg2[%select_n3A_416, %dma_start3A_1517] : memref<26x1024xi32, #tpu.memory_space<hbm>> -> memref<1x1024xi32, #tpu.memory_space<hbm>>
        tpu.enqueue_dma source(%dma_start3A_1518 : memref<1x1024xi32, #tpu.memory_space<hbm>>) target(%arg5 : memref<1x1024xi32, #tpu.memory_space<vmem>>) target_semaphore(%run_scoped3A : memref<!tpu.dma_semaphore, #tpu.memory_space<semaphore_mem>>)
        %dma_wait3A = arith.constant 0 : i32
        %dma_wait3A_1519 = tpu.memref_slice %arg2[%select_n3A_416, %dma_wait3A] : memref<26x1024xi32, #tpu.memory_space<hbm>> -> memref<1x1024xi32, #tpu.memory_space<hbm>>
        %dma_wait3A_1520 = arith.constant 0 : i32
        %dma_wait3A_1521 = tpu.memref_slice %arg2[%select_n3A_416, %dma_wait3A_1520] : memref<26x1024xi32, #tpu.memory_space<hbm>> -> memref<1x1024xi32, #tpu.memory_space<hbm>>
        tpu.wait_dma2 semaphore(%run_scoped3A : memref<!tpu.dma_semaphore, #tpu.memory_space<semaphore_mem>>) src(%dma_wait3A_1521 : memref<1x1024xi32, #tpu.memory_space<hbm>>) dst(%arg5 : memref<1x1024xi32, #tpu.memory_space<vmem>>)
        tpu.yield
      }) : () -> ()
      %scan3A = arith.constant 0 : i32
      %scan3A_1507 = arith.constant 0 : i32
      %scan3A_1508 = arith.constant 64 : i32
      %scan3A_1509 = arith.addi %scan3A_1507, %scan3A_1508 : i32
      %scan3A_1510 = arith.constant 1 : i32
      scf.for %scan3A_1515 = %scan3A_1507 to %scan3A_1509 step %scan3A_1510  : i32 {
        %mul3A_1516 = arith.constant 16 : i32
        %mul3A_1517 = arith.muli %mul3A_1516, %scan3A_1515 : i32
        %get3A = arith.constant 0 : i32
        %get3A_1518 = arith.index_cast %get3A : i32 to index
        %get3A_1519 = arith.index_cast %mul3A_1517 : i32 to index
        %get3A_1520 = tpu.vector_load %arg5[%get3A_1518, %get3A_1519] {strides = array<i32>} : memref<1x1024xi32, #tpu.memory_space<vmem>>, vector<16xi32>,
        %mul3A_1521 = arith.constant 16 : i32
        %mul3A_1522 = arith.muli %mul3A_1521, %scan3A_1515 : i32
        %add3A_1523 = vector.broadcast %mul3A_1522 : i32 to vector<16xi32>
        %add3A_1524 = arith.addi %iota3A, %add3A_1523 : vector<16xi32>
        %ge3A = vector.broadcast %mul3A_421 : i32 to vector<16xi32>
        %ge3A_1525 = arith.cmpi sge, %get3A_1520, %ge3A : vector<16xi32>
        %add3A_1526 = arith.constant 40 : i32
        %add3A_1527 = arith.addi %mul3A_421, %add3A_1526 : i32
        %lt3A_1528 = vector.broadcast %add3A_1527 : i32 to vector<16xi32>
        %lt3A_1529 = arith.cmpi slt, %get3A_1520, %lt3A_1528 : vector<16xi32>
        %and3A_1530 = arith.andi %ge3A_1525, %lt3A_1529 : vector<16xi1>
        %sub3A_1531 = vector.broadcast %mul3A_421 : i32 to vector<16xi32>
        %sub3A_1532 = arith.subi %get3A_1520, %sub3A_1531 : vector<16xi32>
        tpu.vector_store_idx %arg7[%broadcast_in_dim3A_5, %sub3A_1532, %add3A_1524], %broadcast_in_dim3A_1 masked %and3A_1530 : memref<1x40x1024xf32, #tpu.memory_space<vmem>>[vector<16xi32>, vector<16xi32>, vector<16xi32>], vector<16xf32>, vector<16xi1>
      }
      %scan3A_1511 = arith.constant 64 : i32
      %dma_start3A = arith.constant 0 : i32
      %dma_start3A_1512 = tpu.memref_slice %arg4[%select_n3A_416, %mul3A_421, %dma_start3A] : memref<26x1000x1024xf32, #tpu.memory_space<hbm>> -> memref<1x40x1024xf32, #tpu.memory_space<hbm>>
      %dma_start3A_1513 = arith.constant 0 : i32
      %dma_start3A_1514 = tpu.memref_slice %arg4[%select_n3A_416, %mul3A_421, %dma_start3A_1513] : memref<26x1000x1024xf32, #tpu.memory_space<hbm>> -> memref<1x40x1024xf32, #tpu.memory_space<hbm>>
      tpu.enqueue_dma source(%arg7 : memref<1x40x1024xf32, #tpu.memory_space<vmem>>) target(%dma_start3A_1514 : memref<1x40x1024xf32, #tpu.memory_space<hbm>>) target_semaphore(%arg9 : memref<!tpu.dma_semaphore, #tpu.memory_space<semaphore_mem>>)
    } else {
    }
    %add3A_427 = arith.constant 160 : i32
    %add3A_428 = arith.addi %add3A, %add3A_427 : i32
    %jit3A_429 = arith.constant 25 : i32
    %div3A_430 = arith.divsi %add3A_428, %jit3A_429 : i32
    %sign3A_431 = arith.constant 0 : i32
    %sign3A_432 = arith.cmpi sgt, %add3A_428, %sign3A_431 : i32
    %sign3A_433 = arith.extui %sign3A_432 : i1 to i32
    %sign3A_434 = arith.constant 0 : i32
    %sign3A_435 = arith.cmpi slt, %add3A_428, %sign3A_434 : i32
    %sign3A_436 = arith.extui %sign3A_435 : i1 to i32
    %sign3A_437 = arith.subi %sign3A_433, %sign3A_436 : i32
    %sign3A_438 = arith.constant 0 : i32
    %sign3A_439 = arith.cmpi sgt, %jit3A_429, %sign3A_438 : i32
    %sign3A_440 = arith.extui %sign3A_439 : i1 to i32
    %sign3A_441 = arith.constant 0 : i32
    %sign3A_442 = arith.cmpi slt, %jit3A_429, %sign3A_441 : i32
    %sign3A_443 = arith.extui %sign3A_442 : i1 to i32
    %sign3A_444 = arith.subi %sign3A_440, %sign3A_443 : i32
    %ne3A_445 = arith.cmpi ne, %sign3A_437, %sign3A_444 : i32
    %rem3A_446 = arith.remsi %add3A_428, %jit3A_429 : i32
    %ne3A_447 = arith.constant 0 : i32
    %ne3A_448 = arith.cmpi ne, %rem3A_446, %ne3A_447 : i32
    %and3A_449 = arith.andi %ne3A_445, %ne3A_448 : i1
    %sub3A_450 = arith.constant 1 : i32
    %sub3A_451 = arith.subi %div3A_430, %sub3A_450 : i32
    %select_n3A_452 = arith.select %and3A_449, %sub3A_451, %div3A_430 : i32
    %mul3A_453 = arith.constant 25 : i32
    %mul3A_454 = arith.muli %select_n3A_452, %mul3A_453 : i32
    %sub3A_455 = arith.subi %add3A_428, %mul3A_454 : i32
    %mul3A_456 = arith.constant 40 : i32
    %mul3A_457 = arith.muli %sub3A_455, %mul3A_456 : i32
    %lt3A_458 = arith.constant 650 : i32
    %lt3A_459 = arith.cmpi slt, %add3A_428, %lt3A_458 : i32
    %convert_element_type3A_460 = arith.extui %lt3A_459 : i1 to i32
    %cond3A_461 = arith.constant 0 : i32
    %cond3A_462 = arith.cmpi ne, %convert_element_type3A_460, %cond3A_461 : i32
    scf.if %cond3A_462 {
      %dma_wait3A = arith.constant 0 : i32
      %dma_wait3A_1507 = arith.constant 0 : i32
      %dma_wait3A_1508 = arith.constant 0 : i32
      %dma_wait3A_1509 = tpu.memref_slice %arg4[%dma_wait3A, %dma_wait3A_1507, %dma_wait3A_1508] : memref<26x1000x1024xf32, #tpu.memory_space<hbm>> -> memref<1x40x1024xf32, #tpu.memory_space<hbm>>
      %dma_wait3A_1510 = arith.constant 0 : i32
      %dma_wait3A_1511 = arith.constant 0 : i32
      %dma_wait3A_1512 = arith.constant 0 : i32
      %dma_wait3A_1513 = tpu.memref_slice %arg4[%dma_wait3A_1510, %dma_wait3A_1511, %dma_wait3A_1512] : memref<26x1000x1024xf32, #tpu.memory_space<hbm>> -> memref<1x40x1024xf32, #tpu.memory_space<hbm>>
      tpu.wait_dma2 semaphore(%arg10 : memref<!tpu.dma_semaphore, #tpu.memory_space<semaphore_mem>>) src(%arg8 : memref<1x40x1024xf32, #tpu.memory_space<vmem>>) dst(%dma_wait3A_1513 : memref<1x40x1024xf32, #tpu.memory_space<hbm>>)
      "tpu.region"() ({
        %run_scoped3A = tpu.sem_alloc : memref<!tpu.dma_semaphore, #tpu.memory_space<semaphore_mem>>
        %dma_start3A = arith.constant 0 : i32
        %dma_start3A_1519 = tpu.memref_slice %arg2[%select_n3A_452, %dma_start3A] : memref<26x1024xi32, #tpu.memory_space<hbm>> -> memref<1x1024xi32, #tpu.memory_space<hbm>>
        %dma_start3A_1520 = arith.constant 0 : i32
        %dma_start3A_1521 = tpu.memref_slice %arg2[%select_n3A_452, %dma_start3A_1520] : memref<26x1024xi32, #tpu.memory_space<hbm>> -> memref<1x1024xi32, #tpu.memory_space<hbm>>
        tpu.enqueue_dma source(%dma_start3A_1521 : memref<1x1024xi32, #tpu.memory_space<hbm>>) target(%arg6 : memref<1x1024xi32, #tpu.memory_space<vmem>>) target_semaphore(%run_scoped3A : memref<!tpu.dma_semaphore, #tpu.memory_space<semaphore_mem>>)
        %dma_wait3A_1522 = arith.constant 0 : i32
        %dma_wait3A_1523 = tpu.memref_slice %arg2[%select_n3A_452, %dma_wait3A_1522] : memref<26x1024xi32, #tpu.memory_space<hbm>> -> memref<1x1024xi32, #tpu.memory_space<hbm>>
        %dma_wait3A_1524 = arith.constant 0 : i32
        %dma_wait3A_1525 = tpu.memref_slice %arg2[%select_n3A_452, %dma_wait3A_1524] : memref<26x1024xi32, #tpu.memory_space<hbm>> -> memref<1x1024xi32, #tpu.memory_space<hbm>>
        tpu.wait_dma2 semaphore(%run_scoped3A : memref<!tpu.dma_semaphore, #tpu.memory_space<semaphore_mem>>) src(%dma_wait3A_1525 : memref<1x1024xi32, #tpu.memory_space<hbm>>) dst(%arg6 : memref<1x1024xi32, #tpu.memory_space<vmem>>)
        tpu.yield
      }) : () -> ()
      %scan3A = arith.constant 0 : i32
      %scan3A_1514 = arith.constant 0 : i32
      %scan3A_1515 = arith.constant 64 : i32
      %scan3A_1516 = arith.addi %scan3A_1514, %scan3A_1515 : i32
      %scan3A_1517 = arith.constant 1 : i32
      scf.for %scan3A_1519 = %scan3A_1514 to %scan3A_1516 step %scan3A_1517  : i32 {
        %mul3A_1520 = arith.constant 16 : i32
        %mul3A_1521 = arith.muli %mul3A_1520, %scan3A_1519 : i32
        %get3A = arith.constant 0 : i32
        %get3A_1522 = arith.index_cast %get3A : i32 to index
        %get3A_1523 = arith.index_cast %mul3A_1521 : i32 to index
        %get3A_1524 = tpu.vector_load %arg6[%get3A_1522, %get3A_1523] {strides = array<i32>} : memref<1x1024xi32, #tpu.memory_space<vmem>>, vector<16xi32>,
        %mul3A_1525 = arith.constant 16 : i32
        %mul3A_1526 = arith.muli %mul3A_1525, %scan3A_1519 : i32
        %add3A_1527 = vector.broadcast %mul3A_1526 : i32 to vector<16xi32>
        %add3A_1528 = arith.addi %iota3A, %add3A_1527 : vector<16xi32>
        %ge3A = vector.broadcast %mul3A_457 : i32 to vector<16xi32>
        %ge3A_1529 = arith.cmpi sge, %get3A_1524, %ge3A : vector<16xi32>
        %add3A_1530 = arith.constant 40 : i32
        %add3A_1531 = arith.addi %mul3A_457, %add3A_1530 : i32
        %lt3A_1532 = vector.broadcast %add3A_1531 : i32 to vector<16xi32>
        %lt3A_1533 = arith.cmpi slt, %get3A_1524, %lt3A_1532 : vector<16xi32>
        %and3A_1534 = arith.andi %ge3A_1529, %lt3A_1533 : vector<16xi1>
        %sub3A_1535 = vector.broadcast %mul3A_457 : i32 to vector<16xi32>
        %sub3A_1536 = arith.subi %get3A_1524, %sub3A_1535 : vector<16xi32>
        tpu.vector_store_idx %arg8[%broadcast_in_dim3A_5, %sub3A_1536, %add3A_1528], %broadcast_in_dim3A_3 masked %and3A_1534 : memref<1x40x1024xf32, #tpu.memory_space<vmem>>[vector<16xi32>, vector<16xi32>, vector<16xi32>], vector<16xf32>, vector<16xi1>
      }
      %scan3A_1518 = arith.constant 64 : i32
    } else {
    }
    %add3A_463 = arith.constant 224 : i32
    %add3A_464 = arith.addi %add3A, %add3A_463 : i32
    %jit3A_465 = arith.constant 25 : i32
    %div3A_466 = arith.divsi %add3A_464, %jit3A_465 : i32
    %sign3A_467 = arith.constant 0 : i32
    %sign3A_468 = arith.cmpi sgt, %add3A_464, %sign3A_467 : i32
    %sign3A_469 = arith.extui %sign3A_468 : i1 to i32
    %sign3A_470 = arith.constant 0 : i32
    %sign3A_471 = arith.cmpi slt, %add3A_464, %sign3A_470 : i32
    %sign3A_472 = arith.extui %sign3A_471 : i1 to i32
    %sign3A_473 = arith.subi %sign3A_469, %sign3A_472 : i32
    %sign3A_474 = arith.constant 0 : i32
    %sign3A_475 = arith.cmpi sgt, %jit3A_465, %sign3A_474 : i32
    %sign3A_476 = arith.extui %sign3A_475 : i1 to i32
    %sign3A_477 = arith.constant 0 : i32
    %sign3A_478 = arith.cmpi slt, %jit3A_465, %sign3A_477 : i32
    %sign3A_479 = arith.extui %sign3A_478 : i1 to i32
    %sign3A_480 = arith.subi %sign3A_476, %sign3A_479 : i32
    %ne3A_481 = arith.cmpi ne, %sign3A_473, %sign3A_480 : i32
    %rem3A_482 = arith.remsi %add3A_464, %jit3A_465 : i32
    %ne3A_483 = arith.constant 0 : i32
    %ne3A_484 = arith.cmpi ne, %rem3A_482, %ne3A_483 : i32
    %and3A_485 = arith.andi %ne3A_481, %ne3A_484 : i1
    %sub3A_486 = arith.constant 1 : i32
    %sub3A_487 = arith.subi %div3A_466, %sub3A_486 : i32
    %select_n3A_488 = arith.select %and3A_485, %sub3A_487, %div3A_466 : i32
    %mul3A_489 = arith.constant 25 : i32
    %mul3A_490 = arith.muli %select_n3A_488, %mul3A_489 : i32
    %sub3A_491 = arith.subi %add3A_464, %mul3A_490 : i32
    %mul3A_492 = arith.constant 40 : i32
    %mul3A_493 = arith.muli %sub3A_491, %mul3A_492 : i32
    %lt3A_494 = arith.constant 650 : i32
    %lt3A_495 = arith.cmpi slt, %add3A_464, %lt3A_494 : i32
    %convert_element_type3A_496 = arith.extui %lt3A_495 : i1 to i32
    %cond3A_497 = arith.constant 0 : i32
    %cond3A_498 = arith.cmpi ne, %convert_element_type3A_496, %cond3A_497 : i32
    scf.if %cond3A_498 {
      "tpu.region"() ({
        %run_scoped3A = tpu.sem_alloc : memref<!tpu.dma_semaphore, #tpu.memory_space<semaphore_mem>>
        %dma_start3A_1515 = arith.constant 0 : i32
        %dma_start3A_1516 = tpu.memref_slice %arg2[%select_n3A_488, %dma_start3A_1515] : memref<26x1024xi32, #tpu.memory_space<hbm>> -> memref<1x1024xi32, #tpu.memory_space<hbm>>
        %dma_start3A_1517 = arith.constant 0 : i32
        %dma_start3A_1518 = tpu.memref_slice %arg2[%select_n3A_488, %dma_start3A_1517] : memref<26x1024xi32, #tpu.memory_space<hbm>> -> memref<1x1024xi32, #tpu.memory_space<hbm>>
        tpu.enqueue_dma source(%dma_start3A_1518 : memref<1x1024xi32, #tpu.memory_space<hbm>>) target(%arg5 : memref<1x1024xi32, #tpu.memory_space<vmem>>) target_semaphore(%run_scoped3A : memref<!tpu.dma_semaphore, #tpu.memory_space<semaphore_mem>>)
        %dma_wait3A = arith.constant 0 : i32
        %dma_wait3A_1519 = tpu.memref_slice %arg2[%select_n3A_488, %dma_wait3A] : memref<26x1024xi32, #tpu.memory_space<hbm>> -> memref<1x1024xi32, #tpu.memory_space<hbm>>
        %dma_wait3A_1520 = arith.constant 0 : i32
        %dma_wait3A_1521 = tpu.memref_slice %arg2[%select_n3A_488, %dma_wait3A_1520] : memref<26x1024xi32, #tpu.memory_space<hbm>> -> memref<1x1024xi32, #tpu.memory_space<hbm>>
        tpu.wait_dma2 semaphore(%run_scoped3A : memref<!tpu.dma_semaphore, #tpu.memory_space<semaphore_mem>>) src(%dma_wait3A_1521 : memref<1x1024xi32, #tpu.memory_space<hbm>>) dst(%arg5 : memref<1x1024xi32, #tpu.memory_space<vmem>>)
        tpu.yield
      }) : () -> ()
      %scan3A = arith.constant 0 : i32
      %scan3A_1507 = arith.constant 0 : i32
      %scan3A_1508 = arith.constant 64 : i32
      %scan3A_1509 = arith.addi %scan3A_1507, %scan3A_1508 : i32
      %scan3A_1510 = arith.constant 1 : i32
      scf.for %scan3A_1515 = %scan3A_1507 to %scan3A_1509 step %scan3A_1510  : i32 {
        %mul3A_1516 = arith.constant 16 : i32
        %mul3A_1517 = arith.muli %mul3A_1516, %scan3A_1515 : i32
        %get3A = arith.constant 0 : i32
        %get3A_1518 = arith.index_cast %get3A : i32 to index
        %get3A_1519 = arith.index_cast %mul3A_1517 : i32 to index
        %get3A_1520 = tpu.vector_load %arg5[%get3A_1518, %get3A_1519] {strides = array<i32>} : memref<1x1024xi32, #tpu.memory_space<vmem>>, vector<16xi32>,
        %mul3A_1521 = arith.constant 16 : i32
        %mul3A_1522 = arith.muli %mul3A_1521, %scan3A_1515 : i32
        %add3A_1523 = vector.broadcast %mul3A_1522 : i32 to vector<16xi32>
        %add3A_1524 = arith.addi %iota3A, %add3A_1523 : vector<16xi32>
        %ge3A = vector.broadcast %mul3A_493 : i32 to vector<16xi32>
        %ge3A_1525 = arith.cmpi sge, %get3A_1520, %ge3A : vector<16xi32>
        %add3A_1526 = arith.constant 40 : i32
        %add3A_1527 = arith.addi %mul3A_493, %add3A_1526 : i32
        %lt3A_1528 = vector.broadcast %add3A_1527 : i32 to vector<16xi32>
        %lt3A_1529 = arith.cmpi slt, %get3A_1520, %lt3A_1528 : vector<16xi32>
        %and3A_1530 = arith.andi %ge3A_1525, %lt3A_1529 : vector<16xi1>
        %sub3A_1531 = vector.broadcast %mul3A_493 : i32 to vector<16xi32>
        %sub3A_1532 = arith.subi %get3A_1520, %sub3A_1531 : vector<16xi32>
        tpu.vector_store_idx %arg8[%broadcast_in_dim3A_5, %sub3A_1532, %add3A_1524], %broadcast_in_dim3A_1 masked %and3A_1530 : memref<1x40x1024xf32, #tpu.memory_space<vmem>>[vector<16xi32>, vector<16xi32>, vector<16xi32>], vector<16xf32>, vector<16xi1>
      }
      %scan3A_1511 = arith.constant 64 : i32
      %dma_start3A = arith.constant 0 : i32
      %dma_start3A_1512 = tpu.memref_slice %arg4[%select_n3A_488, %mul3A_493, %dma_start3A] : memref<26x1000x1024xf32, #tpu.memory_space<hbm>> -> memref<1x40x1024xf32, #tpu.memory_space<hbm>>
      %dma_start3A_1513 = arith.constant 0 : i32
      %dma_start3A_1514 = tpu.memref_slice %arg4[%select_n3A_488, %mul3A_493, %dma_start3A_1513] : memref<26x1000x1024xf32, #tpu.memory_space<hbm>> -> memref<1x40x1024xf32, #tpu.memory_space<hbm>>
      tpu.enqueue_dma source(%arg8 : memref<1x40x1024xf32, #tpu.memory_space<vmem>>) target(%dma_start3A_1514 : memref<1x40x1024xf32, #tpu.memory_space<hbm>>) target_semaphore(%arg10 : memref<!tpu.dma_semaphore, #tpu.memory_space<semaphore_mem>>)
    } else {
    }
    %add3A_499 = arith.constant 192 : i32
    %add3A_500 = arith.addi %add3A, %add3A_499 : i32
    %jit3A_501 = arith.constant 25 : i32
    %div3A_502 = arith.divsi %add3A_500, %jit3A_501 : i32
    %sign3A_503 = arith.constant 0 : i32
    %sign3A_504 = arith.cmpi sgt, %add3A_500, %sign3A_503 : i32
    %sign3A_505 = arith.extui %sign3A_504 : i1 to i32
    %sign3A_506 = arith.constant 0 : i32
    %sign3A_507 = arith.cmpi slt, %add3A_500, %sign3A_506 : i32
    %sign3A_508 = arith.extui %sign3A_507 : i1 to i32
    %sign3A_509 = arith.subi %sign3A_505, %sign3A_508 : i32
    %sign3A_510 = arith.constant 0 : i32
    %sign3A_511 = arith.cmpi sgt, %jit3A_501, %sign3A_510 : i32
    %sign3A_512 = arith.extui %sign3A_511 : i1 to i32
    %sign3A_513 = arith.constant 0 : i32
    %sign3A_514 = arith.cmpi slt, %jit3A_501, %sign3A_513 : i32
    %sign3A_515 = arith.extui %sign3A_514 : i1 to i32
    %sign3A_516 = arith.subi %sign3A_512, %sign3A_515 : i32
    %ne3A_517 = arith.cmpi ne, %sign3A_509, %sign3A_516 : i32
    %rem3A_518 = arith.remsi %add3A_500, %jit3A_501 : i32
    %ne3A_519 = arith.constant 0 : i32
    %ne3A_520 = arith.cmpi ne, %rem3A_518, %ne3A_519 : i32
    %and3A_521 = arith.andi %ne3A_517, %ne3A_520 : i1
    %sub3A_522 = arith.constant 1 : i32
    %sub3A_523 = arith.subi %div3A_502, %sub3A_522 : i32
    %select_n3A_524 = arith.select %and3A_521, %sub3A_523, %div3A_502 : i32
    %mul3A_525 = arith.constant 25 : i32
    %mul3A_526 = arith.muli %select_n3A_524, %mul3A_525 : i32
    %sub3A_527 = arith.subi %add3A_500, %mul3A_526 : i32
    %mul3A_528 = arith.constant 40 : i32
    %mul3A_529 = arith.muli %sub3A_527, %mul3A_528 : i32
    %lt3A_530 = arith.constant 650 : i32
    %lt3A_531 = arith.cmpi slt, %add3A_500, %lt3A_530 : i32
    %convert_element_type3A_532 = arith.extui %lt3A_531 : i1 to i32
    %cond3A_533 = arith.constant 0 : i32
    %cond3A_534 = arith.cmpi ne, %convert_element_type3A_532, %cond3A_533 : i32
    scf.if %cond3A_534 {
      %dma_wait3A = arith.constant 0 : i32
      %dma_wait3A_1507 = arith.constant 0 : i32
      %dma_wait3A_1508 = arith.constant 0 : i32
      %dma_wait3A_1509 = tpu.memref_slice %arg4[%dma_wait3A, %dma_wait3A_1507, %dma_wait3A_1508] : memref<26x1000x1024xf32, #tpu.memory_space<hbm>> -> memref<1x40x1024xf32, #tpu.memory_space<hbm>>
      %dma_wait3A_1510 = arith.constant 0 : i32
      %dma_wait3A_1511 = arith.constant 0 : i32
      %dma_wait3A_1512 = arith.constant 0 : i32
      %dma_wait3A_1513 = tpu.memref_slice %arg4[%dma_wait3A_1510, %dma_wait3A_1511, %dma_wait3A_1512] : memref<26x1000x1024xf32, #tpu.memory_space<hbm>> -> memref<1x40x1024xf32, #tpu.memory_space<hbm>>
      tpu.wait_dma2 semaphore(%arg9 : memref<!tpu.dma_semaphore, #tpu.memory_space<semaphore_mem>>) src(%arg7 : memref<1x40x1024xf32, #tpu.memory_space<vmem>>) dst(%dma_wait3A_1513 : memref<1x40x1024xf32, #tpu.memory_space<hbm>>)
      "tpu.region"() ({
        %run_scoped3A = tpu.sem_alloc : memref<!tpu.dma_semaphore, #tpu.memory_space<semaphore_mem>>
        %dma_start3A = arith.constant 0 : i32
        %dma_start3A_1519 = tpu.memref_slice %arg2[%select_n3A_524, %dma_start3A] : memref<26x1024xi32, #tpu.memory_space<hbm>> -> memref<1x1024xi32, #tpu.memory_space<hbm>>
        %dma_start3A_1520 = arith.constant 0 : i32
        %dma_start3A_1521 = tpu.memref_slice %arg2[%select_n3A_524, %dma_start3A_1520] : memref<26x1024xi32, #tpu.memory_space<hbm>> -> memref<1x1024xi32, #tpu.memory_space<hbm>>
        tpu.enqueue_dma source(%dma_start3A_1521 : memref<1x1024xi32, #tpu.memory_space<hbm>>) target(%arg6 : memref<1x1024xi32, #tpu.memory_space<vmem>>) target_semaphore(%run_scoped3A : memref<!tpu.dma_semaphore, #tpu.memory_space<semaphore_mem>>)
        %dma_wait3A_1522 = arith.constant 0 : i32
        %dma_wait3A_1523 = tpu.memref_slice %arg2[%select_n3A_524, %dma_wait3A_1522] : memref<26x1024xi32, #tpu.memory_space<hbm>> -> memref<1x1024xi32, #tpu.memory_space<hbm>>
        %dma_wait3A_1524 = arith.constant 0 : i32
        %dma_wait3A_1525 = tpu.memref_slice %arg2[%select_n3A_524, %dma_wait3A_1524] : memref<26x1024xi32, #tpu.memory_space<hbm>> -> memref<1x1024xi32, #tpu.memory_space<hbm>>
        tpu.wait_dma2 semaphore(%run_scoped3A : memref<!tpu.dma_semaphore, #tpu.memory_space<semaphore_mem>>) src(%dma_wait3A_1525 : memref<1x1024xi32, #tpu.memory_space<hbm>>) dst(%arg6 : memref<1x1024xi32, #tpu.memory_space<vmem>>)
        tpu.yield
      }) : () -> ()
      %scan3A = arith.constant 0 : i32
      %scan3A_1514 = arith.constant 0 : i32
      %scan3A_1515 = arith.constant 64 : i32
      %scan3A_1516 = arith.addi %scan3A_1514, %scan3A_1515 : i32
      %scan3A_1517 = arith.constant 1 : i32
      scf.for %scan3A_1519 = %scan3A_1514 to %scan3A_1516 step %scan3A_1517  : i32 {
        %mul3A_1520 = arith.constant 16 : i32
        %mul3A_1521 = arith.muli %mul3A_1520, %scan3A_1519 : i32
        %get3A = arith.constant 0 : i32
        %get3A_1522 = arith.index_cast %get3A : i32 to index
        %get3A_1523 = arith.index_cast %mul3A_1521 : i32 to index
        %get3A_1524 = tpu.vector_load %arg6[%get3A_1522, %get3A_1523] {strides = array<i32>} : memref<1x1024xi32, #tpu.memory_space<vmem>>, vector<16xi32>,
        %mul3A_1525 = arith.constant 16 : i32
        %mul3A_1526 = arith.muli %mul3A_1525, %scan3A_1519 : i32
        %add3A_1527 = vector.broadcast %mul3A_1526 : i32 to vector<16xi32>
        %add3A_1528 = arith.addi %iota3A, %add3A_1527 : vector<16xi32>
        %ge3A = vector.broadcast %mul3A_529 : i32 to vector<16xi32>
        %ge3A_1529 = arith.cmpi sge, %get3A_1524, %ge3A : vector<16xi32>
        %add3A_1530 = arith.constant 40 : i32
        %add3A_1531 = arith.addi %mul3A_529, %add3A_1530 : i32
        %lt3A_1532 = vector.broadcast %add3A_1531 : i32 to vector<16xi32>
        %lt3A_1533 = arith.cmpi slt, %get3A_1524, %lt3A_1532 : vector<16xi32>
        %and3A_1534 = arith.andi %ge3A_1529, %lt3A_1533 : vector<16xi1>
        %sub3A_1535 = vector.broadcast %mul3A_529 : i32 to vector<16xi32>
        %sub3A_1536 = arith.subi %get3A_1524, %sub3A_1535 : vector<16xi32>
        tpu.vector_store_idx %arg7[%broadcast_in_dim3A_5, %sub3A_1536, %add3A_1528], %broadcast_in_dim3A_3 masked %and3A_1534 : memref<1x40x1024xf32, #tpu.memory_space<vmem>>[vector<16xi32>, vector<16xi32>, vector<16xi32>], vector<16xf32>, vector<16xi1>
      }
      %scan3A_1518 = arith.constant 64 : i32
    } else {
    }
    %add3A_535 = arith.constant 256 : i32
    %add3A_536 = arith.addi %add3A, %add3A_535 : i32
    %jit3A_537 = arith.constant 25 : i32
    %div3A_538 = arith.divsi %add3A_536, %jit3A_537 : i32
    %sign3A_539 = arith.constant 0 : i32
    %sign3A_540 = arith.cmpi sgt, %add3A_536, %sign3A_539 : i32
    %sign3A_541 = arith.extui %sign3A_540 : i1 to i32
    %sign3A_542 = arith.constant 0 : i32
    %sign3A_543 = arith.cmpi slt, %add3A_536, %sign3A_542 : i32
    %sign3A_544 = arith.extui %sign3A_543 : i1 to i32
    %sign3A_545 = arith.subi %sign3A_541, %sign3A_544 : i32
    %sign3A_546 = arith.constant 0 : i32
    %sign3A_547 = arith.cmpi sgt, %jit3A_537, %sign3A_546 : i32
    %sign3A_548 = arith.extui %sign3A_547 : i1 to i32
    %sign3A_549 = arith.constant 0 : i32
    %sign3A_550 = arith.cmpi slt, %jit3A_537, %sign3A_549 : i32
    %sign3A_551 = arith.extui %sign3A_550 : i1 to i32
    %sign3A_552 = arith.subi %sign3A_548, %sign3A_551 : i32
    %ne3A_553 = arith.cmpi ne, %sign3A_545, %sign3A_552 : i32
    %rem3A_554 = arith.remsi %add3A_536, %jit3A_537 : i32
    %ne3A_555 = arith.constant 0 : i32
    %ne3A_556 = arith.cmpi ne, %rem3A_554, %ne3A_555 : i32
    %and3A_557 = arith.andi %ne3A_553, %ne3A_556 : i1
    %sub3A_558 = arith.constant 1 : i32
    %sub3A_559 = arith.subi %div3A_538, %sub3A_558 : i32
    %select_n3A_560 = arith.select %and3A_557, %sub3A_559, %div3A_538 : i32
    %mul3A_561 = arith.constant 25 : i32
    %mul3A_562 = arith.muli %select_n3A_560, %mul3A_561 : i32
    %sub3A_563 = arith.subi %add3A_536, %mul3A_562 : i32
    %mul3A_564 = arith.constant 40 : i32
    %mul3A_565 = arith.muli %sub3A_563, %mul3A_564 : i32
    %lt3A_566 = arith.constant 650 : i32
    %lt3A_567 = arith.cmpi slt, %add3A_536, %lt3A_566 : i32
    %convert_element_type3A_568 = arith.extui %lt3A_567 : i1 to i32
    %cond3A_569 = arith.constant 0 : i32
    %cond3A_570 = arith.cmpi ne, %convert_element_type3A_568, %cond3A_569 : i32
    scf.if %cond3A_570 {
      "tpu.region"() ({
        %run_scoped3A = tpu.sem_alloc : memref<!tpu.dma_semaphore, #tpu.memory_space<semaphore_mem>>
        %dma_start3A_1515 = arith.constant 0 : i32
        %dma_start3A_1516 = tpu.memref_slice %arg2[%select_n3A_560, %dma_start3A_1515] : memref<26x1024xi32, #tpu.memory_space<hbm>> -> memref<1x1024xi32, #tpu.memory_space<hbm>>
        %dma_start3A_1517 = arith.constant 0 : i32
        %dma_start3A_1518 = tpu.memref_slice %arg2[%select_n3A_560, %dma_start3A_1517] : memref<26x1024xi32, #tpu.memory_space<hbm>> -> memref<1x1024xi32, #tpu.memory_space<hbm>>
        tpu.enqueue_dma source(%dma_start3A_1518 : memref<1x1024xi32, #tpu.memory_space<hbm>>) target(%arg5 : memref<1x1024xi32, #tpu.memory_space<vmem>>) target_semaphore(%run_scoped3A : memref<!tpu.dma_semaphore, #tpu.memory_space<semaphore_mem>>)
        %dma_wait3A = arith.constant 0 : i32
        %dma_wait3A_1519 = tpu.memref_slice %arg2[%select_n3A_560, %dma_wait3A] : memref<26x1024xi32, #tpu.memory_space<hbm>> -> memref<1x1024xi32, #tpu.memory_space<hbm>>
        %dma_wait3A_1520 = arith.constant 0 : i32
        %dma_wait3A_1521 = tpu.memref_slice %arg2[%select_n3A_560, %dma_wait3A_1520] : memref<26x1024xi32, #tpu.memory_space<hbm>> -> memref<1x1024xi32, #tpu.memory_space<hbm>>
        tpu.wait_dma2 semaphore(%run_scoped3A : memref<!tpu.dma_semaphore, #tpu.memory_space<semaphore_mem>>) src(%dma_wait3A_1521 : memref<1x1024xi32, #tpu.memory_space<hbm>>) dst(%arg5 : memref<1x1024xi32, #tpu.memory_space<vmem>>)
        tpu.yield
      }) : () -> ()
      %scan3A = arith.constant 0 : i32
      %scan3A_1507 = arith.constant 0 : i32
      %scan3A_1508 = arith.constant 64 : i32
      %scan3A_1509 = arith.addi %scan3A_1507, %scan3A_1508 : i32
      %scan3A_1510 = arith.constant 1 : i32
      scf.for %scan3A_1515 = %scan3A_1507 to %scan3A_1509 step %scan3A_1510  : i32 {
        %mul3A_1516 = arith.constant 16 : i32
        %mul3A_1517 = arith.muli %mul3A_1516, %scan3A_1515 : i32
        %get3A = arith.constant 0 : i32
        %get3A_1518 = arith.index_cast %get3A : i32 to index
        %get3A_1519 = arith.index_cast %mul3A_1517 : i32 to index
        %get3A_1520 = tpu.vector_load %arg5[%get3A_1518, %get3A_1519] {strides = array<i32>} : memref<1x1024xi32, #tpu.memory_space<vmem>>, vector<16xi32>,
        %mul3A_1521 = arith.constant 16 : i32
        %mul3A_1522 = arith.muli %mul3A_1521, %scan3A_1515 : i32
        %add3A_1523 = vector.broadcast %mul3A_1522 : i32 to vector<16xi32>
        %add3A_1524 = arith.addi %iota3A, %add3A_1523 : vector<16xi32>
        %ge3A = vector.broadcast %mul3A_565 : i32 to vector<16xi32>
        %ge3A_1525 = arith.cmpi sge, %get3A_1520, %ge3A : vector<16xi32>
        %add3A_1526 = arith.constant 40 : i32
        %add3A_1527 = arith.addi %mul3A_565, %add3A_1526 : i32
        %lt3A_1528 = vector.broadcast %add3A_1527 : i32 to vector<16xi32>
        %lt3A_1529 = arith.cmpi slt, %get3A_1520, %lt3A_1528 : vector<16xi32>
        %and3A_1530 = arith.andi %ge3A_1525, %lt3A_1529 : vector<16xi1>
        %sub3A_1531 = vector.broadcast %mul3A_565 : i32 to vector<16xi32>
        %sub3A_1532 = arith.subi %get3A_1520, %sub3A_1531 : vector<16xi32>
        tpu.vector_store_idx %arg7[%broadcast_in_dim3A_5, %sub3A_1532, %add3A_1524], %broadcast_in_dim3A_1 masked %and3A_1530 : memref<1x40x1024xf32, #tpu.memory_space<vmem>>[vector<16xi32>, vector<16xi32>, vector<16xi32>], vector<16xf32>, vector<16xi1>
      }
      %scan3A_1511 = arith.constant 64 : i32
      %dma_start3A = arith.constant 0 : i32
      %dma_start3A_1512 = tpu.memref_slice %arg4[%select_n3A_560, %mul3A_565, %dma_start3A] : memref<26x1000x1024xf32, #tpu.memory_space<hbm>> -> memref<1x40x1024xf32, #tpu.memory_space<hbm>>
      %dma_start3A_1513 = arith.constant 0 : i32
      %dma_start3A_1514 = tpu.memref_slice %arg4[%select_n3A_560, %mul3A_565, %dma_start3A_1513] : memref<26x1000x1024xf32, #tpu.memory_space<hbm>> -> memref<1x40x1024xf32, #tpu.memory_space<hbm>>
      tpu.enqueue_dma source(%arg7 : memref<1x40x1024xf32, #tpu.memory_space<vmem>>) target(%dma_start3A_1514 : memref<1x40x1024xf32, #tpu.memory_space<hbm>>) target_semaphore(%arg9 : memref<!tpu.dma_semaphore, #tpu.memory_space<semaphore_mem>>)
    } else {
    }
    %add3A_571 = arith.constant 224 : i32
    %add3A_572 = arith.addi %add3A, %add3A_571 : i32
    %jit3A_573 = arith.constant 25 : i32
    %div3A_574 = arith.divsi %add3A_572, %jit3A_573 : i32
    %sign3A_575 = arith.constant 0 : i32
    %sign3A_576 = arith.cmpi sgt, %add3A_572, %sign3A_575 : i32
    %sign3A_577 = arith.extui %sign3A_576 : i1 to i32
    %sign3A_578 = arith.constant 0 : i32
    %sign3A_579 = arith.cmpi slt, %add3A_572, %sign3A_578 : i32
    %sign3A_580 = arith.extui %sign3A_579 : i1 to i32
    %sign3A_581 = arith.subi %sign3A_577, %sign3A_580 : i32
    %sign3A_582 = arith.constant 0 : i32
    %sign3A_583 = arith.cmpi sgt, %jit3A_573, %sign3A_582 : i32
    %sign3A_584 = arith.extui %sign3A_583 : i1 to i32
    %sign3A_585 = arith.constant 0 : i32
    %sign3A_586 = arith.cmpi slt, %jit3A_573, %sign3A_585 : i32
    %sign3A_587 = arith.extui %sign3A_586 : i1 to i32
    %sign3A_588 = arith.subi %sign3A_584, %sign3A_587 : i32
    %ne3A_589 = arith.cmpi ne, %sign3A_581, %sign3A_588 : i32
    %rem3A_590 = arith.remsi %add3A_572, %jit3A_573 : i32
    %ne3A_591 = arith.constant 0 : i32
    %ne3A_592 = arith.cmpi ne, %rem3A_590, %ne3A_591 : i32
    %and3A_593 = arith.andi %ne3A_589, %ne3A_592 : i1
    %sub3A_594 = arith.constant 1 : i32
    %sub3A_595 = arith.subi %div3A_574, %sub3A_594 : i32
    %select_n3A_596 = arith.select %and3A_593, %sub3A_595, %div3A_574 : i32
    %mul3A_597 = arith.constant 25 : i32
    %mul3A_598 = arith.muli %select_n3A_596, %mul3A_597 : i32
    %sub3A_599 = arith.subi %add3A_572, %mul3A_598 : i32
    %mul3A_600 = arith.constant 40 : i32
    %mul3A_601 = arith.muli %sub3A_599, %mul3A_600 : i32
    %lt3A_602 = arith.constant 650 : i32
    %lt3A_603 = arith.cmpi slt, %add3A_572, %lt3A_602 : i32
    %convert_element_type3A_604 = arith.extui %lt3A_603 : i1 to i32
    %cond3A_605 = arith.constant 0 : i32
    %cond3A_606 = arith.cmpi ne, %convert_element_type3A_604, %cond3A_605 : i32
    scf.if %cond3A_606 {
      %dma_wait3A = arith.constant 0 : i32
      %dma_wait3A_1507 = arith.constant 0 : i32
      %dma_wait3A_1508 = arith.constant 0 : i32
      %dma_wait3A_1509 = tpu.memref_slice %arg4[%dma_wait3A, %dma_wait3A_1507, %dma_wait3A_1508] : memref<26x1000x1024xf32, #tpu.memory_space<hbm>> -> memref<1x40x1024xf32, #tpu.memory_space<hbm>>
      %dma_wait3A_1510 = arith.constant 0 : i32
      %dma_wait3A_1511 = arith.constant 0 : i32
      %dma_wait3A_1512 = arith.constant 0 : i32
      %dma_wait3A_1513 = tpu.memref_slice %arg4[%dma_wait3A_1510, %dma_wait3A_1511, %dma_wait3A_1512] : memref<26x1000x1024xf32, #tpu.memory_space<hbm>> -> memref<1x40x1024xf32, #tpu.memory_space<hbm>>
      tpu.wait_dma2 semaphore(%arg10 : memref<!tpu.dma_semaphore, #tpu.memory_space<semaphore_mem>>) src(%arg8 : memref<1x40x1024xf32, #tpu.memory_space<vmem>>) dst(%dma_wait3A_1513 : memref<1x40x1024xf32, #tpu.memory_space<hbm>>)
      "tpu.region"() ({
        %run_scoped3A = tpu.sem_alloc : memref<!tpu.dma_semaphore, #tpu.memory_space<semaphore_mem>>
        %dma_start3A = arith.constant 0 : i32
        %dma_start3A_1519 = tpu.memref_slice %arg2[%select_n3A_596, %dma_start3A] : memref<26x1024xi32, #tpu.memory_space<hbm>> -> memref<1x1024xi32, #tpu.memory_space<hbm>>
        %dma_start3A_1520 = arith.constant 0 : i32
        %dma_start3A_1521 = tpu.memref_slice %arg2[%select_n3A_596, %dma_start3A_1520] : memref<26x1024xi32, #tpu.memory_space<hbm>> -> memref<1x1024xi32, #tpu.memory_space<hbm>>
        tpu.enqueue_dma source(%dma_start3A_1521 : memref<1x1024xi32, #tpu.memory_space<hbm>>) target(%arg6 : memref<1x1024xi32, #tpu.memory_space<vmem>>) target_semaphore(%run_scoped3A : memref<!tpu.dma_semaphore, #tpu.memory_space<semaphore_mem>>)
        %dma_wait3A_1522 = arith.constant 0 : i32
        %dma_wait3A_1523 = tpu.memref_slice %arg2[%select_n3A_596, %dma_wait3A_1522] : memref<26x1024xi32, #tpu.memory_space<hbm>> -> memref<1x1024xi32, #tpu.memory_space<hbm>>
        %dma_wait3A_1524 = arith.constant 0 : i32
        %dma_wait3A_1525 = tpu.memref_slice %arg2[%select_n3A_596, %dma_wait3A_1524] : memref<26x1024xi32, #tpu.memory_space<hbm>> -> memref<1x1024xi32, #tpu.memory_space<hbm>>
        tpu.wait_dma2 semaphore(%run_scoped3A : memref<!tpu.dma_semaphore, #tpu.memory_space<semaphore_mem>>) src(%dma_wait3A_1525 : memref<1x1024xi32, #tpu.memory_space<hbm>>) dst(%arg6 : memref<1x1024xi32, #tpu.memory_space<vmem>>)
        tpu.yield
      }) : () -> ()
      %scan3A = arith.constant 0 : i32
      %scan3A_1514 = arith.constant 0 : i32
      %scan3A_1515 = arith.constant 64 : i32
      %scan3A_1516 = arith.addi %scan3A_1514, %scan3A_1515 : i32
      %scan3A_1517 = arith.constant 1 : i32
      scf.for %scan3A_1519 = %scan3A_1514 to %scan3A_1516 step %scan3A_1517  : i32 {
        %mul3A_1520 = arith.constant 16 : i32
        %mul3A_1521 = arith.muli %mul3A_1520, %scan3A_1519 : i32
        %get3A = arith.constant 0 : i32
        %get3A_1522 = arith.index_cast %get3A : i32 to index
        %get3A_1523 = arith.index_cast %mul3A_1521 : i32 to index
        %get3A_1524 = tpu.vector_load %arg6[%get3A_1522, %get3A_1523] {strides = array<i32>} : memref<1x1024xi32, #tpu.memory_space<vmem>>, vector<16xi32>,
        %mul3A_1525 = arith.constant 16 : i32
        %mul3A_1526 = arith.muli %mul3A_1525, %scan3A_1519 : i32
        %add3A_1527 = vector.broadcast %mul3A_1526 : i32 to vector<16xi32>
        %add3A_1528 = arith.addi %iota3A, %add3A_1527 : vector<16xi32>
        %ge3A = vector.broadcast %mul3A_601 : i32 to vector<16xi32>
        %ge3A_1529 = arith.cmpi sge, %get3A_1524, %ge3A : vector<16xi32>
        %add3A_1530 = arith.constant 40 : i32
        %add3A_1531 = arith.addi %mul3A_601, %add3A_1530 : i32
        %lt3A_1532 = vector.broadcast %add3A_1531 : i32 to vector<16xi32>
        %lt3A_1533 = arith.cmpi slt, %get3A_1524, %lt3A_1532 : vector<16xi32>
        %and3A_1534 = arith.andi %ge3A_1529, %lt3A_1533 : vector<16xi1>
        %sub3A_1535 = vector.broadcast %mul3A_601 : i32 to vector<16xi32>
        %sub3A_1536 = arith.subi %get3A_1524, %sub3A_1535 : vector<16xi32>
        tpu.vector_store_idx %arg8[%broadcast_in_dim3A_5, %sub3A_1536, %add3A_1528], %broadcast_in_dim3A_3 masked %and3A_1534 : memref<1x40x1024xf32, #tpu.memory_space<vmem>>[vector<16xi32>, vector<16xi32>, vector<16xi32>], vector<16xf32>, vector<16xi1>
      }
      %scan3A_1518 = arith.constant 64 : i32
    } else {
    }
    %add3A_607 = arith.constant 288 : i32
    %add3A_608 = arith.addi %add3A, %add3A_607 : i32
    %jit3A_609 = arith.constant 25 : i32
    %div3A_610 = arith.divsi %add3A_608, %jit3A_609 : i32
    %sign3A_611 = arith.constant 0 : i32
    %sign3A_612 = arith.cmpi sgt, %add3A_608, %sign3A_611 : i32
    %sign3A_613 = arith.extui %sign3A_612 : i1 to i32
    %sign3A_614 = arith.constant 0 : i32
    %sign3A_615 = arith.cmpi slt, %add3A_608, %sign3A_614 : i32
    %sign3A_616 = arith.extui %sign3A_615 : i1 to i32
    %sign3A_617 = arith.subi %sign3A_613, %sign3A_616 : i32
    %sign3A_618 = arith.constant 0 : i32
    %sign3A_619 = arith.cmpi sgt, %jit3A_609, %sign3A_618 : i32
    %sign3A_620 = arith.extui %sign3A_619 : i1 to i32
    %sign3A_621 = arith.constant 0 : i32
    %sign3A_622 = arith.cmpi slt, %jit3A_609, %sign3A_621 : i32
    %sign3A_623 = arith.extui %sign3A_622 : i1 to i32
    %sign3A_624 = arith.subi %sign3A_620, %sign3A_623 : i32
    %ne3A_625 = arith.cmpi ne, %sign3A_617, %sign3A_624 : i32
    %rem3A_626 = arith.remsi %add3A_608, %jit3A_609 : i32
    %ne3A_627 = arith.constant 0 : i32
    %ne3A_628 = arith.cmpi ne, %rem3A_626, %ne3A_627 : i32
    %and3A_629 = arith.andi %ne3A_625, %ne3A_628 : i1
    %sub3A_630 = arith.constant 1 : i32
    %sub3A_631 = arith.subi %div3A_610, %sub3A_630 : i32
    %select_n3A_632 = arith.select %and3A_629, %sub3A_631, %div3A_610 : i32
    %mul3A_633 = arith.constant 25 : i32
    %mul3A_634 = arith.muli %select_n3A_632, %mul3A_633 : i32
    %sub3A_635 = arith.subi %add3A_608, %mul3A_634 : i32
    %mul3A_636 = arith.constant 40 : i32
    %mul3A_637 = arith.muli %sub3A_635, %mul3A_636 : i32
    %lt3A_638 = arith.constant 650 : i32
    %lt3A_639 = arith.cmpi slt, %add3A_608, %lt3A_638 : i32
    %convert_element_type3A_640 = arith.extui %lt3A_639 : i1 to i32
    %cond3A_641 = arith.constant 0 : i32
    %cond3A_642 = arith.cmpi ne, %convert_element_type3A_640, %cond3A_641 : i32
    scf.if %cond3A_642 {
      "tpu.region"() ({
        %run_scoped3A = tpu.sem_alloc : memref<!tpu.dma_semaphore, #tpu.memory_space<semaphore_mem>>
        %dma_start3A_1515 = arith.constant 0 : i32
        %dma_start3A_1516 = tpu.memref_slice %arg2[%select_n3A_632, %dma_start3A_1515] : memref<26x1024xi32, #tpu.memory_space<hbm>> -> memref<1x1024xi32, #tpu.memory_space<hbm>>
        %dma_start3A_1517 = arith.constant 0 : i32
        %dma_start3A_1518 = tpu.memref_slice %arg2[%select_n3A_632, %dma_start3A_1517] : memref<26x1024xi32, #tpu.memory_space<hbm>> -> memref<1x1024xi32, #tpu.memory_space<hbm>>
        tpu.enqueue_dma source(%dma_start3A_1518 : memref<1x1024xi32, #tpu.memory_space<hbm>>) target(%arg5 : memref<1x1024xi32, #tpu.memory_space<vmem>>) target_semaphore(%run_scoped3A : memref<!tpu.dma_semaphore, #tpu.memory_space<semaphore_mem>>)
        %dma_wait3A = arith.constant 0 : i32
        %dma_wait3A_1519 = tpu.memref_slice %arg2[%select_n3A_632, %dma_wait3A] : memref<26x1024xi32, #tpu.memory_space<hbm>> -> memref<1x1024xi32, #tpu.memory_space<hbm>>
        %dma_wait3A_1520 = arith.constant 0 : i32
        %dma_wait3A_1521 = tpu.memref_slice %arg2[%select_n3A_632, %dma_wait3A_1520] : memref<26x1024xi32, #tpu.memory_space<hbm>> -> memref<1x1024xi32, #tpu.memory_space<hbm>>
        tpu.wait_dma2 semaphore(%run_scoped3A : memref<!tpu.dma_semaphore, #tpu.memory_space<semaphore_mem>>) src(%dma_wait3A_1521 : memref<1x1024xi32, #tpu.memory_space<hbm>>) dst(%arg5 : memref<1x1024xi32, #tpu.memory_space<vmem>>)
        tpu.yield
      }) : () -> ()
      %scan3A = arith.constant 0 : i32
      %scan3A_1507 = arith.constant 0 : i32
      %scan3A_1508 = arith.constant 64 : i32
      %scan3A_1509 = arith.addi %scan3A_1507, %scan3A_1508 : i32
      %scan3A_1510 = arith.constant 1 : i32
      scf.for %scan3A_1515 = %scan3A_1507 to %scan3A_1509 step %scan3A_1510  : i32 {
        %mul3A_1516 = arith.constant 16 : i32
        %mul3A_1517 = arith.muli %mul3A_1516, %scan3A_1515 : i32
        %get3A = arith.constant 0 : i32
        %get3A_1518 = arith.index_cast %get3A : i32 to index
        %get3A_1519 = arith.index_cast %mul3A_1517 : i32 to index
        %get3A_1520 = tpu.vector_load %arg5[%get3A_1518, %get3A_1519] {strides = array<i32>} : memref<1x1024xi32, #tpu.memory_space<vmem>>, vector<16xi32>,
        %mul3A_1521 = arith.constant 16 : i32
        %mul3A_1522 = arith.muli %mul3A_1521, %scan3A_1515 : i32
        %add3A_1523 = vector.broadcast %mul3A_1522 : i32 to vector<16xi32>
        %add3A_1524 = arith.addi %iota3A, %add3A_1523 : vector<16xi32>
        %ge3A = vector.broadcast %mul3A_637 : i32 to vector<16xi32>
        %ge3A_1525 = arith.cmpi sge, %get3A_1520, %ge3A : vector<16xi32>
        %add3A_1526 = arith.constant 40 : i32
        %add3A_1527 = arith.addi %mul3A_637, %add3A_1526 : i32
        %lt3A_1528 = vector.broadcast %add3A_1527 : i32 to vector<16xi32>
        %lt3A_1529 = arith.cmpi slt, %get3A_1520, %lt3A_1528 : vector<16xi32>
        %and3A_1530 = arith.andi %ge3A_1525, %lt3A_1529 : vector<16xi1>
        %sub3A_1531 = vector.broadcast %mul3A_637 : i32 to vector<16xi32>
        %sub3A_1532 = arith.subi %get3A_1520, %sub3A_1531 : vector<16xi32>
        tpu.vector_store_idx %arg8[%broadcast_in_dim3A_5, %sub3A_1532, %add3A_1524], %broadcast_in_dim3A_1 masked %and3A_1530 : memref<1x40x1024xf32, #tpu.memory_space<vmem>>[vector<16xi32>, vector<16xi32>, vector<16xi32>], vector<16xf32>, vector<16xi1>
      }
      %scan3A_1511 = arith.constant 64 : i32
      %dma_start3A = arith.constant 0 : i32
      %dma_start3A_1512 = tpu.memref_slice %arg4[%select_n3A_632, %mul3A_637, %dma_start3A] : memref<26x1000x1024xf32, #tpu.memory_space<hbm>> -> memref<1x40x1024xf32, #tpu.memory_space<hbm>>
      %dma_start3A_1513 = arith.constant 0 : i32
      %dma_start3A_1514 = tpu.memref_slice %arg4[%select_n3A_632, %mul3A_637, %dma_start3A_1513] : memref<26x1000x1024xf32, #tpu.memory_space<hbm>> -> memref<1x40x1024xf32, #tpu.memory_space<hbm>>
      tpu.enqueue_dma source(%arg8 : memref<1x40x1024xf32, #tpu.memory_space<vmem>>) target(%dma_start3A_1514 : memref<1x40x1024xf32, #tpu.memory_space<hbm>>) target_semaphore(%arg10 : memref<!tpu.dma_semaphore, #tpu.memory_space<semaphore_mem>>)
    } else {
    }
    %add3A_643 = arith.constant 256 : i32
    %add3A_644 = arith.addi %add3A, %add3A_643 : i32
    %jit3A_645 = arith.constant 25 : i32
    %div3A_646 = arith.divsi %add3A_644, %jit3A_645 : i32
    %sign3A_647 = arith.constant 0 : i32
    %sign3A_648 = arith.cmpi sgt, %add3A_644, %sign3A_647 : i32
    %sign3A_649 = arith.extui %sign3A_648 : i1 to i32
    %sign3A_650 = arith.constant 0 : i32
    %sign3A_651 = arith.cmpi slt, %add3A_644, %sign3A_650 : i32
    %sign3A_652 = arith.extui %sign3A_651 : i1 to i32
    %sign3A_653 = arith.subi %sign3A_649, %sign3A_652 : i32
    %sign3A_654 = arith.constant 0 : i32
    %sign3A_655 = arith.cmpi sgt, %jit3A_645, %sign3A_654 : i32
    %sign3A_656 = arith.extui %sign3A_655 : i1 to i32
    %sign3A_657 = arith.constant 0 : i32
    %sign3A_658 = arith.cmpi slt, %jit3A_645, %sign3A_657 : i32
    %sign3A_659 = arith.extui %sign3A_658 : i1 to i32
    %sign3A_660 = arith.subi %sign3A_656, %sign3A_659 : i32
    %ne3A_661 = arith.cmpi ne, %sign3A_653, %sign3A_660 : i32
    %rem3A_662 = arith.remsi %add3A_644, %jit3A_645 : i32
    %ne3A_663 = arith.constant 0 : i32
    %ne3A_664 = arith.cmpi ne, %rem3A_662, %ne3A_663 : i32
    %and3A_665 = arith.andi %ne3A_661, %ne3A_664 : i1
    %sub3A_666 = arith.constant 1 : i32
    %sub3A_667 = arith.subi %div3A_646, %sub3A_666 : i32
    %select_n3A_668 = arith.select %and3A_665, %sub3A_667, %div3A_646 : i32
    %mul3A_669 = arith.constant 25 : i32
    %mul3A_670 = arith.muli %select_n3A_668, %mul3A_669 : i32
    %sub3A_671 = arith.subi %add3A_644, %mul3A_670 : i32
    %mul3A_672 = arith.constant 40 : i32
    %mul3A_673 = arith.muli %sub3A_671, %mul3A_672 : i32
    %lt3A_674 = arith.constant 650 : i32
    %lt3A_675 = arith.cmpi slt, %add3A_644, %lt3A_674 : i32
    %convert_element_type3A_676 = arith.extui %lt3A_675 : i1 to i32
    %cond3A_677 = arith.constant 0 : i32
    %cond3A_678 = arith.cmpi ne, %convert_element_type3A_676, %cond3A_677 : i32
    scf.if %cond3A_678 {
      %dma_wait3A = arith.constant 0 : i32
      %dma_wait3A_1507 = arith.constant 0 : i32
      %dma_wait3A_1508 = arith.constant 0 : i32
      %dma_wait3A_1509 = tpu.memref_slice %arg4[%dma_wait3A, %dma_wait3A_1507, %dma_wait3A_1508] : memref<26x1000x1024xf32, #tpu.memory_space<hbm>> -> memref<1x40x1024xf32, #tpu.memory_space<hbm>>
      %dma_wait3A_1510 = arith.constant 0 : i32
      %dma_wait3A_1511 = arith.constant 0 : i32
      %dma_wait3A_1512 = arith.constant 0 : i32
      %dma_wait3A_1513 = tpu.memref_slice %arg4[%dma_wait3A_1510, %dma_wait3A_1511, %dma_wait3A_1512] : memref<26x1000x1024xf32, #tpu.memory_space<hbm>> -> memref<1x40x1024xf32, #tpu.memory_space<hbm>>
      tpu.wait_dma2 semaphore(%arg9 : memref<!tpu.dma_semaphore, #tpu.memory_space<semaphore_mem>>) src(%arg7 : memref<1x40x1024xf32, #tpu.memory_space<vmem>>) dst(%dma_wait3A_1513 : memref<1x40x1024xf32, #tpu.memory_space<hbm>>)
      "tpu.region"() ({
        %run_scoped3A = tpu.sem_alloc : memref<!tpu.dma_semaphore, #tpu.memory_space<semaphore_mem>>
        %dma_start3A = arith.constant 0 : i32
        %dma_start3A_1519 = tpu.memref_slice %arg2[%select_n3A_668, %dma_start3A] : memref<26x1024xi32, #tpu.memory_space<hbm>> -> memref<1x1024xi32, #tpu.memory_space<hbm>>
        %dma_start3A_1520 = arith.constant 0 : i32
        %dma_start3A_1521 = tpu.memref_slice %arg2[%select_n3A_668, %dma_start3A_1520] : memref<26x1024xi32, #tpu.memory_space<hbm>> -> memref<1x1024xi32, #tpu.memory_space<hbm>>
        tpu.enqueue_dma source(%dma_start3A_1521 : memref<1x1024xi32, #tpu.memory_space<hbm>>) target(%arg6 : memref<1x1024xi32, #tpu.memory_space<vmem>>) target_semaphore(%run_scoped3A : memref<!tpu.dma_semaphore, #tpu.memory_space<semaphore_mem>>)
        %dma_wait3A_1522 = arith.constant 0 : i32
        %dma_wait3A_1523 = tpu.memref_slice %arg2[%select_n3A_668, %dma_wait3A_1522] : memref<26x1024xi32, #tpu.memory_space<hbm>> -> memref<1x1024xi32, #tpu.memory_space<hbm>>
        %dma_wait3A_1524 = arith.constant 0 : i32
        %dma_wait3A_1525 = tpu.memref_slice %arg2[%select_n3A_668, %dma_wait3A_1524] : memref<26x1024xi32, #tpu.memory_space<hbm>> -> memref<1x1024xi32, #tpu.memory_space<hbm>>
        tpu.wait_dma2 semaphore(%run_scoped3A : memref<!tpu.dma_semaphore, #tpu.memory_space<semaphore_mem>>) src(%dma_wait3A_1525 : memref<1x1024xi32, #tpu.memory_space<hbm>>) dst(%arg6 : memref<1x1024xi32, #tpu.memory_space<vmem>>)
        tpu.yield
      }) : () -> ()
      %scan3A = arith.constant 0 : i32
      %scan3A_1514 = arith.constant 0 : i32
      %scan3A_1515 = arith.constant 64 : i32
      %scan3A_1516 = arith.addi %scan3A_1514, %scan3A_1515 : i32
      %scan3A_1517 = arith.constant 1 : i32
      scf.for %scan3A_1519 = %scan3A_1514 to %scan3A_1516 step %scan3A_1517  : i32 {
        %mul3A_1520 = arith.constant 16 : i32
        %mul3A_1521 = arith.muli %mul3A_1520, %scan3A_1519 : i32
        %get3A = arith.constant 0 : i32
        %get3A_1522 = arith.index_cast %get3A : i32 to index
        %get3A_1523 = arith.index_cast %mul3A_1521 : i32 to index
        %get3A_1524 = tpu.vector_load %arg6[%get3A_1522, %get3A_1523] {strides = array<i32>} : memref<1x1024xi32, #tpu.memory_space<vmem>>, vector<16xi32>,
        %mul3A_1525 = arith.constant 16 : i32
        %mul3A_1526 = arith.muli %mul3A_1525, %scan3A_1519 : i32
        %add3A_1527 = vector.broadcast %mul3A_1526 : i32 to vector<16xi32>
        %add3A_1528 = arith.addi %iota3A, %add3A_1527 : vector<16xi32>
        %ge3A = vector.broadcast %mul3A_673 : i32 to vector<16xi32>
        %ge3A_1529 = arith.cmpi sge, %get3A_1524, %ge3A : vector<16xi32>
        %add3A_1530 = arith.constant 40 : i32
        %add3A_1531 = arith.addi %mul3A_673, %add3A_1530 : i32
        %lt3A_1532 = vector.broadcast %add3A_1531 : i32 to vector<16xi32>
        %lt3A_1533 = arith.cmpi slt, %get3A_1524, %lt3A_1532 : vector<16xi32>
        %and3A_1534 = arith.andi %ge3A_1529, %lt3A_1533 : vector<16xi1>
        %sub3A_1535 = vector.broadcast %mul3A_673 : i32 to vector<16xi32>
        %sub3A_1536 = arith.subi %get3A_1524, %sub3A_1535 : vector<16xi32>
        tpu.vector_store_idx %arg7[%broadcast_in_dim3A_5, %sub3A_1536, %add3A_1528], %broadcast_in_dim3A_3 masked %and3A_1534 : memref<1x40x1024xf32, #tpu.memory_space<vmem>>[vector<16xi32>, vector<16xi32>, vector<16xi32>], vector<16xf32>, vector<16xi1>
      }
      %scan3A_1518 = arith.constant 64 : i32
    } else {
    }
    %add3A_679 = arith.constant 320 : i32
    %add3A_680 = arith.addi %add3A, %add3A_679 : i32
    %jit3A_681 = arith.constant 25 : i32
    %div3A_682 = arith.divsi %add3A_680, %jit3A_681 : i32
    %sign3A_683 = arith.constant 0 : i32
    %sign3A_684 = arith.cmpi sgt, %add3A_680, %sign3A_683 : i32
    %sign3A_685 = arith.extui %sign3A_684 : i1 to i32
    %sign3A_686 = arith.constant 0 : i32
    %sign3A_687 = arith.cmpi slt, %add3A_680, %sign3A_686 : i32
    %sign3A_688 = arith.extui %sign3A_687 : i1 to i32
    %sign3A_689 = arith.subi %sign3A_685, %sign3A_688 : i32
    %sign3A_690 = arith.constant 0 : i32
    %sign3A_691 = arith.cmpi sgt, %jit3A_681, %sign3A_690 : i32
    %sign3A_692 = arith.extui %sign3A_691 : i1 to i32
    %sign3A_693 = arith.constant 0 : i32
    %sign3A_694 = arith.cmpi slt, %jit3A_681, %sign3A_693 : i32
    %sign3A_695 = arith.extui %sign3A_694 : i1 to i32
    %sign3A_696 = arith.subi %sign3A_692, %sign3A_695 : i32
    %ne3A_697 = arith.cmpi ne, %sign3A_689, %sign3A_696 : i32
    %rem3A_698 = arith.remsi %add3A_680, %jit3A_681 : i32
    %ne3A_699 = arith.constant 0 : i32
    %ne3A_700 = arith.cmpi ne, %rem3A_698, %ne3A_699 : i32
    %and3A_701 = arith.andi %ne3A_697, %ne3A_700 : i1
    %sub3A_702 = arith.constant 1 : i32
    %sub3A_703 = arith.subi %div3A_682, %sub3A_702 : i32
    %select_n3A_704 = arith.select %and3A_701, %sub3A_703, %div3A_682 : i32
    %mul3A_705 = arith.constant 25 : i32
    %mul3A_706 = arith.muli %select_n3A_704, %mul3A_705 : i32
    %sub3A_707 = arith.subi %add3A_680, %mul3A_706 : i32
    %mul3A_708 = arith.constant 40 : i32
    %mul3A_709 = arith.muli %sub3A_707, %mul3A_708 : i32
    %lt3A_710 = arith.constant 650 : i32
    %lt3A_711 = arith.cmpi slt, %add3A_680, %lt3A_710 : i32
    %convert_element_type3A_712 = arith.extui %lt3A_711 : i1 to i32
    %cond3A_713 = arith.constant 0 : i32
    %cond3A_714 = arith.cmpi ne, %convert_element_type3A_712, %cond3A_713 : i32
    scf.if %cond3A_714 {
      "tpu.region"() ({
        %run_scoped3A = tpu.sem_alloc : memref<!tpu.dma_semaphore, #tpu.memory_space<semaphore_mem>>
        %dma_start3A_1515 = arith.constant 0 : i32
        %dma_start3A_1516 = tpu.memref_slice %arg2[%select_n3A_704, %dma_start3A_1515] : memref<26x1024xi32, #tpu.memory_space<hbm>> -> memref<1x1024xi32, #tpu.memory_space<hbm>>
        %dma_start3A_1517 = arith.constant 0 : i32
        %dma_start3A_1518 = tpu.memref_slice %arg2[%select_n3A_704, %dma_start3A_1517] : memref<26x1024xi32, #tpu.memory_space<hbm>> -> memref<1x1024xi32, #tpu.memory_space<hbm>>
        tpu.enqueue_dma source(%dma_start3A_1518 : memref<1x1024xi32, #tpu.memory_space<hbm>>) target(%arg5 : memref<1x1024xi32, #tpu.memory_space<vmem>>) target_semaphore(%run_scoped3A : memref<!tpu.dma_semaphore, #tpu.memory_space<semaphore_mem>>)
        %dma_wait3A = arith.constant 0 : i32
        %dma_wait3A_1519 = tpu.memref_slice %arg2[%select_n3A_704, %dma_wait3A] : memref<26x1024xi32, #tpu.memory_space<hbm>> -> memref<1x1024xi32, #tpu.memory_space<hbm>>
        %dma_wait3A_1520 = arith.constant 0 : i32
        %dma_wait3A_1521 = tpu.memref_slice %arg2[%select_n3A_704, %dma_wait3A_1520] : memref<26x1024xi32, #tpu.memory_space<hbm>> -> memref<1x1024xi32, #tpu.memory_space<hbm>>
        tpu.wait_dma2 semaphore(%run_scoped3A : memref<!tpu.dma_semaphore, #tpu.memory_space<semaphore_mem>>) src(%dma_wait3A_1521 : memref<1x1024xi32, #tpu.memory_space<hbm>>) dst(%arg5 : memref<1x1024xi32, #tpu.memory_space<vmem>>)
        tpu.yield
      }) : () -> ()
      %scan3A = arith.constant 0 : i32
      %scan3A_1507 = arith.constant 0 : i32
      %scan3A_1508 = arith.constant 64 : i32
      %scan3A_1509 = arith.addi %scan3A_1507, %scan3A_1508 : i32
      %scan3A_1510 = arith.constant 1 : i32
      scf.for %scan3A_1515 = %scan3A_1507 to %scan3A_1509 step %scan3A_1510  : i32 {
        %mul3A_1516 = arith.constant 16 : i32
        %mul3A_1517 = arith.muli %mul3A_1516, %scan3A_1515 : i32
        %get3A = arith.constant 0 : i32
        %get3A_1518 = arith.index_cast %get3A : i32 to index
        %get3A_1519 = arith.index_cast %mul3A_1517 : i32 to index
        %get3A_1520 = tpu.vector_load %arg5[%get3A_1518, %get3A_1519] {strides = array<i32>} : memref<1x1024xi32, #tpu.memory_space<vmem>>, vector<16xi32>,
        %mul3A_1521 = arith.constant 16 : i32
        %mul3A_1522 = arith.muli %mul3A_1521, %scan3A_1515 : i32
        %add3A_1523 = vector.broadcast %mul3A_1522 : i32 to vector<16xi32>
        %add3A_1524 = arith.addi %iota3A, %add3A_1523 : vector<16xi32>
        %ge3A = vector.broadcast %mul3A_709 : i32 to vector<16xi32>
        %ge3A_1525 = arith.cmpi sge, %get3A_1520, %ge3A : vector<16xi32>
        %add3A_1526 = arith.constant 40 : i32
        %add3A_1527 = arith.addi %mul3A_709, %add3A_1526 : i32
        %lt3A_1528 = vector.broadcast %add3A_1527 : i32 to vector<16xi32>
        %lt3A_1529 = arith.cmpi slt, %get3A_1520, %lt3A_1528 : vector<16xi32>
        %and3A_1530 = arith.andi %ge3A_1525, %lt3A_1529 : vector<16xi1>
        %sub3A_1531 = vector.broadcast %mul3A_709 : i32 to vector<16xi32>
        %sub3A_1532 = arith.subi %get3A_1520, %sub3A_1531 : vector<16xi32>
        tpu.vector_store_idx %arg7[%broadcast_in_dim3A_5, %sub3A_1532, %add3A_1524], %broadcast_in_dim3A_1 masked %and3A_1530 : memref<1x40x1024xf32, #tpu.memory_space<vmem>>[vector<16xi32>, vector<16xi32>, vector<16xi32>], vector<16xf32>, vector<16xi1>
      }
      %scan3A_1511 = arith.constant 64 : i32
      %dma_start3A = arith.constant 0 : i32
      %dma_start3A_1512 = tpu.memref_slice %arg4[%select_n3A_704, %mul3A_709, %dma_start3A] : memref<26x1000x1024xf32, #tpu.memory_space<hbm>> -> memref<1x40x1024xf32, #tpu.memory_space<hbm>>
      %dma_start3A_1513 = arith.constant 0 : i32
      %dma_start3A_1514 = tpu.memref_slice %arg4[%select_n3A_704, %mul3A_709, %dma_start3A_1513] : memref<26x1000x1024xf32, #tpu.memory_space<hbm>> -> memref<1x40x1024xf32, #tpu.memory_space<hbm>>
      tpu.enqueue_dma source(%arg7 : memref<1x40x1024xf32, #tpu.memory_space<vmem>>) target(%dma_start3A_1514 : memref<1x40x1024xf32, #tpu.memory_space<hbm>>) target_semaphore(%arg9 : memref<!tpu.dma_semaphore, #tpu.memory_space<semaphore_mem>>)
    } else {
    }
    %add3A_715 = arith.constant 288 : i32
    %add3A_716 = arith.addi %add3A, %add3A_715 : i32
    %jit3A_717 = arith.constant 25 : i32
    %div3A_718 = arith.divsi %add3A_716, %jit3A_717 : i32
    %sign3A_719 = arith.constant 0 : i32
    %sign3A_720 = arith.cmpi sgt, %add3A_716, %sign3A_719 : i32
    %sign3A_721 = arith.extui %sign3A_720 : i1 to i32
    %sign3A_722 = arith.constant 0 : i32
    %sign3A_723 = arith.cmpi slt, %add3A_716, %sign3A_722 : i32
    %sign3A_724 = arith.extui %sign3A_723 : i1 to i32
    %sign3A_725 = arith.subi %sign3A_721, %sign3A_724 : i32
    %sign3A_726 = arith.constant 0 : i32
    %sign3A_727 = arith.cmpi sgt, %jit3A_717, %sign3A_726 : i32
    %sign3A_728 = arith.extui %sign3A_727 : i1 to i32
    %sign3A_729 = arith.constant 0 : i32
    %sign3A_730 = arith.cmpi slt, %jit3A_717, %sign3A_729 : i32
    %sign3A_731 = arith.extui %sign3A_730 : i1 to i32
    %sign3A_732 = arith.subi %sign3A_728, %sign3A_731 : i32
    %ne3A_733 = arith.cmpi ne, %sign3A_725, %sign3A_732 : i32
    %rem3A_734 = arith.remsi %add3A_716, %jit3A_717 : i32
    %ne3A_735 = arith.constant 0 : i32
    %ne3A_736 = arith.cmpi ne, %rem3A_734, %ne3A_735 : i32
    %and3A_737 = arith.andi %ne3A_733, %ne3A_736 : i1
    %sub3A_738 = arith.constant 1 : i32
    %sub3A_739 = arith.subi %div3A_718, %sub3A_738 : i32
    %select_n3A_740 = arith.select %and3A_737, %sub3A_739, %div3A_718 : i32
    %mul3A_741 = arith.constant 25 : i32
    %mul3A_742 = arith.muli %select_n3A_740, %mul3A_741 : i32
    %sub3A_743 = arith.subi %add3A_716, %mul3A_742 : i32
    %mul3A_744 = arith.constant 40 : i32
    %mul3A_745 = arith.muli %sub3A_743, %mul3A_744 : i32
    %lt3A_746 = arith.constant 650 : i32
    %lt3A_747 = arith.cmpi slt, %add3A_716, %lt3A_746 : i32
    %convert_element_type3A_748 = arith.extui %lt3A_747 : i1 to i32
    %cond3A_749 = arith.constant 0 : i32
    %cond3A_750 = arith.cmpi ne, %convert_element_type3A_748, %cond3A_749 : i32
    scf.if %cond3A_750 {
      %dma_wait3A = arith.constant 0 : i32
      %dma_wait3A_1507 = arith.constant 0 : i32
      %dma_wait3A_1508 = arith.constant 0 : i32
      %dma_wait3A_1509 = tpu.memref_slice %arg4[%dma_wait3A, %dma_wait3A_1507, %dma_wait3A_1508] : memref<26x1000x1024xf32, #tpu.memory_space<hbm>> -> memref<1x40x1024xf32, #tpu.memory_space<hbm>>
      %dma_wait3A_1510 = arith.constant 0 : i32
      %dma_wait3A_1511 = arith.constant 0 : i32
      %dma_wait3A_1512 = arith.constant 0 : i32
      %dma_wait3A_1513 = tpu.memref_slice %arg4[%dma_wait3A_1510, %dma_wait3A_1511, %dma_wait3A_1512] : memref<26x1000x1024xf32, #tpu.memory_space<hbm>> -> memref<1x40x1024xf32, #tpu.memory_space<hbm>>
      tpu.wait_dma2 semaphore(%arg10 : memref<!tpu.dma_semaphore, #tpu.memory_space<semaphore_mem>>) src(%arg8 : memref<1x40x1024xf32, #tpu.memory_space<vmem>>) dst(%dma_wait3A_1513 : memref<1x40x1024xf32, #tpu.memory_space<hbm>>)
      "tpu.region"() ({
        %run_scoped3A = tpu.sem_alloc : memref<!tpu.dma_semaphore, #tpu.memory_space<semaphore_mem>>
        %dma_start3A = arith.constant 0 : i32
        %dma_start3A_1519 = tpu.memref_slice %arg2[%select_n3A_740, %dma_start3A] : memref<26x1024xi32, #tpu.memory_space<hbm>> -> memref<1x1024xi32, #tpu.memory_space<hbm>>
        %dma_start3A_1520 = arith.constant 0 : i32
        %dma_start3A_1521 = tpu.memref_slice %arg2[%select_n3A_740, %dma_start3A_1520] : memref<26x1024xi32, #tpu.memory_space<hbm>> -> memref<1x1024xi32, #tpu.memory_space<hbm>>
        tpu.enqueue_dma source(%dma_start3A_1521 : memref<1x1024xi32, #tpu.memory_space<hbm>>) target(%arg6 : memref<1x1024xi32, #tpu.memory_space<vmem>>) target_semaphore(%run_scoped3A : memref<!tpu.dma_semaphore, #tpu.memory_space<semaphore_mem>>)
        %dma_wait3A_1522 = arith.constant 0 : i32
        %dma_wait3A_1523 = tpu.memref_slice %arg2[%select_n3A_740, %dma_wait3A_1522] : memref<26x1024xi32, #tpu.memory_space<hbm>> -> memref<1x1024xi32, #tpu.memory_space<hbm>>
        %dma_wait3A_1524 = arith.constant 0 : i32
        %dma_wait3A_1525 = tpu.memref_slice %arg2[%select_n3A_740, %dma_wait3A_1524] : memref<26x1024xi32, #tpu.memory_space<hbm>> -> memref<1x1024xi32, #tpu.memory_space<hbm>>
        tpu.wait_dma2 semaphore(%run_scoped3A : memref<!tpu.dma_semaphore, #tpu.memory_space<semaphore_mem>>) src(%dma_wait3A_1525 : memref<1x1024xi32, #tpu.memory_space<hbm>>) dst(%arg6 : memref<1x1024xi32, #tpu.memory_space<vmem>>)
        tpu.yield
      }) : () -> ()
      %scan3A = arith.constant 0 : i32
      %scan3A_1514 = arith.constant 0 : i32
      %scan3A_1515 = arith.constant 64 : i32
      %scan3A_1516 = arith.addi %scan3A_1514, %scan3A_1515 : i32
      %scan3A_1517 = arith.constant 1 : i32
      scf.for %scan3A_1519 = %scan3A_1514 to %scan3A_1516 step %scan3A_1517  : i32 {
        %mul3A_1520 = arith.constant 16 : i32
        %mul3A_1521 = arith.muli %mul3A_1520, %scan3A_1519 : i32
        %get3A = arith.constant 0 : i32
        %get3A_1522 = arith.index_cast %get3A : i32 to index
        %get3A_1523 = arith.index_cast %mul3A_1521 : i32 to index
        %get3A_1524 = tpu.vector_load %arg6[%get3A_1522, %get3A_1523] {strides = array<i32>} : memref<1x1024xi32, #tpu.memory_space<vmem>>, vector<16xi32>,
        %mul3A_1525 = arith.constant 16 : i32
        %mul3A_1526 = arith.muli %mul3A_1525, %scan3A_1519 : i32
        %add3A_1527 = vector.broadcast %mul3A_1526 : i32 to vector<16xi32>
        %add3A_1528 = arith.addi %iota3A, %add3A_1527 : vector<16xi32>
        %ge3A = vector.broadcast %mul3A_745 : i32 to vector<16xi32>
        %ge3A_1529 = arith.cmpi sge, %get3A_1524, %ge3A : vector<16xi32>
        %add3A_1530 = arith.constant 40 : i32
        %add3A_1531 = arith.addi %mul3A_745, %add3A_1530 : i32
        %lt3A_1532 = vector.broadcast %add3A_1531 : i32 to vector<16xi32>
        %lt3A_1533 = arith.cmpi slt, %get3A_1524, %lt3A_1532 : vector<16xi32>
        %and3A_1534 = arith.andi %ge3A_1529, %lt3A_1533 : vector<16xi1>
        %sub3A_1535 = vector.broadcast %mul3A_745 : i32 to vector<16xi32>
        %sub3A_1536 = arith.subi %get3A_1524, %sub3A_1535 : vector<16xi32>
        tpu.vector_store_idx %arg8[%broadcast_in_dim3A_5, %sub3A_1536, %add3A_1528], %broadcast_in_dim3A_3 masked %and3A_1534 : memref<1x40x1024xf32, #tpu.memory_space<vmem>>[vector<16xi32>, vector<16xi32>, vector<16xi32>], vector<16xf32>, vector<16xi1>
      }
      %scan3A_1518 = arith.constant 64 : i32
    } else {
    }
    %add3A_751 = arith.constant 352 : i32
    %add3A_752 = arith.addi %add3A, %add3A_751 : i32
    %jit3A_753 = arith.constant 25 : i32
    %div3A_754 = arith.divsi %add3A_752, %jit3A_753 : i32
    %sign3A_755 = arith.constant 0 : i32
    %sign3A_756 = arith.cmpi sgt, %add3A_752, %sign3A_755 : i32
    %sign3A_757 = arith.extui %sign3A_756 : i1 to i32
    %sign3A_758 = arith.constant 0 : i32
    %sign3A_759 = arith.cmpi slt, %add3A_752, %sign3A_758 : i32
    %sign3A_760 = arith.extui %sign3A_759 : i1 to i32
    %sign3A_761 = arith.subi %sign3A_757, %sign3A_760 : i32
    %sign3A_762 = arith.constant 0 : i32
    %sign3A_763 = arith.cmpi sgt, %jit3A_753, %sign3A_762 : i32
    %sign3A_764 = arith.extui %sign3A_763 : i1 to i32
    %sign3A_765 = arith.constant 0 : i32
    %sign3A_766 = arith.cmpi slt, %jit3A_753, %sign3A_765 : i32
    %sign3A_767 = arith.extui %sign3A_766 : i1 to i32
    %sign3A_768 = arith.subi %sign3A_764, %sign3A_767 : i32
    %ne3A_769 = arith.cmpi ne, %sign3A_761, %sign3A_768 : i32
    %rem3A_770 = arith.remsi %add3A_752, %jit3A_753 : i32
    %ne3A_771 = arith.constant 0 : i32
    %ne3A_772 = arith.cmpi ne, %rem3A_770, %ne3A_771 : i32
    %and3A_773 = arith.andi %ne3A_769, %ne3A_772 : i1
    %sub3A_774 = arith.constant 1 : i32
    %sub3A_775 = arith.subi %div3A_754, %sub3A_774 : i32
    %select_n3A_776 = arith.select %and3A_773, %sub3A_775, %div3A_754 : i32
    %mul3A_777 = arith.constant 25 : i32
    %mul3A_778 = arith.muli %select_n3A_776, %mul3A_777 : i32
    %sub3A_779 = arith.subi %add3A_752, %mul3A_778 : i32
    %mul3A_780 = arith.constant 40 : i32
    %mul3A_781 = arith.muli %sub3A_779, %mul3A_780 : i32
    %lt3A_782 = arith.constant 650 : i32
    %lt3A_783 = arith.cmpi slt, %add3A_752, %lt3A_782 : i32
    %convert_element_type3A_784 = arith.extui %lt3A_783 : i1 to i32
    %cond3A_785 = arith.constant 0 : i32
    %cond3A_786 = arith.cmpi ne, %convert_element_type3A_784, %cond3A_785 : i32
    scf.if %cond3A_786 {
      "tpu.region"() ({
        %run_scoped3A = tpu.sem_alloc : memref<!tpu.dma_semaphore, #tpu.memory_space<semaphore_mem>>
        %dma_start3A_1515 = arith.constant 0 : i32
        %dma_start3A_1516 = tpu.memref_slice %arg2[%select_n3A_776, %dma_start3A_1515] : memref<26x1024xi32, #tpu.memory_space<hbm>> -> memref<1x1024xi32, #tpu.memory_space<hbm>>
        %dma_start3A_1517 = arith.constant 0 : i32
        %dma_start3A_1518 = tpu.memref_slice %arg2[%select_n3A_776, %dma_start3A_1517] : memref<26x1024xi32, #tpu.memory_space<hbm>> -> memref<1x1024xi32, #tpu.memory_space<hbm>>
        tpu.enqueue_dma source(%dma_start3A_1518 : memref<1x1024xi32, #tpu.memory_space<hbm>>) target(%arg5 : memref<1x1024xi32, #tpu.memory_space<vmem>>) target_semaphore(%run_scoped3A : memref<!tpu.dma_semaphore, #tpu.memory_space<semaphore_mem>>)
        %dma_wait3A = arith.constant 0 : i32
        %dma_wait3A_1519 = tpu.memref_slice %arg2[%select_n3A_776, %dma_wait3A] : memref<26x1024xi32, #tpu.memory_space<hbm>> -> memref<1x1024xi32, #tpu.memory_space<hbm>>
        %dma_wait3A_1520 = arith.constant 0 : i32
        %dma_wait3A_1521 = tpu.memref_slice %arg2[%select_n3A_776, %dma_wait3A_1520] : memref<26x1024xi32, #tpu.memory_space<hbm>> -> memref<1x1024xi32, #tpu.memory_space<hbm>>
        tpu.wait_dma2 semaphore(%run_scoped3A : memref<!tpu.dma_semaphore, #tpu.memory_space<semaphore_mem>>) src(%dma_wait3A_1521 : memref<1x1024xi32, #tpu.memory_space<hbm>>) dst(%arg5 : memref<1x1024xi32, #tpu.memory_space<vmem>>)
        tpu.yield
      }) : () -> ()
      %scan3A = arith.constant 0 : i32
      %scan3A_1507 = arith.constant 0 : i32
      %scan3A_1508 = arith.constant 64 : i32
      %scan3A_1509 = arith.addi %scan3A_1507, %scan3A_1508 : i32
      %scan3A_1510 = arith.constant 1 : i32
      scf.for %scan3A_1515 = %scan3A_1507 to %scan3A_1509 step %scan3A_1510  : i32 {
        %mul3A_1516 = arith.constant 16 : i32
        %mul3A_1517 = arith.muli %mul3A_1516, %scan3A_1515 : i32
        %get3A = arith.constant 0 : i32
        %get3A_1518 = arith.index_cast %get3A : i32 to index
        %get3A_1519 = arith.index_cast %mul3A_1517 : i32 to index
        %get3A_1520 = tpu.vector_load %arg5[%get3A_1518, %get3A_1519] {strides = array<i32>} : memref<1x1024xi32, #tpu.memory_space<vmem>>, vector<16xi32>,
        %mul3A_1521 = arith.constant 16 : i32
        %mul3A_1522 = arith.muli %mul3A_1521, %scan3A_1515 : i32
        %add3A_1523 = vector.broadcast %mul3A_1522 : i32 to vector<16xi32>
        %add3A_1524 = arith.addi %iota3A, %add3A_1523 : vector<16xi32>
        %ge3A = vector.broadcast %mul3A_781 : i32 to vector<16xi32>
        %ge3A_1525 = arith.cmpi sge, %get3A_1520, %ge3A : vector<16xi32>
        %add3A_1526 = arith.constant 40 : i32
        %add3A_1527 = arith.addi %mul3A_781, %add3A_1526 : i32
        %lt3A_1528 = vector.broadcast %add3A_1527 : i32 to vector<16xi32>
        %lt3A_1529 = arith.cmpi slt, %get3A_1520, %lt3A_1528 : vector<16xi32>
        %and3A_1530 = arith.andi %ge3A_1525, %lt3A_1529 : vector<16xi1>
        %sub3A_1531 = vector.broadcast %mul3A_781 : i32 to vector<16xi32>
        %sub3A_1532 = arith.subi %get3A_1520, %sub3A_1531 : vector<16xi32>
        tpu.vector_store_idx %arg8[%broadcast_in_dim3A_5, %sub3A_1532, %add3A_1524], %broadcast_in_dim3A_1 masked %and3A_1530 : memref<1x40x1024xf32, #tpu.memory_space<vmem>>[vector<16xi32>, vector<16xi32>, vector<16xi32>], vector<16xf32>, vector<16xi1>
      }
      %scan3A_1511 = arith.constant 64 : i32
      %dma_start3A = arith.constant 0 : i32
      %dma_start3A_1512 = tpu.memref_slice %arg4[%select_n3A_776, %mul3A_781, %dma_start3A] : memref<26x1000x1024xf32, #tpu.memory_space<hbm>> -> memref<1x40x1024xf32, #tpu.memory_space<hbm>>
      %dma_start3A_1513 = arith.constant 0 : i32
      %dma_start3A_1514 = tpu.memref_slice %arg4[%select_n3A_776, %mul3A_781, %dma_start3A_1513] : memref<26x1000x1024xf32, #tpu.memory_space<hbm>> -> memref<1x40x1024xf32, #tpu.memory_space<hbm>>
      tpu.enqueue_dma source(%arg8 : memref<1x40x1024xf32, #tpu.memory_space<vmem>>) target(%dma_start3A_1514 : memref<1x40x1024xf32, #tpu.memory_space<hbm>>) target_semaphore(%arg10 : memref<!tpu.dma_semaphore, #tpu.memory_space<semaphore_mem>>)
    } else {
    }
    %add3A_787 = arith.constant 320 : i32
    %add3A_788 = arith.addi %add3A, %add3A_787 : i32
    %jit3A_789 = arith.constant 25 : i32
    %div3A_790 = arith.divsi %add3A_788, %jit3A_789 : i32
    %sign3A_791 = arith.constant 0 : i32
    %sign3A_792 = arith.cmpi sgt, %add3A_788, %sign3A_791 : i32
    %sign3A_793 = arith.extui %sign3A_792 : i1 to i32
    %sign3A_794 = arith.constant 0 : i32
    %sign3A_795 = arith.cmpi slt, %add3A_788, %sign3A_794 : i32
    %sign3A_796 = arith.extui %sign3A_795 : i1 to i32
    %sign3A_797 = arith.subi %sign3A_793, %sign3A_796 : i32
    %sign3A_798 = arith.constant 0 : i32
    %sign3A_799 = arith.cmpi sgt, %jit3A_789, %sign3A_798 : i32
    %sign3A_800 = arith.extui %sign3A_799 : i1 to i32
    %sign3A_801 = arith.constant 0 : i32
    %sign3A_802 = arith.cmpi slt, %jit3A_789, %sign3A_801 : i32
    %sign3A_803 = arith.extui %sign3A_802 : i1 to i32
    %sign3A_804 = arith.subi %sign3A_800, %sign3A_803 : i32
    %ne3A_805 = arith.cmpi ne, %sign3A_797, %sign3A_804 : i32
    %rem3A_806 = arith.remsi %add3A_788, %jit3A_789 : i32
    %ne3A_807 = arith.constant 0 : i32
    %ne3A_808 = arith.cmpi ne, %rem3A_806, %ne3A_807 : i32
    %and3A_809 = arith.andi %ne3A_805, %ne3A_808 : i1
    %sub3A_810 = arith.constant 1 : i32
    %sub3A_811 = arith.subi %div3A_790, %sub3A_810 : i32
    %select_n3A_812 = arith.select %and3A_809, %sub3A_811, %div3A_790 : i32
    %mul3A_813 = arith.constant 25 : i32
    %mul3A_814 = arith.muli %select_n3A_812, %mul3A_813 : i32
    %sub3A_815 = arith.subi %add3A_788, %mul3A_814 : i32
    %mul3A_816 = arith.constant 40 : i32
    %mul3A_817 = arith.muli %sub3A_815, %mul3A_816 : i32
    %lt3A_818 = arith.constant 650 : i32
    %lt3A_819 = arith.cmpi slt, %add3A_788, %lt3A_818 : i32
    %convert_element_type3A_820 = arith.extui %lt3A_819 : i1 to i32
    %cond3A_821 = arith.constant 0 : i32
    %cond3A_822 = arith.cmpi ne, %convert_element_type3A_820, %cond3A_821 : i32
    scf.if %cond3A_822 {
      %dma_wait3A = arith.constant 0 : i32
      %dma_wait3A_1507 = arith.constant 0 : i32
      %dma_wait3A_1508 = arith.constant 0 : i32
      %dma_wait3A_1509 = tpu.memref_slice %arg4[%dma_wait3A, %dma_wait3A_1507, %dma_wait3A_1508] : memref<26x1000x1024xf32, #tpu.memory_space<hbm>> -> memref<1x40x1024xf32, #tpu.memory_space<hbm>>
      %dma_wait3A_1510 = arith.constant 0 : i32
      %dma_wait3A_1511 = arith.constant 0 : i32
      %dma_wait3A_1512 = arith.constant 0 : i32
      %dma_wait3A_1513 = tpu.memref_slice %arg4[%dma_wait3A_1510, %dma_wait3A_1511, %dma_wait3A_1512] : memref<26x1000x1024xf32, #tpu.memory_space<hbm>> -> memref<1x40x1024xf32, #tpu.memory_space<hbm>>
      tpu.wait_dma2 semaphore(%arg9 : memref<!tpu.dma_semaphore, #tpu.memory_space<semaphore_mem>>) src(%arg7 : memref<1x40x1024xf32, #tpu.memory_space<vmem>>) dst(%dma_wait3A_1513 : memref<1x40x1024xf32, #tpu.memory_space<hbm>>)
      "tpu.region"() ({
        %run_scoped3A = tpu.sem_alloc : memref<!tpu.dma_semaphore, #tpu.memory_space<semaphore_mem>>
        %dma_start3A = arith.constant 0 : i32
        %dma_start3A_1519 = tpu.memref_slice %arg2[%select_n3A_812, %dma_start3A] : memref<26x1024xi32, #tpu.memory_space<hbm>> -> memref<1x1024xi32, #tpu.memory_space<hbm>>
        %dma_start3A_1520 = arith.constant 0 : i32
        %dma_start3A_1521 = tpu.memref_slice %arg2[%select_n3A_812, %dma_start3A_1520] : memref<26x1024xi32, #tpu.memory_space<hbm>> -> memref<1x1024xi32, #tpu.memory_space<hbm>>
        tpu.enqueue_dma source(%dma_start3A_1521 : memref<1x1024xi32, #tpu.memory_space<hbm>>) target(%arg6 : memref<1x1024xi32, #tpu.memory_space<vmem>>) target_semaphore(%run_scoped3A : memref<!tpu.dma_semaphore, #tpu.memory_space<semaphore_mem>>)
        %dma_wait3A_1522 = arith.constant 0 : i32
        %dma_wait3A_1523 = tpu.memref_slice %arg2[%select_n3A_812, %dma_wait3A_1522] : memref<26x1024xi32, #tpu.memory_space<hbm>> -> memref<1x1024xi32, #tpu.memory_space<hbm>>
        %dma_wait3A_1524 = arith.constant 0 : i32
        %dma_wait3A_1525 = tpu.memref_slice %arg2[%select_n3A_812, %dma_wait3A_1524] : memref<26x1024xi32, #tpu.memory_space<hbm>> -> memref<1x1024xi32, #tpu.memory_space<hbm>>
        tpu.wait_dma2 semaphore(%run_scoped3A : memref<!tpu.dma_semaphore, #tpu.memory_space<semaphore_mem>>) src(%dma_wait3A_1525 : memref<1x1024xi32, #tpu.memory_space<hbm>>) dst(%arg6 : memref<1x1024xi32, #tpu.memory_space<vmem>>)
        tpu.yield
      }) : () -> ()
      %scan3A = arith.constant 0 : i32
      %scan3A_1514 = arith.constant 0 : i32
      %scan3A_1515 = arith.constant 64 : i32
      %scan3A_1516 = arith.addi %scan3A_1514, %scan3A_1515 : i32
      %scan3A_1517 = arith.constant 1 : i32
      scf.for %scan3A_1519 = %scan3A_1514 to %scan3A_1516 step %scan3A_1517  : i32 {
        %mul3A_1520 = arith.constant 16 : i32
        %mul3A_1521 = arith.muli %mul3A_1520, %scan3A_1519 : i32
        %get3A = arith.constant 0 : i32
        %get3A_1522 = arith.index_cast %get3A : i32 to index
        %get3A_1523 = arith.index_cast %mul3A_1521 : i32 to index
        %get3A_1524 = tpu.vector_load %arg6[%get3A_1522, %get3A_1523] {strides = array<i32>} : memref<1x1024xi32, #tpu.memory_space<vmem>>, vector<16xi32>,
        %mul3A_1525 = arith.constant 16 : i32
        %mul3A_1526 = arith.muli %mul3A_1525, %scan3A_1519 : i32
        %add3A_1527 = vector.broadcast %mul3A_1526 : i32 to vector<16xi32>
        %add3A_1528 = arith.addi %iota3A, %add3A_1527 : vector<16xi32>
        %ge3A = vector.broadcast %mul3A_817 : i32 to vector<16xi32>
        %ge3A_1529 = arith.cmpi sge, %get3A_1524, %ge3A : vector<16xi32>
        %add3A_1530 = arith.constant 40 : i32
        %add3A_1531 = arith.addi %mul3A_817, %add3A_1530 : i32
        %lt3A_1532 = vector.broadcast %add3A_1531 : i32 to vector<16xi32>
        %lt3A_1533 = arith.cmpi slt, %get3A_1524, %lt3A_1532 : vector<16xi32>
        %and3A_1534 = arith.andi %ge3A_1529, %lt3A_1533 : vector<16xi1>
        %sub3A_1535 = vector.broadcast %mul3A_817 : i32 to vector<16xi32>
        %sub3A_1536 = arith.subi %get3A_1524, %sub3A_1535 : vector<16xi32>
        tpu.vector_store_idx %arg7[%broadcast_in_dim3A_5, %sub3A_1536, %add3A_1528], %broadcast_in_dim3A_3 masked %and3A_1534 : memref<1x40x1024xf32, #tpu.memory_space<vmem>>[vector<16xi32>, vector<16xi32>, vector<16xi32>], vector<16xf32>, vector<16xi1>
      }
      %scan3A_1518 = arith.constant 64 : i32
    } else {
    }
    %add3A_823 = arith.constant 384 : i32
    %add3A_824 = arith.addi %add3A, %add3A_823 : i32
    %jit3A_825 = arith.constant 25 : i32
    %div3A_826 = arith.divsi %add3A_824, %jit3A_825 : i32
    %sign3A_827 = arith.constant 0 : i32
    %sign3A_828 = arith.cmpi sgt, %add3A_824, %sign3A_827 : i32
    %sign3A_829 = arith.extui %sign3A_828 : i1 to i32
    %sign3A_830 = arith.constant 0 : i32
    %sign3A_831 = arith.cmpi slt, %add3A_824, %sign3A_830 : i32
    %sign3A_832 = arith.extui %sign3A_831 : i1 to i32
    %sign3A_833 = arith.subi %sign3A_829, %sign3A_832 : i32
    %sign3A_834 = arith.constant 0 : i32
    %sign3A_835 = arith.cmpi sgt, %jit3A_825, %sign3A_834 : i32
    %sign3A_836 = arith.extui %sign3A_835 : i1 to i32
    %sign3A_837 = arith.constant 0 : i32
    %sign3A_838 = arith.cmpi slt, %jit3A_825, %sign3A_837 : i32
    %sign3A_839 = arith.extui %sign3A_838 : i1 to i32
    %sign3A_840 = arith.subi %sign3A_836, %sign3A_839 : i32
    %ne3A_841 = arith.cmpi ne, %sign3A_833, %sign3A_840 : i32
    %rem3A_842 = arith.remsi %add3A_824, %jit3A_825 : i32
    %ne3A_843 = arith.constant 0 : i32
    %ne3A_844 = arith.cmpi ne, %rem3A_842, %ne3A_843 : i32
    %and3A_845 = arith.andi %ne3A_841, %ne3A_844 : i1
    %sub3A_846 = arith.constant 1 : i32
    %sub3A_847 = arith.subi %div3A_826, %sub3A_846 : i32
    %select_n3A_848 = arith.select %and3A_845, %sub3A_847, %div3A_826 : i32
    %mul3A_849 = arith.constant 25 : i32
    %mul3A_850 = arith.muli %select_n3A_848, %mul3A_849 : i32
    %sub3A_851 = arith.subi %add3A_824, %mul3A_850 : i32
    %mul3A_852 = arith.constant 40 : i32
    %mul3A_853 = arith.muli %sub3A_851, %mul3A_852 : i32
    %lt3A_854 = arith.constant 650 : i32
    %lt3A_855 = arith.cmpi slt, %add3A_824, %lt3A_854 : i32
    %convert_element_type3A_856 = arith.extui %lt3A_855 : i1 to i32
    %cond3A_857 = arith.constant 0 : i32
    %cond3A_858 = arith.cmpi ne, %convert_element_type3A_856, %cond3A_857 : i32
    scf.if %cond3A_858 {
      "tpu.region"() ({
        %run_scoped3A = tpu.sem_alloc : memref<!tpu.dma_semaphore, #tpu.memory_space<semaphore_mem>>
        %dma_start3A_1515 = arith.constant 0 : i32
        %dma_start3A_1516 = tpu.memref_slice %arg2[%select_n3A_848, %dma_start3A_1515] : memref<26x1024xi32, #tpu.memory_space<hbm>> -> memref<1x1024xi32, #tpu.memory_space<hbm>>
        %dma_start3A_1517 = arith.constant 0 : i32
        %dma_start3A_1518 = tpu.memref_slice %arg2[%select_n3A_848, %dma_start3A_1517] : memref<26x1024xi32, #tpu.memory_space<hbm>> -> memref<1x1024xi32, #tpu.memory_space<hbm>>
        tpu.enqueue_dma source(%dma_start3A_1518 : memref<1x1024xi32, #tpu.memory_space<hbm>>) target(%arg5 : memref<1x1024xi32, #tpu.memory_space<vmem>>) target_semaphore(%run_scoped3A : memref<!tpu.dma_semaphore, #tpu.memory_space<semaphore_mem>>)
        %dma_wait3A = arith.constant 0 : i32
        %dma_wait3A_1519 = tpu.memref_slice %arg2[%select_n3A_848, %dma_wait3A] : memref<26x1024xi32, #tpu.memory_space<hbm>> -> memref<1x1024xi32, #tpu.memory_space<hbm>>
        %dma_wait3A_1520 = arith.constant 0 : i32
        %dma_wait3A_1521 = tpu.memref_slice %arg2[%select_n3A_848, %dma_wait3A_1520] : memref<26x1024xi32, #tpu.memory_space<hbm>> -> memref<1x1024xi32, #tpu.memory_space<hbm>>
        tpu.wait_dma2 semaphore(%run_scoped3A : memref<!tpu.dma_semaphore, #tpu.memory_space<semaphore_mem>>) src(%dma_wait3A_1521 : memref<1x1024xi32, #tpu.memory_space<hbm>>) dst(%arg5 : memref<1x1024xi32, #tpu.memory_space<vmem>>)
        tpu.yield
      }) : () -> ()
      %scan3A = arith.constant 0 : i32
      %scan3A_1507 = arith.constant 0 : i32
      %scan3A_1508 = arith.constant 64 : i32
      %scan3A_1509 = arith.addi %scan3A_1507, %scan3A_1508 : i32
      %scan3A_1510 = arith.constant 1 : i32
      scf.for %scan3A_1515 = %scan3A_1507 to %scan3A_1509 step %scan3A_1510  : i32 {
        %mul3A_1516 = arith.constant 16 : i32
        %mul3A_1517 = arith.muli %mul3A_1516, %scan3A_1515 : i32
        %get3A = arith.constant 0 : i32
        %get3A_1518 = arith.index_cast %get3A : i32 to index
        %get3A_1519 = arith.index_cast %mul3A_1517 : i32 to index
        %get3A_1520 = tpu.vector_load %arg5[%get3A_1518, %get3A_1519] {strides = array<i32>} : memref<1x1024xi32, #tpu.memory_space<vmem>>, vector<16xi32>,
        %mul3A_1521 = arith.constant 16 : i32
        %mul3A_1522 = arith.muli %mul3A_1521, %scan3A_1515 : i32
        %add3A_1523 = vector.broadcast %mul3A_1522 : i32 to vector<16xi32>
        %add3A_1524 = arith.addi %iota3A, %add3A_1523 : vector<16xi32>
        %ge3A = vector.broadcast %mul3A_853 : i32 to vector<16xi32>
        %ge3A_1525 = arith.cmpi sge, %get3A_1520, %ge3A : vector<16xi32>
        %add3A_1526 = arith.constant 40 : i32
        %add3A_1527 = arith.addi %mul3A_853, %add3A_1526 : i32
        %lt3A_1528 = vector.broadcast %add3A_1527 : i32 to vector<16xi32>
        %lt3A_1529 = arith.cmpi slt, %get3A_1520, %lt3A_1528 : vector<16xi32>
        %and3A_1530 = arith.andi %ge3A_1525, %lt3A_1529 : vector<16xi1>
        %sub3A_1531 = vector.broadcast %mul3A_853 : i32 to vector<16xi32>
        %sub3A_1532 = arith.subi %get3A_1520, %sub3A_1531 : vector<16xi32>
        tpu.vector_store_idx %arg7[%broadcast_in_dim3A_5, %sub3A_1532, %add3A_1524], %broadcast_in_dim3A_1 masked %and3A_1530 : memref<1x40x1024xf32, #tpu.memory_space<vmem>>[vector<16xi32>, vector<16xi32>, vector<16xi32>], vector<16xf32>, vector<16xi1>
      }
      %scan3A_1511 = arith.constant 64 : i32
      %dma_start3A = arith.constant 0 : i32
      %dma_start3A_1512 = tpu.memref_slice %arg4[%select_n3A_848, %mul3A_853, %dma_start3A] : memref<26x1000x1024xf32, #tpu.memory_space<hbm>> -> memref<1x40x1024xf32, #tpu.memory_space<hbm>>
      %dma_start3A_1513 = arith.constant 0 : i32
      %dma_start3A_1514 = tpu.memref_slice %arg4[%select_n3A_848, %mul3A_853, %dma_start3A_1513] : memref<26x1000x1024xf32, #tpu.memory_space<hbm>> -> memref<1x40x1024xf32, #tpu.memory_space<hbm>>
      tpu.enqueue_dma source(%arg7 : memref<1x40x1024xf32, #tpu.memory_space<vmem>>) target(%dma_start3A_1514 : memref<1x40x1024xf32, #tpu.memory_space<hbm>>) target_semaphore(%arg9 : memref<!tpu.dma_semaphore, #tpu.memory_space<semaphore_mem>>)
    } else {
    }
    %add3A_859 = arith.constant 352 : i32
    %add3A_860 = arith.addi %add3A, %add3A_859 : i32
    %jit3A_861 = arith.constant 25 : i32
    %div3A_862 = arith.divsi %add3A_860, %jit3A_861 : i32
    %sign3A_863 = arith.constant 0 : i32
    %sign3A_864 = arith.cmpi sgt, %add3A_860, %sign3A_863 : i32
    %sign3A_865 = arith.extui %sign3A_864 : i1 to i32
    %sign3A_866 = arith.constant 0 : i32
    %sign3A_867 = arith.cmpi slt, %add3A_860, %sign3A_866 : i32
    %sign3A_868 = arith.extui %sign3A_867 : i1 to i32
    %sign3A_869 = arith.subi %sign3A_865, %sign3A_868 : i32
    %sign3A_870 = arith.constant 0 : i32
    %sign3A_871 = arith.cmpi sgt, %jit3A_861, %sign3A_870 : i32
    %sign3A_872 = arith.extui %sign3A_871 : i1 to i32
    %sign3A_873 = arith.constant 0 : i32
    %sign3A_874 = arith.cmpi slt, %jit3A_861, %sign3A_873 : i32
    %sign3A_875 = arith.extui %sign3A_874 : i1 to i32
    %sign3A_876 = arith.subi %sign3A_872, %sign3A_875 : i32
    %ne3A_877 = arith.cmpi ne, %sign3A_869, %sign3A_876 : i32
    %rem3A_878 = arith.remsi %add3A_860, %jit3A_861 : i32
    %ne3A_879 = arith.constant 0 : i32
    %ne3A_880 = arith.cmpi ne, %rem3A_878, %ne3A_879 : i32
    %and3A_881 = arith.andi %ne3A_877, %ne3A_880 : i1
    %sub3A_882 = arith.constant 1 : i32
    %sub3A_883 = arith.subi %div3A_862, %sub3A_882 : i32
    %select_n3A_884 = arith.select %and3A_881, %sub3A_883, %div3A_862 : i32
    %mul3A_885 = arith.constant 25 : i32
    %mul3A_886 = arith.muli %select_n3A_884, %mul3A_885 : i32
    %sub3A_887 = arith.subi %add3A_860, %mul3A_886 : i32
    %mul3A_888 = arith.constant 40 : i32
    %mul3A_889 = arith.muli %sub3A_887, %mul3A_888 : i32
    %lt3A_890 = arith.constant 650 : i32
    %lt3A_891 = arith.cmpi slt, %add3A_860, %lt3A_890 : i32
    %convert_element_type3A_892 = arith.extui %lt3A_891 : i1 to i32
    %cond3A_893 = arith.constant 0 : i32
    %cond3A_894 = arith.cmpi ne, %convert_element_type3A_892, %cond3A_893 : i32
    scf.if %cond3A_894 {
      %dma_wait3A = arith.constant 0 : i32
      %dma_wait3A_1507 = arith.constant 0 : i32
      %dma_wait3A_1508 = arith.constant 0 : i32
      %dma_wait3A_1509 = tpu.memref_slice %arg4[%dma_wait3A, %dma_wait3A_1507, %dma_wait3A_1508] : memref<26x1000x1024xf32, #tpu.memory_space<hbm>> -> memref<1x40x1024xf32, #tpu.memory_space<hbm>>
      %dma_wait3A_1510 = arith.constant 0 : i32
      %dma_wait3A_1511 = arith.constant 0 : i32
      %dma_wait3A_1512 = arith.constant 0 : i32
      %dma_wait3A_1513 = tpu.memref_slice %arg4[%dma_wait3A_1510, %dma_wait3A_1511, %dma_wait3A_1512] : memref<26x1000x1024xf32, #tpu.memory_space<hbm>> -> memref<1x40x1024xf32, #tpu.memory_space<hbm>>
      tpu.wait_dma2 semaphore(%arg10 : memref<!tpu.dma_semaphore, #tpu.memory_space<semaphore_mem>>) src(%arg8 : memref<1x40x1024xf32, #tpu.memory_space<vmem>>) dst(%dma_wait3A_1513 : memref<1x40x1024xf32, #tpu.memory_space<hbm>>)
      "tpu.region"() ({
        %run_scoped3A = tpu.sem_alloc : memref<!tpu.dma_semaphore, #tpu.memory_space<semaphore_mem>>
        %dma_start3A = arith.constant 0 : i32
        %dma_start3A_1519 = tpu.memref_slice %arg2[%select_n3A_884, %dma_start3A] : memref<26x1024xi32, #tpu.memory_space<hbm>> -> memref<1x1024xi32, #tpu.memory_space<hbm>>
        %dma_start3A_1520 = arith.constant 0 : i32
        %dma_start3A_1521 = tpu.memref_slice %arg2[%select_n3A_884, %dma_start3A_1520] : memref<26x1024xi32, #tpu.memory_space<hbm>> -> memref<1x1024xi32, #tpu.memory_space<hbm>>
        tpu.enqueue_dma source(%dma_start3A_1521 : memref<1x1024xi32, #tpu.memory_space<hbm>>) target(%arg6 : memref<1x1024xi32, #tpu.memory_space<vmem>>) target_semaphore(%run_scoped3A : memref<!tpu.dma_semaphore, #tpu.memory_space<semaphore_mem>>)
        %dma_wait3A_1522 = arith.constant 0 : i32
        %dma_wait3A_1523 = tpu.memref_slice %arg2[%select_n3A_884, %dma_wait3A_1522] : memref<26x1024xi32, #tpu.memory_space<hbm>> -> memref<1x1024xi32, #tpu.memory_space<hbm>>
        %dma_wait3A_1524 = arith.constant 0 : i32
        %dma_wait3A_1525 = tpu.memref_slice %arg2[%select_n3A_884, %dma_wait3A_1524] : memref<26x1024xi32, #tpu.memory_space<hbm>> -> memref<1x1024xi32, #tpu.memory_space<hbm>>
        tpu.wait_dma2 semaphore(%run_scoped3A : memref<!tpu.dma_semaphore, #tpu.memory_space<semaphore_mem>>) src(%dma_wait3A_1525 : memref<1x1024xi32, #tpu.memory_space<hbm>>) dst(%arg6 : memref<1x1024xi32, #tpu.memory_space<vmem>>)
        tpu.yield
      }) : () -> ()
      %scan3A = arith.constant 0 : i32
      %scan3A_1514 = arith.constant 0 : i32
      %scan3A_1515 = arith.constant 64 : i32
      %scan3A_1516 = arith.addi %scan3A_1514, %scan3A_1515 : i32
      %scan3A_1517 = arith.constant 1 : i32
      scf.for %scan3A_1519 = %scan3A_1514 to %scan3A_1516 step %scan3A_1517  : i32 {
        %mul3A_1520 = arith.constant 16 : i32
        %mul3A_1521 = arith.muli %mul3A_1520, %scan3A_1519 : i32
        %get3A = arith.constant 0 : i32
        %get3A_1522 = arith.index_cast %get3A : i32 to index
        %get3A_1523 = arith.index_cast %mul3A_1521 : i32 to index
        %get3A_1524 = tpu.vector_load %arg6[%get3A_1522, %get3A_1523] {strides = array<i32>} : memref<1x1024xi32, #tpu.memory_space<vmem>>, vector<16xi32>,
        %mul3A_1525 = arith.constant 16 : i32
        %mul3A_1526 = arith.muli %mul3A_1525, %scan3A_1519 : i32
        %add3A_1527 = vector.broadcast %mul3A_1526 : i32 to vector<16xi32>
        %add3A_1528 = arith.addi %iota3A, %add3A_1527 : vector<16xi32>
        %ge3A = vector.broadcast %mul3A_889 : i32 to vector<16xi32>
        %ge3A_1529 = arith.cmpi sge, %get3A_1524, %ge3A : vector<16xi32>
        %add3A_1530 = arith.constant 40 : i32
        %add3A_1531 = arith.addi %mul3A_889, %add3A_1530 : i32
        %lt3A_1532 = vector.broadcast %add3A_1531 : i32 to vector<16xi32>
        %lt3A_1533 = arith.cmpi slt, %get3A_1524, %lt3A_1532 : vector<16xi32>
        %and3A_1534 = arith.andi %ge3A_1529, %lt3A_1533 : vector<16xi1>
        %sub3A_1535 = vector.broadcast %mul3A_889 : i32 to vector<16xi32>
        %sub3A_1536 = arith.subi %get3A_1524, %sub3A_1535 : vector<16xi32>
        tpu.vector_store_idx %arg8[%broadcast_in_dim3A_5, %sub3A_1536, %add3A_1528], %broadcast_in_dim3A_3 masked %and3A_1534 : memref<1x40x1024xf32, #tpu.memory_space<vmem>>[vector<16xi32>, vector<16xi32>, vector<16xi32>], vector<16xf32>, vector<16xi1>
      }
      %scan3A_1518 = arith.constant 64 : i32
    } else {
    }
    %add3A_895 = arith.constant 416 : i32
    %add3A_896 = arith.addi %add3A, %add3A_895 : i32
    %jit3A_897 = arith.constant 25 : i32
    %div3A_898 = arith.divsi %add3A_896, %jit3A_897 : i32
    %sign3A_899 = arith.constant 0 : i32
    %sign3A_900 = arith.cmpi sgt, %add3A_896, %sign3A_899 : i32
    %sign3A_901 = arith.extui %sign3A_900 : i1 to i32
    %sign3A_902 = arith.constant 0 : i32
    %sign3A_903 = arith.cmpi slt, %add3A_896, %sign3A_902 : i32
    %sign3A_904 = arith.extui %sign3A_903 : i1 to i32
    %sign3A_905 = arith.subi %sign3A_901, %sign3A_904 : i32
    %sign3A_906 = arith.constant 0 : i32
    %sign3A_907 = arith.cmpi sgt, %jit3A_897, %sign3A_906 : i32
    %sign3A_908 = arith.extui %sign3A_907 : i1 to i32
    %sign3A_909 = arith.constant 0 : i32
    %sign3A_910 = arith.cmpi slt, %jit3A_897, %sign3A_909 : i32
    %sign3A_911 = arith.extui %sign3A_910 : i1 to i32
    %sign3A_912 = arith.subi %sign3A_908, %sign3A_911 : i32
    %ne3A_913 = arith.cmpi ne, %sign3A_905, %sign3A_912 : i32
    %rem3A_914 = arith.remsi %add3A_896, %jit3A_897 : i32
    %ne3A_915 = arith.constant 0 : i32
    %ne3A_916 = arith.cmpi ne, %rem3A_914, %ne3A_915 : i32
    %and3A_917 = arith.andi %ne3A_913, %ne3A_916 : i1
    %sub3A_918 = arith.constant 1 : i32
    %sub3A_919 = arith.subi %div3A_898, %sub3A_918 : i32
    %select_n3A_920 = arith.select %and3A_917, %sub3A_919, %div3A_898 : i32
    %mul3A_921 = arith.constant 25 : i32
    %mul3A_922 = arith.muli %select_n3A_920, %mul3A_921 : i32
    %sub3A_923 = arith.subi %add3A_896, %mul3A_922 : i32
    %mul3A_924 = arith.constant 40 : i32
    %mul3A_925 = arith.muli %sub3A_923, %mul3A_924 : i32
    %lt3A_926 = arith.constant 650 : i32
    %lt3A_927 = arith.cmpi slt, %add3A_896, %lt3A_926 : i32
    %convert_element_type3A_928 = arith.extui %lt3A_927 : i1 to i32
    %cond3A_929 = arith.constant 0 : i32
    %cond3A_930 = arith.cmpi ne, %convert_element_type3A_928, %cond3A_929 : i32
    scf.if %cond3A_930 {
      "tpu.region"() ({
        %run_scoped3A = tpu.sem_alloc : memref<!tpu.dma_semaphore, #tpu.memory_space<semaphore_mem>>
        %dma_start3A_1515 = arith.constant 0 : i32
        %dma_start3A_1516 = tpu.memref_slice %arg2[%select_n3A_920, %dma_start3A_1515] : memref<26x1024xi32, #tpu.memory_space<hbm>> -> memref<1x1024xi32, #tpu.memory_space<hbm>>
        %dma_start3A_1517 = arith.constant 0 : i32
        %dma_start3A_1518 = tpu.memref_slice %arg2[%select_n3A_920, %dma_start3A_1517] : memref<26x1024xi32, #tpu.memory_space<hbm>> -> memref<1x1024xi32, #tpu.memory_space<hbm>>
        tpu.enqueue_dma source(%dma_start3A_1518 : memref<1x1024xi32, #tpu.memory_space<hbm>>) target(%arg5 : memref<1x1024xi32, #tpu.memory_space<vmem>>) target_semaphore(%run_scoped3A : memref<!tpu.dma_semaphore, #tpu.memory_space<semaphore_mem>>)
        %dma_wait3A = arith.constant 0 : i32
        %dma_wait3A_1519 = tpu.memref_slice %arg2[%select_n3A_920, %dma_wait3A] : memref<26x1024xi32, #tpu.memory_space<hbm>> -> memref<1x1024xi32, #tpu.memory_space<hbm>>
        %dma_wait3A_1520 = arith.constant 0 : i32
        %dma_wait3A_1521 = tpu.memref_slice %arg2[%select_n3A_920, %dma_wait3A_1520] : memref<26x1024xi32, #tpu.memory_space<hbm>> -> memref<1x1024xi32, #tpu.memory_space<hbm>>
        tpu.wait_dma2 semaphore(%run_scoped3A : memref<!tpu.dma_semaphore, #tpu.memory_space<semaphore_mem>>) src(%dma_wait3A_1521 : memref<1x1024xi32, #tpu.memory_space<hbm>>) dst(%arg5 : memref<1x1024xi32, #tpu.memory_space<vmem>>)
        tpu.yield
      }) : () -> ()
      %scan3A = arith.constant 0 : i32
      %scan3A_1507 = arith.constant 0 : i32
      %scan3A_1508 = arith.constant 64 : i32
      %scan3A_1509 = arith.addi %scan3A_1507, %scan3A_1508 : i32
      %scan3A_1510 = arith.constant 1 : i32
      scf.for %scan3A_1515 = %scan3A_1507 to %scan3A_1509 step %scan3A_1510  : i32 {
        %mul3A_1516 = arith.constant 16 : i32
        %mul3A_1517 = arith.muli %mul3A_1516, %scan3A_1515 : i32
        %get3A = arith.constant 0 : i32
        %get3A_1518 = arith.index_cast %get3A : i32 to index
        %get3A_1519 = arith.index_cast %mul3A_1517 : i32 to index
        %get3A_1520 = tpu.vector_load %arg5[%get3A_1518, %get3A_1519] {strides = array<i32>} : memref<1x1024xi32, #tpu.memory_space<vmem>>, vector<16xi32>,
        %mul3A_1521 = arith.constant 16 : i32
        %mul3A_1522 = arith.muli %mul3A_1521, %scan3A_1515 : i32
        %add3A_1523 = vector.broadcast %mul3A_1522 : i32 to vector<16xi32>
        %add3A_1524 = arith.addi %iota3A, %add3A_1523 : vector<16xi32>
        %ge3A = vector.broadcast %mul3A_925 : i32 to vector<16xi32>
        %ge3A_1525 = arith.cmpi sge, %get3A_1520, %ge3A : vector<16xi32>
        %add3A_1526 = arith.constant 40 : i32
        %add3A_1527 = arith.addi %mul3A_925, %add3A_1526 : i32
        %lt3A_1528 = vector.broadcast %add3A_1527 : i32 to vector<16xi32>
        %lt3A_1529 = arith.cmpi slt, %get3A_1520, %lt3A_1528 : vector<16xi32>
        %and3A_1530 = arith.andi %ge3A_1525, %lt3A_1529 : vector<16xi1>
        %sub3A_1531 = vector.broadcast %mul3A_925 : i32 to vector<16xi32>
        %sub3A_1532 = arith.subi %get3A_1520, %sub3A_1531 : vector<16xi32>
        tpu.vector_store_idx %arg8[%broadcast_in_dim3A_5, %sub3A_1532, %add3A_1524], %broadcast_in_dim3A_1 masked %and3A_1530 : memref<1x40x1024xf32, #tpu.memory_space<vmem>>[vector<16xi32>, vector<16xi32>, vector<16xi32>], vector<16xf32>, vector<16xi1>
      }
      %scan3A_1511 = arith.constant 64 : i32
      %dma_start3A = arith.constant 0 : i32
      %dma_start3A_1512 = tpu.memref_slice %arg4[%select_n3A_920, %mul3A_925, %dma_start3A] : memref<26x1000x1024xf32, #tpu.memory_space<hbm>> -> memref<1x40x1024xf32, #tpu.memory_space<hbm>>
      %dma_start3A_1513 = arith.constant 0 : i32
      %dma_start3A_1514 = tpu.memref_slice %arg4[%select_n3A_920, %mul3A_925, %dma_start3A_1513] : memref<26x1000x1024xf32, #tpu.memory_space<hbm>> -> memref<1x40x1024xf32, #tpu.memory_space<hbm>>
      tpu.enqueue_dma source(%arg8 : memref<1x40x1024xf32, #tpu.memory_space<vmem>>) target(%dma_start3A_1514 : memref<1x40x1024xf32, #tpu.memory_space<hbm>>) target_semaphore(%arg10 : memref<!tpu.dma_semaphore, #tpu.memory_space<semaphore_mem>>)
    } else {
    }
    %add3A_931 = arith.constant 384 : i32
    %add3A_932 = arith.addi %add3A, %add3A_931 : i32
    %jit3A_933 = arith.constant 25 : i32
    %div3A_934 = arith.divsi %add3A_932, %jit3A_933 : i32
    %sign3A_935 = arith.constant 0 : i32
    %sign3A_936 = arith.cmpi sgt, %add3A_932, %sign3A_935 : i32
    %sign3A_937 = arith.extui %sign3A_936 : i1 to i32
    %sign3A_938 = arith.constant 0 : i32
    %sign3A_939 = arith.cmpi slt, %add3A_932, %sign3A_938 : i32
    %sign3A_940 = arith.extui %sign3A_939 : i1 to i32
    %sign3A_941 = arith.subi %sign3A_937, %sign3A_940 : i32
    %sign3A_942 = arith.constant 0 : i32
    %sign3A_943 = arith.cmpi sgt, %jit3A_933, %sign3A_942 : i32
    %sign3A_944 = arith.extui %sign3A_943 : i1 to i32
    %sign3A_945 = arith.constant 0 : i32
    %sign3A_946 = arith.cmpi slt, %jit3A_933, %sign3A_945 : i32
    %sign3A_947 = arith.extui %sign3A_946 : i1 to i32
    %sign3A_948 = arith.subi %sign3A_944, %sign3A_947 : i32
    %ne3A_949 = arith.cmpi ne, %sign3A_941, %sign3A_948 : i32
    %rem3A_950 = arith.remsi %add3A_932, %jit3A_933 : i32
    %ne3A_951 = arith.constant 0 : i32
    %ne3A_952 = arith.cmpi ne, %rem3A_950, %ne3A_951 : i32
    %and3A_953 = arith.andi %ne3A_949, %ne3A_952 : i1
    %sub3A_954 = arith.constant 1 : i32
    %sub3A_955 = arith.subi %div3A_934, %sub3A_954 : i32
    %select_n3A_956 = arith.select %and3A_953, %sub3A_955, %div3A_934 : i32
    %mul3A_957 = arith.constant 25 : i32
    %mul3A_958 = arith.muli %select_n3A_956, %mul3A_957 : i32
    %sub3A_959 = arith.subi %add3A_932, %mul3A_958 : i32
    %mul3A_960 = arith.constant 40 : i32
    %mul3A_961 = arith.muli %sub3A_959, %mul3A_960 : i32
    %lt3A_962 = arith.constant 650 : i32
    %lt3A_963 = arith.cmpi slt, %add3A_932, %lt3A_962 : i32
    %convert_element_type3A_964 = arith.extui %lt3A_963 : i1 to i32
    %cond3A_965 = arith.constant 0 : i32
    %cond3A_966 = arith.cmpi ne, %convert_element_type3A_964, %cond3A_965 : i32
    scf.if %cond3A_966 {
      %dma_wait3A = arith.constant 0 : i32
      %dma_wait3A_1507 = arith.constant 0 : i32
      %dma_wait3A_1508 = arith.constant 0 : i32
      %dma_wait3A_1509 = tpu.memref_slice %arg4[%dma_wait3A, %dma_wait3A_1507, %dma_wait3A_1508] : memref<26x1000x1024xf32, #tpu.memory_space<hbm>> -> memref<1x40x1024xf32, #tpu.memory_space<hbm>>
      %dma_wait3A_1510 = arith.constant 0 : i32
      %dma_wait3A_1511 = arith.constant 0 : i32
      %dma_wait3A_1512 = arith.constant 0 : i32
      %dma_wait3A_1513 = tpu.memref_slice %arg4[%dma_wait3A_1510, %dma_wait3A_1511, %dma_wait3A_1512] : memref<26x1000x1024xf32, #tpu.memory_space<hbm>> -> memref<1x40x1024xf32, #tpu.memory_space<hbm>>
      tpu.wait_dma2 semaphore(%arg9 : memref<!tpu.dma_semaphore, #tpu.memory_space<semaphore_mem>>) src(%arg7 : memref<1x40x1024xf32, #tpu.memory_space<vmem>>) dst(%dma_wait3A_1513 : memref<1x40x1024xf32, #tpu.memory_space<hbm>>)
      "tpu.region"() ({
        %run_scoped3A = tpu.sem_alloc : memref<!tpu.dma_semaphore, #tpu.memory_space<semaphore_mem>>
        %dma_start3A = arith.constant 0 : i32
        %dma_start3A_1519 = tpu.memref_slice %arg2[%select_n3A_956, %dma_start3A] : memref<26x1024xi32, #tpu.memory_space<hbm>> -> memref<1x1024xi32, #tpu.memory_space<hbm>>
        %dma_start3A_1520 = arith.constant 0 : i32
        %dma_start3A_1521 = tpu.memref_slice %arg2[%select_n3A_956, %dma_start3A_1520] : memref<26x1024xi32, #tpu.memory_space<hbm>> -> memref<1x1024xi32, #tpu.memory_space<hbm>>
        tpu.enqueue_dma source(%dma_start3A_1521 : memref<1x1024xi32, #tpu.memory_space<hbm>>) target(%arg6 : memref<1x1024xi32, #tpu.memory_space<vmem>>) target_semaphore(%run_scoped3A : memref<!tpu.dma_semaphore, #tpu.memory_space<semaphore_mem>>)
        %dma_wait3A_1522 = arith.constant 0 : i32
        %dma_wait3A_1523 = tpu.memref_slice %arg2[%select_n3A_956, %dma_wait3A_1522] : memref<26x1024xi32, #tpu.memory_space<hbm>> -> memref<1x1024xi32, #tpu.memory_space<hbm>>
        %dma_wait3A_1524 = arith.constant 0 : i32
        %dma_wait3A_1525 = tpu.memref_slice %arg2[%select_n3A_956, %dma_wait3A_1524] : memref<26x1024xi32, #tpu.memory_space<hbm>> -> memref<1x1024xi32, #tpu.memory_space<hbm>>
        tpu.wait_dma2 semaphore(%run_scoped3A : memref<!tpu.dma_semaphore, #tpu.memory_space<semaphore_mem>>) src(%dma_wait3A_1525 : memref<1x1024xi32, #tpu.memory_space<hbm>>) dst(%arg6 : memref<1x1024xi32, #tpu.memory_space<vmem>>)
        tpu.yield
      }) : () -> ()
      %scan3A = arith.constant 0 : i32
      %scan3A_1514 = arith.constant 0 : i32
      %scan3A_1515 = arith.constant 64 : i32
      %scan3A_1516 = arith.addi %scan3A_1514, %scan3A_1515 : i32
      %scan3A_1517 = arith.constant 1 : i32
      scf.for %scan3A_1519 = %scan3A_1514 to %scan3A_1516 step %scan3A_1517  : i32 {
        %mul3A_1520 = arith.constant 16 : i32
        %mul3A_1521 = arith.muli %mul3A_1520, %scan3A_1519 : i32
        %get3A = arith.constant 0 : i32
        %get3A_1522 = arith.index_cast %get3A : i32 to index
        %get3A_1523 = arith.index_cast %mul3A_1521 : i32 to index
        %get3A_1524 = tpu.vector_load %arg6[%get3A_1522, %get3A_1523] {strides = array<i32>} : memref<1x1024xi32, #tpu.memory_space<vmem>>, vector<16xi32>,
        %mul3A_1525 = arith.constant 16 : i32
        %mul3A_1526 = arith.muli %mul3A_1525, %scan3A_1519 : i32
        %add3A_1527 = vector.broadcast %mul3A_1526 : i32 to vector<16xi32>
        %add3A_1528 = arith.addi %iota3A, %add3A_1527 : vector<16xi32>
        %ge3A = vector.broadcast %mul3A_961 : i32 to vector<16xi32>
        %ge3A_1529 = arith.cmpi sge, %get3A_1524, %ge3A : vector<16xi32>
        %add3A_1530 = arith.constant 40 : i32
        %add3A_1531 = arith.addi %mul3A_961, %add3A_1530 : i32
        %lt3A_1532 = vector.broadcast %add3A_1531 : i32 to vector<16xi32>
        %lt3A_1533 = arith.cmpi slt, %get3A_1524, %lt3A_1532 : vector<16xi32>
        %and3A_1534 = arith.andi %ge3A_1529, %lt3A_1533 : vector<16xi1>
        %sub3A_1535 = vector.broadcast %mul3A_961 : i32 to vector<16xi32>
        %sub3A_1536 = arith.subi %get3A_1524, %sub3A_1535 : vector<16xi32>
        tpu.vector_store_idx %arg7[%broadcast_in_dim3A_5, %sub3A_1536, %add3A_1528], %broadcast_in_dim3A_3 masked %and3A_1534 : memref<1x40x1024xf32, #tpu.memory_space<vmem>>[vector<16xi32>, vector<16xi32>, vector<16xi32>], vector<16xf32>, vector<16xi1>
      }
      %scan3A_1518 = arith.constant 64 : i32
    } else {
    }
    %add3A_967 = arith.constant 448 : i32
    %add3A_968 = arith.addi %add3A, %add3A_967 : i32
    %jit3A_969 = arith.constant 25 : i32
    %div3A_970 = arith.divsi %add3A_968, %jit3A_969 : i32
    %sign3A_971 = arith.constant 0 : i32
    %sign3A_972 = arith.cmpi sgt, %add3A_968, %sign3A_971 : i32
    %sign3A_973 = arith.extui %sign3A_972 : i1 to i32
    %sign3A_974 = arith.constant 0 : i32
    %sign3A_975 = arith.cmpi slt, %add3A_968, %sign3A_974 : i32
    %sign3A_976 = arith.extui %sign3A_975 : i1 to i32
    %sign3A_977 = arith.subi %sign3A_973, %sign3A_976 : i32
    %sign3A_978 = arith.constant 0 : i32
    %sign3A_979 = arith.cmpi sgt, %jit3A_969, %sign3A_978 : i32
    %sign3A_980 = arith.extui %sign3A_979 : i1 to i32
    %sign3A_981 = arith.constant 0 : i32
    %sign3A_982 = arith.cmpi slt, %jit3A_969, %sign3A_981 : i32
    %sign3A_983 = arith.extui %sign3A_982 : i1 to i32
    %sign3A_984 = arith.subi %sign3A_980, %sign3A_983 : i32
    %ne3A_985 = arith.cmpi ne, %sign3A_977, %sign3A_984 : i32
    %rem3A_986 = arith.remsi %add3A_968, %jit3A_969 : i32
    %ne3A_987 = arith.constant 0 : i32
    %ne3A_988 = arith.cmpi ne, %rem3A_986, %ne3A_987 : i32
    %and3A_989 = arith.andi %ne3A_985, %ne3A_988 : i1
    %sub3A_990 = arith.constant 1 : i32
    %sub3A_991 = arith.subi %div3A_970, %sub3A_990 : i32
    %select_n3A_992 = arith.select %and3A_989, %sub3A_991, %div3A_970 : i32
    %mul3A_993 = arith.constant 25 : i32
    %mul3A_994 = arith.muli %select_n3A_992, %mul3A_993 : i32
    %sub3A_995 = arith.subi %add3A_968, %mul3A_994 : i32
    %mul3A_996 = arith.constant 40 : i32
    %mul3A_997 = arith.muli %sub3A_995, %mul3A_996 : i32
    %lt3A_998 = arith.constant 650 : i32
    %lt3A_999 = arith.cmpi slt, %add3A_968, %lt3A_998 : i32
    %convert_element_type3A_1000 = arith.extui %lt3A_999 : i1 to i32
    %cond3A_1001 = arith.constant 0 : i32
    %cond3A_1002 = arith.cmpi ne, %convert_element_type3A_1000, %cond3A_1001 : i32
    scf.if %cond3A_1002 {
      "tpu.region"() ({
        %run_scoped3A = tpu.sem_alloc : memref<!tpu.dma_semaphore, #tpu.memory_space<semaphore_mem>>
        %dma_start3A_1515 = arith.constant 0 : i32
        %dma_start3A_1516 = tpu.memref_slice %arg2[%select_n3A_992, %dma_start3A_1515] : memref<26x1024xi32, #tpu.memory_space<hbm>> -> memref<1x1024xi32, #tpu.memory_space<hbm>>
        %dma_start3A_1517 = arith.constant 0 : i32
        %dma_start3A_1518 = tpu.memref_slice %arg2[%select_n3A_992, %dma_start3A_1517] : memref<26x1024xi32, #tpu.memory_space<hbm>> -> memref<1x1024xi32, #tpu.memory_space<hbm>>
        tpu.enqueue_dma source(%dma_start3A_1518 : memref<1x1024xi32, #tpu.memory_space<hbm>>) target(%arg5 : memref<1x1024xi32, #tpu.memory_space<vmem>>) target_semaphore(%run_scoped3A : memref<!tpu.dma_semaphore, #tpu.memory_space<semaphore_mem>>)
        %dma_wait3A = arith.constant 0 : i32
        %dma_wait3A_1519 = tpu.memref_slice %arg2[%select_n3A_992, %dma_wait3A] : memref<26x1024xi32, #tpu.memory_space<hbm>> -> memref<1x1024xi32, #tpu.memory_space<hbm>>
        %dma_wait3A_1520 = arith.constant 0 : i32
        %dma_wait3A_1521 = tpu.memref_slice %arg2[%select_n3A_992, %dma_wait3A_1520] : memref<26x1024xi32, #tpu.memory_space<hbm>> -> memref<1x1024xi32, #tpu.memory_space<hbm>>
        tpu.wait_dma2 semaphore(%run_scoped3A : memref<!tpu.dma_semaphore, #tpu.memory_space<semaphore_mem>>) src(%dma_wait3A_1521 : memref<1x1024xi32, #tpu.memory_space<hbm>>) dst(%arg5 : memref<1x1024xi32, #tpu.memory_space<vmem>>)
        tpu.yield
      }) : () -> ()
      %scan3A = arith.constant 0 : i32
      %scan3A_1507 = arith.constant 0 : i32
      %scan3A_1508 = arith.constant 64 : i32
      %scan3A_1509 = arith.addi %scan3A_1507, %scan3A_1508 : i32
      %scan3A_1510 = arith.constant 1 : i32
      scf.for %scan3A_1515 = %scan3A_1507 to %scan3A_1509 step %scan3A_1510  : i32 {
        %mul3A_1516 = arith.constant 16 : i32
        %mul3A_1517 = arith.muli %mul3A_1516, %scan3A_1515 : i32
        %get3A = arith.constant 0 : i32
        %get3A_1518 = arith.index_cast %get3A : i32 to index
        %get3A_1519 = arith.index_cast %mul3A_1517 : i32 to index
        %get3A_1520 = tpu.vector_load %arg5[%get3A_1518, %get3A_1519] {strides = array<i32>} : memref<1x1024xi32, #tpu.memory_space<vmem>>, vector<16xi32>,
        %mul3A_1521 = arith.constant 16 : i32
        %mul3A_1522 = arith.muli %mul3A_1521, %scan3A_1515 : i32
        %add3A_1523 = vector.broadcast %mul3A_1522 : i32 to vector<16xi32>
        %add3A_1524 = arith.addi %iota3A, %add3A_1523 : vector<16xi32>
        %ge3A = vector.broadcast %mul3A_997 : i32 to vector<16xi32>
        %ge3A_1525 = arith.cmpi sge, %get3A_1520, %ge3A : vector<16xi32>
        %add3A_1526 = arith.constant 40 : i32
        %add3A_1527 = arith.addi %mul3A_997, %add3A_1526 : i32
        %lt3A_1528 = vector.broadcast %add3A_1527 : i32 to vector<16xi32>
        %lt3A_1529 = arith.cmpi slt, %get3A_1520, %lt3A_1528 : vector<16xi32>
        %and3A_1530 = arith.andi %ge3A_1525, %lt3A_1529 : vector<16xi1>
        %sub3A_1531 = vector.broadcast %mul3A_997 : i32 to vector<16xi32>
        %sub3A_1532 = arith.subi %get3A_1520, %sub3A_1531 : vector<16xi32>
        tpu.vector_store_idx %arg7[%broadcast_in_dim3A_5, %sub3A_1532, %add3A_1524], %broadcast_in_dim3A_1 masked %and3A_1530 : memref<1x40x1024xf32, #tpu.memory_space<vmem>>[vector<16xi32>, vector<16xi32>, vector<16xi32>], vector<16xf32>, vector<16xi1>
      }
      %scan3A_1511 = arith.constant 64 : i32
      %dma_start3A = arith.constant 0 : i32
      %dma_start3A_1512 = tpu.memref_slice %arg4[%select_n3A_992, %mul3A_997, %dma_start3A] : memref<26x1000x1024xf32, #tpu.memory_space<hbm>> -> memref<1x40x1024xf32, #tpu.memory_space<hbm>>
      %dma_start3A_1513 = arith.constant 0 : i32
      %dma_start3A_1514 = tpu.memref_slice %arg4[%select_n3A_992, %mul3A_997, %dma_start3A_1513] : memref<26x1000x1024xf32, #tpu.memory_space<hbm>> -> memref<1x40x1024xf32, #tpu.memory_space<hbm>>
      tpu.enqueue_dma source(%arg7 : memref<1x40x1024xf32, #tpu.memory_space<vmem>>) target(%dma_start3A_1514 : memref<1x40x1024xf32, #tpu.memory_space<hbm>>) target_semaphore(%arg9 : memref<!tpu.dma_semaphore, #tpu.memory_space<semaphore_mem>>)
    } else {
    }
    %add3A_1003 = arith.constant 416 : i32
    %add3A_1004 = arith.addi %add3A, %add3A_1003 : i32
    %jit3A_1005 = arith.constant 25 : i32
    %div3A_1006 = arith.divsi %add3A_1004, %jit3A_1005 : i32
    %sign3A_1007 = arith.constant 0 : i32
    %sign3A_1008 = arith.cmpi sgt, %add3A_1004, %sign3A_1007 : i32
    %sign3A_1009 = arith.extui %sign3A_1008 : i1 to i32
    %sign3A_1010 = arith.constant 0 : i32
    %sign3A_1011 = arith.cmpi slt, %add3A_1004, %sign3A_1010 : i32
    %sign3A_1012 = arith.extui %sign3A_1011 : i1 to i32
    %sign3A_1013 = arith.subi %sign3A_1009, %sign3A_1012 : i32
    %sign3A_1014 = arith.constant 0 : i32
    %sign3A_1015 = arith.cmpi sgt, %jit3A_1005, %sign3A_1014 : i32
    %sign3A_1016 = arith.extui %sign3A_1015 : i1 to i32
    %sign3A_1017 = arith.constant 0 : i32
    %sign3A_1018 = arith.cmpi slt, %jit3A_1005, %sign3A_1017 : i32
    %sign3A_1019 = arith.extui %sign3A_1018 : i1 to i32
    %sign3A_1020 = arith.subi %sign3A_1016, %sign3A_1019 : i32
    %ne3A_1021 = arith.cmpi ne, %sign3A_1013, %sign3A_1020 : i32
    %rem3A_1022 = arith.remsi %add3A_1004, %jit3A_1005 : i32
    %ne3A_1023 = arith.constant 0 : i32
    %ne3A_1024 = arith.cmpi ne, %rem3A_1022, %ne3A_1023 : i32
    %and3A_1025 = arith.andi %ne3A_1021, %ne3A_1024 : i1
    %sub3A_1026 = arith.constant 1 : i32
    %sub3A_1027 = arith.subi %div3A_1006, %sub3A_1026 : i32
    %select_n3A_1028 = arith.select %and3A_1025, %sub3A_1027, %div3A_1006 : i32
    %mul3A_1029 = arith.constant 25 : i32
    %mul3A_1030 = arith.muli %select_n3A_1028, %mul3A_1029 : i32
    %sub3A_1031 = arith.subi %add3A_1004, %mul3A_1030 : i32
    %mul3A_1032 = arith.constant 40 : i32
    %mul3A_1033 = arith.muli %sub3A_1031, %mul3A_1032 : i32
    %lt3A_1034 = arith.constant 650 : i32
    %lt3A_1035 = arith.cmpi slt, %add3A_1004, %lt3A_1034 : i32
    %convert_element_type3A_1036 = arith.extui %lt3A_1035 : i1 to i32
    %cond3A_1037 = arith.constant 0 : i32
    %cond3A_1038 = arith.cmpi ne, %convert_element_type3A_1036, %cond3A_1037 : i32
    scf.if %cond3A_1038 {
      %dma_wait3A = arith.constant 0 : i32
      %dma_wait3A_1507 = arith.constant 0 : i32
      %dma_wait3A_1508 = arith.constant 0 : i32
      %dma_wait3A_1509 = tpu.memref_slice %arg4[%dma_wait3A, %dma_wait3A_1507, %dma_wait3A_1508] : memref<26x1000x1024xf32, #tpu.memory_space<hbm>> -> memref<1x40x1024xf32, #tpu.memory_space<hbm>>
      %dma_wait3A_1510 = arith.constant 0 : i32
      %dma_wait3A_1511 = arith.constant 0 : i32
      %dma_wait3A_1512 = arith.constant 0 : i32
      %dma_wait3A_1513 = tpu.memref_slice %arg4[%dma_wait3A_1510, %dma_wait3A_1511, %dma_wait3A_1512] : memref<26x1000x1024xf32, #tpu.memory_space<hbm>> -> memref<1x40x1024xf32, #tpu.memory_space<hbm>>
      tpu.wait_dma2 semaphore(%arg10 : memref<!tpu.dma_semaphore, #tpu.memory_space<semaphore_mem>>) src(%arg8 : memref<1x40x1024xf32, #tpu.memory_space<vmem>>) dst(%dma_wait3A_1513 : memref<1x40x1024xf32, #tpu.memory_space<hbm>>)
      "tpu.region"() ({
        %run_scoped3A = tpu.sem_alloc : memref<!tpu.dma_semaphore, #tpu.memory_space<semaphore_mem>>
        %dma_start3A = arith.constant 0 : i32
        %dma_start3A_1519 = tpu.memref_slice %arg2[%select_n3A_1028, %dma_start3A] : memref<26x1024xi32, #tpu.memory_space<hbm>> -> memref<1x1024xi32, #tpu.memory_space<hbm>>
        %dma_start3A_1520 = arith.constant 0 : i32
        %dma_start3A_1521 = tpu.memref_slice %arg2[%select_n3A_1028, %dma_start3A_1520] : memref<26x1024xi32, #tpu.memory_space<hbm>> -> memref<1x1024xi32, #tpu.memory_space<hbm>>
        tpu.enqueue_dma source(%dma_start3A_1521 : memref<1x1024xi32, #tpu.memory_space<hbm>>) target(%arg6 : memref<1x1024xi32, #tpu.memory_space<vmem>>) target_semaphore(%run_scoped3A : memref<!tpu.dma_semaphore, #tpu.memory_space<semaphore_mem>>)
        %dma_wait3A_1522 = arith.constant 0 : i32
        %dma_wait3A_1523 = tpu.memref_slice %arg2[%select_n3A_1028, %dma_wait3A_1522] : memref<26x1024xi32, #tpu.memory_space<hbm>> -> memref<1x1024xi32, #tpu.memory_space<hbm>>
        %dma_wait3A_1524 = arith.constant 0 : i32
        %dma_wait3A_1525 = tpu.memref_slice %arg2[%select_n3A_1028, %dma_wait3A_1524] : memref<26x1024xi32, #tpu.memory_space<hbm>> -> memref<1x1024xi32, #tpu.memory_space<hbm>>
        tpu.wait_dma2 semaphore(%run_scoped3A : memref<!tpu.dma_semaphore, #tpu.memory_space<semaphore_mem>>) src(%dma_wait3A_1525 : memref<1x1024xi32, #tpu.memory_space<hbm>>) dst(%arg6 : memref<1x1024xi32, #tpu.memory_space<vmem>>)
        tpu.yield
      }) : () -> ()
      %scan3A = arith.constant 0 : i32
      %scan3A_1514 = arith.constant 0 : i32
      %scan3A_1515 = arith.constant 64 : i32
      %scan3A_1516 = arith.addi %scan3A_1514, %scan3A_1515 : i32
      %scan3A_1517 = arith.constant 1 : i32
      scf.for %scan3A_1519 = %scan3A_1514 to %scan3A_1516 step %scan3A_1517  : i32 {
        %mul3A_1520 = arith.constant 16 : i32
        %mul3A_1521 = arith.muli %mul3A_1520, %scan3A_1519 : i32
        %get3A = arith.constant 0 : i32
        %get3A_1522 = arith.index_cast %get3A : i32 to index
        %get3A_1523 = arith.index_cast %mul3A_1521 : i32 to index
        %get3A_1524 = tpu.vector_load %arg6[%get3A_1522, %get3A_1523] {strides = array<i32>} : memref<1x1024xi32, #tpu.memory_space<vmem>>, vector<16xi32>,
        %mul3A_1525 = arith.constant 16 : i32
        %mul3A_1526 = arith.muli %mul3A_1525, %scan3A_1519 : i32
        %add3A_1527 = vector.broadcast %mul3A_1526 : i32 to vector<16xi32>
        %add3A_1528 = arith.addi %iota3A, %add3A_1527 : vector<16xi32>
        %ge3A = vector.broadcast %mul3A_1033 : i32 to vector<16xi32>
        %ge3A_1529 = arith.cmpi sge, %get3A_1524, %ge3A : vector<16xi32>
        %add3A_1530 = arith.constant 40 : i32
        %add3A_1531 = arith.addi %mul3A_1033, %add3A_1530 : i32
        %lt3A_1532 = vector.broadcast %add3A_1531 : i32 to vector<16xi32>
        %lt3A_1533 = arith.cmpi slt, %get3A_1524, %lt3A_1532 : vector<16xi32>
        %and3A_1534 = arith.andi %ge3A_1529, %lt3A_1533 : vector<16xi1>
        %sub3A_1535 = vector.broadcast %mul3A_1033 : i32 to vector<16xi32>
        %sub3A_1536 = arith.subi %get3A_1524, %sub3A_1535 : vector<16xi32>
        tpu.vector_store_idx %arg8[%broadcast_in_dim3A_5, %sub3A_1536, %add3A_1528], %broadcast_in_dim3A_3 masked %and3A_1534 : memref<1x40x1024xf32, #tpu.memory_space<vmem>>[vector<16xi32>, vector<16xi32>, vector<16xi32>], vector<16xf32>, vector<16xi1>
      }
      %scan3A_1518 = arith.constant 64 : i32
    } else {
    }
    %add3A_1039 = arith.constant 480 : i32
    %add3A_1040 = arith.addi %add3A, %add3A_1039 : i32
    %jit3A_1041 = arith.constant 25 : i32
    %div3A_1042 = arith.divsi %add3A_1040, %jit3A_1041 : i32
    %sign3A_1043 = arith.constant 0 : i32
    %sign3A_1044 = arith.cmpi sgt, %add3A_1040, %sign3A_1043 : i32
    %sign3A_1045 = arith.extui %sign3A_1044 : i1 to i32
    %sign3A_1046 = arith.constant 0 : i32
    %sign3A_1047 = arith.cmpi slt, %add3A_1040, %sign3A_1046 : i32
    %sign3A_1048 = arith.extui %sign3A_1047 : i1 to i32
    %sign3A_1049 = arith.subi %sign3A_1045, %sign3A_1048 : i32
    %sign3A_1050 = arith.constant 0 : i32
    %sign3A_1051 = arith.cmpi sgt, %jit3A_1041, %sign3A_1050 : i32
    %sign3A_1052 = arith.extui %sign3A_1051 : i1 to i32
    %sign3A_1053 = arith.constant 0 : i32
    %sign3A_1054 = arith.cmpi slt, %jit3A_1041, %sign3A_1053 : i32
    %sign3A_1055 = arith.extui %sign3A_1054 : i1 to i32
    %sign3A_1056 = arith.subi %sign3A_1052, %sign3A_1055 : i32
    %ne3A_1057 = arith.cmpi ne, %sign3A_1049, %sign3A_1056 : i32
    %rem3A_1058 = arith.remsi %add3A_1040, %jit3A_1041 : i32
    %ne3A_1059 = arith.constant 0 : i32
    %ne3A_1060 = arith.cmpi ne, %rem3A_1058, %ne3A_1059 : i32
    %and3A_1061 = arith.andi %ne3A_1057, %ne3A_1060 : i1
    %sub3A_1062 = arith.constant 1 : i32
    %sub3A_1063 = arith.subi %div3A_1042, %sub3A_1062 : i32
    %select_n3A_1064 = arith.select %and3A_1061, %sub3A_1063, %div3A_1042 : i32
    %mul3A_1065 = arith.constant 25 : i32
    %mul3A_1066 = arith.muli %select_n3A_1064, %mul3A_1065 : i32
    %sub3A_1067 = arith.subi %add3A_1040, %mul3A_1066 : i32
    %mul3A_1068 = arith.constant 40 : i32
    %mul3A_1069 = arith.muli %sub3A_1067, %mul3A_1068 : i32
    %lt3A_1070 = arith.constant 650 : i32
    %lt3A_1071 = arith.cmpi slt, %add3A_1040, %lt3A_1070 : i32
    %convert_element_type3A_1072 = arith.extui %lt3A_1071 : i1 to i32
    %cond3A_1073 = arith.constant 0 : i32
    %cond3A_1074 = arith.cmpi ne, %convert_element_type3A_1072, %cond3A_1073 : i32
    scf.if %cond3A_1074 {
      "tpu.region"() ({
        %run_scoped3A = tpu.sem_alloc : memref<!tpu.dma_semaphore, #tpu.memory_space<semaphore_mem>>
        %dma_start3A_1515 = arith.constant 0 : i32
        %dma_start3A_1516 = tpu.memref_slice %arg2[%select_n3A_1064, %dma_start3A_1515] : memref<26x1024xi32, #tpu.memory_space<hbm>> -> memref<1x1024xi32, #tpu.memory_space<hbm>>
        %dma_start3A_1517 = arith.constant 0 : i32
        %dma_start3A_1518 = tpu.memref_slice %arg2[%select_n3A_1064, %dma_start3A_1517] : memref<26x1024xi32, #tpu.memory_space<hbm>> -> memref<1x1024xi32, #tpu.memory_space<hbm>>
        tpu.enqueue_dma source(%dma_start3A_1518 : memref<1x1024xi32, #tpu.memory_space<hbm>>) target(%arg5 : memref<1x1024xi32, #tpu.memory_space<vmem>>) target_semaphore(%run_scoped3A : memref<!tpu.dma_semaphore, #tpu.memory_space<semaphore_mem>>)
        %dma_wait3A = arith.constant 0 : i32
        %dma_wait3A_1519 = tpu.memref_slice %arg2[%select_n3A_1064, %dma_wait3A] : memref<26x1024xi32, #tpu.memory_space<hbm>> -> memref<1x1024xi32, #tpu.memory_space<hbm>>
        %dma_wait3A_1520 = arith.constant 0 : i32
        %dma_wait3A_1521 = tpu.memref_slice %arg2[%select_n3A_1064, %dma_wait3A_1520] : memref<26x1024xi32, #tpu.memory_space<hbm>> -> memref<1x1024xi32, #tpu.memory_space<hbm>>
        tpu.wait_dma2 semaphore(%run_scoped3A : memref<!tpu.dma_semaphore, #tpu.memory_space<semaphore_mem>>) src(%dma_wait3A_1521 : memref<1x1024xi32, #tpu.memory_space<hbm>>) dst(%arg5 : memref<1x1024xi32, #tpu.memory_space<vmem>>)
        tpu.yield
      }) : () -> ()
      %scan3A = arith.constant 0 : i32
      %scan3A_1507 = arith.constant 0 : i32
      %scan3A_1508 = arith.constant 64 : i32
      %scan3A_1509 = arith.addi %scan3A_1507, %scan3A_1508 : i32
      %scan3A_1510 = arith.constant 1 : i32
      scf.for %scan3A_1515 = %scan3A_1507 to %scan3A_1509 step %scan3A_1510  : i32 {
        %mul3A_1516 = arith.constant 16 : i32
        %mul3A_1517 = arith.muli %mul3A_1516, %scan3A_1515 : i32
        %get3A = arith.constant 0 : i32
        %get3A_1518 = arith.index_cast %get3A : i32 to index
        %get3A_1519 = arith.index_cast %mul3A_1517 : i32 to index
        %get3A_1520 = tpu.vector_load %arg5[%get3A_1518, %get3A_1519] {strides = array<i32>} : memref<1x1024xi32, #tpu.memory_space<vmem>>, vector<16xi32>,
        %mul3A_1521 = arith.constant 16 : i32
        %mul3A_1522 = arith.muli %mul3A_1521, %scan3A_1515 : i32
        %add3A_1523 = vector.broadcast %mul3A_1522 : i32 to vector<16xi32>
        %add3A_1524 = arith.addi %iota3A, %add3A_1523 : vector<16xi32>
        %ge3A = vector.broadcast %mul3A_1069 : i32 to vector<16xi32>
        %ge3A_1525 = arith.cmpi sge, %get3A_1520, %ge3A : vector<16xi32>
        %add3A_1526 = arith.constant 40 : i32
        %add3A_1527 = arith.addi %mul3A_1069, %add3A_1526 : i32
        %lt3A_1528 = vector.broadcast %add3A_1527 : i32 to vector<16xi32>
        %lt3A_1529 = arith.cmpi slt, %get3A_1520, %lt3A_1528 : vector<16xi32>
        %and3A_1530 = arith.andi %ge3A_1525, %lt3A_1529 : vector<16xi1>
        %sub3A_1531 = vector.broadcast %mul3A_1069 : i32 to vector<16xi32>
        %sub3A_1532 = arith.subi %get3A_1520, %sub3A_1531 : vector<16xi32>
        tpu.vector_store_idx %arg8[%broadcast_in_dim3A_5, %sub3A_1532, %add3A_1524], %broadcast_in_dim3A_1 masked %and3A_1530 : memref<1x40x1024xf32, #tpu.memory_space<vmem>>[vector<16xi32>, vector<16xi32>, vector<16xi32>], vector<16xf32>, vector<16xi1>
      }
      %scan3A_1511 = arith.constant 64 : i32
      %dma_start3A = arith.constant 0 : i32
      %dma_start3A_1512 = tpu.memref_slice %arg4[%select_n3A_1064, %mul3A_1069, %dma_start3A] : memref<26x1000x1024xf32, #tpu.memory_space<hbm>> -> memref<1x40x1024xf32, #tpu.memory_space<hbm>>
      %dma_start3A_1513 = arith.constant 0 : i32
      %dma_start3A_1514 = tpu.memref_slice %arg4[%select_n3A_1064, %mul3A_1069, %dma_start3A_1513] : memref<26x1000x1024xf32, #tpu.memory_space<hbm>> -> memref<1x40x1024xf32, #tpu.memory_space<hbm>>
      tpu.enqueue_dma source(%arg8 : memref<1x40x1024xf32, #tpu.memory_space<vmem>>) target(%dma_start3A_1514 : memref<1x40x1024xf32, #tpu.memory_space<hbm>>) target_semaphore(%arg10 : memref<!tpu.dma_semaphore, #tpu.memory_space<semaphore_mem>>)
    } else {
    }
    %add3A_1075 = arith.constant 448 : i32
    %add3A_1076 = arith.addi %add3A, %add3A_1075 : i32
    %jit3A_1077 = arith.constant 25 : i32
    %div3A_1078 = arith.divsi %add3A_1076, %jit3A_1077 : i32
    %sign3A_1079 = arith.constant 0 : i32
    %sign3A_1080 = arith.cmpi sgt, %add3A_1076, %sign3A_1079 : i32
    %sign3A_1081 = arith.extui %sign3A_1080 : i1 to i32
    %sign3A_1082 = arith.constant 0 : i32
    %sign3A_1083 = arith.cmpi slt, %add3A_1076, %sign3A_1082 : i32
    %sign3A_1084 = arith.extui %sign3A_1083 : i1 to i32
    %sign3A_1085 = arith.subi %sign3A_1081, %sign3A_1084 : i32
    %sign3A_1086 = arith.constant 0 : i32
    %sign3A_1087 = arith.cmpi sgt, %jit3A_1077, %sign3A_1086 : i32
    %sign3A_1088 = arith.extui %sign3A_1087 : i1 to i32
    %sign3A_1089 = arith.constant 0 : i32
    %sign3A_1090 = arith.cmpi slt, %jit3A_1077, %sign3A_1089 : i32
    %sign3A_1091 = arith.extui %sign3A_1090 : i1 to i32
    %sign3A_1092 = arith.subi %sign3A_1088, %sign3A_1091 : i32
    %ne3A_1093 = arith.cmpi ne, %sign3A_1085, %sign3A_1092 : i32
    %rem3A_1094 = arith.remsi %add3A_1076, %jit3A_1077 : i32
    %ne3A_1095 = arith.constant 0 : i32
    %ne3A_1096 = arith.cmpi ne, %rem3A_1094, %ne3A_1095 : i32
    %and3A_1097 = arith.andi %ne3A_1093, %ne3A_1096 : i1
    %sub3A_1098 = arith.constant 1 : i32
    %sub3A_1099 = arith.subi %div3A_1078, %sub3A_1098 : i32
    %select_n3A_1100 = arith.select %and3A_1097, %sub3A_1099, %div3A_1078 : i32
    %mul3A_1101 = arith.constant 25 : i32
    %mul3A_1102 = arith.muli %select_n3A_1100, %mul3A_1101 : i32
    %sub3A_1103 = arith.subi %add3A_1076, %mul3A_1102 : i32
    %mul3A_1104 = arith.constant 40 : i32
    %mul3A_1105 = arith.muli %sub3A_1103, %mul3A_1104 : i32
    %lt3A_1106 = arith.constant 650 : i32
    %lt3A_1107 = arith.cmpi slt, %add3A_1076, %lt3A_1106 : i32
    %convert_element_type3A_1108 = arith.extui %lt3A_1107 : i1 to i32
    %cond3A_1109 = arith.constant 0 : i32
    %cond3A_1110 = arith.cmpi ne, %convert_element_type3A_1108, %cond3A_1109 : i32
    scf.if %cond3A_1110 {
      %dma_wait3A = arith.constant 0 : i32
      %dma_wait3A_1507 = arith.constant 0 : i32
      %dma_wait3A_1508 = arith.constant 0 : i32
      %dma_wait3A_1509 = tpu.memref_slice %arg4[%dma_wait3A, %dma_wait3A_1507, %dma_wait3A_1508] : memref<26x1000x1024xf32, #tpu.memory_space<hbm>> -> memref<1x40x1024xf32, #tpu.memory_space<hbm>>
      %dma_wait3A_1510 = arith.constant 0 : i32
      %dma_wait3A_1511 = arith.constant 0 : i32
      %dma_wait3A_1512 = arith.constant 0 : i32
      %dma_wait3A_1513 = tpu.memref_slice %arg4[%dma_wait3A_1510, %dma_wait3A_1511, %dma_wait3A_1512] : memref<26x1000x1024xf32, #tpu.memory_space<hbm>> -> memref<1x40x1024xf32, #tpu.memory_space<hbm>>
      tpu.wait_dma2 semaphore(%arg9 : memref<!tpu.dma_semaphore, #tpu.memory_space<semaphore_mem>>) src(%arg7 : memref<1x40x1024xf32, #tpu.memory_space<vmem>>) dst(%dma_wait3A_1513 : memref<1x40x1024xf32, #tpu.memory_space<hbm>>)
      "tpu.region"() ({
        %run_scoped3A = tpu.sem_alloc : memref<!tpu.dma_semaphore, #tpu.memory_space<semaphore_mem>>
        %dma_start3A = arith.constant 0 : i32
        %dma_start3A_1519 = tpu.memref_slice %arg2[%select_n3A_1100, %dma_start3A] : memref<26x1024xi32, #tpu.memory_space<hbm>> -> memref<1x1024xi32, #tpu.memory_space<hbm>>
        %dma_start3A_1520 = arith.constant 0 : i32
        %dma_start3A_1521 = tpu.memref_slice %arg2[%select_n3A_1100, %dma_start3A_1520] : memref<26x1024xi32, #tpu.memory_space<hbm>> -> memref<1x1024xi32, #tpu.memory_space<hbm>>
        tpu.enqueue_dma source(%dma_start3A_1521 : memref<1x1024xi32, #tpu.memory_space<hbm>>) target(%arg6 : memref<1x1024xi32, #tpu.memory_space<vmem>>) target_semaphore(%run_scoped3A : memref<!tpu.dma_semaphore, #tpu.memory_space<semaphore_mem>>)
        %dma_wait3A_1522 = arith.constant 0 : i32
        %dma_wait3A_1523 = tpu.memref_slice %arg2[%select_n3A_1100, %dma_wait3A_1522] : memref<26x1024xi32, #tpu.memory_space<hbm>> -> memref<1x1024xi32, #tpu.memory_space<hbm>>
        %dma_wait3A_1524 = arith.constant 0 : i32
        %dma_wait3A_1525 = tpu.memref_slice %arg2[%select_n3A_1100, %dma_wait3A_1524] : memref<26x1024xi32, #tpu.memory_space<hbm>> -> memref<1x1024xi32, #tpu.memory_space<hbm>>
        tpu.wait_dma2 semaphore(%run_scoped3A : memref<!tpu.dma_semaphore, #tpu.memory_space<semaphore_mem>>) src(%dma_wait3A_1525 : memref<1x1024xi32, #tpu.memory_space<hbm>>) dst(%arg6 : memref<1x1024xi32, #tpu.memory_space<vmem>>)
        tpu.yield
      }) : () -> ()
      %scan3A = arith.constant 0 : i32
      %scan3A_1514 = arith.constant 0 : i32
      %scan3A_1515 = arith.constant 64 : i32
      %scan3A_1516 = arith.addi %scan3A_1514, %scan3A_1515 : i32
      %scan3A_1517 = arith.constant 1 : i32
      scf.for %scan3A_1519 = %scan3A_1514 to %scan3A_1516 step %scan3A_1517  : i32 {
        %mul3A_1520 = arith.constant 16 : i32
        %mul3A_1521 = arith.muli %mul3A_1520, %scan3A_1519 : i32
        %get3A = arith.constant 0 : i32
        %get3A_1522 = arith.index_cast %get3A : i32 to index
        %get3A_1523 = arith.index_cast %mul3A_1521 : i32 to index
        %get3A_1524 = tpu.vector_load %arg6[%get3A_1522, %get3A_1523] {strides = array<i32>} : memref<1x1024xi32, #tpu.memory_space<vmem>>, vector<16xi32>,
        %mul3A_1525 = arith.constant 16 : i32
        %mul3A_1526 = arith.muli %mul3A_1525, %scan3A_1519 : i32
        %add3A_1527 = vector.broadcast %mul3A_1526 : i32 to vector<16xi32>
        %add3A_1528 = arith.addi %iota3A, %add3A_1527 : vector<16xi32>
        %ge3A = vector.broadcast %mul3A_1105 : i32 to vector<16xi32>
        %ge3A_1529 = arith.cmpi sge, %get3A_1524, %ge3A : vector<16xi32>
        %add3A_1530 = arith.constant 40 : i32
        %add3A_1531 = arith.addi %mul3A_1105, %add3A_1530 : i32
        %lt3A_1532 = vector.broadcast %add3A_1531 : i32 to vector<16xi32>
        %lt3A_1533 = arith.cmpi slt, %get3A_1524, %lt3A_1532 : vector<16xi32>
        %and3A_1534 = arith.andi %ge3A_1529, %lt3A_1533 : vector<16xi1>
        %sub3A_1535 = vector.broadcast %mul3A_1105 : i32 to vector<16xi32>
        %sub3A_1536 = arith.subi %get3A_1524, %sub3A_1535 : vector<16xi32>
        tpu.vector_store_idx %arg7[%broadcast_in_dim3A_5, %sub3A_1536, %add3A_1528], %broadcast_in_dim3A_3 masked %and3A_1534 : memref<1x40x1024xf32, #tpu.memory_space<vmem>>[vector<16xi32>, vector<16xi32>, vector<16xi32>], vector<16xf32>, vector<16xi1>
      }
      %scan3A_1518 = arith.constant 64 : i32
    } else {
    }
    %add3A_1111 = arith.constant 512 : i32
    %add3A_1112 = arith.addi %add3A, %add3A_1111 : i32
    %jit3A_1113 = arith.constant 25 : i32
    %div3A_1114 = arith.divsi %add3A_1112, %jit3A_1113 : i32
    %sign3A_1115 = arith.constant 0 : i32
    %sign3A_1116 = arith.cmpi sgt, %add3A_1112, %sign3A_1115 : i32
    %sign3A_1117 = arith.extui %sign3A_1116 : i1 to i32
    %sign3A_1118 = arith.constant 0 : i32
    %sign3A_1119 = arith.cmpi slt, %add3A_1112, %sign3A_1118 : i32
    %sign3A_1120 = arith.extui %sign3A_1119 : i1 to i32
    %sign3A_1121 = arith.subi %sign3A_1117, %sign3A_1120 : i32
    %sign3A_1122 = arith.constant 0 : i32
    %sign3A_1123 = arith.cmpi sgt, %jit3A_1113, %sign3A_1122 : i32
    %sign3A_1124 = arith.extui %sign3A_1123 : i1 to i32
    %sign3A_1125 = arith.constant 0 : i32
    %sign3A_1126 = arith.cmpi slt, %jit3A_1113, %sign3A_1125 : i32
    %sign3A_1127 = arith.extui %sign3A_1126 : i1 to i32
    %sign3A_1128 = arith.subi %sign3A_1124, %sign3A_1127 : i32
    %ne3A_1129 = arith.cmpi ne, %sign3A_1121, %sign3A_1128 : i32
    %rem3A_1130 = arith.remsi %add3A_1112, %jit3A_1113 : i32
    %ne3A_1131 = arith.constant 0 : i32
    %ne3A_1132 = arith.cmpi ne, %rem3A_1130, %ne3A_1131 : i32
    %and3A_1133 = arith.andi %ne3A_1129, %ne3A_1132 : i1
    %sub3A_1134 = arith.constant 1 : i32
    %sub3A_1135 = arith.subi %div3A_1114, %sub3A_1134 : i32
    %select_n3A_1136 = arith.select %and3A_1133, %sub3A_1135, %div3A_1114 : i32
    %mul3A_1137 = arith.constant 25 : i32
    %mul3A_1138 = arith.muli %select_n3A_1136, %mul3A_1137 : i32
    %sub3A_1139 = arith.subi %add3A_1112, %mul3A_1138 : i32
    %mul3A_1140 = arith.constant 40 : i32
    %mul3A_1141 = arith.muli %sub3A_1139, %mul3A_1140 : i32
    %lt3A_1142 = arith.constant 650 : i32
    %lt3A_1143 = arith.cmpi slt, %add3A_1112, %lt3A_1142 : i32
    %convert_element_type3A_1144 = arith.extui %lt3A_1143 : i1 to i32
    %cond3A_1145 = arith.constant 0 : i32
    %cond3A_1146 = arith.cmpi ne, %convert_element_type3A_1144, %cond3A_1145 : i32
    scf.if %cond3A_1146 {
      "tpu.region"() ({
        %run_scoped3A = tpu.sem_alloc : memref<!tpu.dma_semaphore, #tpu.memory_space<semaphore_mem>>
        %dma_start3A_1515 = arith.constant 0 : i32
        %dma_start3A_1516 = tpu.memref_slice %arg2[%select_n3A_1136, %dma_start3A_1515] : memref<26x1024xi32, #tpu.memory_space<hbm>> -> memref<1x1024xi32, #tpu.memory_space<hbm>>
        %dma_start3A_1517 = arith.constant 0 : i32
        %dma_start3A_1518 = tpu.memref_slice %arg2[%select_n3A_1136, %dma_start3A_1517] : memref<26x1024xi32, #tpu.memory_space<hbm>> -> memref<1x1024xi32, #tpu.memory_space<hbm>>
        tpu.enqueue_dma source(%dma_start3A_1518 : memref<1x1024xi32, #tpu.memory_space<hbm>>) target(%arg5 : memref<1x1024xi32, #tpu.memory_space<vmem>>) target_semaphore(%run_scoped3A : memref<!tpu.dma_semaphore, #tpu.memory_space<semaphore_mem>>)
        %dma_wait3A = arith.constant 0 : i32
        %dma_wait3A_1519 = tpu.memref_slice %arg2[%select_n3A_1136, %dma_wait3A] : memref<26x1024xi32, #tpu.memory_space<hbm>> -> memref<1x1024xi32, #tpu.memory_space<hbm>>
        %dma_wait3A_1520 = arith.constant 0 : i32
        %dma_wait3A_1521 = tpu.memref_slice %arg2[%select_n3A_1136, %dma_wait3A_1520] : memref<26x1024xi32, #tpu.memory_space<hbm>> -> memref<1x1024xi32, #tpu.memory_space<hbm>>
        tpu.wait_dma2 semaphore(%run_scoped3A : memref<!tpu.dma_semaphore, #tpu.memory_space<semaphore_mem>>) src(%dma_wait3A_1521 : memref<1x1024xi32, #tpu.memory_space<hbm>>) dst(%arg5 : memref<1x1024xi32, #tpu.memory_space<vmem>>)
        tpu.yield
      }) : () -> ()
      %scan3A = arith.constant 0 : i32
      %scan3A_1507 = arith.constant 0 : i32
      %scan3A_1508 = arith.constant 64 : i32
      %scan3A_1509 = arith.addi %scan3A_1507, %scan3A_1508 : i32
      %scan3A_1510 = arith.constant 1 : i32
      scf.for %scan3A_1515 = %scan3A_1507 to %scan3A_1509 step %scan3A_1510  : i32 {
        %mul3A_1516 = arith.constant 16 : i32
        %mul3A_1517 = arith.muli %mul3A_1516, %scan3A_1515 : i32
        %get3A = arith.constant 0 : i32
        %get3A_1518 = arith.index_cast %get3A : i32 to index
        %get3A_1519 = arith.index_cast %mul3A_1517 : i32 to index
        %get3A_1520 = tpu.vector_load %arg5[%get3A_1518, %get3A_1519] {strides = array<i32>} : memref<1x1024xi32, #tpu.memory_space<vmem>>, vector<16xi32>,
        %mul3A_1521 = arith.constant 16 : i32
        %mul3A_1522 = arith.muli %mul3A_1521, %scan3A_1515 : i32
        %add3A_1523 = vector.broadcast %mul3A_1522 : i32 to vector<16xi32>
        %add3A_1524 = arith.addi %iota3A, %add3A_1523 : vector<16xi32>
        %ge3A = vector.broadcast %mul3A_1141 : i32 to vector<16xi32>
        %ge3A_1525 = arith.cmpi sge, %get3A_1520, %ge3A : vector<16xi32>
        %add3A_1526 = arith.constant 40 : i32
        %add3A_1527 = arith.addi %mul3A_1141, %add3A_1526 : i32
        %lt3A_1528 = vector.broadcast %add3A_1527 : i32 to vector<16xi32>
        %lt3A_1529 = arith.cmpi slt, %get3A_1520, %lt3A_1528 : vector<16xi32>
        %and3A_1530 = arith.andi %ge3A_1525, %lt3A_1529 : vector<16xi1>
        %sub3A_1531 = vector.broadcast %mul3A_1141 : i32 to vector<16xi32>
        %sub3A_1532 = arith.subi %get3A_1520, %sub3A_1531 : vector<16xi32>
        tpu.vector_store_idx %arg7[%broadcast_in_dim3A_5, %sub3A_1532, %add3A_1524], %broadcast_in_dim3A_1 masked %and3A_1530 : memref<1x40x1024xf32, #tpu.memory_space<vmem>>[vector<16xi32>, vector<16xi32>, vector<16xi32>], vector<16xf32>, vector<16xi1>
      }
      %scan3A_1511 = arith.constant 64 : i32
      %dma_start3A = arith.constant 0 : i32
      %dma_start3A_1512 = tpu.memref_slice %arg4[%select_n3A_1136, %mul3A_1141, %dma_start3A] : memref<26x1000x1024xf32, #tpu.memory_space<hbm>> -> memref<1x40x1024xf32, #tpu.memory_space<hbm>>
      %dma_start3A_1513 = arith.constant 0 : i32
      %dma_start3A_1514 = tpu.memref_slice %arg4[%select_n3A_1136, %mul3A_1141, %dma_start3A_1513] : memref<26x1000x1024xf32, #tpu.memory_space<hbm>> -> memref<1x40x1024xf32, #tpu.memory_space<hbm>>
      tpu.enqueue_dma source(%arg7 : memref<1x40x1024xf32, #tpu.memory_space<vmem>>) target(%dma_start3A_1514 : memref<1x40x1024xf32, #tpu.memory_space<hbm>>) target_semaphore(%arg9 : memref<!tpu.dma_semaphore, #tpu.memory_space<semaphore_mem>>)
    } else {
    }
    %add3A_1147 = arith.constant 480 : i32
    %add3A_1148 = arith.addi %add3A, %add3A_1147 : i32
    %jit3A_1149 = arith.constant 25 : i32
    %div3A_1150 = arith.divsi %add3A_1148, %jit3A_1149 : i32
    %sign3A_1151 = arith.constant 0 : i32
    %sign3A_1152 = arith.cmpi sgt, %add3A_1148, %sign3A_1151 : i32
    %sign3A_1153 = arith.extui %sign3A_1152 : i1 to i32
    %sign3A_1154 = arith.constant 0 : i32
    %sign3A_1155 = arith.cmpi slt, %add3A_1148, %sign3A_1154 : i32
    %sign3A_1156 = arith.extui %sign3A_1155 : i1 to i32
    %sign3A_1157 = arith.subi %sign3A_1153, %sign3A_1156 : i32
    %sign3A_1158 = arith.constant 0 : i32
    %sign3A_1159 = arith.cmpi sgt, %jit3A_1149, %sign3A_1158 : i32
    %sign3A_1160 = arith.extui %sign3A_1159 : i1 to i32
    %sign3A_1161 = arith.constant 0 : i32
    %sign3A_1162 = arith.cmpi slt, %jit3A_1149, %sign3A_1161 : i32
    %sign3A_1163 = arith.extui %sign3A_1162 : i1 to i32
    %sign3A_1164 = arith.subi %sign3A_1160, %sign3A_1163 : i32
    %ne3A_1165 = arith.cmpi ne, %sign3A_1157, %sign3A_1164 : i32
    %rem3A_1166 = arith.remsi %add3A_1148, %jit3A_1149 : i32
    %ne3A_1167 = arith.constant 0 : i32
    %ne3A_1168 = arith.cmpi ne, %rem3A_1166, %ne3A_1167 : i32
    %and3A_1169 = arith.andi %ne3A_1165, %ne3A_1168 : i1
    %sub3A_1170 = arith.constant 1 : i32
    %sub3A_1171 = arith.subi %div3A_1150, %sub3A_1170 : i32
    %select_n3A_1172 = arith.select %and3A_1169, %sub3A_1171, %div3A_1150 : i32
    %mul3A_1173 = arith.constant 25 : i32
    %mul3A_1174 = arith.muli %select_n3A_1172, %mul3A_1173 : i32
    %sub3A_1175 = arith.subi %add3A_1148, %mul3A_1174 : i32
    %mul3A_1176 = arith.constant 40 : i32
    %mul3A_1177 = arith.muli %sub3A_1175, %mul3A_1176 : i32
    %lt3A_1178 = arith.constant 650 : i32
    %lt3A_1179 = arith.cmpi slt, %add3A_1148, %lt3A_1178 : i32
    %convert_element_type3A_1180 = arith.extui %lt3A_1179 : i1 to i32
    %cond3A_1181 = arith.constant 0 : i32
    %cond3A_1182 = arith.cmpi ne, %convert_element_type3A_1180, %cond3A_1181 : i32
    scf.if %cond3A_1182 {
      %dma_wait3A = arith.constant 0 : i32
      %dma_wait3A_1507 = arith.constant 0 : i32
      %dma_wait3A_1508 = arith.constant 0 : i32
      %dma_wait3A_1509 = tpu.memref_slice %arg4[%dma_wait3A, %dma_wait3A_1507, %dma_wait3A_1508] : memref<26x1000x1024xf32, #tpu.memory_space<hbm>> -> memref<1x40x1024xf32, #tpu.memory_space<hbm>>
      %dma_wait3A_1510 = arith.constant 0 : i32
      %dma_wait3A_1511 = arith.constant 0 : i32
      %dma_wait3A_1512 = arith.constant 0 : i32
      %dma_wait3A_1513 = tpu.memref_slice %arg4[%dma_wait3A_1510, %dma_wait3A_1511, %dma_wait3A_1512] : memref<26x1000x1024xf32, #tpu.memory_space<hbm>> -> memref<1x40x1024xf32, #tpu.memory_space<hbm>>
      tpu.wait_dma2 semaphore(%arg10 : memref<!tpu.dma_semaphore, #tpu.memory_space<semaphore_mem>>) src(%arg8 : memref<1x40x1024xf32, #tpu.memory_space<vmem>>) dst(%dma_wait3A_1513 : memref<1x40x1024xf32, #tpu.memory_space<hbm>>)
      "tpu.region"() ({
        %run_scoped3A = tpu.sem_alloc : memref<!tpu.dma_semaphore, #tpu.memory_space<semaphore_mem>>
        %dma_start3A = arith.constant 0 : i32
        %dma_start3A_1519 = tpu.memref_slice %arg2[%select_n3A_1172, %dma_start3A] : memref<26x1024xi32, #tpu.memory_space<hbm>> -> memref<1x1024xi32, #tpu.memory_space<hbm>>
        %dma_start3A_1520 = arith.constant 0 : i32
        %dma_start3A_1521 = tpu.memref_slice %arg2[%select_n3A_1172, %dma_start3A_1520] : memref<26x1024xi32, #tpu.memory_space<hbm>> -> memref<1x1024xi32, #tpu.memory_space<hbm>>
        tpu.enqueue_dma source(%dma_start3A_1521 : memref<1x1024xi32, #tpu.memory_space<hbm>>) target(%arg6 : memref<1x1024xi32, #tpu.memory_space<vmem>>) target_semaphore(%run_scoped3A : memref<!tpu.dma_semaphore, #tpu.memory_space<semaphore_mem>>)
        %dma_wait3A_1522 = arith.constant 0 : i32
        %dma_wait3A_1523 = tpu.memref_slice %arg2[%select_n3A_1172, %dma_wait3A_1522] : memref<26x1024xi32, #tpu.memory_space<hbm>> -> memref<1x1024xi32, #tpu.memory_space<hbm>>
        %dma_wait3A_1524 = arith.constant 0 : i32
        %dma_wait3A_1525 = tpu.memref_slice %arg2[%select_n3A_1172, %dma_wait3A_1524] : memref<26x1024xi32, #tpu.memory_space<hbm>> -> memref<1x1024xi32, #tpu.memory_space<hbm>>
        tpu.wait_dma2 semaphore(%run_scoped3A : memref<!tpu.dma_semaphore, #tpu.memory_space<semaphore_mem>>) src(%dma_wait3A_1525 : memref<1x1024xi32, #tpu.memory_space<hbm>>) dst(%arg6 : memref<1x1024xi32, #tpu.memory_space<vmem>>)
        tpu.yield
      }) : () -> ()
      %scan3A = arith.constant 0 : i32
      %scan3A_1514 = arith.constant 0 : i32
      %scan3A_1515 = arith.constant 64 : i32
      %scan3A_1516 = arith.addi %scan3A_1514, %scan3A_1515 : i32
      %scan3A_1517 = arith.constant 1 : i32
      scf.for %scan3A_1519 = %scan3A_1514 to %scan3A_1516 step %scan3A_1517  : i32 {
        %mul3A_1520 = arith.constant 16 : i32
        %mul3A_1521 = arith.muli %mul3A_1520, %scan3A_1519 : i32
        %get3A = arith.constant 0 : i32
        %get3A_1522 = arith.index_cast %get3A : i32 to index
        %get3A_1523 = arith.index_cast %mul3A_1521 : i32 to index
        %get3A_1524 = tpu.vector_load %arg6[%get3A_1522, %get3A_1523] {strides = array<i32>} : memref<1x1024xi32, #tpu.memory_space<vmem>>, vector<16xi32>,
        %mul3A_1525 = arith.constant 16 : i32
        %mul3A_1526 = arith.muli %mul3A_1525, %scan3A_1519 : i32
        %add3A_1527 = vector.broadcast %mul3A_1526 : i32 to vector<16xi32>
        %add3A_1528 = arith.addi %iota3A, %add3A_1527 : vector<16xi32>
        %ge3A = vector.broadcast %mul3A_1177 : i32 to vector<16xi32>
        %ge3A_1529 = arith.cmpi sge, %get3A_1524, %ge3A : vector<16xi32>
        %add3A_1530 = arith.constant 40 : i32
        %add3A_1531 = arith.addi %mul3A_1177, %add3A_1530 : i32
        %lt3A_1532 = vector.broadcast %add3A_1531 : i32 to vector<16xi32>
        %lt3A_1533 = arith.cmpi slt, %get3A_1524, %lt3A_1532 : vector<16xi32>
        %and3A_1534 = arith.andi %ge3A_1529, %lt3A_1533 : vector<16xi1>
        %sub3A_1535 = vector.broadcast %mul3A_1177 : i32 to vector<16xi32>
        %sub3A_1536 = arith.subi %get3A_1524, %sub3A_1535 : vector<16xi32>
        tpu.vector_store_idx %arg8[%broadcast_in_dim3A_5, %sub3A_1536, %add3A_1528], %broadcast_in_dim3A_3 masked %and3A_1534 : memref<1x40x1024xf32, #tpu.memory_space<vmem>>[vector<16xi32>, vector<16xi32>, vector<16xi32>], vector<16xf32>, vector<16xi1>
      }
      %scan3A_1518 = arith.constant 64 : i32
    } else {
    }
    %add3A_1183 = arith.constant 544 : i32
    %add3A_1184 = arith.addi %add3A, %add3A_1183 : i32
    %jit3A_1185 = arith.constant 25 : i32
    %div3A_1186 = arith.divsi %add3A_1184, %jit3A_1185 : i32
    %sign3A_1187 = arith.constant 0 : i32
    %sign3A_1188 = arith.cmpi sgt, %add3A_1184, %sign3A_1187 : i32
    %sign3A_1189 = arith.extui %sign3A_1188 : i1 to i32
    %sign3A_1190 = arith.constant 0 : i32
    %sign3A_1191 = arith.cmpi slt, %add3A_1184, %sign3A_1190 : i32
    %sign3A_1192 = arith.extui %sign3A_1191 : i1 to i32
    %sign3A_1193 = arith.subi %sign3A_1189, %sign3A_1192 : i32
    %sign3A_1194 = arith.constant 0 : i32
    %sign3A_1195 = arith.cmpi sgt, %jit3A_1185, %sign3A_1194 : i32
    %sign3A_1196 = arith.extui %sign3A_1195 : i1 to i32
    %sign3A_1197 = arith.constant 0 : i32
    %sign3A_1198 = arith.cmpi slt, %jit3A_1185, %sign3A_1197 : i32
    %sign3A_1199 = arith.extui %sign3A_1198 : i1 to i32
    %sign3A_1200 = arith.subi %sign3A_1196, %sign3A_1199 : i32
    %ne3A_1201 = arith.cmpi ne, %sign3A_1193, %sign3A_1200 : i32
    %rem3A_1202 = arith.remsi %add3A_1184, %jit3A_1185 : i32
    %ne3A_1203 = arith.constant 0 : i32
    %ne3A_1204 = arith.cmpi ne, %rem3A_1202, %ne3A_1203 : i32
    %and3A_1205 = arith.andi %ne3A_1201, %ne3A_1204 : i1
    %sub3A_1206 = arith.constant 1 : i32
    %sub3A_1207 = arith.subi %div3A_1186, %sub3A_1206 : i32
    %select_n3A_1208 = arith.select %and3A_1205, %sub3A_1207, %div3A_1186 : i32
    %mul3A_1209 = arith.constant 25 : i32
    %mul3A_1210 = arith.muli %select_n3A_1208, %mul3A_1209 : i32
    %sub3A_1211 = arith.subi %add3A_1184, %mul3A_1210 : i32
    %mul3A_1212 = arith.constant 40 : i32
    %mul3A_1213 = arith.muli %sub3A_1211, %mul3A_1212 : i32
    %lt3A_1214 = arith.constant 650 : i32
    %lt3A_1215 = arith.cmpi slt, %add3A_1184, %lt3A_1214 : i32
    %convert_element_type3A_1216 = arith.extui %lt3A_1215 : i1 to i32
    %cond3A_1217 = arith.constant 0 : i32
    %cond3A_1218 = arith.cmpi ne, %convert_element_type3A_1216, %cond3A_1217 : i32
    scf.if %cond3A_1218 {
      "tpu.region"() ({
        %run_scoped3A = tpu.sem_alloc : memref<!tpu.dma_semaphore, #tpu.memory_space<semaphore_mem>>
        %dma_start3A_1515 = arith.constant 0 : i32
        %dma_start3A_1516 = tpu.memref_slice %arg2[%select_n3A_1208, %dma_start3A_1515] : memref<26x1024xi32, #tpu.memory_space<hbm>> -> memref<1x1024xi32, #tpu.memory_space<hbm>>
        %dma_start3A_1517 = arith.constant 0 : i32
        %dma_start3A_1518 = tpu.memref_slice %arg2[%select_n3A_1208, %dma_start3A_1517] : memref<26x1024xi32, #tpu.memory_space<hbm>> -> memref<1x1024xi32, #tpu.memory_space<hbm>>
        tpu.enqueue_dma source(%dma_start3A_1518 : memref<1x1024xi32, #tpu.memory_space<hbm>>) target(%arg5 : memref<1x1024xi32, #tpu.memory_space<vmem>>) target_semaphore(%run_scoped3A : memref<!tpu.dma_semaphore, #tpu.memory_space<semaphore_mem>>)
        %dma_wait3A = arith.constant 0 : i32
        %dma_wait3A_1519 = tpu.memref_slice %arg2[%select_n3A_1208, %dma_wait3A] : memref<26x1024xi32, #tpu.memory_space<hbm>> -> memref<1x1024xi32, #tpu.memory_space<hbm>>
        %dma_wait3A_1520 = arith.constant 0 : i32
        %dma_wait3A_1521 = tpu.memref_slice %arg2[%select_n3A_1208, %dma_wait3A_1520] : memref<26x1024xi32, #tpu.memory_space<hbm>> -> memref<1x1024xi32, #tpu.memory_space<hbm>>
        tpu.wait_dma2 semaphore(%run_scoped3A : memref<!tpu.dma_semaphore, #tpu.memory_space<semaphore_mem>>) src(%dma_wait3A_1521 : memref<1x1024xi32, #tpu.memory_space<hbm>>) dst(%arg5 : memref<1x1024xi32, #tpu.memory_space<vmem>>)
        tpu.yield
      }) : () -> ()
      %scan3A = arith.constant 0 : i32
      %scan3A_1507 = arith.constant 0 : i32
      %scan3A_1508 = arith.constant 64 : i32
      %scan3A_1509 = arith.addi %scan3A_1507, %scan3A_1508 : i32
      %scan3A_1510 = arith.constant 1 : i32
      scf.for %scan3A_1515 = %scan3A_1507 to %scan3A_1509 step %scan3A_1510  : i32 {
        %mul3A_1516 = arith.constant 16 : i32
        %mul3A_1517 = arith.muli %mul3A_1516, %scan3A_1515 : i32
        %get3A = arith.constant 0 : i32
        %get3A_1518 = arith.index_cast %get3A : i32 to index
        %get3A_1519 = arith.index_cast %mul3A_1517 : i32 to index
        %get3A_1520 = tpu.vector_load %arg5[%get3A_1518, %get3A_1519] {strides = array<i32>} : memref<1x1024xi32, #tpu.memory_space<vmem>>, vector<16xi32>,
        %mul3A_1521 = arith.constant 16 : i32
        %mul3A_1522 = arith.muli %mul3A_1521, %scan3A_1515 : i32
        %add3A_1523 = vector.broadcast %mul3A_1522 : i32 to vector<16xi32>
        %add3A_1524 = arith.addi %iota3A, %add3A_1523 : vector<16xi32>
        %ge3A = vector.broadcast %mul3A_1213 : i32 to vector<16xi32>
        %ge3A_1525 = arith.cmpi sge, %get3A_1520, %ge3A : vector<16xi32>
        %add3A_1526 = arith.constant 40 : i32
        %add3A_1527 = arith.addi %mul3A_1213, %add3A_1526 : i32
        %lt3A_1528 = vector.broadcast %add3A_1527 : i32 to vector<16xi32>
        %lt3A_1529 = arith.cmpi slt, %get3A_1520, %lt3A_1528 : vector<16xi32>
        %and3A_1530 = arith.andi %ge3A_1525, %lt3A_1529 : vector<16xi1>
        %sub3A_1531 = vector.broadcast %mul3A_1213 : i32 to vector<16xi32>
        %sub3A_1532 = arith.subi %get3A_1520, %sub3A_1531 : vector<16xi32>
        tpu.vector_store_idx %arg8[%broadcast_in_dim3A_5, %sub3A_1532, %add3A_1524], %broadcast_in_dim3A_1 masked %and3A_1530 : memref<1x40x1024xf32, #tpu.memory_space<vmem>>[vector<16xi32>, vector<16xi32>, vector<16xi32>], vector<16xf32>, vector<16xi1>
      }
      %scan3A_1511 = arith.constant 64 : i32
      %dma_start3A = arith.constant 0 : i32
      %dma_start3A_1512 = tpu.memref_slice %arg4[%select_n3A_1208, %mul3A_1213, %dma_start3A] : memref<26x1000x1024xf32, #tpu.memory_space<hbm>> -> memref<1x40x1024xf32, #tpu.memory_space<hbm>>
      %dma_start3A_1513 = arith.constant 0 : i32
      %dma_start3A_1514 = tpu.memref_slice %arg4[%select_n3A_1208, %mul3A_1213, %dma_start3A_1513] : memref<26x1000x1024xf32, #tpu.memory_space<hbm>> -> memref<1x40x1024xf32, #tpu.memory_space<hbm>>
      tpu.enqueue_dma source(%arg8 : memref<1x40x1024xf32, #tpu.memory_space<vmem>>) target(%dma_start3A_1514 : memref<1x40x1024xf32, #tpu.memory_space<hbm>>) target_semaphore(%arg10 : memref<!tpu.dma_semaphore, #tpu.memory_space<semaphore_mem>>)
    } else {
    }
    %add3A_1219 = arith.constant 512 : i32
    %add3A_1220 = arith.addi %add3A, %add3A_1219 : i32
    %jit3A_1221 = arith.constant 25 : i32
    %div3A_1222 = arith.divsi %add3A_1220, %jit3A_1221 : i32
    %sign3A_1223 = arith.constant 0 : i32
    %sign3A_1224 = arith.cmpi sgt, %add3A_1220, %sign3A_1223 : i32
    %sign3A_1225 = arith.extui %sign3A_1224 : i1 to i32
    %sign3A_1226 = arith.constant 0 : i32
    %sign3A_1227 = arith.cmpi slt, %add3A_1220, %sign3A_1226 : i32
    %sign3A_1228 = arith.extui %sign3A_1227 : i1 to i32
    %sign3A_1229 = arith.subi %sign3A_1225, %sign3A_1228 : i32
    %sign3A_1230 = arith.constant 0 : i32
    %sign3A_1231 = arith.cmpi sgt, %jit3A_1221, %sign3A_1230 : i32
    %sign3A_1232 = arith.extui %sign3A_1231 : i1 to i32
    %sign3A_1233 = arith.constant 0 : i32
    %sign3A_1234 = arith.cmpi slt, %jit3A_1221, %sign3A_1233 : i32
    %sign3A_1235 = arith.extui %sign3A_1234 : i1 to i32
    %sign3A_1236 = arith.subi %sign3A_1232, %sign3A_1235 : i32
    %ne3A_1237 = arith.cmpi ne, %sign3A_1229, %sign3A_1236 : i32
    %rem3A_1238 = arith.remsi %add3A_1220, %jit3A_1221 : i32
    %ne3A_1239 = arith.constant 0 : i32
    %ne3A_1240 = arith.cmpi ne, %rem3A_1238, %ne3A_1239 : i32
    %and3A_1241 = arith.andi %ne3A_1237, %ne3A_1240 : i1
    %sub3A_1242 = arith.constant 1 : i32
    %sub3A_1243 = arith.subi %div3A_1222, %sub3A_1242 : i32
    %select_n3A_1244 = arith.select %and3A_1241, %sub3A_1243, %div3A_1222 : i32
    %mul3A_1245 = arith.constant 25 : i32
    %mul3A_1246 = arith.muli %select_n3A_1244, %mul3A_1245 : i32
    %sub3A_1247 = arith.subi %add3A_1220, %mul3A_1246 : i32
    %mul3A_1248 = arith.constant 40 : i32
    %mul3A_1249 = arith.muli %sub3A_1247, %mul3A_1248 : i32
    %lt3A_1250 = arith.constant 650 : i32
    %lt3A_1251 = arith.cmpi slt, %add3A_1220, %lt3A_1250 : i32
    %convert_element_type3A_1252 = arith.extui %lt3A_1251 : i1 to i32
    %cond3A_1253 = arith.constant 0 : i32
    %cond3A_1254 = arith.cmpi ne, %convert_element_type3A_1252, %cond3A_1253 : i32
    scf.if %cond3A_1254 {
      %dma_wait3A = arith.constant 0 : i32
      %dma_wait3A_1507 = arith.constant 0 : i32
      %dma_wait3A_1508 = arith.constant 0 : i32
      %dma_wait3A_1509 = tpu.memref_slice %arg4[%dma_wait3A, %dma_wait3A_1507, %dma_wait3A_1508] : memref<26x1000x1024xf32, #tpu.memory_space<hbm>> -> memref<1x40x1024xf32, #tpu.memory_space<hbm>>
      %dma_wait3A_1510 = arith.constant 0 : i32
      %dma_wait3A_1511 = arith.constant 0 : i32
      %dma_wait3A_1512 = arith.constant 0 : i32
      %dma_wait3A_1513 = tpu.memref_slice %arg4[%dma_wait3A_1510, %dma_wait3A_1511, %dma_wait3A_1512] : memref<26x1000x1024xf32, #tpu.memory_space<hbm>> -> memref<1x40x1024xf32, #tpu.memory_space<hbm>>
      tpu.wait_dma2 semaphore(%arg9 : memref<!tpu.dma_semaphore, #tpu.memory_space<semaphore_mem>>) src(%arg7 : memref<1x40x1024xf32, #tpu.memory_space<vmem>>) dst(%dma_wait3A_1513 : memref<1x40x1024xf32, #tpu.memory_space<hbm>>)
      "tpu.region"() ({
        %run_scoped3A = tpu.sem_alloc : memref<!tpu.dma_semaphore, #tpu.memory_space<semaphore_mem>>
        %dma_start3A = arith.constant 0 : i32
        %dma_start3A_1519 = tpu.memref_slice %arg2[%select_n3A_1244, %dma_start3A] : memref<26x1024xi32, #tpu.memory_space<hbm>> -> memref<1x1024xi32, #tpu.memory_space<hbm>>
        %dma_start3A_1520 = arith.constant 0 : i32
        %dma_start3A_1521 = tpu.memref_slice %arg2[%select_n3A_1244, %dma_start3A_1520] : memref<26x1024xi32, #tpu.memory_space<hbm>> -> memref<1x1024xi32, #tpu.memory_space<hbm>>
        tpu.enqueue_dma source(%dma_start3A_1521 : memref<1x1024xi32, #tpu.memory_space<hbm>>) target(%arg6 : memref<1x1024xi32, #tpu.memory_space<vmem>>) target_semaphore(%run_scoped3A : memref<!tpu.dma_semaphore, #tpu.memory_space<semaphore_mem>>)
        %dma_wait3A_1522 = arith.constant 0 : i32
        %dma_wait3A_1523 = tpu.memref_slice %arg2[%select_n3A_1244, %dma_wait3A_1522] : memref<26x1024xi32, #tpu.memory_space<hbm>> -> memref<1x1024xi32, #tpu.memory_space<hbm>>
        %dma_wait3A_1524 = arith.constant 0 : i32
        %dma_wait3A_1525 = tpu.memref_slice %arg2[%select_n3A_1244, %dma_wait3A_1524] : memref<26x1024xi32, #tpu.memory_space<hbm>> -> memref<1x1024xi32, #tpu.memory_space<hbm>>
        tpu.wait_dma2 semaphore(%run_scoped3A : memref<!tpu.dma_semaphore, #tpu.memory_space<semaphore_mem>>) src(%dma_wait3A_1525 : memref<1x1024xi32, #tpu.memory_space<hbm>>) dst(%arg6 : memref<1x1024xi32, #tpu.memory_space<vmem>>)
        tpu.yield
      }) : () -> ()
      %scan3A = arith.constant 0 : i32
      %scan3A_1514 = arith.constant 0 : i32
      %scan3A_1515 = arith.constant 64 : i32
      %scan3A_1516 = arith.addi %scan3A_1514, %scan3A_1515 : i32
      %scan3A_1517 = arith.constant 1 : i32
      scf.for %scan3A_1519 = %scan3A_1514 to %scan3A_1516 step %scan3A_1517  : i32 {
        %mul3A_1520 = arith.constant 16 : i32
        %mul3A_1521 = arith.muli %mul3A_1520, %scan3A_1519 : i32
        %get3A = arith.constant 0 : i32
        %get3A_1522 = arith.index_cast %get3A : i32 to index
        %get3A_1523 = arith.index_cast %mul3A_1521 : i32 to index
        %get3A_1524 = tpu.vector_load %arg6[%get3A_1522, %get3A_1523] {strides = array<i32>} : memref<1x1024xi32, #tpu.memory_space<vmem>>, vector<16xi32>,
        %mul3A_1525 = arith.constant 16 : i32
        %mul3A_1526 = arith.muli %mul3A_1525, %scan3A_1519 : i32
        %add3A_1527 = vector.broadcast %mul3A_1526 : i32 to vector<16xi32>
        %add3A_1528 = arith.addi %iota3A, %add3A_1527 : vector<16xi32>
        %ge3A = vector.broadcast %mul3A_1249 : i32 to vector<16xi32>
        %ge3A_1529 = arith.cmpi sge, %get3A_1524, %ge3A : vector<16xi32>
        %add3A_1530 = arith.constant 40 : i32
        %add3A_1531 = arith.addi %mul3A_1249, %add3A_1530 : i32
        %lt3A_1532 = vector.broadcast %add3A_1531 : i32 to vector<16xi32>
        %lt3A_1533 = arith.cmpi slt, %get3A_1524, %lt3A_1532 : vector<16xi32>
        %and3A_1534 = arith.andi %ge3A_1529, %lt3A_1533 : vector<16xi1>
        %sub3A_1535 = vector.broadcast %mul3A_1249 : i32 to vector<16xi32>
        %sub3A_1536 = arith.subi %get3A_1524, %sub3A_1535 : vector<16xi32>
        tpu.vector_store_idx %arg7[%broadcast_in_dim3A_5, %sub3A_1536, %add3A_1528], %broadcast_in_dim3A_3 masked %and3A_1534 : memref<1x40x1024xf32, #tpu.memory_space<vmem>>[vector<16xi32>, vector<16xi32>, vector<16xi32>], vector<16xf32>, vector<16xi1>
      }
      %scan3A_1518 = arith.constant 64 : i32
    } else {
    }
    %add3A_1255 = arith.constant 576 : i32
    %add3A_1256 = arith.addi %add3A, %add3A_1255 : i32
    %jit3A_1257 = arith.constant 25 : i32
    %div3A_1258 = arith.divsi %add3A_1256, %jit3A_1257 : i32
    %sign3A_1259 = arith.constant 0 : i32
    %sign3A_1260 = arith.cmpi sgt, %add3A_1256, %sign3A_1259 : i32
    %sign3A_1261 = arith.extui %sign3A_1260 : i1 to i32
    %sign3A_1262 = arith.constant 0 : i32
    %sign3A_1263 = arith.cmpi slt, %add3A_1256, %sign3A_1262 : i32
    %sign3A_1264 = arith.extui %sign3A_1263 : i1 to i32
    %sign3A_1265 = arith.subi %sign3A_1261, %sign3A_1264 : i32
    %sign3A_1266 = arith.constant 0 : i32
    %sign3A_1267 = arith.cmpi sgt, %jit3A_1257, %sign3A_1266 : i32
    %sign3A_1268 = arith.extui %sign3A_1267 : i1 to i32
    %sign3A_1269 = arith.constant 0 : i32
    %sign3A_1270 = arith.cmpi slt, %jit3A_1257, %sign3A_1269 : i32
    %sign3A_1271 = arith.extui %sign3A_1270 : i1 to i32
    %sign3A_1272 = arith.subi %sign3A_1268, %sign3A_1271 : i32
    %ne3A_1273 = arith.cmpi ne, %sign3A_1265, %sign3A_1272 : i32
    %rem3A_1274 = arith.remsi %add3A_1256, %jit3A_1257 : i32
    %ne3A_1275 = arith.constant 0 : i32
    %ne3A_1276 = arith.cmpi ne, %rem3A_1274, %ne3A_1275 : i32
    %and3A_1277 = arith.andi %ne3A_1273, %ne3A_1276 : i1
    %sub3A_1278 = arith.constant 1 : i32
    %sub3A_1279 = arith.subi %div3A_1258, %sub3A_1278 : i32
    %select_n3A_1280 = arith.select %and3A_1277, %sub3A_1279, %div3A_1258 : i32
    %mul3A_1281 = arith.constant 25 : i32
    %mul3A_1282 = arith.muli %select_n3A_1280, %mul3A_1281 : i32
    %sub3A_1283 = arith.subi %add3A_1256, %mul3A_1282 : i32
    %mul3A_1284 = arith.constant 40 : i32
    %mul3A_1285 = arith.muli %sub3A_1283, %mul3A_1284 : i32
    %lt3A_1286 = arith.constant 650 : i32
    %lt3A_1287 = arith.cmpi slt, %add3A_1256, %lt3A_1286 : i32
    %convert_element_type3A_1288 = arith.extui %lt3A_1287 : i1 to i32
    %cond3A_1289 = arith.constant 0 : i32
    %cond3A_1290 = arith.cmpi ne, %convert_element_type3A_1288, %cond3A_1289 : i32
    scf.if %cond3A_1290 {
      "tpu.region"() ({
        %run_scoped3A = tpu.sem_alloc : memref<!tpu.dma_semaphore, #tpu.memory_space<semaphore_mem>>
        %dma_start3A_1515 = arith.constant 0 : i32
        %dma_start3A_1516 = tpu.memref_slice %arg2[%select_n3A_1280, %dma_start3A_1515] : memref<26x1024xi32, #tpu.memory_space<hbm>> -> memref<1x1024xi32, #tpu.memory_space<hbm>>
        %dma_start3A_1517 = arith.constant 0 : i32
        %dma_start3A_1518 = tpu.memref_slice %arg2[%select_n3A_1280, %dma_start3A_1517] : memref<26x1024xi32, #tpu.memory_space<hbm>> -> memref<1x1024xi32, #tpu.memory_space<hbm>>
        tpu.enqueue_dma source(%dma_start3A_1518 : memref<1x1024xi32, #tpu.memory_space<hbm>>) target(%arg5 : memref<1x1024xi32, #tpu.memory_space<vmem>>) target_semaphore(%run_scoped3A : memref<!tpu.dma_semaphore, #tpu.memory_space<semaphore_mem>>)
        %dma_wait3A = arith.constant 0 : i32
        %dma_wait3A_1519 = tpu.memref_slice %arg2[%select_n3A_1280, %dma_wait3A] : memref<26x1024xi32, #tpu.memory_space<hbm>> -> memref<1x1024xi32, #tpu.memory_space<hbm>>
        %dma_wait3A_1520 = arith.constant 0 : i32
        %dma_wait3A_1521 = tpu.memref_slice %arg2[%select_n3A_1280, %dma_wait3A_1520] : memref<26x1024xi32, #tpu.memory_space<hbm>> -> memref<1x1024xi32, #tpu.memory_space<hbm>>
        tpu.wait_dma2 semaphore(%run_scoped3A : memref<!tpu.dma_semaphore, #tpu.memory_space<semaphore_mem>>) src(%dma_wait3A_1521 : memref<1x1024xi32, #tpu.memory_space<hbm>>) dst(%arg5 : memref<1x1024xi32, #tpu.memory_space<vmem>>)
        tpu.yield
      }) : () -> ()
      %scan3A = arith.constant 0 : i32
      %scan3A_1507 = arith.constant 0 : i32
      %scan3A_1508 = arith.constant 64 : i32
      %scan3A_1509 = arith.addi %scan3A_1507, %scan3A_1508 : i32
      %scan3A_1510 = arith.constant 1 : i32
      scf.for %scan3A_1515 = %scan3A_1507 to %scan3A_1509 step %scan3A_1510  : i32 {
        %mul3A_1516 = arith.constant 16 : i32
        %mul3A_1517 = arith.muli %mul3A_1516, %scan3A_1515 : i32
        %get3A = arith.constant 0 : i32
        %get3A_1518 = arith.index_cast %get3A : i32 to index
        %get3A_1519 = arith.index_cast %mul3A_1517 : i32 to index
        %get3A_1520 = tpu.vector_load %arg5[%get3A_1518, %get3A_1519] {strides = array<i32>} : memref<1x1024xi32, #tpu.memory_space<vmem>>, vector<16xi32>,
        %mul3A_1521 = arith.constant 16 : i32
        %mul3A_1522 = arith.muli %mul3A_1521, %scan3A_1515 : i32
        %add3A_1523 = vector.broadcast %mul3A_1522 : i32 to vector<16xi32>
        %add3A_1524 = arith.addi %iota3A, %add3A_1523 : vector<16xi32>
        %ge3A = vector.broadcast %mul3A_1285 : i32 to vector<16xi32>
        %ge3A_1525 = arith.cmpi sge, %get3A_1520, %ge3A : vector<16xi32>
        %add3A_1526 = arith.constant 40 : i32
        %add3A_1527 = arith.addi %mul3A_1285, %add3A_1526 : i32
        %lt3A_1528 = vector.broadcast %add3A_1527 : i32 to vector<16xi32>
        %lt3A_1529 = arith.cmpi slt, %get3A_1520, %lt3A_1528 : vector<16xi32>
        %and3A_1530 = arith.andi %ge3A_1525, %lt3A_1529 : vector<16xi1>
        %sub3A_1531 = vector.broadcast %mul3A_1285 : i32 to vector<16xi32>
        %sub3A_1532 = arith.subi %get3A_1520, %sub3A_1531 : vector<16xi32>
        tpu.vector_store_idx %arg7[%broadcast_in_dim3A_5, %sub3A_1532, %add3A_1524], %broadcast_in_dim3A_1 masked %and3A_1530 : memref<1x40x1024xf32, #tpu.memory_space<vmem>>[vector<16xi32>, vector<16xi32>, vector<16xi32>], vector<16xf32>, vector<16xi1>
      }
      %scan3A_1511 = arith.constant 64 : i32
      %dma_start3A = arith.constant 0 : i32
      %dma_start3A_1512 = tpu.memref_slice %arg4[%select_n3A_1280, %mul3A_1285, %dma_start3A] : memref<26x1000x1024xf32, #tpu.memory_space<hbm>> -> memref<1x40x1024xf32, #tpu.memory_space<hbm>>
      %dma_start3A_1513 = arith.constant 0 : i32
      %dma_start3A_1514 = tpu.memref_slice %arg4[%select_n3A_1280, %mul3A_1285, %dma_start3A_1513] : memref<26x1000x1024xf32, #tpu.memory_space<hbm>> -> memref<1x40x1024xf32, #tpu.memory_space<hbm>>
      tpu.enqueue_dma source(%arg7 : memref<1x40x1024xf32, #tpu.memory_space<vmem>>) target(%dma_start3A_1514 : memref<1x40x1024xf32, #tpu.memory_space<hbm>>) target_semaphore(%arg9 : memref<!tpu.dma_semaphore, #tpu.memory_space<semaphore_mem>>)
    } else {
    }
    %add3A_1291 = arith.constant 544 : i32
    %add3A_1292 = arith.addi %add3A, %add3A_1291 : i32
    %jit3A_1293 = arith.constant 25 : i32
    %div3A_1294 = arith.divsi %add3A_1292, %jit3A_1293 : i32
    %sign3A_1295 = arith.constant 0 : i32
    %sign3A_1296 = arith.cmpi sgt, %add3A_1292, %sign3A_1295 : i32
    %sign3A_1297 = arith.extui %sign3A_1296 : i1 to i32
    %sign3A_1298 = arith.constant 0 : i32
    %sign3A_1299 = arith.cmpi slt, %add3A_1292, %sign3A_1298 : i32
    %sign3A_1300 = arith.extui %sign3A_1299 : i1 to i32
    %sign3A_1301 = arith.subi %sign3A_1297, %sign3A_1300 : i32
    %sign3A_1302 = arith.constant 0 : i32
    %sign3A_1303 = arith.cmpi sgt, %jit3A_1293, %sign3A_1302 : i32
    %sign3A_1304 = arith.extui %sign3A_1303 : i1 to i32
    %sign3A_1305 = arith.constant 0 : i32
    %sign3A_1306 = arith.cmpi slt, %jit3A_1293, %sign3A_1305 : i32
    %sign3A_1307 = arith.extui %sign3A_1306 : i1 to i32
    %sign3A_1308 = arith.subi %sign3A_1304, %sign3A_1307 : i32
    %ne3A_1309 = arith.cmpi ne, %sign3A_1301, %sign3A_1308 : i32
    %rem3A_1310 = arith.remsi %add3A_1292, %jit3A_1293 : i32
    %ne3A_1311 = arith.constant 0 : i32
    %ne3A_1312 = arith.cmpi ne, %rem3A_1310, %ne3A_1311 : i32
    %and3A_1313 = arith.andi %ne3A_1309, %ne3A_1312 : i1
    %sub3A_1314 = arith.constant 1 : i32
    %sub3A_1315 = arith.subi %div3A_1294, %sub3A_1314 : i32
    %select_n3A_1316 = arith.select %and3A_1313, %sub3A_1315, %div3A_1294 : i32
    %mul3A_1317 = arith.constant 25 : i32
    %mul3A_1318 = arith.muli %select_n3A_1316, %mul3A_1317 : i32
    %sub3A_1319 = arith.subi %add3A_1292, %mul3A_1318 : i32
    %mul3A_1320 = arith.constant 40 : i32
    %mul3A_1321 = arith.muli %sub3A_1319, %mul3A_1320 : i32
    %lt3A_1322 = arith.constant 650 : i32
    %lt3A_1323 = arith.cmpi slt, %add3A_1292, %lt3A_1322 : i32
    %convert_element_type3A_1324 = arith.extui %lt3A_1323 : i1 to i32
    %cond3A_1325 = arith.constant 0 : i32
    %cond3A_1326 = arith.cmpi ne, %convert_element_type3A_1324, %cond3A_1325 : i32
    scf.if %cond3A_1326 {
      %dma_wait3A = arith.constant 0 : i32
      %dma_wait3A_1507 = arith.constant 0 : i32
      %dma_wait3A_1508 = arith.constant 0 : i32
      %dma_wait3A_1509 = tpu.memref_slice %arg4[%dma_wait3A, %dma_wait3A_1507, %dma_wait3A_1508] : memref<26x1000x1024xf32, #tpu.memory_space<hbm>> -> memref<1x40x1024xf32, #tpu.memory_space<hbm>>
      %dma_wait3A_1510 = arith.constant 0 : i32
      %dma_wait3A_1511 = arith.constant 0 : i32
      %dma_wait3A_1512 = arith.constant 0 : i32
      %dma_wait3A_1513 = tpu.memref_slice %arg4[%dma_wait3A_1510, %dma_wait3A_1511, %dma_wait3A_1512] : memref<26x1000x1024xf32, #tpu.memory_space<hbm>> -> memref<1x40x1024xf32, #tpu.memory_space<hbm>>
      tpu.wait_dma2 semaphore(%arg10 : memref<!tpu.dma_semaphore, #tpu.memory_space<semaphore_mem>>) src(%arg8 : memref<1x40x1024xf32, #tpu.memory_space<vmem>>) dst(%dma_wait3A_1513 : memref<1x40x1024xf32, #tpu.memory_space<hbm>>)
      "tpu.region"() ({
        %run_scoped3A = tpu.sem_alloc : memref<!tpu.dma_semaphore, #tpu.memory_space<semaphore_mem>>
        %dma_start3A = arith.constant 0 : i32
        %dma_start3A_1519 = tpu.memref_slice %arg2[%select_n3A_1316, %dma_start3A] : memref<26x1024xi32, #tpu.memory_space<hbm>> -> memref<1x1024xi32, #tpu.memory_space<hbm>>
        %dma_start3A_1520 = arith.constant 0 : i32
        %dma_start3A_1521 = tpu.memref_slice %arg2[%select_n3A_1316, %dma_start3A_1520] : memref<26x1024xi32, #tpu.memory_space<hbm>> -> memref<1x1024xi32, #tpu.memory_space<hbm>>
        tpu.enqueue_dma source(%dma_start3A_1521 : memref<1x1024xi32, #tpu.memory_space<hbm>>) target(%arg6 : memref<1x1024xi32, #tpu.memory_space<vmem>>) target_semaphore(%run_scoped3A : memref<!tpu.dma_semaphore, #tpu.memory_space<semaphore_mem>>)
        %dma_wait3A_1522 = arith.constant 0 : i32
        %dma_wait3A_1523 = tpu.memref_slice %arg2[%select_n3A_1316, %dma_wait3A_1522] : memref<26x1024xi32, #tpu.memory_space<hbm>> -> memref<1x1024xi32, #tpu.memory_space<hbm>>
        %dma_wait3A_1524 = arith.constant 0 : i32
        %dma_wait3A_1525 = tpu.memref_slice %arg2[%select_n3A_1316, %dma_wait3A_1524] : memref<26x1024xi32, #tpu.memory_space<hbm>> -> memref<1x1024xi32, #tpu.memory_space<hbm>>
        tpu.wait_dma2 semaphore(%run_scoped3A : memref<!tpu.dma_semaphore, #tpu.memory_space<semaphore_mem>>) src(%dma_wait3A_1525 : memref<1x1024xi32, #tpu.memory_space<hbm>>) dst(%arg6 : memref<1x1024xi32, #tpu.memory_space<vmem>>)
        tpu.yield
      }) : () -> ()
      %scan3A = arith.constant 0 : i32
      %scan3A_1514 = arith.constant 0 : i32
      %scan3A_1515 = arith.constant 64 : i32
      %scan3A_1516 = arith.addi %scan3A_1514, %scan3A_1515 : i32
      %scan3A_1517 = arith.constant 1 : i32
      scf.for %scan3A_1519 = %scan3A_1514 to %scan3A_1516 step %scan3A_1517  : i32 {
        %mul3A_1520 = arith.constant 16 : i32
        %mul3A_1521 = arith.muli %mul3A_1520, %scan3A_1519 : i32
        %get3A = arith.constant 0 : i32
        %get3A_1522 = arith.index_cast %get3A : i32 to index
        %get3A_1523 = arith.index_cast %mul3A_1521 : i32 to index
        %get3A_1524 = tpu.vector_load %arg6[%get3A_1522, %get3A_1523] {strides = array<i32>} : memref<1x1024xi32, #tpu.memory_space<vmem>>, vector<16xi32>,
        %mul3A_1525 = arith.constant 16 : i32
        %mul3A_1526 = arith.muli %mul3A_1525, %scan3A_1519 : i32
        %add3A_1527 = vector.broadcast %mul3A_1526 : i32 to vector<16xi32>
        %add3A_1528 = arith.addi %iota3A, %add3A_1527 : vector<16xi32>
        %ge3A = vector.broadcast %mul3A_1321 : i32 to vector<16xi32>
        %ge3A_1529 = arith.cmpi sge, %get3A_1524, %ge3A : vector<16xi32>
        %add3A_1530 = arith.constant 40 : i32
        %add3A_1531 = arith.addi %mul3A_1321, %add3A_1530 : i32
        %lt3A_1532 = vector.broadcast %add3A_1531 : i32 to vector<16xi32>
        %lt3A_1533 = arith.cmpi slt, %get3A_1524, %lt3A_1532 : vector<16xi32>
        %and3A_1534 = arith.andi %ge3A_1529, %lt3A_1533 : vector<16xi1>
        %sub3A_1535 = vector.broadcast %mul3A_1321 : i32 to vector<16xi32>
        %sub3A_1536 = arith.subi %get3A_1524, %sub3A_1535 : vector<16xi32>
        tpu.vector_store_idx %arg8[%broadcast_in_dim3A_5, %sub3A_1536, %add3A_1528], %broadcast_in_dim3A_3 masked %and3A_1534 : memref<1x40x1024xf32, #tpu.memory_space<vmem>>[vector<16xi32>, vector<16xi32>, vector<16xi32>], vector<16xf32>, vector<16xi1>
      }
      %scan3A_1518 = arith.constant 64 : i32
    } else {
    }
    %add3A_1327 = arith.constant 608 : i32
    %add3A_1328 = arith.addi %add3A, %add3A_1327 : i32
    %jit3A_1329 = arith.constant 25 : i32
    %div3A_1330 = arith.divsi %add3A_1328, %jit3A_1329 : i32
    %sign3A_1331 = arith.constant 0 : i32
    %sign3A_1332 = arith.cmpi sgt, %add3A_1328, %sign3A_1331 : i32
    %sign3A_1333 = arith.extui %sign3A_1332 : i1 to i32
    %sign3A_1334 = arith.constant 0 : i32
    %sign3A_1335 = arith.cmpi slt, %add3A_1328, %sign3A_1334 : i32
    %sign3A_1336 = arith.extui %sign3A_1335 : i1 to i32
    %sign3A_1337 = arith.subi %sign3A_1333, %sign3A_1336 : i32
    %sign3A_1338 = arith.constant 0 : i32
    %sign3A_1339 = arith.cmpi sgt, %jit3A_1329, %sign3A_1338 : i32
    %sign3A_1340 = arith.extui %sign3A_1339 : i1 to i32
    %sign3A_1341 = arith.constant 0 : i32
    %sign3A_1342 = arith.cmpi slt, %jit3A_1329, %sign3A_1341 : i32
    %sign3A_1343 = arith.extui %sign3A_1342 : i1 to i32
    %sign3A_1344 = arith.subi %sign3A_1340, %sign3A_1343 : i32
    %ne3A_1345 = arith.cmpi ne, %sign3A_1337, %sign3A_1344 : i32
    %rem3A_1346 = arith.remsi %add3A_1328, %jit3A_1329 : i32
    %ne3A_1347 = arith.constant 0 : i32
    %ne3A_1348 = arith.cmpi ne, %rem3A_1346, %ne3A_1347 : i32
    %and3A_1349 = arith.andi %ne3A_1345, %ne3A_1348 : i1
    %sub3A_1350 = arith.constant 1 : i32
    %sub3A_1351 = arith.subi %div3A_1330, %sub3A_1350 : i32
    %select_n3A_1352 = arith.select %and3A_1349, %sub3A_1351, %div3A_1330 : i32
    %mul3A_1353 = arith.constant 25 : i32
    %mul3A_1354 = arith.muli %select_n3A_1352, %mul3A_1353 : i32
    %sub3A_1355 = arith.subi %add3A_1328, %mul3A_1354 : i32
    %mul3A_1356 = arith.constant 40 : i32
    %mul3A_1357 = arith.muli %sub3A_1355, %mul3A_1356 : i32
    %lt3A_1358 = arith.constant 650 : i32
    %lt3A_1359 = arith.cmpi slt, %add3A_1328, %lt3A_1358 : i32
    %convert_element_type3A_1360 = arith.extui %lt3A_1359 : i1 to i32
    %cond3A_1361 = arith.constant 0 : i32
    %cond3A_1362 = arith.cmpi ne, %convert_element_type3A_1360, %cond3A_1361 : i32
    scf.if %cond3A_1362 {
      "tpu.region"() ({
        %run_scoped3A = tpu.sem_alloc : memref<!tpu.dma_semaphore, #tpu.memory_space<semaphore_mem>>
        %dma_start3A_1515 = arith.constant 0 : i32
        %dma_start3A_1516 = tpu.memref_slice %arg2[%select_n3A_1352, %dma_start3A_1515] : memref<26x1024xi32, #tpu.memory_space<hbm>> -> memref<1x1024xi32, #tpu.memory_space<hbm>>
        %dma_start3A_1517 = arith.constant 0 : i32
        %dma_start3A_1518 = tpu.memref_slice %arg2[%select_n3A_1352, %dma_start3A_1517] : memref<26x1024xi32, #tpu.memory_space<hbm>> -> memref<1x1024xi32, #tpu.memory_space<hbm>>
        tpu.enqueue_dma source(%dma_start3A_1518 : memref<1x1024xi32, #tpu.memory_space<hbm>>) target(%arg5 : memref<1x1024xi32, #tpu.memory_space<vmem>>) target_semaphore(%run_scoped3A : memref<!tpu.dma_semaphore, #tpu.memory_space<semaphore_mem>>)
        %dma_wait3A = arith.constant 0 : i32
        %dma_wait3A_1519 = tpu.memref_slice %arg2[%select_n3A_1352, %dma_wait3A] : memref<26x1024xi32, #tpu.memory_space<hbm>> -> memref<1x1024xi32, #tpu.memory_space<hbm>>
        %dma_wait3A_1520 = arith.constant 0 : i32
        %dma_wait3A_1521 = tpu.memref_slice %arg2[%select_n3A_1352, %dma_wait3A_1520] : memref<26x1024xi32, #tpu.memory_space<hbm>> -> memref<1x1024xi32, #tpu.memory_space<hbm>>
        tpu.wait_dma2 semaphore(%run_scoped3A : memref<!tpu.dma_semaphore, #tpu.memory_space<semaphore_mem>>) src(%dma_wait3A_1521 : memref<1x1024xi32, #tpu.memory_space<hbm>>) dst(%arg5 : memref<1x1024xi32, #tpu.memory_space<vmem>>)
        tpu.yield
      }) : () -> ()
      %scan3A = arith.constant 0 : i32
      %scan3A_1507 = arith.constant 0 : i32
      %scan3A_1508 = arith.constant 64 : i32
      %scan3A_1509 = arith.addi %scan3A_1507, %scan3A_1508 : i32
      %scan3A_1510 = arith.constant 1 : i32
      scf.for %scan3A_1515 = %scan3A_1507 to %scan3A_1509 step %scan3A_1510  : i32 {
        %mul3A_1516 = arith.constant 16 : i32
        %mul3A_1517 = arith.muli %mul3A_1516, %scan3A_1515 : i32
        %get3A = arith.constant 0 : i32
        %get3A_1518 = arith.index_cast %get3A : i32 to index
        %get3A_1519 = arith.index_cast %mul3A_1517 : i32 to index
        %get3A_1520 = tpu.vector_load %arg5[%get3A_1518, %get3A_1519] {strides = array<i32>} : memref<1x1024xi32, #tpu.memory_space<vmem>>, vector<16xi32>,
        %mul3A_1521 = arith.constant 16 : i32
        %mul3A_1522 = arith.muli %mul3A_1521, %scan3A_1515 : i32
        %add3A_1523 = vector.broadcast %mul3A_1522 : i32 to vector<16xi32>
        %add3A_1524 = arith.addi %iota3A, %add3A_1523 : vector<16xi32>
        %ge3A = vector.broadcast %mul3A_1357 : i32 to vector<16xi32>
        %ge3A_1525 = arith.cmpi sge, %get3A_1520, %ge3A : vector<16xi32>
        %add3A_1526 = arith.constant 40 : i32
        %add3A_1527 = arith.addi %mul3A_1357, %add3A_1526 : i32
        %lt3A_1528 = vector.broadcast %add3A_1527 : i32 to vector<16xi32>
        %lt3A_1529 = arith.cmpi slt, %get3A_1520, %lt3A_1528 : vector<16xi32>
        %and3A_1530 = arith.andi %ge3A_1525, %lt3A_1529 : vector<16xi1>
        %sub3A_1531 = vector.broadcast %mul3A_1357 : i32 to vector<16xi32>
        %sub3A_1532 = arith.subi %get3A_1520, %sub3A_1531 : vector<16xi32>
        tpu.vector_store_idx %arg8[%broadcast_in_dim3A_5, %sub3A_1532, %add3A_1524], %broadcast_in_dim3A_1 masked %and3A_1530 : memref<1x40x1024xf32, #tpu.memory_space<vmem>>[vector<16xi32>, vector<16xi32>, vector<16xi32>], vector<16xf32>, vector<16xi1>
      }
      %scan3A_1511 = arith.constant 64 : i32
      %dma_start3A = arith.constant 0 : i32
      %dma_start3A_1512 = tpu.memref_slice %arg4[%select_n3A_1352, %mul3A_1357, %dma_start3A] : memref<26x1000x1024xf32, #tpu.memory_space<hbm>> -> memref<1x40x1024xf32, #tpu.memory_space<hbm>>
      %dma_start3A_1513 = arith.constant 0 : i32
      %dma_start3A_1514 = tpu.memref_slice %arg4[%select_n3A_1352, %mul3A_1357, %dma_start3A_1513] : memref<26x1000x1024xf32, #tpu.memory_space<hbm>> -> memref<1x40x1024xf32, #tpu.memory_space<hbm>>
      tpu.enqueue_dma source(%arg8 : memref<1x40x1024xf32, #tpu.memory_space<vmem>>) target(%dma_start3A_1514 : memref<1x40x1024xf32, #tpu.memory_space<hbm>>) target_semaphore(%arg10 : memref<!tpu.dma_semaphore, #tpu.memory_space<semaphore_mem>>)
    } else {
    }
    %add3A_1363 = arith.constant 576 : i32
    %add3A_1364 = arith.addi %add3A, %add3A_1363 : i32
    %jit3A_1365 = arith.constant 25 : i32
    %div3A_1366 = arith.divsi %add3A_1364, %jit3A_1365 : i32
    %sign3A_1367 = arith.constant 0 : i32
    %sign3A_1368 = arith.cmpi sgt, %add3A_1364, %sign3A_1367 : i32
    %sign3A_1369 = arith.extui %sign3A_1368 : i1 to i32
    %sign3A_1370 = arith.constant 0 : i32
    %sign3A_1371 = arith.cmpi slt, %add3A_1364, %sign3A_1370 : i32
    %sign3A_1372 = arith.extui %sign3A_1371 : i1 to i32
    %sign3A_1373 = arith.subi %sign3A_1369, %sign3A_1372 : i32
    %sign3A_1374 = arith.constant 0 : i32
    %sign3A_1375 = arith.cmpi sgt, %jit3A_1365, %sign3A_1374 : i32
    %sign3A_1376 = arith.extui %sign3A_1375 : i1 to i32
    %sign3A_1377 = arith.constant 0 : i32
    %sign3A_1378 = arith.cmpi slt, %jit3A_1365, %sign3A_1377 : i32
    %sign3A_1379 = arith.extui %sign3A_1378 : i1 to i32
    %sign3A_1380 = arith.subi %sign3A_1376, %sign3A_1379 : i32
    %ne3A_1381 = arith.cmpi ne, %sign3A_1373, %sign3A_1380 : i32
    %rem3A_1382 = arith.remsi %add3A_1364, %jit3A_1365 : i32
    %ne3A_1383 = arith.constant 0 : i32
    %ne3A_1384 = arith.cmpi ne, %rem3A_1382, %ne3A_1383 : i32
    %and3A_1385 = arith.andi %ne3A_1381, %ne3A_1384 : i1
    %sub3A_1386 = arith.constant 1 : i32
    %sub3A_1387 = arith.subi %div3A_1366, %sub3A_1386 : i32
    %select_n3A_1388 = arith.select %and3A_1385, %sub3A_1387, %div3A_1366 : i32
    %mul3A_1389 = arith.constant 25 : i32
    %mul3A_1390 = arith.muli %select_n3A_1388, %mul3A_1389 : i32
    %sub3A_1391 = arith.subi %add3A_1364, %mul3A_1390 : i32
    %mul3A_1392 = arith.constant 40 : i32
    %mul3A_1393 = arith.muli %sub3A_1391, %mul3A_1392 : i32
    %lt3A_1394 = arith.constant 650 : i32
    %lt3A_1395 = arith.cmpi slt, %add3A_1364, %lt3A_1394 : i32
    %convert_element_type3A_1396 = arith.extui %lt3A_1395 : i1 to i32
    %cond3A_1397 = arith.constant 0 : i32
    %cond3A_1398 = arith.cmpi ne, %convert_element_type3A_1396, %cond3A_1397 : i32
    scf.if %cond3A_1398 {
      %dma_wait3A = arith.constant 0 : i32
      %dma_wait3A_1507 = arith.constant 0 : i32
      %dma_wait3A_1508 = arith.constant 0 : i32
      %dma_wait3A_1509 = tpu.memref_slice %arg4[%dma_wait3A, %dma_wait3A_1507, %dma_wait3A_1508] : memref<26x1000x1024xf32, #tpu.memory_space<hbm>> -> memref<1x40x1024xf32, #tpu.memory_space<hbm>>
      %dma_wait3A_1510 = arith.constant 0 : i32
      %dma_wait3A_1511 = arith.constant 0 : i32
      %dma_wait3A_1512 = arith.constant 0 : i32
      %dma_wait3A_1513 = tpu.memref_slice %arg4[%dma_wait3A_1510, %dma_wait3A_1511, %dma_wait3A_1512] : memref<26x1000x1024xf32, #tpu.memory_space<hbm>> -> memref<1x40x1024xf32, #tpu.memory_space<hbm>>
      tpu.wait_dma2 semaphore(%arg9 : memref<!tpu.dma_semaphore, #tpu.memory_space<semaphore_mem>>) src(%arg7 : memref<1x40x1024xf32, #tpu.memory_space<vmem>>) dst(%dma_wait3A_1513 : memref<1x40x1024xf32, #tpu.memory_space<hbm>>)
      "tpu.region"() ({
        %run_scoped3A = tpu.sem_alloc : memref<!tpu.dma_semaphore, #tpu.memory_space<semaphore_mem>>
        %dma_start3A = arith.constant 0 : i32
        %dma_start3A_1519 = tpu.memref_slice %arg2[%select_n3A_1388, %dma_start3A] : memref<26x1024xi32, #tpu.memory_space<hbm>> -> memref<1x1024xi32, #tpu.memory_space<hbm>>
        %dma_start3A_1520 = arith.constant 0 : i32
        %dma_start3A_1521 = tpu.memref_slice %arg2[%select_n3A_1388, %dma_start3A_1520] : memref<26x1024xi32, #tpu.memory_space<hbm>> -> memref<1x1024xi32, #tpu.memory_space<hbm>>
        tpu.enqueue_dma source(%dma_start3A_1521 : memref<1x1024xi32, #tpu.memory_space<hbm>>) target(%arg6 : memref<1x1024xi32, #tpu.memory_space<vmem>>) target_semaphore(%run_scoped3A : memref<!tpu.dma_semaphore, #tpu.memory_space<semaphore_mem>>)
        %dma_wait3A_1522 = arith.constant 0 : i32
        %dma_wait3A_1523 = tpu.memref_slice %arg2[%select_n3A_1388, %dma_wait3A_1522] : memref<26x1024xi32, #tpu.memory_space<hbm>> -> memref<1x1024xi32, #tpu.memory_space<hbm>>
        %dma_wait3A_1524 = arith.constant 0 : i32
        %dma_wait3A_1525 = tpu.memref_slice %arg2[%select_n3A_1388, %dma_wait3A_1524] : memref<26x1024xi32, #tpu.memory_space<hbm>> -> memref<1x1024xi32, #tpu.memory_space<hbm>>
        tpu.wait_dma2 semaphore(%run_scoped3A : memref<!tpu.dma_semaphore, #tpu.memory_space<semaphore_mem>>) src(%dma_wait3A_1525 : memref<1x1024xi32, #tpu.memory_space<hbm>>) dst(%arg6 : memref<1x1024xi32, #tpu.memory_space<vmem>>)
        tpu.yield
      }) : () -> ()
      %scan3A = arith.constant 0 : i32
      %scan3A_1514 = arith.constant 0 : i32
      %scan3A_1515 = arith.constant 64 : i32
      %scan3A_1516 = arith.addi %scan3A_1514, %scan3A_1515 : i32
      %scan3A_1517 = arith.constant 1 : i32
      scf.for %scan3A_1519 = %scan3A_1514 to %scan3A_1516 step %scan3A_1517  : i32 {
        %mul3A_1520 = arith.constant 16 : i32
        %mul3A_1521 = arith.muli %mul3A_1520, %scan3A_1519 : i32
        %get3A = arith.constant 0 : i32
        %get3A_1522 = arith.index_cast %get3A : i32 to index
        %get3A_1523 = arith.index_cast %mul3A_1521 : i32 to index
        %get3A_1524 = tpu.vector_load %arg6[%get3A_1522, %get3A_1523] {strides = array<i32>} : memref<1x1024xi32, #tpu.memory_space<vmem>>, vector<16xi32>,
        %mul3A_1525 = arith.constant 16 : i32
        %mul3A_1526 = arith.muli %mul3A_1525, %scan3A_1519 : i32
        %add3A_1527 = vector.broadcast %mul3A_1526 : i32 to vector<16xi32>
        %add3A_1528 = arith.addi %iota3A, %add3A_1527 : vector<16xi32>
        %ge3A = vector.broadcast %mul3A_1393 : i32 to vector<16xi32>
        %ge3A_1529 = arith.cmpi sge, %get3A_1524, %ge3A : vector<16xi32>
        %add3A_1530 = arith.constant 40 : i32
        %add3A_1531 = arith.addi %mul3A_1393, %add3A_1530 : i32
        %lt3A_1532 = vector.broadcast %add3A_1531 : i32 to vector<16xi32>
        %lt3A_1533 = arith.cmpi slt, %get3A_1524, %lt3A_1532 : vector<16xi32>
        %and3A_1534 = arith.andi %ge3A_1529, %lt3A_1533 : vector<16xi1>
        %sub3A_1535 = vector.broadcast %mul3A_1393 : i32 to vector<16xi32>
        %sub3A_1536 = arith.subi %get3A_1524, %sub3A_1535 : vector<16xi32>
        tpu.vector_store_idx %arg7[%broadcast_in_dim3A_5, %sub3A_1536, %add3A_1528], %broadcast_in_dim3A_3 masked %and3A_1534 : memref<1x40x1024xf32, #tpu.memory_space<vmem>>[vector<16xi32>, vector<16xi32>, vector<16xi32>], vector<16xf32>, vector<16xi1>
      }
      %scan3A_1518 = arith.constant 64 : i32
    } else {
    }
    %add3A_1399 = arith.constant 640 : i32
    %add3A_1400 = arith.addi %add3A, %add3A_1399 : i32
    %jit3A_1401 = arith.constant 25 : i32
    %div3A_1402 = arith.divsi %add3A_1400, %jit3A_1401 : i32
    %sign3A_1403 = arith.constant 0 : i32
    %sign3A_1404 = arith.cmpi sgt, %add3A_1400, %sign3A_1403 : i32
    %sign3A_1405 = arith.extui %sign3A_1404 : i1 to i32
    %sign3A_1406 = arith.constant 0 : i32
    %sign3A_1407 = arith.cmpi slt, %add3A_1400, %sign3A_1406 : i32
    %sign3A_1408 = arith.extui %sign3A_1407 : i1 to i32
    %sign3A_1409 = arith.subi %sign3A_1405, %sign3A_1408 : i32
    %sign3A_1410 = arith.constant 0 : i32
    %sign3A_1411 = arith.cmpi sgt, %jit3A_1401, %sign3A_1410 : i32
    %sign3A_1412 = arith.extui %sign3A_1411 : i1 to i32
    %sign3A_1413 = arith.constant 0 : i32
    %sign3A_1414 = arith.cmpi slt, %jit3A_1401, %sign3A_1413 : i32
    %sign3A_1415 = arith.extui %sign3A_1414 : i1 to i32
    %sign3A_1416 = arith.subi %sign3A_1412, %sign3A_1415 : i32
    %ne3A_1417 = arith.cmpi ne, %sign3A_1409, %sign3A_1416 : i32
    %rem3A_1418 = arith.remsi %add3A_1400, %jit3A_1401 : i32
    %ne3A_1419 = arith.constant 0 : i32
    %ne3A_1420 = arith.cmpi ne, %rem3A_1418, %ne3A_1419 : i32
    %and3A_1421 = arith.andi %ne3A_1417, %ne3A_1420 : i1
    %sub3A_1422 = arith.constant 1 : i32
    %sub3A_1423 = arith.subi %div3A_1402, %sub3A_1422 : i32
    %select_n3A_1424 = arith.select %and3A_1421, %sub3A_1423, %div3A_1402 : i32
    %mul3A_1425 = arith.constant 25 : i32
    %mul3A_1426 = arith.muli %select_n3A_1424, %mul3A_1425 : i32
    %sub3A_1427 = arith.subi %add3A_1400, %mul3A_1426 : i32
    %mul3A_1428 = arith.constant 40 : i32
    %mul3A_1429 = arith.muli %sub3A_1427, %mul3A_1428 : i32
    %lt3A_1430 = arith.constant 650 : i32
    %lt3A_1431 = arith.cmpi slt, %add3A_1400, %lt3A_1430 : i32
    %convert_element_type3A_1432 = arith.extui %lt3A_1431 : i1 to i32
    %cond3A_1433 = arith.constant 0 : i32
    %cond3A_1434 = arith.cmpi ne, %convert_element_type3A_1432, %cond3A_1433 : i32
    scf.if %cond3A_1434 {
      "tpu.region"() ({
        %run_scoped3A = tpu.sem_alloc : memref<!tpu.dma_semaphore, #tpu.memory_space<semaphore_mem>>
        %dma_start3A_1515 = arith.constant 0 : i32
        %dma_start3A_1516 = tpu.memref_slice %arg2[%select_n3A_1424, %dma_start3A_1515] : memref<26x1024xi32, #tpu.memory_space<hbm>> -> memref<1x1024xi32, #tpu.memory_space<hbm>>
        %dma_start3A_1517 = arith.constant 0 : i32
        %dma_start3A_1518 = tpu.memref_slice %arg2[%select_n3A_1424, %dma_start3A_1517] : memref<26x1024xi32, #tpu.memory_space<hbm>> -> memref<1x1024xi32, #tpu.memory_space<hbm>>
        tpu.enqueue_dma source(%dma_start3A_1518 : memref<1x1024xi32, #tpu.memory_space<hbm>>) target(%arg5 : memref<1x1024xi32, #tpu.memory_space<vmem>>) target_semaphore(%run_scoped3A : memref<!tpu.dma_semaphore, #tpu.memory_space<semaphore_mem>>)
        %dma_wait3A = arith.constant 0 : i32
        %dma_wait3A_1519 = tpu.memref_slice %arg2[%select_n3A_1424, %dma_wait3A] : memref<26x1024xi32, #tpu.memory_space<hbm>> -> memref<1x1024xi32, #tpu.memory_space<hbm>>
        %dma_wait3A_1520 = arith.constant 0 : i32
        %dma_wait3A_1521 = tpu.memref_slice %arg2[%select_n3A_1424, %dma_wait3A_1520] : memref<26x1024xi32, #tpu.memory_space<hbm>> -> memref<1x1024xi32, #tpu.memory_space<hbm>>
        tpu.wait_dma2 semaphore(%run_scoped3A : memref<!tpu.dma_semaphore, #tpu.memory_space<semaphore_mem>>) src(%dma_wait3A_1521 : memref<1x1024xi32, #tpu.memory_space<hbm>>) dst(%arg5 : memref<1x1024xi32, #tpu.memory_space<vmem>>)
        tpu.yield
      }) : () -> ()
      %scan3A = arith.constant 0 : i32
      %scan3A_1507 = arith.constant 0 : i32
      %scan3A_1508 = arith.constant 64 : i32
      %scan3A_1509 = arith.addi %scan3A_1507, %scan3A_1508 : i32
      %scan3A_1510 = arith.constant 1 : i32
      scf.for %scan3A_1515 = %scan3A_1507 to %scan3A_1509 step %scan3A_1510  : i32 {
        %mul3A_1516 = arith.constant 16 : i32
        %mul3A_1517 = arith.muli %mul3A_1516, %scan3A_1515 : i32
        %get3A = arith.constant 0 : i32
        %get3A_1518 = arith.index_cast %get3A : i32 to index
        %get3A_1519 = arith.index_cast %mul3A_1517 : i32 to index
        %get3A_1520 = tpu.vector_load %arg5[%get3A_1518, %get3A_1519] {strides = array<i32>} : memref<1x1024xi32, #tpu.memory_space<vmem>>, vector<16xi32>,
        %mul3A_1521 = arith.constant 16 : i32
        %mul3A_1522 = arith.muli %mul3A_1521, %scan3A_1515 : i32
        %add3A_1523 = vector.broadcast %mul3A_1522 : i32 to vector<16xi32>
        %add3A_1524 = arith.addi %iota3A, %add3A_1523 : vector<16xi32>
        %ge3A = vector.broadcast %mul3A_1429 : i32 to vector<16xi32>
        %ge3A_1525 = arith.cmpi sge, %get3A_1520, %ge3A : vector<16xi32>
        %add3A_1526 = arith.constant 40 : i32
        %add3A_1527 = arith.addi %mul3A_1429, %add3A_1526 : i32
        %lt3A_1528 = vector.broadcast %add3A_1527 : i32 to vector<16xi32>
        %lt3A_1529 = arith.cmpi slt, %get3A_1520, %lt3A_1528 : vector<16xi32>
        %and3A_1530 = arith.andi %ge3A_1525, %lt3A_1529 : vector<16xi1>
        %sub3A_1531 = vector.broadcast %mul3A_1429 : i32 to vector<16xi32>
        %sub3A_1532 = arith.subi %get3A_1520, %sub3A_1531 : vector<16xi32>
        tpu.vector_store_idx %arg7[%broadcast_in_dim3A_5, %sub3A_1532, %add3A_1524], %broadcast_in_dim3A_1 masked %and3A_1530 : memref<1x40x1024xf32, #tpu.memory_space<vmem>>[vector<16xi32>, vector<16xi32>, vector<16xi32>], vector<16xf32>, vector<16xi1>
      }
      %scan3A_1511 = arith.constant 64 : i32
      %dma_start3A = arith.constant 0 : i32
      %dma_start3A_1512 = tpu.memref_slice %arg4[%select_n3A_1424, %mul3A_1429, %dma_start3A] : memref<26x1000x1024xf32, #tpu.memory_space<hbm>> -> memref<1x40x1024xf32, #tpu.memory_space<hbm>>
      %dma_start3A_1513 = arith.constant 0 : i32
      %dma_start3A_1514 = tpu.memref_slice %arg4[%select_n3A_1424, %mul3A_1429, %dma_start3A_1513] : memref<26x1000x1024xf32, #tpu.memory_space<hbm>> -> memref<1x40x1024xf32, #tpu.memory_space<hbm>>
      tpu.enqueue_dma source(%arg7 : memref<1x40x1024xf32, #tpu.memory_space<vmem>>) target(%dma_start3A_1514 : memref<1x40x1024xf32, #tpu.memory_space<hbm>>) target_semaphore(%arg9 : memref<!tpu.dma_semaphore, #tpu.memory_space<semaphore_mem>>)
    } else {
    }
    %add3A_1435 = arith.constant 608 : i32
    %add3A_1436 = arith.addi %add3A, %add3A_1435 : i32
    %jit3A_1437 = arith.constant 25 : i32
    %div3A_1438 = arith.divsi %add3A_1436, %jit3A_1437 : i32
    %sign3A_1439 = arith.constant 0 : i32
    %sign3A_1440 = arith.cmpi sgt, %add3A_1436, %sign3A_1439 : i32
    %sign3A_1441 = arith.extui %sign3A_1440 : i1 to i32
    %sign3A_1442 = arith.constant 0 : i32
    %sign3A_1443 = arith.cmpi slt, %add3A_1436, %sign3A_1442 : i32
    %sign3A_1444 = arith.extui %sign3A_1443 : i1 to i32
    %sign3A_1445 = arith.subi %sign3A_1441, %sign3A_1444 : i32
    %sign3A_1446 = arith.constant 0 : i32
    %sign3A_1447 = arith.cmpi sgt, %jit3A_1437, %sign3A_1446 : i32
    %sign3A_1448 = arith.extui %sign3A_1447 : i1 to i32
    %sign3A_1449 = arith.constant 0 : i32
    %sign3A_1450 = arith.cmpi slt, %jit3A_1437, %sign3A_1449 : i32
    %sign3A_1451 = arith.extui %sign3A_1450 : i1 to i32
    %sign3A_1452 = arith.subi %sign3A_1448, %sign3A_1451 : i32
    %ne3A_1453 = arith.cmpi ne, %sign3A_1445, %sign3A_1452 : i32
    %rem3A_1454 = arith.remsi %add3A_1436, %jit3A_1437 : i32
    %ne3A_1455 = arith.constant 0 : i32
    %ne3A_1456 = arith.cmpi ne, %rem3A_1454, %ne3A_1455 : i32
    %and3A_1457 = arith.andi %ne3A_1453, %ne3A_1456 : i1
    %sub3A_1458 = arith.constant 1 : i32
    %sub3A_1459 = arith.subi %div3A_1438, %sub3A_1458 : i32
    %select_n3A_1460 = arith.select %and3A_1457, %sub3A_1459, %div3A_1438 : i32
    %mul3A_1461 = arith.constant 25 : i32
    %mul3A_1462 = arith.muli %select_n3A_1460, %mul3A_1461 : i32
    %sub3A_1463 = arith.subi %add3A_1436, %mul3A_1462 : i32
    %mul3A_1464 = arith.constant 40 : i32
    %mul3A_1465 = arith.muli %sub3A_1463, %mul3A_1464 : i32
    %lt3A_1466 = arith.constant 650 : i32
    %lt3A_1467 = arith.cmpi slt, %add3A_1436, %lt3A_1466 : i32
    %convert_element_type3A_1468 = arith.extui %lt3A_1467 : i1 to i32
    %cond3A_1469 = arith.constant 0 : i32
    %cond3A_1470 = arith.cmpi ne, %convert_element_type3A_1468, %cond3A_1469 : i32
    scf.if %cond3A_1470 {
      %dma_wait3A = arith.constant 0 : i32
      %dma_wait3A_1507 = arith.constant 0 : i32
      %dma_wait3A_1508 = arith.constant 0 : i32
      %dma_wait3A_1509 = tpu.memref_slice %arg4[%dma_wait3A, %dma_wait3A_1507, %dma_wait3A_1508] : memref<26x1000x1024xf32, #tpu.memory_space<hbm>> -> memref<1x40x1024xf32, #tpu.memory_space<hbm>>
      %dma_wait3A_1510 = arith.constant 0 : i32
      %dma_wait3A_1511 = arith.constant 0 : i32
      %dma_wait3A_1512 = arith.constant 0 : i32
      %dma_wait3A_1513 = tpu.memref_slice %arg4[%dma_wait3A_1510, %dma_wait3A_1511, %dma_wait3A_1512] : memref<26x1000x1024xf32, #tpu.memory_space<hbm>> -> memref<1x40x1024xf32, #tpu.memory_space<hbm>>
      tpu.wait_dma2 semaphore(%arg10 : memref<!tpu.dma_semaphore, #tpu.memory_space<semaphore_mem>>) src(%arg8 : memref<1x40x1024xf32, #tpu.memory_space<vmem>>) dst(%dma_wait3A_1513 : memref<1x40x1024xf32, #tpu.memory_space<hbm>>)
    } else {
    }
    %add3A_1471 = arith.constant 640 : i32
    %add3A_1472 = arith.addi %add3A, %add3A_1471 : i32
    %jit3A_1473 = arith.constant 25 : i32
    %div3A_1474 = arith.divsi %add3A_1472, %jit3A_1473 : i32
    %sign3A_1475 = arith.constant 0 : i32
    %sign3A_1476 = arith.cmpi sgt, %add3A_1472, %sign3A_1475 : i32
    %sign3A_1477 = arith.extui %sign3A_1476 : i1 to i32
    %sign3A_1478 = arith.constant 0 : i32
    %sign3A_1479 = arith.cmpi slt, %add3A_1472, %sign3A_1478 : i32
    %sign3A_1480 = arith.extui %sign3A_1479 : i1 to i32
    %sign3A_1481 = arith.subi %sign3A_1477, %sign3A_1480 : i32
    %sign3A_1482 = arith.constant 0 : i32
    %sign3A_1483 = arith.cmpi sgt, %jit3A_1473, %sign3A_1482 : i32
    %sign3A_1484 = arith.extui %sign3A_1483 : i1 to i32
    %sign3A_1485 = arith.constant 0 : i32
    %sign3A_1486 = arith.cmpi slt, %jit3A_1473, %sign3A_1485 : i32
    %sign3A_1487 = arith.extui %sign3A_1486 : i1 to i32
    %sign3A_1488 = arith.subi %sign3A_1484, %sign3A_1487 : i32
    %ne3A_1489 = arith.cmpi ne, %sign3A_1481, %sign3A_1488 : i32
    %rem3A_1490 = arith.remsi %add3A_1472, %jit3A_1473 : i32
    %ne3A_1491 = arith.constant 0 : i32
    %ne3A_1492 = arith.cmpi ne, %rem3A_1490, %ne3A_1491 : i32
    %and3A_1493 = arith.andi %ne3A_1489, %ne3A_1492 : i1
    %sub3A_1494 = arith.constant 1 : i32
    %sub3A_1495 = arith.subi %div3A_1474, %sub3A_1494 : i32
    %select_n3A_1496 = arith.select %and3A_1493, %sub3A_1495, %div3A_1474 : i32
    %mul3A_1497 = arith.constant 25 : i32
    %mul3A_1498 = arith.muli %select_n3A_1496, %mul3A_1497 : i32
    %sub3A_1499 = arith.subi %add3A_1472, %mul3A_1498 : i32
    %mul3A_1500 = arith.constant 40 : i32
    %mul3A_1501 = arith.muli %sub3A_1499, %mul3A_1500 : i32
    %lt3A_1502 = arith.constant 650 : i32
    %lt3A_1503 = arith.cmpi slt, %add3A_1472, %lt3A_1502 : i32
    %convert_element_type3A_1504 = arith.extui %lt3A_1503 : i1 to i32
    %cond3A_1505 = arith.constant 0 : i32
    %cond3A_1506 = arith.cmpi ne, %convert_element_type3A_1504, %cond3A_1505 : i32
    scf.if %cond3A_1506 {
      %dma_wait3A = arith.constant 0 : i32
      %dma_wait3A_1507 = arith.constant 0 : i32
      %dma_wait3A_1508 = arith.constant 0 : i32
      %dma_wait3A_1509 = tpu.memref_slice %arg4[%dma_wait3A, %dma_wait3A_1507, %dma_wait3A_1508] : memref<26x1000x1024xf32, #tpu.memory_space<hbm>> -> memref<1x40x1024xf32, #tpu.memory_space<hbm>>
      %dma_wait3A_1510 = arith.constant 0 : i32
      %dma_wait3A_1511 = arith.constant 0 : i32
      %dma_wait3A_1512 = arith.constant 0 : i32
      %dma_wait3A_1513 = tpu.memref_slice %arg4[%dma_wait3A_1510, %dma_wait3A_1511, %dma_wait3A_1512] : memref<26x1000x1024xf32, #tpu.memory_space<hbm>> -> memref<1x40x1024xf32, #tpu.memory_space<hbm>>
      tpu.wait_dma2 semaphore(%arg9 : memref<!tpu.dma_semaphore, #tpu.memory_space<semaphore_mem>>) src(%arg7 : memref<1x40x1024xf32, #tpu.memory_space<vmem>>) dst(%dma_wait3A_1513 : memref<1x40x1024xf32, #tpu.memory_space<hbm>>)
    } else {
    }
    return
  }
}

</mosaic_0001>

<sc_bundles>
// kernel: kernel.3.cloned.1.call-start
scs
__scs_entry_jumppad:
0x0: {  	(pc) =	sbr.rel $0x88, $3  }
0x1: {  	(tag) =	ssettag $0x0;
	lr =	simm.s32 $0x1  }
0x2: {  	[smem:$0x3FA0] =	sst lr;
	_ =	strace $0xD0000000  }
0x3: {  	_ = 	snop  }
0x4: {  	_ = 	snop  }
0x5: {  	_ = 	snop  }
0x6: {  	_ = 	snop  }
0x7: {  	_ = 	snop  }
__scs_overlays_trampoline_lowered:
0x8: {  	[smem:$0x3FAF] =	sst s0  }
0x9: {  	[smem:$0x3FB0] =	sst s1  }
0xa: {  	[smem:$0x3FB1] =	sst s2  }
0xb: {  	[smem:$0x3FB2] =	sst s3  }
0xc: {  	[smem:$0x3FB3] =	sst s4  }
0xd: {  	[smem:$0x3FB4] =	sst s5  }
0xe: {  	[smem:$0x3FB5] =	sst s6  }
0xf: {  	[smem:$0x3FB6] =	sst s7  }
0x10: {  	[smem:$0x3FB7] =	sst s8  }
0x11: {  	[smem:$0x3FB8] =	sst s9;
	s0 =	simm.s32 @!p0 $0x0  }
0x12: {  	s1 =	sld [smem:$0x3F9E];
	s0 =	simm.s32 @p0 $0x1  }
0x13: {  	[smem:$0x3FB9] =	sst s0;
	s0 =	simm.s32 @!p1 $0x0  }
0x14: {  	s2 =	sld [smem:$0x3F9D];
	s0 =	simm.s32 @p1 $0x1  }
0x15: {  	[smem:$0x3FBA] =	sst s0;
	s0 =	simm.s32 @!p2 $0x0  }
0x16: {  	s3 =	sld [smem:$0x3FDB];
	s0 =	simm.s32 @p2 $0x1  }
0x17: {  	s4 =	simm.s32 $0x1BF5;
	[smem:$0x3FBC] =	sst s0  }
0x18: {  	s0 =	sld [smem:$0x3F9F];
	_ =	swait.ge [sflag:s4], $0x0  }
0x19: {  	s7 =	sld [smem:$0x3FA0]  }
0x1a: {  	s8 =	sadd.s32 $0xFFFFE003, lr  }
0x1b: {  	s9 =	sadd.s32 $0xFFFFFEF7, lr;
	s5 =	simm.s32 $0xFFFFFFFF;
	p2 =	slt.u32 s8, $0xFFFFF086  }
0x1c: {  	p1 =	slt.u32 s9, $0xF7A;
	s5 =	simm.s32 @!p2 $0x0  }
0x1d: {  	s5 =	simm.s32 @p1 $0x1;
	p0 =	seq.s32 s7, s2  }
0x1e: {  	s7 =	smul.u32 @!p0 $0xF7A, s2;
	p2 =	seq.s32 @!p0 s5, $0x0  }
0x1f: {  	s9 =	smul.u32 $0xF7A, s1;
	s8 =	simm.s32 @!p0 $0x1BF5;
	p2 =	por !p2, p0  }
0x20: {  	[sflag:s8] =	ssyncset.s32 @!p0 $0xFFFFF086;
	s6 =	sadd.s32 @!p0 s3, s7;
	s7 =	simm.s32 @!p0 $0x108  }
0x21: {  	s3 =	sadd.s32 s3, s9;
	s6 =	sadd.s32 @!p0 $0x88, s6;
	s7 =	simm.s32 @p2 $0x1082  }
0x22: {  	[simem:s7], [sflag:s8] =	dma.local @!p0 [hbm:s6], $0xF7A  }
0x23: {  	s9 =	sor.u32 $0xD0000000, s2;
	s6 =	simm.s32 $0x108;
	_ =	swait.ge @!p0 [sflag:s8], $0x0  }
0x24: {  	s3 =	sadd.s32 $0x88, s3;
	s6 =	simm.s32 @!p1 $0x1082;
	[sflag:s4] =	ssyncset.s32 $0xFFFFF086  }
0x25: {  	[simem:s6], [sflag:s4] =	dma.local [hbm:s3], $0xF7A  }
0x26: {  	[smem:$0x3FA0] =	sst s1;
	(tag) =	ssettag s2;
	_ =	strace s9  }
0x27: {  	s1 =	sld [smem:$0x3FB0]  }
0x28: {  	s2 =	sld [smem:$0x3FB1]  }
0x29: {  	s4 =	sld [smem:$0x3FB3]  }
0x2a: {  	p0 =	seq.s32 s5, $0x0;
	s5 =	sld [smem:$0x3FB4]  }
0x2b: {  	s6 =	sld [smem:$0x3FB5]  }
0x2c: {  	s7 =	sld [smem:$0x3FB6]  }
0x2d: {  	s3 =	simm.s32 $0x108;
	s8 =	sld [smem:$0x3FB7]  }
0x2e: {  	s3 =	simm.s32 @!p0 $0x1082;
	s9 =	sld [smem:$0x3FB8]  }
0x2f: {  	lr =	sadd.s32 s0, s3;
	s0 =	sld [smem:$0x3FAF]  }
0x30: {  	s3 =	sld [smem:$0x3FB2]  }
0x31: {  	[smem:$0x3FBB] =	sst s10  }
0x32: {  	s10 =	sld [smem:$0x3FB9];
	_ =	sdelay $0x3  }
0x33: {  	p0 =	seq.s32 s10, $0x1;
	s10 =	sld [smem:$0x3FBB];
	_ =	sdelay $0x3  }
0x34: {  	[smem:$0x3FBB] =	sst s10  }
0x35: {  	s10 =	sld [smem:$0x3FBA];
	_ =	sdelay $0x3  }
0x36: {  	p1 =	seq.s32 s10, $0x1;
	s10 =	sld [smem:$0x3FBB];
	_ =	sdelay $0x3  }
0x37: {  	[smem:$0x3FBB] =	sst s10  }
0x38: {  	s10 =	sld [smem:$0x3FBC]  }
0x39: {  	_ = 	snop;
	(pc) =	sbr.ind lr, $3  }
0x3a: {  	_ = 	snop  }
0x3b: {  	_ = 	snop  }
0x3c: {  	p2 =	seq.s32 s10, $0x1;
	s10 =	sld [smem:$0x3FBB]  }
0x3d: {  	_ =	shalt  }
0x3e: {  	_ =	shalt  }
0x3f: {  	_ =	shalt  }
0x40: {  	_ =	shalt  }
0x41: {  	_ =	shalt  }
0x42: {  	_ =	shalt  }
0x43: {  	_ =	shalt  }
0x44: {  	_ =	shalt  }
0x45: {  	_ =	shalt  }
0x46: {  	_ =	shalt  }
0x47: {  	_ =	shalt  }
0x48: {  	_ =	shalt  }
0x49: {  	_ =	shalt  }
0x4a: {  	_ =	shalt  }
0x4b: {  	_ =	shalt  }
0x4c: {  	_ =	shalt  }
0x4d: {  	_ =	shalt  }
0x4e: {  	_ =	shalt  }
0x4f: {  	_ =	shalt  }
0x50: {  	_ =	shalt  }
0x51: {  	_ =	shalt  }
0x52: {  	_ =	shalt  }
0x53: {  	_ =	shalt  }
0x54: {  	_ =	shalt  }
0x55: {  	_ =	shalt  }
0x56: {  	_ =	shalt  }
0x57: {  	_ =	shalt  }
0x58: {  	_ =	shalt  }
0x59: {  	_ =	shalt  }
0x5a: {  	_ =	shalt  }
0x5b: {  	_ =	shalt  }
0x5c: {  	_ =	shalt  }
0x5d: {  	_ =	shalt  }
0x5e: {  	_ =	shalt  }
0x5f: {  	_ =	shalt  }
0x60: {  	_ =	shalt  }
0x61: {  	_ =	shalt  }
0x62: {  	_ =	shalt  }
0x63: {  	_ =	shalt  }
0x64: {  	_ =	shalt  }
0x65: {  	_ =	shalt  }
0x66: {  	_ =	shalt  }
0x67: {  	_ =	shalt  }
0x68: {  	_ =	shalt  }
0x69: {  	_ =	shalt  }
0x6a: {  	_ =	shalt  }
0x6b: {  	_ =	shalt  }
0x6c: {  	_ =	shalt  }
0x6d: {  	_ =	shalt  }
0x6e: {  	_ =	shalt  }
0x6f: {  	_ =	shalt  }
0x70: {  	_ =	shalt  }
0x71: {  	_ =	shalt  }
0x72: {  	_ =	shalt  }
0x73: {  	_ =	shalt  }
0x74: {  	_ =	shalt  }
0x75: {  	_ =	shalt  }
0x76: {  	_ =	shalt  }
0x77: {  	_ =	shalt  }
0x78: {  	_ =	shalt  }
0x79: {  	_ =	shalt  }
0x7a: {  	_ =	shalt  }
0x7b: {  	_ =	shalt  }
0x7c: {  	_ =	shalt  }
0x7d: {  	_ =	shalt  }
0x7e: {  	_ =	shalt  }
0x7f: {  	_ =	shalt  }
0x80: {  	_ =	shalt  }
0x81: {  	_ =	shalt  }
0x82: {  	_ =	shalt  }
0x83: {  	_ =	shalt  }
0x84: {  	_ =	shalt  }
0x85: {  	_ =	shalt  }
0x86: {  	_ =	shalt  }
0x87: {  	_ =	shalt  }
.Lfunc_end0:
.L_simem_size_0:
called_computation_lowered:
.L_overlay_start_0:
0x88: {  	s2 =	sld [smem:$0x3FD9]  }
0x89: {  	s3 =	sld [smem:$0x3FFE];
	_ =	sdelay $0x1  }
0x8a: {  	s1 =	srdreg.scid  }
0x8b: {  	s0 =	sand.u32 $0x1, s1  }
0x8c: {  	s17 =	sshll.u32 s0, $0xA;
	s2 =	sadd.s32 s3, s2  }
0x8d: {  	s2 =	sadd.s32 s2, s17  }
0x8e: {  	[smem:$0x3FC7] =	sst s2  }
0x8f: {  	_ = 	snop  }
0x90: {  	s2 =	sld [smem:$0x3FC9]  }
0x91: {  	s18 =	sld [smem:$0x3FD0];
	(tm) =	ssettm $0x1  }
0x92: {  	s4 =	sld [smem:$0x3FFB];
	_ =	sdelay $0x3  }
0x93: {  	_ =	strace s4  }
0x94: {  	s4 =	sld [smem:$0x3FFC];
	_ =	sdelay $0x3  }
0x95: {  	_ =	strace s4  }
0x96: {  	s4 =	sld [smem:$0x3FFD];
	_ =	sdelay $0x3  }
0x97: {  	_ =	strace s4  }
0x98: {  	_ =	strace $0x8FFFFFFF  }
0x99: {  	s19 =	sld [smem:$0x3FDB];
	_ =	sdelay $0x1  }
0x9a: {  	s5 =	simm.s32 $_scs_section_size  }
0x9b: {  	s6 =	simm.s32 $_size__tile_overlayer_lowered;
	s7 =	simm.s32 $_tile_overlayer_lowered  }
0x9c: {  	s22 =	simm.s32 $0x1BFF;
	s21 =	sshll.u32 s7, $0x1;
	s4 =	sadd.s32 s5, s19  }
0x9d: {  	s8 =	simm.s32 $0x0;
	s20 =	sshll.u32 s6, $0x1;
	s6 =	sadd.s32 s21, s4  }
0x9e: {  	[timem:s8], [sflag:s22] =	dma.local [hbm:s6], s20  }
0x9f: {  	_ =	swait.ge [sflag:s22], s20  }
0xa0: {  	s5 =	ssub.s32 $0x0, s20;
	[sflag:s22] =	ssyncset.done $0x0  }
0xa1: {  	[sflag:s22] =	ssyncadd.s32 s5;
	_ =	sdelay $0x1  }
0xa2: {  	s23 =	simm.s32 $0x1B8B  }
0xa3: {  	_ =	swait.ge [sflag:s23], $0x1  }
0xa4: {  	[sflag:s23] =	ssyncset.done $0x0  }
0xa5: {  	s25 =	simm.s32 $0x1B8E;
	s24 =	sld [smem:$0x3FFE];
	[sflag:s23] =	ssyncadd.s32 $0xFFFFFFFF  }
0xa6: {  	s26 =	simm.s32 $execute0_lowered;
	[smem:$0x3FD2] =	sst s25  }
0xa7: {  	s6 =	sshll.u32 s26, $0x1;
	_ =	strace $0x80000046;
	[dreg:$0x1] =	wrdreg $0xFFFFFFFF  }
0xa8: {  	s28 =	simm.s32 $_size_execute0_lowered;
	s4 =	sadd.s32 s4, s6;
	[dreg:$0x0] =	wrdreg $0x0  }
0xa9: {  	s6 =	sshll.u32 s28, $0x1;
	[dreg:$0x2] =	wrdreg s4  }
0xaa: {  	[dreg:$0x3] =	wrdreg s6  }
0xab: {  	[dreg:$0x4] =	wrdreg $0xC0  }
0xac: {  	_ =	task [dreg:s8], $0x5FFFF  }
0xad: {  	[dreg:$0x1] =	wrdreg $0xFFFFFFFF  }
0xae: {  	[dreg:$0x0] =	wrdreg $0x60  }
0xaf: {  	[dreg:$0x2] =	wrdreg s2  }
0xb0: {  	[dreg:$0x3] =	wrdreg s24  }
0xb1: {  	[dreg:$0x4] =	wrdreg s18  }
0xb2: {  	[dreg:$0x5] =	wrdreg $0x9  }
0xb3: {  	_ =	task.clear_ibuf [dreg:s8], $0x6FFFF;
	_ =	strace $0x90000046  }
0xb4: {  	s29 =	simm.s32 $0x9;
	_ =	strace $0x80000048  }
0xb5: {  	_ =	swait.ge [sflag:s29], $0x1  }
0xb6: {  	[sflag:s29] =	ssyncadd.s32 $0xFFFFFFFF  }
0xb7: {  	_ =	strace $0x90000048  }
0xb8: {  	_ =	sfence  }
0xb9: {  	s30 =	sld [smem:$0x0];
	_ =	sdelay $0x2  }
0xba: {  	s31 =	sshll.u32 s1, $0xD;
	s1 =	sshrl.u32 s1, $0x2  }
0xbb: {  	s3 =	sand.u32 $0x4000, s31;
	s1 =	sadd.s32 s1, s30  }
0xbc: {  	s0 =	sor.u32 s3, s0;
	s1 =	sshll.u32 s1, $0x11  }
0xbd: {  	s0 =	sor.u32 s1, s0  }
0xbe: {  	s0 =	sadd.s32 $0x8F2B, s0  }
0xbf: {  	[sflag:s0] =	ssyncadd.remote.s32 $0x1  }
0xc0: {  	_ =	sfence.sel $0xFFFF  }
0xc1: {  	[dreg:$0x0] =	wrdreg $0xFFFFFFFF;
	(pc) =	sbr.abs _section_cstart, $3  }
0xc2: {  	[dreg:$0x1] =	wrdreg $0xFFFFFFFF  }
0xc3: {  	_ =	task.clear_ibuf [dreg:s8], $0x2FFFF;
	_ =	strace $0x9FFFFFFF  }
0xc4: {  	(tm) =	ssettm $0x7FFFFFFF  }
0xc5: {  	_ =	shalt  }
tec
execute0_lowered:
.L_overlay_start_1:
0x0: {  	(tag) =	ssettag $0x1  }
0x1: {  	s0 =	srdreg.scid;
	s1 =	stileid.u32  }
0x2: {  	s6 =	sand.u32 $0x1, s0;
	s1 =	sshll.u32 s1, $0x1  }
0x3: {  	s13 =	sor.u32 s6, s1  }
0x4: {  	s4 =	sor.u32 $0x20, s13  }
0x5: {  	s5 =	sor.u32 $0x40, s13;
	s24 =	smul.u32 $0x29, s4  }
0x6: {  	s9 =	sor.u32 $0x60, s13;
	s25 =	smul.u32 $0x29, s5  }
0x7: {  	s11 =	sor.u32 $0x80, s13;
	s30 =	smul.u32 $0x29, s9  }
0x8: {  	s21 =	sor.u32 $0xA0, s13;
	s3 =	smul.u32 $0x29, s11  }
0x9: {  	s23 =	sor.u32 $0xC0, s13;
	s14 =	smul.u32 $0x29, s21  }
0xa: {  	[smem:$0x7D2] =	sst s24;
	s2 =	sshrl.u32 s24, $0xA;
	s24 =	smul.u32 $0x29, s23  }
0xb: {  	s7 =	smul.u32 $0xFFFFFFE7, s2  }
0xc: {  	s26 =	sshrl.u32 s25, $0xA;
	s16 =	smul.u32 $0xFA000, s2  }
0xd: {  	s8 =	smul.u32 $0xFFFFFFE7, s26  }
0xe: {  	s1 =	sshrl.u32 s30, $0xA;
	s15 =	smul.u32 $0xFA000, s26  }
0xf: {  	s12 =	smul.u32 $0xFFFFFFE7, s1  }
0x10: {  	s10 =	sshrl.u32 s3, $0xA;
	s19 =	smul.u32 $0xFA000, s1  }
0x11: {  	s20 =	smul.u32 $0xFFFFFFE7, s10  }
0x12: {  	s0 =	simm.s32 $0xFFFFFFE7;
	s17 =	sshrl.u32 s14, $0xA;
	s22 =	smul.u32 $0xFA000, s10  }
0x13: {  	p0 =	sgt.u32 s13, $0x18;
	[smem:$0x7D3] =	sst s25;
	s25 =	smul.u32 $0xFFFFFFE7, s17  }
0x14: {  	s29 =	sor.u32 $0xE0, s13;
	s0 =	simm.s32 @!p0 $0x0;
	s26 =	smul.u32 $0xFA000, s17  }
0x15: {  	[smem:$0x7D4] =	sst s30;
	s30 =	sor.u32 $0x100, s13;
	s10 =	smul.u32 $0x29, s29  }
0x16: {  	s0 =	sadd.s32 s13, s0;
	[smem:$0x7D6] =	sst s14;
	s14 =	smul.u32 $0xA3E, s30  }
0x17: {  	[smem:$0x7D5] =	sst s3;
	s1 =	smul.u32 $0xA000, s0;
	s3 =	sshrl.u32 s24, $0xA  }
0x18: {  	s28 =	smul.u32 $0xFFFFFFE7, s3  }
0x19: {  	[smem:$0x7D8] =	sst s0;
	s17 =	smul.u32 $0xFA000, s3;
	s31 =	sshrl.u32 s10, $0xA  }
0x1a: {  	s0 =	rddreg [dreg:$0x0];
	s18 =	sshrl.u32 s14, $0x10;
	s3 =	smul.u32 $0xFFFFFFE7, s31  }
0x1b: {  	s4 =	sadd.s32 s4, s7;
	s8 =	sadd.s32 s5, s8;
	s31 =	smul.u32 $0xFA000, s31  }
0x1c: {  	s9 =	sadd.s32 s9, s12;
	s5 =	ssub.s32 $0x2, s6;
	s2 =	smul.u32 $0xFFFFFFE7, s18  }
0x1d: {  	s12 =	sadd.s32 s11, s20;
	s18 =	smul.u32 $0xFA000, s18;
	[smem:$0x7DA] =	sst s4  }
0x1e: {  	s11 =	sor.u32 $0x120, s13;
	[smem:$0x7DC] =	sst s8;
	s4 =	smul.u32 $0xA000, s4  }
0x1f: {  	s20 =	sadd.s32 s21, s25;
	[smem:$0x7DE] =	sst s9;
	s7 =	smul.u32 $0xA000, s8  }
0x20: {  	[smem:$0x7E0] =	sst s12;
	s6 =	sshrl.u32 s5, $0x1;
	s8 =	smul.u32 $0xA000, s9  }
0x21: {  	s9 =	smul.u32 $0xA000, s12;
	[smem:$0x7E2] =	sst s20;
	s5 =	ssub.s32 s5, s6  }
0x22: {  	s12 =	smul.u32 $0xA000, s20;
	[dreg:$0x1e] =	wrdreg s5;
	s4 =	sadd.s32 s16, s4  }
0x23: {  	s20 =	sor.u32 $0x140, s13;
	s7 =	sadd.s32 s15, s7;
	[smem:$0x7D9] =	sst s4  }
0x24: {  	s6 =	simm.s32 $0xFA000;
	s15 =	sadd.s32 s19, s8;
	[smem:$0x7DB] =	sst s7  }
0x25: {  	s5 =	smul.u32 $0xA3E, s11;
	s19 =	sadd.s32 s22, s9;
	[smem:$0x7DD] =	sst s15  }
0x26: {  	s6 =	simm.s32 @!p0 $0x0;
	s30 =	sadd.s32 s30, s2;
	[smem:$0x7DF] =	sst s19  }
0x27: {  	s21 =	sadd.s32 s6, s1;
	s6 =	smul.u32 $0xA3E, s20;
	[smem:$0x7E8] =	sst s30  }
0x28: {  	s19 =	sshrl.u32 s24, $0x6;
	s15 =	sor.u32 $0x1C0, s13;
	s25 =	sshrl.u32 s5, $0x10  }
0x29: {  	[smem:$0x7D7] =	sst s21;
	s21 =	sadd.s32 s26, s12;
	s4 =	smul.u32 $0xFFFFFFE7, s25  }
0x2a: {  	s26 =	sadd.s32 s29, s3;
	s7 =	smul.u32 $0xFA000, s25;
	s16 =	sshrl.u32 s6, $0x10  }
0x2b: {  	[smem:$0x7E1] =	sst s21;
	s25 =	sadd.s32 s23, s28;
	s23 =	smul.u32 $0xA000, s30  }
0x2c: {  	[smem:$0x7E6] =	sst s26;
	s21 =	sshrl.u32 s24, $0x3;
	s22 =	smul.u32 $0xFFFFFFE7, s16  }
0x2d: {  	s24 =	sor.u32 $0x160, s13;
	s28 =	sor.u32 $0x200, s13;
	s3 =	smul.u32 $0xFA000, s16  }
0x2e: {  	[smem:$0x7E4] =	sst s25;
	s16 =	smul.u32 $0xA3E, s24;
	s2 =	sadd.s32 s11, s4  }
0x2f: {  	s8 =	sand.u32 $0x400, s21;
	s4 =	smul.u32 $0xA000, s25;
	[smem:$0x7F1] =	sst s2  }
0x30: {  	s11 =	sadd.s32 s20, s22;
	s20 =	smul.u32 $0xA000, s26;
	s22 =	sand.u32 $0x70, s19  }
0x31: {  	s12 =	smul.u32 $0xA000, s2;
	s30 =	sshrl.u32 s16, $0x10;
	s19 =	sadd.s32 s18, s23  }
0x32: {  	s23 =	sshrl.u32 s10, $0x6;
	s2 =	sshrl.u32 s6, $0xC;
	[smem:$0x7F2] =	sst s11  }
0x33: {  	s9 =	sadd.s32 s0, s22;
	s25 =	smul.u32 $0xA000, s11;
	s26 =	sadd.s32 s17, s4  }
0x34: {  	[smem:$0x7E7] =	sst s19;
	s11 =	sor.u32 $0x1A0, s13;
	s1 =	sand.u32 $0x70, s23  }
0x35: {  	s19 =	sadd.s32 $0x400, s0;
	s8 =	sadd.s32 s8, s9;
	s9 =	sor.u32 $0x180, s13  }
0x36: {  	[smem:$0x7E3] =	sst s26;
	s4 =	sadd.s32 s31, s20;
	s20 =	smul.u32 $0xFFFFFFE7, s30  }
0x37: {  	s21 =	sadd.s32 s7, s12;
	s7 =	smul.u32 $0xFA000, s30;
	[dreg:$0x1f] =	wrdreg s8  }
0x38: {  	s10 =	smul.u32 $0xA3E, s11;
	s1 =	sadd.s32 s1, s19;
	[smem:$0x7E5] =	sst s4  }
0x39: {  	s30 =	sshrl.u32 s5, $0xC;
	s17 =	smul.u32 $0xA3E, s9;
	[smem:$0x7E9] =	sst s21  }
0x3a: {  	s3 =	sadd.s32 s3, s25;
	[smem:$0x7FD] =	sst s1;
	s25 =	sshrl.u32 s14, $0xC  }
0x3b: {  	s18 =	sadd.s32 s24, s20;
	s24 =	sshrl.u32 s10, $0x10;
	s20 =	smul.u32 $0xA3E, s15  }
0x3c: {  	s4 =	sshrl.u32 s16, $0xC;
	[smem:$0x7EA] =	sst s3;
	s14 =	smul.u32 $0xFFFFFFE7, s24  }
0x3d: {  	s1 =	sand.u32 $0x70, s25;
	s10 =	sshrl.u32 s10, $0xC;
	s21 =	smul.u32 $0xFA000, s24  }
0x3e: {  	s22 =	sshrl.u32 s17, $0x10;
	[smem:$0x7F3] =	sst s18;
	s3 =	smul.u32 $0xA000, s18  }
0x3f: {  	s1 =	sadd.s32 s1, s19;
	s24 =	sor.u32 $0x1E0, s13;
	s8 =	smul.u32 $0xFFFFFFE7, s22  }
0x40: {  	s18 =	sand.u32 $0x70, s4;
	s12 =	smul.u32 $0xFA000, s22;
	s26 =	sshrl.u32 s20, $0x10  }
0x41: {  	[smem:$0x7FC] =	sst s1;
	s1 =	sand.u32 $0x70, s30;
	s31 =	smul.u32 $0xA3E, s24  }
0x42: {  	s16 =	sshrl.u32 s17, $0x9;
	s22 =	smul.u32 $0xFFFFFFE7, s26;
	s1 =	sadd.s32 s1, s19  }
0x43: {  	s23 =	smul.u32 $0xFA000, s26;
	s26 =	sadd.s32 s7, s3;
	[smem:$0x7FB] =	sst s1  }
0x44: {  	s1 =	sand.u32 $0x70, s2;
	s5 =	sshrl.u32 s31, $0x10;
	s2 =	smul.u32 $0xA3E, s28  }
0x45: {  	[smem:$0x7EB] =	sst s26;
	s26 =	sadd.s32 s11, s14;
	s29 =	smul.u32 $0xFFFFFFE7, s5  }
0x46: {  	s1 =	sadd.s32 s1, s19;
	s15 =	sadd.s32 s15, s22;
	s22 =	smul.u32 $0xA000, s26  }
0x47: {  	[smem:$0x7FA] =	sst s1;
	s1 =	sadd.s32 s18, s19;
	s4 =	smul.u32 $0xA000, s15  }
0x48: {  	s19 =	sshrl.u32 s2, $0x10;
	[smem:$0x7F9] =	sst s1;
	s1 =	smul.u32 $0xFA000, s5  }
0x49: {  	s7 =	sand.u32 $0xC00, s16;
	s25 =	sadd.s32 s9, s8;
	s30 =	smul.u32 $0xFFFFFFE7, s19  }
0x4a: {  	s3 =	sshrl.u32 s31, $0xC;
	[smem:$0x7F6] =	sst s15;
	s9 =	smul.u32 $0xFA000, s19  }
0x4b: {  	s18 =	sshrl.u32 s17, $0xC;
	s2 =	sshrl.u32 s2, $0xC;
	s19 =	smul.u32 $0xA000, s25  }
0x4c: {  	s11 =	sand.u32 $0x70, s18;
	s5 =	sor.u32 $0x220, s13;
	s29 =	sadd.s32 s24, s29  }
0x4d: {  	s14 =	sadd.s32 s21, s22;
	s21 =	sand.u32 $0x70, s10;
	s22 =	sadd.s32 $0x800, s0  }
0x4e: {  	s10 =	sand.u32 $0x70, s3;
	s2 =	sand.u32 $0x70, s2;
	s11 =	sadd.s32 s0, s11  }
0x4f: {  	[smem:$0x7ED] =	sst s14;
	s18 =	sadd.s32 s23, s4;
	s24 =	sadd.s32 s21, s22  }
0x50: {  	s4 =	sor.u32 $0x240, s13;
	s6 =	sadd.s32 s7, s11;
	[smem:$0x7EE] =	sst s18  }
0x51: {  	s11 =	smul.u32 $0xA3E, s5;
	s7 =	sadd.s32 s12, s19;
	[smem:$0x7F4] =	sst s24  }
0x52: {  	s30 =	sadd.s32 s28, s30;
	s12 =	smul.u32 $0xA000, s29;
	[smem:$0x7F8] =	sst s6  }
0x53: {  	[smem:$0x7EC] =	sst s7;
	s15 =	smul.u32 $0xA000, s30;
	s7 =	sadd.s32 s10, s22  }
0x54: {  	s14 =	sshrl.u32 s11, $0x10;
	s1 =	sadd.s32 s1, s12;
	[smem:$0x7F7] =	sst s7  }
0x55: {  	s11 =	sshrl.u32 s11, $0xC;
	s19 =	smul.u32 $0xFFFFFFE7, s14;
	[smem:$0x7EF] =	sst s1  }
0x56: {  	s23 =	sadd.s32 s9, s15;
	s1 =	sshrl.u32 s20, $0xC;
	s14 =	smul.u32 $0xFA000, s14  }
0x57: {  	s15 =	simm.s32 $0x10;
	[smem:$0x7F0] =	sst s23;
	s9 =	sand.u32 $0x70, s1  }
0x58: {  	s1 =	sor.u32 $0x280, s13;
	s15 =	simm.s32 @!p0 $0x0;
	s28 =	sadd.s32 s5, s19  }
0x59: {  	s5 =	smul.u32 $0xA3E, s4;
	s6 =	sadd.s32 s9, s22;
	s9 =	sand.u32 $0x70, s11  }
0x5a: {  	s11 =	sadd.s32 s2, s22;
	s23 =	smul.u32 $0xA3E, s1;
	[smem:$0x7F5] =	sst s6  }
0x5b: {  	s18 =	sadd.s32 s9, s22;
	s21 =	smul.u32 $0xA000, s28;
	s22 =	sor.u32 $0x260, s13  }
0x5c: {  	[dreg:$0x4] =	wrdreg s11;
	s8 =	sshrl.u32 s5, $0x10;
	s31 =	smul.u32 $0xA3E, s22  }
0x5d: {  	s11 =	sld [smem:$0x7D3];
	s17 =	sshrl.u32 s5, $0xC;
	s10 =	smul.u32 $0xFFFFFFE7, s8  }
0x5e: {  	[dreg:$0x5] =	wrdreg s18;
	s19 =	smul.u32 $0xFA000, s8;
	s17 =	sand.u32 $0x70, s17  }
0x5f: {  	s20 =	sadd.s32 s14, s21;
	s8 =	sld [smem:$0x7D2];
	s14 =	sadd.s32 s0, s15  }
0x60: {  	s3 =	sshrl.u32 s31, $0x10;
	s17 =	sadd.s32 s0, s17;
	s12 =	sshrl.u32 s11, $0x6  }
0x61: {  	s11 =	sld [smem:$0x7D8];
	s24 =	sadd.s32 s4, s10;
	s4 =	sshrl.u32 s5, $0x9  }
0x62: {  	s6 =	smul.u32 $0xFFFFFFE7, s3;
	s16 =	sand.u32 $0x30, s12;
	s12 =	sld [smem:$0x7D9]  }
0x63: {  	s13 =	sand.u32 $0xC00, s4;
	s5 =	smul.u32 $0xA000, s24;
	s4 =	sshrl.u32 s23, $0x10  }
0x64: {  	s9 =	sshrl.u32 s8, $0x6;
	s13 =	sadd.s32 s13, s17;
	s17 =	sld [smem:$0x7D4]  }
0x65: {  	s16 =	sadd.s32 s0, s16;
	s22 =	sadd.s32 s22, s6;
	s6 =	sld [smem:$0x7D6]  }
0x66: {  	s10 =	sand.u32 $0x30, s9;
	s21 =	sadd.s32 s19, s5;
	s19 =	sld [smem:$0x7D5]  }
0x67: {  	s7 =	smul.u32 $0xFFFFFFE7, s4;
	s15 =	sadd.s32 s0, s10;
	s10 =	sld [smem:$0x7D7]  }
0x68: {  	s8 =	sshrl.u32 s31, $0xC;
	s23 =	sshrl.u32 s23, $0xC;
	s4 =	smul.u32 $0xFA000, s4  }
0x69: {  	s2 =	sadd.s32 s1, s7;
	s18 =	sshrl.u32 s17, $0x6;
	s7 =	sshrl.u32 s6, $0x6  }
0x6a: {  	s17 =	sand.u32 $0x70, s18;
	s5 =	sshrl.u32 s19, $0x6;
	s1 =	sshrl.u32 s10, $0x3  }
0x6b: {  	s10 =	sld [smem:$0x7DE];
	s17 =	sadd.s32 s0, s17;
	s19 =	sand.u32 $0x70, s5  }
0x6c: {  	s5 =	sand.u32 $0x70, s7;
	s7 =	sld [smem:$0x7DB];
	s18 =	sadd.s32 s0, s19  }
0x6d: {  	s19 =	sadd.s32 s0, s5;
	s5 =	sand.u32 $0x70, s8;
	s0 =	sadd.s32 $0xC00, s0  }
0x6e: {  	s23 =	sand.u32 $0x70, s23;
	s8 =	sld [smem:$0x7DC];
	s5 =	sadd.s32 s5, s0  }
0x6f: {  	s9 =	smul.u32 $0xA000, s2;
	s0 =	sadd.s32 s23, s0;
	[dreg:$0x6] =	wrdreg s5  }
0x70: {  	[dreg:$0x7] =	wrdreg s0  }
0x71: {  	s0 =	sadd.s32 s4, s9;
	s4 =	rddreg [dreg:$0x2]  }
0x72: {  	s9 =	sld [smem:$0x7DD]  }
0x73: {  	s5 =	smul.u32 $0x28, s11;
	s11 =	sld [smem:$0x7DF];
	s1 =	sadd.s32 s4, s1  }
0x74: {  	[dreg:$0x8] =	wrdreg s1;
	s1 =	sshrl.u32 s12, $0x3  }
0x75: {  	s12 =	sld [smem:$0x7E0];
	s1 =	sadd.s32 s4, s1  }
0x76: {  	s6 =	smul.u32 $0x28, s8;
	[dreg:$0x9] =	wrdreg s1  }
0x77: {  	s1 =	sshrl.u32 s7, $0x3;
	s7 =	smul.u32 $0x28, s10;
	s10 =	sld [smem:$0x7E2]  }
0x78: {  	s1 =	sadd.s32 s4, s1;
	s8 =	smul.u32 $0x28, s12;
	s12 =	sld [smem:$0x7E4]  }
0x79: {  	[dreg:$0xa] =	wrdreg s1;
	s1 =	sshrl.u32 s9, $0x3  }
0x7a: {  	s9 =	sld [smem:$0x7E1];
	s1 =	sadd.s32 s4, s1  }
0x7b: {  	[dreg:$0xb] =	wrdreg s1;
	s1 =	sshrl.u32 s11, $0x3  }
0x7c: {  	s11 =	sld [smem:$0x7E3];
	s1 =	sadd.s32 s4, s1  }
0x7d: {  	[dreg:$0xc] =	wrdreg s1;
	s1 =	sshrl.u32 s9, $0x3;
	s9 =	smul.u32 $0x28, s10  }
0x7e: {  	s10 =	smul.u32 $0x28, s12;
	s12 =	sld [smem:$0x7E6];
	s1 =	sadd.s32 s4, s1  }
0x7f: {  	[dreg:$0xd] =	wrdreg s1  }
0x80: {  	s1 =	sshrl.u32 s11, $0x3;
	s11 =	sld [smem:$0x7E5]  }
0x81: {  	s1 =	sadd.s32 s4, s1  }
0x82: {  	[dreg:$0xe] =	wrdreg s1  }
0x83: {  	s1 =	sshrl.u32 s11, $0x3;
	s11 =	smul.u32 $0x28, s12;
	s12 =	sld [smem:$0x7E7]  }
0x84: {  	_ = 	snop  }
0x85: {  	s1 =	sadd.s32 s4, s1  }
0x86: {  	[dreg:$0xf] =	wrdreg s1;
	s1 =	sshrl.u32 s12, $0x3  }
0x87: {  	s1 =	sadd.s32 s4, s1  }
0x88: {  	[dreg:$0x10] =	wrdreg s1  }
0x89: {  	s1 =	sld [smem:$0x7E9];
	_ =	sdelay $0x2  }
0x8a: {  	s1 =	sshrl.u32 s1, $0x3  }
0x8b: {  	s3 =	smul.u32 $0xFA000, s3;
	s1 =	sadd.s32 s4, s1  }
0x8c: {  	s31 =	smul.u32 $0xA000, s22;
	[dreg:$0x11] =	wrdreg s1  }
0x8d: {  	s1 =	sld [smem:$0x7EA]  }
0x8e: {  	s3 =	sadd.s32 s3, s31;
	s31 =	sld [smem:$0x7EB];
	_ =	sdelay $0x1  }
0x8f: {  	s1 =	sshrl.u32 s1, $0x3  }
0x90: {  	s31 =	sshrl.u32 s31, $0x3;
	s1 =	sadd.s32 s4, s1  }
0x91: {  	[dreg:$0x12] =	wrdreg s1;
	s1 =	sadd.s32 s4, s31  }
0x92: {  	[dreg:$0x13] =	wrdreg s1  }
0x93: {  	s1 =	sld [smem:$0x7EC];
	_ =	sdelay $0x2  }
0x94: {  	s1 =	sshrl.u32 s1, $0x3  }
0x95: {  	s1 =	sadd.s32 s4, s1  }
0x96: {  	[dreg:$0x14] =	wrdreg s1  }
0x97: {  	s1 =	sld [smem:$0x7ED]  }
0x98: {  	s31 =	sld [smem:$0x7EE];
	_ =	sdelay $0x1  }
0x99: {  	s1 =	sshrl.u32 s1, $0x3  }
0x9a: {  	s31 =	sshrl.u32 s31, $0x3;
	s1 =	sadd.s32 s4, s1  }
0x9b: {  	[dreg:$0x15] =	wrdreg s1;
	s1 =	sadd.s32 s4, s31  }
0x9c: {  	[dreg:$0x16] =	wrdreg s1  }
0x9d: {  	s1 =	sld [smem:$0x7EF];
	_ =	sdelay $0x1  }
0x9e: {  	s20 =	sshrl.u32 s20, $0x3  }
0x9f: {  	s23 =	sld [smem:$0x7DA];
	s20 =	sadd.s32 s4, s20;
	s1 =	sshrl.u32 s1, $0x3  }
0xa0: {  	[dreg:$0x19] =	wrdreg s20;
	s1 =	sadd.s32 s4, s1  }
0xa1: {  	[dreg:$0x17] =	wrdreg s1  }
0xa2: {  	s0 =	sshrl.u32 s0, $0x3;
	s1 =	sld [smem:$0x7F0]  }
0xa3: {  	s23 =	smul.u32 $0x28, s23;
	s20 =	sshrl.u32 s21, $0x3;
	s12 =	sld [smem:$0x7E8]  }
0xa4: {  	s21 =	sshrl.u32 s3, $0x3;
	s0 =	sadd.s32 s4, s0;
	s3 =	sld [smem:$0x7F2]  }
0xa5: {  	[dreg:$0x1c] =	wrdreg s0;
	s31 =	simm.s32 $0x0;
	s1 =	sshrl.u32 s1, $0x3  }
0xa6: {  	s12 =	smul.u32 $0x28, s12;
	[smem:$0x7FF] =	sst s31;
	s1 =	sadd.s32 s4, s1  }
0xa7: {  	[dreg:$0x18] =	wrdreg s1;
	s1 =	sadd.s32 s4, s20;
	s20 =	sadd.s32 $0x28, s23  }
0xa8: {  	v4 =	vmov s6;
	v2 =	vmov s23;
	s23 =	sadd.s32 $0x28, s6;
	s6 =	sadd.s32 $0x28, s7;
	[dreg:$0x1a] =	wrdreg s1  }
0xa9: {  	v6 =	vmov s7;
	s7 =	sadd.s32 $0x28, s8;
	s1 =	sadd.s32 s4, s21;
	v5 =	vmov s23;
	s23 =	sld [smem:$0x7F6]  }
0xaa: {  	v8 =	vmov s8;
	s8 =	sadd.s32 $0x28, s9;
	v7 =	vmov s6;
	s6 =	smul.u32 $0x28, s26;
	[dreg:$0x1b] =	wrdreg s1  }
0xab: {  	s4 =	sadd.s32 $0x28, s5;
	v11 =	vmov s8;
	s8 =	smul.u32 $0x28, s29;
	s1 =	sld [smem:$0x7F1]  }
0xac: {  	s21 =	sld [smem:$0x7F3];
	v1 =	vmov s4;
	s4 =	smul.u32 $0x28, s25  }
0xad: {  	v0 =	vmov s5;
	v3 =	vmov s20;
	v9 =	vmov s7;
	s5 =	rddreg [dreg:$0x1];
	s20 =	sadd.s32 $0x28, s10;
	s7 =	smul.u32 $0x28, s23  }
0xae: {  	v12 =	vmov s10;
	s10 =	sld [smem:$0x7F4];
	s29 =	simm.s32 $0x0;
	s0 =	smul.u32 $0x28, s1  }
0xaf: {  	v16 =	vmov s12;
	s25 =	sadd.s32 $0x28, s12;
	s12 =	sld [smem:$0x7F7];
	s1 =	smul.u32 $0x28, s3  }
0xb0: {  	v17 =	vmov s25;
	v26 =	vmov s6;
	s25 =	sadd.s32 $0x28, s6;
	s6 =	stileid.u32;
	s3 =	smul.u32 $0x28, s21  }
0xb1: {  	v14 =	vmov s11;
	s21 =	sadd.s32 $0x28, s11;
	s11 =	sld [smem:$0x7F5];
	_ =	strace $0x80000047  }
0xb2: {  	v10 =	vmov s9;
	s23 =	sadd.s32 $0x28, s4;
	p0 =	sgt.u32 s6, $0x4;
	s9 =	sld [smem:$0x7F8]  }
0xb3: {  	v13 =	vmov s20;
	v25 =	vmov s23;
	s23 =	rddreg [dreg:$0x1e];
	v20 =	vmov s1;
	s20 =	sadd.s32 $0x28, s1;
	s1 =	smul.u32 $0x28, s30  }
0xb4: {  	v24 =	vmov s4;
	v15 =	vmov s21;
	s4 =	sld [smem:$0x7FC];
	s21 =	sadd.s32 $0x28, s3;
	v22 =	vmov s3;
	s3 =	smul.u32 $0x28, s28  }
0xb5: {  	s26 =	sadd.s32 $0x28, s0;
	v18 =	vmov s0;
	s0 =	sadd.s32 $0x400, s5;
	s5 =	smul.u32 $0x28, s24  }
0xb6: {  	v28 =	vmov s7;
	s30 =	smul.u32 $0x28, s22;
	v19 =	vmov s26;
	s26 =	sadd.s32 $0x28, s7;
	s7 =	sadd.s32 $0x28, s8  }
0xb7: {  	v30 =	vmov s8;
	v23 =	vmov s21;
	s8 =	sld [smem:$0x7F9];
	s21 =	smul.u32 $0x28, s2;
	s2 =	smax.u32 s23, $0x1  }
0xb8: {  	v42 =	vlaneseq.u32;
	v43 =	vimm.f32 $1.000000000e+00;
	s22 =	simm.s32 $0x3;
	s28 =	simm.s32 $0x2;
	[dreg:$0x1d] =	wrdreg s2  }
.Ltmp0:
0xb9: {  	v44 =	vimm.f32 $0.0e+00;
	v27 =	vmov s25;
	s23 =	simm.s32 $0xA800;
	v31 =	vmov s7;
	s7 =	sld [smem:$0x7FA];
	(pc) =	sbr.rel .LBB2_1-.Ltmp0, $4  }
0xba: {  	v21 =	vmov s20;
	v29 =	vmov s26;
	s20 =	sadd.s32 $0x28, s1;
	s25 =	sadd.s32 $0x28, s5;
	v36 =	vmov s5;
	s5 =	sld [smem:$0x7FB]  }
0xbb: {  	v32 =	vmov s1;
	s24 =	sadd.s32 $0x28, s3;
	v34 =	vmov s3;
	s26 =	sadd.s32 $0x28, s30;
	v38 =	vmov s30;
	s3 =	sld [smem:$0x7FD]  }
0xbc: {  	s2 =	rddreg [dreg:$0x1f];
	v33 =	vmov s20;
	v35 =	vmov s24;
	v37 =	vmov s25;
	s30 =	sadd.s32 $0x28, s21;
	s20 =	simm.s32 $0x800  }
0xbd: {  	v39 =	vmov s26;
	v40 =	vmov s21;
	s24 =	simm.s32 $0x80;
	s25 =	simm.s32 $0x400;
	s26 =	simm.s32 $0x1;
	v41 =	vmov s30  }
.LBB2_82:
0xbe: {  	v46 =	vmov s30;
	v47 =	vor.u32 s30, v42;
	vm0 =	vge.s32 v45, v40  }
0xbf: {  	v61 =	vsub.s32 v45, v40;
	v48 =	vshll.u32 v45, $0x7;
	v46 =	vshll.u32 v46, $0x3  }
0xc0: {  	vm1 =	vlt.s32 v45, v41;
	v47 =	vand.u32 $0x7F, v47;
	v46 =	vand.u32 $0x1C00, v46  }
0xc1: {  	v62 =	vshll.u32 v61, $0xA;
	v63 =	vand.u32 $0x380, v48;
	v46 =	vor.u32 v46, v47  }
0xc2: {  	vm0 =	vmand vm0, vm1;
	v45 =	vand.u32 $0xFFFFE000, v62;
	v46 =	vor.u32 v63, v46  }
0xc3: {  	v45 =	vor.u32 v45, v46;
	_ =	sdelay $0x4  }
0xc4: {  	s1 =	rddreg [dreg:$0x1c];
	[tilespmem:v45+s20+$0x0] =	vst.idx.msk vm0, v43  }
0xc5: {  	[hbm4b:s1+s31] =	stream.linear.scatter [tilespmem:s20], [sflag:$0x1], $0xA000, $0x38;
	[tilespmem:$0x14800] =	vst v63  }
0xc6: {  	_ =	swait.ge [sflag:s28], $0xA000  }
0xc7: {  	[sflag:s28] =	ssyncset.done $0x0  }
0xc8: {  	s1 =	simm.s32 $0x1;
	[sflag:s28] =	ssyncadd.s32 $0xFFFF6000  }
.LBB2_83:
0xc9: {  	_ =	swait.ge [sflag:s1], $0xA000  }
0xca: {  	s29 =	sadd.s32 $0x1, s29;
	s21 =	rddreg [dreg:$0x1d]  }
0xcb: {  	p1 =	sne.s32 s29, s21  }
.Ltmp1:
0xcc: {  	_ = 	snop;
	(pc) =	sbr.rel @!p1 .LBB2_84-.Ltmp1, $3  }
0xcd: {  	_ =	sdelay $0x1  }
0xce: {  	[sflag:s1] =	ssyncset.done $0x0  }
0xcf: {  	[sflag:s1] =	ssyncadd.s32 $0xFFFF6000  }
.LBB2_1:
0xd0: {  	[tilespmem:s20], [sflag:$0x3] =	stream.linear.gather [hbm4b:s0+s31], $0xA000, $0x38;
	[tilespmem:$0x14800] =	vst v63  }
0xd1: {  	_ =	swait.ge [sflag:s22], $0xA000  }
0xd2: {  	[sflag:s22] =	ssyncset.done $0x0  }
0xd3: {  	[sflag:s22] =	ssyncadd.s32 $0xFFFF6000  }
0xd4: {  	[tilespmem:s23], [sflag:$0x3] =	stream.linear.gather [hbm4b:s0+s31], $0xA000, $0x38;
	[tilespmem:$0x14800] =	vst v63  }
0xd5: {  	_ =	swait.ge [sflag:s22], $0xA000  }
0xd6: {  	[sflag:s22] =	ssyncset.done $0x0  }
0xd7: {  	[sflag:s22] =	ssyncadd.s32 $0xFFFF6000  }
0xd8: {  	[tilespmem:s31], [sflag:$0x3] =	stream.strided.gather [hbm4b:s14+s24], $0x400, s25, s24, $0x38;
	[tilespmem:$0x14800] =	vst v63  }
0xd9: {  	_ =	swait.ge [sflag:s22], $0x400  }
0xda: {  	[sflag:s22] =	ssyncset.done $0x0  }
0xdb: {  	[sflag:s22] =	ssyncadd.s32 $0xFFFFFC00  }
0xdc: {  	s21 =	simm.s32 $0x10;
	s30 =	simm.s32 $0x0;
	s1 =	simm.s32 $0x0;
	v45 =	vld [tilespmem:s31+$0x0]  }
.LBB2_2:
0xdd: {  	p1 =	sne.s32 s21, $0x3F0;
	v46 =	vmov s30  }
0xde: {  	v47 =	vor.u32 s30, v42;
	s30 =	smov.u32 s21;
	v46 =	vshll.u32 v46, $0x3  }
0xdf: {  	v47 =	vand.u32 $0x7F, v47;
	v46 =	vand.u32 $0x1C00, v46  }
0xe0: {  	v46 =	vor.u32 v46, v47  }
0xe1: {  	vm0 =	vge.s32 v45, v0;
	v47 =	vsub.s32 v45, v0;
	v48 =	vshll.u32 v45, $0x7  }
0xe2: {  	vm1 =	vlt.s32 v45, v1;
	v45 =	vshll.u32 v47, $0xA;
	v47 =	vand.u32 $0x380, v48  }
0xe3: {  	vm0 =	vmand vm0, vm1;
	v45 =	vand.u32 $0xFFFFE000, v45;
	v46 =	vor.u32 v47, v46  }
0xe4: {  	v45 =	vor.u32 v45, v46;
	_ =	sdelay $0x1  }
.Ltmp2:
0xe5: {  	(pc) =	sbr.rel @p1 .LBB2_2-.Ltmp2, $3  }
0xe6: {  	_ =	sdelay $0x1  }
0xe7: {  	s1 =	sadd.s32 $0x10, s1;
	[tilespmem:v45+s20+$0x0] =	vst.idx.msk vm0, v43  }
0xe8: {  	s21 =	sadd.s32 $0x10, s21;
	v45 =	vld [tilespmem:s1+$0x0]  }
0xe9: {  	v46 =	vmov s30  }
0xea: {  	v47 =	vor.u32 s30, v42;
	v46 =	vshll.u32 v46, $0x3  }
0xeb: {  	v47 =	vand.u32 $0x7F, v47;
	v46 =	vand.u32 $0x1C00, v46  }
0xec: {  	v46 =	vor.u32 v46, v47  }
0xed: {  	vm0 =	vge.s32 v45, v0;
	v61 =	vsub.s32 v45, v0;
	v48 =	vshll.u32 v45, $0x7  }
0xee: {  	vm1 =	vlt.s32 v45, v1;
	v62 =	vshll.u32 v61, $0xA;
	v63 =	vand.u32 $0x380, v48  }
0xef: {  	vm0 =	vmand vm0, vm1;
	v45 =	vand.u32 $0xFFFFE000, v62;
	v46 =	vor.u32 v63, v46  }
0xf0: {  	v45 =	vor.u32 v45, v46;
	_ =	sdelay $0x4  }
0xf1: {  	s30 =	simm.s32 $0x0;
	s1 =	rddreg [dreg:$0x8];
	[tilespmem:v45+s20+$0x0] =	vst.idx.msk vm0, v43  }
0xf2: {  	[hbm4b:s1+s30] =	stream.linear.scatter [tilespmem:s20], [sflag:$0x1], $0xA000, $0x38;
	[tilespmem:$0x14800] =	vst v63  }
0xf3: {  	_ = 	snop  }
0xf4: {  	[tilespmem:s30], [sflag:$0x3] =	stream.strided.gather [hbm4b:s15+s24], $0x400, s25, s24, $0x38;
	[tilespmem:$0x14800] =	vst v63  }
0xf5: {  	_ =	swait.ge [sflag:s22], $0x400  }
0xf6: {  	[sflag:s22] =	ssyncset.done $0x0  }
0xf7: {  	[sflag:s22] =	ssyncadd.s32 $0xFFFFFC00  }
0xf8: {  	s21 =	simm.s32 $0x10;
	s1 =	simm.s32 $0x0;
	v45 =	vld [tilespmem:s30+$0x0]  }
.LBB2_4:
0xf9: {  	p1 =	sne.s32 s21, $0x3F0;
	v46 =	vmov s30  }
0xfa: {  	v47 =	vor.u32 s30, v42;
	s30 =	smov.u32 s21;
	v46 =	vshll.u32 v46, $0x3  }
0xfb: {  	v47 =	vand.u32 $0x7F, v47;
	v46 =	vand.u32 $0x1C00, v46  }
0xfc: {  	v46 =	vor.u32 v46, v47  }
0xfd: {  	vm0 =	vge.s32 v45, v2;
	v47 =	vsub.s32 v45, v2;
	v48 =	vshll.u32 v45, $0x7  }
0xfe: {  	vm1 =	vlt.s32 v45, v3;
	v45 =	vshll.u32 v47, $0xA;
	v47 =	vand.u32 $0x380, v48  }
0xff: {  	vm0 =	vmand vm0, vm1;
	v45 =	vand.u32 $0xFFFFE000, v45;
	v46 =	vor.u32 v47, v46  }
0x100: {  	v45 =	vor.u32 v45, v46;
	_ =	sdelay $0x1  }
.Ltmp3:
0x101: {  	(pc) =	sbr.rel @p1 .LBB2_4-.Ltmp3, $3  }
0x102: {  	_ =	sdelay $0x1  }
0x103: {  	s1 =	sadd.s32 $0x10, s1;
	[tilespmem:v45+s23+$0x0] =	vst.idx.msk vm0, v43  }
0x104: {  	s21 =	sadd.s32 $0x10, s21;
	v45 =	vld [tilespmem:s1+$0x0]  }
0x105: {  	v46 =	vmov s30  }
0x106: {  	v47 =	vor.u32 s30, v42;
	v46 =	vshll.u32 v46, $0x3  }
0x107: {  	v47 =	vand.u32 $0x7F, v47;
	v46 =	vand.u32 $0x1C00, v46  }
0x108: {  	v46 =	vor.u32 v46, v47  }
0x109: {  	vm0 =	vge.s32 v45, v2;
	v61 =	vsub.s32 v45, v2;
	v48 =	vshll.u32 v45, $0x7  }
0x10a: {  	vm1 =	vlt.s32 v45, v3;
	v62 =	vshll.u32 v61, $0xA;
	v63 =	vand.u32 $0x380, v48  }
0x10b: {  	vm0 =	vmand vm0, vm1;
	v45 =	vand.u32 $0xFFFFE000, v62;
	v46 =	vor.u32 v63, v46  }
0x10c: {  	v45 =	vor.u32 v45, v46;
	_ =	sdelay $0x4  }
0x10d: {  	s30 =	simm.s32 $0x0;
	s1 =	rddreg [dreg:$0x9];
	[tilespmem:v45+s23+$0x0] =	vst.idx.msk vm0, v43  }
0x10e: {  	[hbm4b:s1+s30] =	stream.linear.scatter [tilespmem:s23], [sflag:$0x2], $0xA000, $0x38;
	[tilespmem:$0x14800] =	vst v63  }
0x10f: {  	_ =	swait.ge [sflag:s26], $0xA000  }
0x110: {  	[sflag:s26] =	ssyncset.done $0x0  }
0x111: {  	s21 =	simm.s32 $0x400;
	[sflag:s26] =	ssyncadd.s32 $0xFFFF6000  }
0x112: {  	[tilespmem:s21], [sflag:$0x3] =	stream.strided.gather [hbm4b:s14+s24], $0x400, s21, s24, $0x38;
	[tilespmem:$0x14800] =	vst v63  }
0x113: {  	_ =	swait.ge [sflag:s22], $0x400  }
0x114: {  	[sflag:s22] =	ssyncset.done $0x0  }
0x115: {  	[sflag:s22] =	ssyncadd.s32 $0xFFFFFC00  }
0x116: {  	s1 =	simm.s32 $0x10;
	v45 =	vld [tilespmem:s21+$0x0]  }
.LBB2_6:
0x117: {  	p1 =	sne.s32 s1, $0x3F0;
	v46 =	vmov s30  }
0x118: {  	v47 =	vor.u32 s30, v42;
	s30 =	smov.u32 s1;
	v46 =	vshll.u32 v46, $0x3  }
0x119: {  	v47 =	vand.u32 $0x7F, v47;
	v46 =	vand.u32 $0x1C00, v46  }
0x11a: {  	v46 =	vor.u32 v46, v47  }
0x11b: {  	vm0 =	vge.s32 v45, v0;
	v47 =	vsub.s32 v45, v0;
	v48 =	vshll.u32 v45, $0x7  }
0x11c: {  	vm1 =	vlt.s32 v45, v1;
	v45 =	vshll.u32 v47, $0xA;
	v47 =	vand.u32 $0x380, v48  }
0x11d: {  	vm0 =	vmand vm0, vm1;
	v45 =	vand.u32 $0xFFFFE000, v45;
	v46 =	vor.u32 v47, v46  }
0x11e: {  	v45 =	vor.u32 v45, v46;
	_ =	sdelay $0x1  }
.Ltmp4:
0x11f: {  	(pc) =	sbr.rel @p1 .LBB2_6-.Ltmp4, $3  }
0x120: {  	_ =	sdelay $0x1  }
0x121: {  	s21 =	sadd.s32 $0x10, s21;
	[tilespmem:v45+s20+$0x0] =	vst.idx.msk vm0, v44  }
0x122: {  	s1 =	sadd.s32 $0x10, s1;
	v45 =	vld [tilespmem:s21+$0x0]  }
0x123: {  	v46 =	vmov s30  }
0x124: {  	v47 =	vor.u32 s30, v42;
	v46 =	vshll.u32 v46, $0x3  }
0x125: {  	v47 =	vand.u32 $0x7F, v47;
	v46 =	vand.u32 $0x1C00, v46  }
0x126: {  	v46 =	vor.u32 v46, v47  }
0x127: {  	vm0 =	vge.s32 v45, v0;
	v61 =	vsub.s32 v45, v0;
	v48 =	vshll.u32 v45, $0x7  }
0x128: {  	vm1 =	vlt.s32 v45, v1;
	v62 =	vshll.u32 v61, $0xA;
	v63 =	vand.u32 $0x380, v48  }
0x129: {  	vm0 =	vmand vm0, vm1;
	v45 =	vand.u32 $0xFFFFE000, v62;
	v46 =	vor.u32 v63, v46  }
0x12a: {  	v45 =	vor.u32 v45, v46;
	_ =	sdelay $0x4  }
0x12b: {  	s30 =	simm.s32 $0x0;
	[tilespmem:v45+s20+$0x0] =	vst.idx.msk vm0, v44  }
0x12c: {  	[tilespmem:s30], [sflag:$0x3] =	stream.strided.gather [hbm4b:s16+s24], $0x400, s25, s24, $0x38;
	[tilespmem:$0x14800] =	vst v63  }
0x12d: {  	_ =	swait.ge [sflag:s22], $0x400  }
0x12e: {  	[sflag:s22] =	ssyncset.done $0x0  }
0x12f: {  	[sflag:s22] =	ssyncadd.s32 $0xFFFFFC00  }
0x130: {  	s21 =	simm.s32 $0x10;
	s1 =	simm.s32 $0x0;
	v45 =	vld [tilespmem:s30+$0x0]  }
.LBB2_8:
0x131: {  	p1 =	sne.s32 s21, $0x3F0;
	v46 =	vmov s30  }
0x132: {  	v47 =	vor.u32 s30, v42;
	s30 =	smov.u32 s21;
	v46 =	vshll.u32 v46, $0x3  }
0x133: {  	v47 =	vand.u32 $0x7F, v47;
	v46 =	vand.u32 $0x1C00, v46  }
0x134: {  	v46 =	vor.u32 v46, v47  }
0x135: {  	vm0 =	vge.s32 v45, v4;
	v47 =	vsub.s32 v45, v4;
	v48 =	vshll.u32 v45, $0x7  }
0x136: {  	vm1 =	vlt.s32 v45, v5;
	v45 =	vshll.u32 v47, $0xA;
	v47 =	vand.u32 $0x380, v48  }
0x137: {  	vm0 =	vmand vm0, vm1;
	v45 =	vand.u32 $0xFFFFE000, v45;
	v46 =	vor.u32 v47, v46  }
0x138: {  	v45 =	vor.u32 v45, v46;
	_ =	sdelay $0x1  }
.Ltmp5:
0x139: {  	(pc) =	sbr.rel @p1 .LBB2_8-.Ltmp5, $3  }
0x13a: {  	_ =	sdelay $0x1  }
0x13b: {  	s1 =	sadd.s32 $0x10, s1;
	[tilespmem:v45+s20+$0x0] =	vst.idx.msk vm0, v43  }
0x13c: {  	s21 =	sadd.s32 $0x10, s21;
	v45 =	vld [tilespmem:s1+$0x0]  }
0x13d: {  	v46 =	vmov s30  }
0x13e: {  	v47 =	vor.u32 s30, v42;
	v46 =	vshll.u32 v46, $0x3  }
0x13f: {  	v47 =	vand.u32 $0x7F, v47;
	v46 =	vand.u32 $0x1C00, v46  }
0x140: {  	v46 =	vor.u32 v46, v47  }
0x141: {  	vm0 =	vge.s32 v45, v4;
	v61 =	vsub.s32 v45, v4;
	v48 =	vshll.u32 v45, $0x7  }
0x142: {  	vm1 =	vlt.s32 v45, v5;
	v62 =	vshll.u32 v61, $0xA;
	v63 =	vand.u32 $0x380, v48  }
0x143: {  	vm0 =	vmand vm0, vm1;
	v45 =	vand.u32 $0xFFFFE000, v62;
	v46 =	vor.u32 v63, v46  }
0x144: {  	v45 =	vor.u32 v45, v46;
	_ =	sdelay $0x4  }
0x145: {  	s30 =	simm.s32 $0x0;
	s1 =	rddreg [dreg:$0xa];
	[tilespmem:v45+s20+$0x0] =	vst.idx.msk vm0, v43  }
0x146: {  	[hbm4b:s1+s30] =	stream.linear.scatter [tilespmem:s20], [sflag:$0x1], $0xA000, $0x38;
	[tilespmem:$0x14800] =	vst v63  }
0x147: {  	_ =	swait.ge [sflag:s28], $0xA000  }
0x148: {  	[sflag:s28] =	ssyncset.done $0x0  }
0x149: {  	s21 =	simm.s32 $0x400;
	[sflag:s28] =	ssyncadd.s32 $0xFFFF6000  }
0x14a: {  	[tilespmem:s21], [sflag:$0x3] =	stream.strided.gather [hbm4b:s15+s24], $0x400, s21, s24, $0x38;
	[tilespmem:$0x14800] =	vst v63  }
0x14b: {  	_ =	swait.ge [sflag:s22], $0x400  }
0x14c: {  	[sflag:s22] =	ssyncset.done $0x0  }
0x14d: {  	[sflag:s22] =	ssyncadd.s32 $0xFFFFFC00  }
0x14e: {  	s1 =	simm.s32 $0x10;
	v45 =	vld [tilespmem:s21+$0x0]  }
.LBB2_10:
0x14f: {  	p1 =	sne.s32 s1, $0x3F0;
	v46 =	vmov s30  }
0x150: {  	v47 =	vor.u32 s30, v42;
	s30 =	smov.u32 s1;
	v46 =	vshll.u32 v46, $0x3  }
0x151: {  	v47 =	vand.u32 $0x7F, v47;
	v46 =	vand.u32 $0x1C00, v46  }
0x152: {  	v46 =	vor.u32 v46, v47  }
0x153: {  	vm0 =	vge.s32 v45, v2;
	v47 =	vsub.s32 v45, v2;
	v48 =	vshll.u32 v45, $0x7  }
0x154: {  	vm1 =	vlt.s32 v45, v3;
	v45 =	vshll.u32 v47, $0xA;
	v47 =	vand.u32 $0x380, v48  }
0x155: {  	vm0 =	vmand vm0, vm1;
	v45 =	vand.u32 $0xFFFFE000, v45;
	v46 =	vor.u32 v47, v46  }
0x156: {  	v45 =	vor.u32 v45, v46;
	_ =	sdelay $0x1  }
.Ltmp6:
0x157: {  	(pc) =	sbr.rel @p1 .LBB2_10-.Ltmp6, $3  }
0x158: {  	_ =	sdelay $0x1  }
0x159: {  	s21 =	sadd.s32 $0x10, s21;
	[tilespmem:v45+s23+$0x0] =	vst.idx.msk vm0, v44  }
0x15a: {  	s1 =	sadd.s32 $0x10, s1;
	v45 =	vld [tilespmem:s21+$0x0]  }
0x15b: {  	v46 =	vmov s30  }
0x15c: {  	v47 =	vor.u32 s30, v42;
	v46 =	vshll.u32 v46, $0x3  }
0x15d: {  	v47 =	vand.u32 $0x7F, v47;
	v46 =	vand.u32 $0x1C00, v46  }
0x15e: {  	v46 =	vor.u32 v46, v47  }
0x15f: {  	vm0 =	vge.s32 v45, v2;
	v61 =	vsub.s32 v45, v2;
	v48 =	vshll.u32 v45, $0x7  }
0x160: {  	vm1 =	vlt.s32 v45, v3;
	v62 =	vshll.u32 v61, $0xA;
	v63 =	vand.u32 $0x380, v48  }
0x161: {  	vm0 =	vmand vm0, vm1;
	v45 =	vand.u32 $0xFFFFE000, v62;
	v46 =	vor.u32 v63, v46  }
0x162: {  	v45 =	vor.u32 v45, v46;
	_ =	sdelay $0x4  }
0x163: {  	s30 =	simm.s32 $0x0;
	[tilespmem:v45+s23+$0x0] =	vst.idx.msk vm0, v44  }
0x164: {  	[tilespmem:s30], [sflag:$0x3] =	stream.strided.gather [hbm4b:s17+s24], $0x400, s25, s24, $0x38;
	[tilespmem:$0x14800] =	vst v63  }
0x165: {  	_ =	swait.ge [sflag:s22], $0x400  }
0x166: {  	[sflag:s22] =	ssyncset.done $0x0  }
0x167: {  	[sflag:s22] =	ssyncadd.s32 $0xFFFFFC00  }
0x168: {  	s21 =	simm.s32 $0x10;
	s1 =	simm.s32 $0x0;
	v45 =	vld [tilespmem:s30+$0x0]  }
.LBB2_12:
0x169: {  	p1 =	sne.s32 s21, $0x3F0;
	v46 =	vmov s30  }
0x16a: {  	v47 =	vor.u32 s30, v42;
	s30 =	smov.u32 s21;
	v46 =	vshll.u32 v46, $0x3  }
0x16b: {  	v47 =	vand.u32 $0x7F, v47;
	v46 =	vand.u32 $0x1C00, v46  }
0x16c: {  	v46 =	vor.u32 v46, v47  }
0x16d: {  	vm0 =	vge.s32 v45, v6;
	v47 =	vsub.s32 v45, v6;
	v48 =	vshll.u32 v45, $0x7  }
0x16e: {  	vm1 =	vlt.s32 v45, v7;
	v45 =	vshll.u32 v47, $0xA;
	v47 =	vand.u32 $0x380, v48  }
0x16f: {  	vm0 =	vmand vm0, vm1;
	v45 =	vand.u32 $0xFFFFE000, v45;
	v46 =	vor.u32 v47, v46  }
0x170: {  	v45 =	vor.u32 v45, v46;
	_ =	sdelay $0x1  }
.Ltmp7:
0x171: {  	(pc) =	sbr.rel @p1 .LBB2_12-.Ltmp7, $3  }
0x172: {  	_ =	sdelay $0x1  }
0x173: {  	s1 =	sadd.s32 $0x10, s1;
	[tilespmem:v45+s23+$0x0] =	vst.idx.msk vm0, v43  }
0x174: {  	s21 =	sadd.s32 $0x10, s21;
	v45 =	vld [tilespmem:s1+$0x0]  }
0x175: {  	v46 =	vmov s30  }
0x176: {  	v47 =	vor.u32 s30, v42;
	v46 =	vshll.u32 v46, $0x3  }
0x177: {  	v47 =	vand.u32 $0x7F, v47;
	v46 =	vand.u32 $0x1C00, v46  }
0x178: {  	v46 =	vor.u32 v46, v47  }
0x179: {  	vm0 =	vge.s32 v45, v6;
	v61 =	vsub.s32 v45, v6;
	v48 =	vshll.u32 v45, $0x7  }
0x17a: {  	vm1 =	vlt.s32 v45, v7;
	v62 =	vshll.u32 v61, $0xA;
	v63 =	vand.u32 $0x380, v48  }
0x17b: {  	vm0 =	vmand vm0, vm1;
	v45 =	vand.u32 $0xFFFFE000, v62;
	v46 =	vor.u32 v63, v46  }
0x17c: {  	v45 =	vor.u32 v45, v46;
	_ =	sdelay $0x4  }
0x17d: {  	s30 =	simm.s32 $0x0;
	s1 =	rddreg [dreg:$0xb];
	[tilespmem:v45+s23+$0x0] =	vst.idx.msk vm0, v43  }
0x17e: {  	[hbm4b:s1+s30] =	stream.linear.scatter [tilespmem:s23], [sflag:$0x2], $0xA000, $0x38;
	[tilespmem:$0x14800] =	vst v63  }
0x17f: {  	_ =	swait.ge [sflag:s26], $0xA000  }
0x180: {  	[sflag:s26] =	ssyncset.done $0x0  }
0x181: {  	s21 =	simm.s32 $0x400;
	[sflag:s26] =	ssyncadd.s32 $0xFFFF6000  }
0x182: {  	[tilespmem:s21], [sflag:$0x3] =	stream.strided.gather [hbm4b:s16+s24], $0x400, s21, s24, $0x38;
	[tilespmem:$0x14800] =	vst v63  }
0x183: {  	_ =	swait.ge [sflag:s22], $0x400  }
0x184: {  	[sflag:s22] =	ssyncset.done $0x0  }
0x185: {  	[sflag:s22] =	ssyncadd.s32 $0xFFFFFC00  }
0x186: {  	s1 =	simm.s32 $0x10;
	v45 =	vld [tilespmem:s21+$0x0]  }
.LBB2_14:
0x187: {  	p1 =	sne.s32 s1, $0x3F0;
	v46 =	vmov s30  }
0x188: {  	v47 =	vor.u32 s30, v42;
	s30 =	smov.u32 s1;
	v46 =	vshll.u32 v46, $0x3  }
0x189: {  	v47 =	vand.u32 $0x7F, v47;
	v46 =	vand.u32 $0x1C00, v46  }
0x18a: {  	v46 =	vor.u32 v46, v47  }
0x18b: {  	vm0 =	vge.s32 v45, v4;
	v47 =	vsub.s32 v45, v4;
	v48 =	vshll.u32 v45, $0x7  }
0x18c: {  	vm1 =	vlt.s32 v45, v5;
	v45 =	vshll.u32 v47, $0xA;
	v47 =	vand.u32 $0x380, v48  }
0x18d: {  	vm0 =	vmand vm0, vm1;
	v45 =	vand.u32 $0xFFFFE000, v45;
	v46 =	vor.u32 v47, v46  }
0x18e: {  	v45 =	vor.u32 v45, v46;
	_ =	sdelay $0x1  }
.Ltmp8:
0x18f: {  	(pc) =	sbr.rel @p1 .LBB2_14-.Ltmp8, $3  }
0x190: {  	_ =	sdelay $0x1  }
0x191: {  	s21 =	sadd.s32 $0x10, s21;
	[tilespmem:v45+s20+$0x0] =	vst.idx.msk vm0, v44  }
0x192: {  	s1 =	sadd.s32 $0x10, s1;
	v45 =	vld [tilespmem:s21+$0x0]  }
0x193: {  	v46 =	vmov s30  }
0x194: {  	v47 =	vor.u32 s30, v42;
	v46 =	vshll.u32 v46, $0x3  }
0x195: {  	v47 =	vand.u32 $0x7F, v47;
	v46 =	vand.u32 $0x1C00, v46  }
0x196: {  	v46 =	vor.u32 v46, v47  }
0x197: {  	vm0 =	vge.s32 v45, v4;
	v61 =	vsub.s32 v45, v4;
	v48 =	vshll.u32 v45, $0x7  }
0x198: {  	vm1 =	vlt.s32 v45, v5;
	v62 =	vshll.u32 v61, $0xA;
	v63 =	vand.u32 $0x380, v48  }
0x199: {  	vm0 =	vmand vm0, vm1;
	v45 =	vand.u32 $0xFFFFE000, v62;
	v46 =	vor.u32 v63, v46  }
0x19a: {  	v45 =	vor.u32 v45, v46;
	_ =	sdelay $0x4  }
0x19b: {  	s30 =	simm.s32 $0x0;
	[tilespmem:v45+s20+$0x0] =	vst.idx.msk vm0, v44  }
0x19c: {  	[tilespmem:s30], [sflag:$0x3] =	stream.strided.gather [hbm4b:s18+s24], $0x400, s25, s24, $0x38;
	[tilespmem:$0x14800] =	vst v63  }
0x19d: {  	_ =	swait.ge [sflag:s22], $0x400  }
0x19e: {  	[sflag:s22] =	ssyncset.done $0x0  }
0x19f: {  	[sflag:s22] =	ssyncadd.s32 $0xFFFFFC00  }
0x1a0: {  	s21 =	simm.s32 $0x10;
	s1 =	simm.s32 $0x0;
	v45 =	vld [tilespmem:s30+$0x0]  }
.LBB2_16:
0x1a1: {  	p1 =	sne.s32 s21, $0x3F0;
	v46 =	vmov s30  }
0x1a2: {  	v47 =	vor.u32 s30, v42;
	s30 =	smov.u32 s21;
	v46 =	vshll.u32 v46, $0x3  }
0x1a3: {  	v47 =	vand.u32 $0x7F, v47;
	v46 =	vand.u32 $0x1C00, v46  }
0x1a4: {  	v46 =	vor.u32 v46, v47  }
0x1a5: {  	vm0 =	vge.s32 v45, v8;
	v47 =	vsub.s32 v45, v8;
	v48 =	vshll.u32 v45, $0x7  }
0x1a6: {  	vm1 =	vlt.s32 v45, v9;
	v45 =	vshll.u32 v47, $0xA;
	v47 =	vand.u32 $0x380, v48  }
0x1a7: {  	vm0 =	vmand vm0, vm1;
	v45 =	vand.u32 $0xFFFFE000, v45;
	v46 =	vor.u32 v47, v46  }
0x1a8: {  	v45 =	vor.u32 v45, v46;
	_ =	sdelay $0x1  }
.Ltmp9:
0x1a9: {  	(pc) =	sbr.rel @p1 .LBB2_16-.Ltmp9, $3  }
0x1aa: {  	_ =	sdelay $0x1  }
0x1ab: {  	s1 =	sadd.s32 $0x10, s1;
	[tilespmem:v45+s20+$0x0] =	vst.idx.msk vm0, v43  }
0x1ac: {  	s21 =	sadd.s32 $0x10, s21;
	v45 =	vld [tilespmem:s1+$0x0]  }
0x1ad: {  	v46 =	vmov s30  }
0x1ae: {  	v47 =	vor.u32 s30, v42;
	v46 =	vshll.u32 v46, $0x3  }
0x1af: {  	v47 =	vand.u32 $0x7F, v47;
	v46 =	vand.u32 $0x1C00, v46  }
0x1b0: {  	v46 =	vor.u32 v46, v47  }
0x1b1: {  	vm0 =	vge.s32 v45, v8;
	v61 =	vsub.s32 v45, v8;
	v48 =	vshll.u32 v45, $0x7  }
0x1b2: {  	vm1 =	vlt.s32 v45, v9;
	v62 =	vshll.u32 v61, $0xA;
	v63 =	vand.u32 $0x380, v48  }
0x1b3: {  	vm0 =	vmand vm0, vm1;
	v45 =	vand.u32 $0xFFFFE000, v62;
	v46 =	vor.u32 v63, v46  }
0x1b4: {  	v45 =	vor.u32 v45, v46;
	_ =	sdelay $0x4  }
0x1b5: {  	s30 =	simm.s32 $0x0;
	s1 =	rddreg [dreg:$0xc];
	[tilespmem:v45+s20+$0x0] =	vst.idx.msk vm0, v43  }
0x1b6: {  	[hbm4b:s1+s30] =	stream.linear.scatter [tilespmem:s20], [sflag:$0x1], $0xA000, $0x38;
	[tilespmem:$0x14800] =	vst v63  }
0x1b7: {  	_ =	swait.ge [sflag:s28], $0xA000  }
0x1b8: {  	[sflag:s28] =	ssyncset.done $0x0  }
0x1b9: {  	s21 =	simm.s32 $0x400;
	[sflag:s28] =	ssyncadd.s32 $0xFFFF6000  }
0x1ba: {  	[tilespmem:s21], [sflag:$0x3] =	stream.strided.gather [hbm4b:s17+s24], $0x400, s21, s24, $0x38;
	[tilespmem:$0x14800] =	vst v63  }
0x1bb: {  	_ =	swait.ge [sflag:s22], $0x400  }
0x1bc: {  	[sflag:s22] =	ssyncset.done $0x0  }
0x1bd: {  	[sflag:s22] =	ssyncadd.s32 $0xFFFFFC00  }
0x1be: {  	s1 =	simm.s32 $0x10;
	v45 =	vld [tilespmem:s21+$0x0]  }
.LBB2_18:
0x1bf: {  	p1 =	sne.s32 s1, $0x3F0;
	v46 =	vmov s30  }
0x1c0: {  	v47 =	vor.u32 s30, v42;
	s30 =	smov.u32 s1;
	v46 =	vshll.u32 v46, $0x3  }
0x1c1: {  	v47 =	vand.u32 $0x7F, v47;
	v46 =	vand.u32 $0x1C00, v46  }
0x1c2: {  	v46 =	vor.u32 v46, v47  }
0x1c3: {  	vm0 =	vge.s32 v45, v6;
	v47 =	vsub.s32 v45, v6;
	v48 =	vshll.u32 v45, $0x7  }
0x1c4: {  	vm1 =	vlt.s32 v45, v7;
	v45 =	vshll.u32 v47, $0xA;
	v47 =	vand.u32 $0x380, v48  }
0x1c5: {  	vm0 =	vmand vm0, vm1;
	v45 =	vand.u32 $0xFFFFE000, v45;
	v46 =	vor.u32 v47, v46  }
0x1c6: {  	v45 =	vor.u32 v45, v46;
	_ =	sdelay $0x1  }
.Ltmp10:
0x1c7: {  	(pc) =	sbr.rel @p1 .LBB2_18-.Ltmp10, $3  }
0x1c8: {  	_ =	sdelay $0x1  }
0x1c9: {  	s21 =	sadd.s32 $0x10, s21;
	[tilespmem:v45+s23+$0x0] =	vst.idx.msk vm0, v44  }
0x1ca: {  	s1 =	sadd.s32 $0x10, s1;
	v45 =	vld [tilespmem:s21+$0x0]  }
0x1cb: {  	v46 =	vmov s30  }
0x1cc: {  	v47 =	vor.u32 s30, v42;
	v46 =	vshll.u32 v46, $0x3  }
0x1cd: {  	v47 =	vand.u32 $0x7F, v47;
	v46 =	vand.u32 $0x1C00, v46  }
0x1ce: {  	v46 =	vor.u32 v46, v47  }
0x1cf: {  	vm0 =	vge.s32 v45, v6;
	v61 =	vsub.s32 v45, v6;
	v48 =	vshll.u32 v45, $0x7  }
0x1d0: {  	vm1 =	vlt.s32 v45, v7;
	v62 =	vshll.u32 v61, $0xA;
	v63 =	vand.u32 $0x380, v48  }
0x1d1: {  	vm0 =	vmand vm0, vm1;
	v45 =	vand.u32 $0xFFFFE000, v62;
	v46 =	vor.u32 v63, v46  }
0x1d2: {  	v45 =	vor.u32 v45, v46;
	_ =	sdelay $0x4  }
0x1d3: {  	s30 =	simm.s32 $0x0;
	[tilespmem:v45+s23+$0x0] =	vst.idx.msk vm0, v44  }
0x1d4: {  	[tilespmem:s30], [sflag:$0x3] =	stream.strided.gather [hbm4b:s19+s24], $0x400, s25, s24, $0x38;
	[tilespmem:$0x14800] =	vst v63  }
0x1d5: {  	_ =	swait.ge [sflag:s22], $0x400  }
0x1d6: {  	[sflag:s22] =	ssyncset.done $0x0  }
0x1d7: {  	[sflag:s22] =	ssyncadd.s32 $0xFFFFFC00  }
0x1d8: {  	s21 =	simm.s32 $0x10;
	s1 =	simm.s32 $0x0;
	v45 =	vld [tilespmem:s30+$0x0]  }
.LBB2_20:
0x1d9: {  	p1 =	sne.s32 s21, $0x3F0;
	v46 =	vmov s30  }
0x1da: {  	v47 =	vor.u32 s30, v42;
	s30 =	smov.u32 s21;
	v46 =	vshll.u32 v46, $0x3  }
0x1db: {  	v47 =	vand.u32 $0x7F, v47;
	v46 =	vand.u32 $0x1C00, v46  }
0x1dc: {  	v46 =	vor.u32 v46, v47  }
0x1dd: {  	vm0 =	vge.s32 v45, v10;
	v47 =	vsub.s32 v45, v10;
	v48 =	vshll.u32 v45, $0x7  }
0x1de: {  	vm1 =	vlt.s32 v45, v11;
	v45 =	vshll.u32 v47, $0xA;
	v47 =	vand.u32 $0x380, v48  }
0x1df: {  	vm0 =	vmand vm0, vm1;
	v45 =	vand.u32 $0xFFFFE000, v45;
	v46 =	vor.u32 v47, v46  }
0x1e0: {  	v45 =	vor.u32 v45, v46;
	_ =	sdelay $0x1  }
.Ltmp11:
0x1e1: {  	(pc) =	sbr.rel @p1 .LBB2_20-.Ltmp11, $3  }
0x1e2: {  	_ =	sdelay $0x1  }
0x1e3: {  	s1 =	sadd.s32 $0x10, s1;
	[tilespmem:v45+s23+$0x0] =	vst.idx.msk vm0, v43  }
0x1e4: {  	s21 =	sadd.s32 $0x10, s21;
	v45 =	vld [tilespmem:s1+$0x0]  }
0x1e5: {  	v46 =	vmov s30  }
0x1e6: {  	v47 =	vor.u32 s30, v42;
	v46 =	vshll.u32 v46, $0x3  }
0x1e7: {  	v47 =	vand.u32 $0x7F, v47;
	v46 =	vand.u32 $0x1C00, v46  }
0x1e8: {  	v46 =	vor.u32 v46, v47  }
0x1e9: {  	vm0 =	vge.s32 v45, v10;
	v61 =	vsub.s32 v45, v10;
	v48 =	vshll.u32 v45, $0x7  }
0x1ea: {  	vm1 =	vlt.s32 v45, v11;
	v62 =	vshll.u32 v61, $0xA;
	v63 =	vand.u32 $0x380, v48  }
0x1eb: {  	vm0 =	vmand vm0, vm1;
	v45 =	vand.u32 $0xFFFFE000, v62;
	v46 =	vor.u32 v63, v46  }
0x1ec: {  	v45 =	vor.u32 v45, v46;
	_ =	sdelay $0x4  }
0x1ed: {  	s30 =	simm.s32 $0x0;
	s1 =	rddreg [dreg:$0xd];
	[tilespmem:v45+s23+$0x0] =	vst.idx.msk vm0, v43  }
0x1ee: {  	[hbm4b:s1+s30] =	stream.linear.scatter [tilespmem:s23], [sflag:$0x2], $0xA000, $0x38;
	[tilespmem:$0x14800] =	vst v63  }
0x1ef: {  	_ =	swait.ge [sflag:s26], $0xA000  }
0x1f0: {  	[sflag:s26] =	ssyncset.done $0x0  }
0x1f1: {  	s21 =	simm.s32 $0x400;
	[sflag:s26] =	ssyncadd.s32 $0xFFFF6000  }
0x1f2: {  	[tilespmem:s21], [sflag:$0x3] =	stream.strided.gather [hbm4b:s18+s24], $0x400, s21, s24, $0x38;
	[tilespmem:$0x14800] =	vst v63  }
0x1f3: {  	_ =	swait.ge [sflag:s22], $0x400  }
0x1f4: {  	[sflag:s22] =	ssyncset.done $0x0  }
0x1f5: {  	[sflag:s22] =	ssyncadd.s32 $0xFFFFFC00  }
0x1f6: {  	s1 =	simm.s32 $0x10;
	v45 =	vld [tilespmem:s21+$0x0]  }
.LBB2_22:
0x1f7: {  	p1 =	sne.s32 s1, $0x3F0;
	v46 =	vmov s30  }
0x1f8: {  	v47 =	vor.u32 s30, v42;
	s30 =	smov.u32 s1;
	v46 =	vshll.u32 v46, $0x3  }
0x1f9: {  	v47 =	vand.u32 $0x7F, v47;
	v46 =	vand.u32 $0x1C00, v46  }
0x1fa: {  	v46 =	vor.u32 v46, v47  }
0x1fb: {  	vm0 =	vge.s32 v45, v8;
	v47 =	vsub.s32 v45, v8;
	v48 =	vshll.u32 v45, $0x7  }
0x1fc: {  	vm1 =	vlt.s32 v45, v9;
	v45 =	vshll.u32 v47, $0xA;
	v47 =	vand.u32 $0x380, v48  }
0x1fd: {  	vm0 =	vmand vm0, vm1;
	v45 =	vand.u32 $0xFFFFE000, v45;
	v46 =	vor.u32 v47, v46  }
0x1fe: {  	v45 =	vor.u32 v45, v46;
	_ =	sdelay $0x1  }
.Ltmp12:
0x1ff: {  	(pc) =	sbr.rel @p1 .LBB2_22-.Ltmp12, $3  }
0x200: {  	_ =	sdelay $0x1  }
0x201: {  	s21 =	sadd.s32 $0x10, s21;
	[tilespmem:v45+s20+$0x0] =	vst.idx.msk vm0, v44  }
0x202: {  	s1 =	sadd.s32 $0x10, s1;
	v45 =	vld [tilespmem:s21+$0x0]  }
0x203: {  	v46 =	vmov s30  }
0x204: {  	v47 =	vor.u32 s30, v42;
	v46 =	vshll.u32 v46, $0x3  }
0x205: {  	v47 =	vand.u32 $0x7F, v47;
	v46 =	vand.u32 $0x1C00, v46  }
0x206: {  	v46 =	vor.u32 v46, v47  }
0x207: {  	vm0 =	vge.s32 v45, v8;
	v61 =	vsub.s32 v45, v8;
	v48 =	vshll.u32 v45, $0x7  }
0x208: {  	vm1 =	vlt.s32 v45, v9;
	v62 =	vshll.u32 v61, $0xA;
	v63 =	vand.u32 $0x380, v48  }
0x209: {  	vm0 =	vmand vm0, vm1;
	v45 =	vand.u32 $0xFFFFE000, v62;
	v46 =	vor.u32 v63, v46  }
0x20a: {  	v45 =	vor.u32 v45, v46;
	_ =	sdelay $0x4  }
0x20b: {  	s30 =	simm.s32 $0x0;
	[tilespmem:v45+s20+$0x0] =	vst.idx.msk vm0, v44  }
0x20c: {  	[tilespmem:s30], [sflag:$0x3] =	stream.strided.gather [hbm4b:s2+s24], $0x400, s25, s24, $0x38;
	[tilespmem:$0x14800] =	vst v63  }
0x20d: {  	_ =	swait.ge [sflag:s22], $0x400  }
0x20e: {  	[sflag:s22] =	ssyncset.done $0x0  }
0x20f: {  	[sflag:s22] =	ssyncadd.s32 $0xFFFFFC00  }
0x210: {  	s21 =	simm.s32 $0x10;
	s1 =	simm.s32 $0x0;
	v45 =	vld [tilespmem:s30+$0x0]  }
.LBB2_24:
0x211: {  	p1 =	sne.s32 s21, $0x3F0;
	v46 =	vmov s30  }
0x212: {  	v47 =	vor.u32 s30, v42;
	s30 =	smov.u32 s21;
	v46 =	vshll.u32 v46, $0x3  }
0x213: {  	v47 =	vand.u32 $0x7F, v47;
	v46 =	vand.u32 $0x1C00, v46  }
0x214: {  	v46 =	vor.u32 v46, v47  }
0x215: {  	vm0 =	vge.s32 v45, v12;
	v47 =	vsub.s32 v45, v12;
	v48 =	vshll.u32 v45, $0x7  }
0x216: {  	vm1 =	vlt.s32 v45, v13;
	v45 =	vshll.u32 v47, $0xA;
	v47 =	vand.u32 $0x380, v48  }
0x217: {  	vm0 =	vmand vm0, vm1;
	v45 =	vand.u32 $0xFFFFE000, v45;
	v46 =	vor.u32 v47, v46  }
0x218: {  	v45 =	vor.u32 v45, v46;
	_ =	sdelay $0x1  }
.Ltmp13:
0x219: {  	(pc) =	sbr.rel @p1 .LBB2_24-.Ltmp13, $3  }
0x21a: {  	_ =	sdelay $0x1  }
0x21b: {  	s1 =	sadd.s32 $0x10, s1;
	[tilespmem:v45+s20+$0x0] =	vst.idx.msk vm0, v43  }
0x21c: {  	s21 =	sadd.s32 $0x10, s21;
	v45 =	vld [tilespmem:s1+$0x0]  }
0x21d: {  	v46 =	vmov s30  }
0x21e: {  	v47 =	vor.u32 s30, v42;
	v46 =	vshll.u32 v46, $0x3  }
0x21f: {  	v47 =	vand.u32 $0x7F, v47;
	v46 =	vand.u32 $0x1C00, v46  }
0x220: {  	v46 =	vor.u32 v46, v47  }
0x221: {  	vm0 =	vge.s32 v45, v12;
	v61 =	vsub.s32 v45, v12;
	v48 =	vshll.u32 v45, $0x7  }
0x222: {  	vm1 =	vlt.s32 v45, v13;
	v62 =	vshll.u32 v61, $0xA;
	v63 =	vand.u32 $0x380, v48  }
0x223: {  	vm0 =	vmand vm0, vm1;
	v45 =	vand.u32 $0xFFFFE000, v62;
	v46 =	vor.u32 v63, v46  }
0x224: {  	v45 =	vor.u32 v45, v46;
	_ =	sdelay $0x4  }
0x225: {  	s30 =	simm.s32 $0x0;
	s1 =	rddreg [dreg:$0xe];
	[tilespmem:v45+s20+$0x0] =	vst.idx.msk vm0, v43  }
0x226: {  	[hbm4b:s1+s30] =	stream.linear.scatter [tilespmem:s20], [sflag:$0x1], $0xA000, $0x38;
	[tilespmem:$0x14800] =	vst v63  }
0x227: {  	_ =	swait.ge [sflag:s28], $0xA000  }
0x228: {  	[sflag:s28] =	ssyncset.done $0x0  }
0x229: {  	s21 =	simm.s32 $0x400;
	[sflag:s28] =	ssyncadd.s32 $0xFFFF6000  }
0x22a: {  	[tilespmem:s21], [sflag:$0x3] =	stream.strided.gather [hbm4b:s19+s24], $0x400, s21, s24, $0x38;
	[tilespmem:$0x14800] =	vst v63  }
0x22b: {  	_ =	swait.ge [sflag:s22], $0x400  }
0x22c: {  	[sflag:s22] =	ssyncset.done $0x0  }
0x22d: {  	[sflag:s22] =	ssyncadd.s32 $0xFFFFFC00  }
0x22e: {  	s1 =	simm.s32 $0x10;
	v45 =	vld [tilespmem:s21+$0x0]  }
.LBB2_26:
0x22f: {  	p1 =	sne.s32 s1, $0x3F0;
	v46 =	vmov s30  }
0x230: {  	v47 =	vor.u32 s30, v42;
	s30 =	smov.u32 s1;
	v46 =	vshll.u32 v46, $0x3  }
0x231: {  	v47 =	vand.u32 $0x7F, v47;
	v46 =	vand.u32 $0x1C00, v46  }
0x232: {  	v46 =	vor.u32 v46, v47  }
0x233: {  	vm0 =	vge.s32 v45, v10;
	v47 =	vsub.s32 v45, v10;
	v48 =	vshll.u32 v45, $0x7  }
0x234: {  	vm1 =	vlt.s32 v45, v11;
	v45 =	vshll.u32 v47, $0xA;
	v47 =	vand.u32 $0x380, v48  }
0x235: {  	vm0 =	vmand vm0, vm1;
	v45 =	vand.u32 $0xFFFFE000, v45;
	v46 =	vor.u32 v47, v46  }
0x236: {  	v45 =	vor.u32 v45, v46;
	_ =	sdelay $0x1  }
.Ltmp14:
0x237: {  	(pc) =	sbr.rel @p1 .LBB2_26-.Ltmp14, $3  }
0x238: {  	_ =	sdelay $0x1  }
0x239: {  	s21 =	sadd.s32 $0x10, s21;
	[tilespmem:v45+s23+$0x0] =	vst.idx.msk vm0, v44  }
0x23a: {  	s1 =	sadd.s32 $0x10, s1;
	v45 =	vld [tilespmem:s21+$0x0]  }
0x23b: {  	v46 =	vmov s30  }
0x23c: {  	v47 =	vor.u32 s30, v42;
	v46 =	vshll.u32 v46, $0x3  }
0x23d: {  	v47 =	vand.u32 $0x7F, v47;
	v46 =	vand.u32 $0x1C00, v46  }
0x23e: {  	v46 =	vor.u32 v46, v47  }
0x23f: {  	vm0 =	vge.s32 v45, v10;
	v61 =	vsub.s32 v45, v10;
	v48 =	vshll.u32 v45, $0x7  }
0x240: {  	vm1 =	vlt.s32 v45, v11;
	v62 =	vshll.u32 v61, $0xA;
	v63 =	vand.u32 $0x380, v48  }
0x241: {  	vm0 =	vmand vm0, vm1;
	v45 =	vand.u32 $0xFFFFE000, v62;
	v46 =	vor.u32 v63, v46  }
0x242: {  	v45 =	vor.u32 v45, v46;
	_ =	sdelay $0x4  }
0x243: {  	s30 =	simm.s32 $0x0;
	[tilespmem:v45+s23+$0x0] =	vst.idx.msk vm0, v44  }
0x244: {  	[tilespmem:s30], [sflag:$0x3] =	stream.strided.gather [hbm4b:s3+s24], $0x400, s25, s24, $0x38;
	[tilespmem:$0x14800] =	vst v63  }
0x245: {  	_ =	swait.ge [sflag:s22], $0x400  }
0x246: {  	[sflag:s22] =	ssyncset.done $0x0  }
0x247: {  	[sflag:s22] =	ssyncadd.s32 $0xFFFFFC00  }
0x248: {  	s21 =	simm.s32 $0x10;
	s1 =	simm.s32 $0x0;
	v45 =	vld [tilespmem:s30+$0x0]  }
.LBB2_28:
0x249: {  	p1 =	sne.s32 s21, $0x3F0;
	v46 =	vmov s30  }
0x24a: {  	v47 =	vor.u32 s30, v42;
	s30 =	smov.u32 s21;
	v46 =	vshll.u32 v46, $0x3  }
0x24b: {  	v47 =	vand.u32 $0x7F, v47;
	v46 =	vand.u32 $0x1C00, v46  }
0x24c: {  	v46 =	vor.u32 v46, v47  }
0x24d: {  	vm0 =	vge.s32 v45, v14;
	v47 =	vsub.s32 v45, v14;
	v48 =	vshll.u32 v45, $0x7  }
0x24e: {  	vm1 =	vlt.s32 v45, v15;
	v45 =	vshll.u32 v47, $0xA;
	v47 =	vand.u32 $0x380, v48  }
0x24f: {  	vm0 =	vmand vm0, vm1;
	v45 =	vand.u32 $0xFFFFE000, v45;
	v46 =	vor.u32 v47, v46  }
0x250: {  	v45 =	vor.u32 v45, v46;
	_ =	sdelay $0x1  }
.Ltmp15:
0x251: {  	(pc) =	sbr.rel @p1 .LBB2_28-.Ltmp15, $3  }
0x252: {  	_ =	sdelay $0x1  }
0x253: {  	s1 =	sadd.s32 $0x10, s1;
	[tilespmem:v45+s23+$0x0] =	vst.idx.msk vm0, v43  }
0x254: {  	s21 =	sadd.s32 $0x10, s21;
	v45 =	vld [tilespmem:s1+$0x0]  }
0x255: {  	v46 =	vmov s30  }
0x256: {  	v47 =	vor.u32 s30, v42;
	v46 =	vshll.u32 v46, $0x3  }
0x257: {  	v47 =	vand.u32 $0x7F, v47;
	v46 =	vand.u32 $0x1C00, v46  }
0x258: {  	v46 =	vor.u32 v46, v47  }
0x259: {  	vm0 =	vge.s32 v45, v14;
	v61 =	vsub.s32 v45, v14;
	v48 =	vshll.u32 v45, $0x7  }
0x25a: {  	vm1 =	vlt.s32 v45, v15;
	v62 =	vshll.u32 v61, $0xA;
	v63 =	vand.u32 $0x380, v48  }
0x25b: {  	vm0 =	vmand vm0, vm1;
	v45 =	vand.u32 $0xFFFFE000, v62;
	v46 =	vor.u32 v63, v46  }
0x25c: {  	v45 =	vor.u32 v45, v46;
	_ =	sdelay $0x4  }
0x25d: {  	s30 =	simm.s32 $0x0;
	s1 =	rddreg [dreg:$0xf];
	[tilespmem:v45+s23+$0x0] =	vst.idx.msk vm0, v43  }
0x25e: {  	[hbm4b:s1+s30] =	stream.linear.scatter [tilespmem:s23], [sflag:$0x2], $0xA000, $0x38;
	[tilespmem:$0x14800] =	vst v63  }
0x25f: {  	_ =	swait.ge [sflag:s26], $0xA000  }
0x260: {  	[sflag:s26] =	ssyncset.done $0x0  }
0x261: {  	s21 =	simm.s32 $0x400;
	[sflag:s26] =	ssyncadd.s32 $0xFFFF6000  }
0x262: {  	[tilespmem:s21], [sflag:$0x3] =	stream.strided.gather [hbm4b:s2+s24], $0x400, s21, s24, $0x38;
	[tilespmem:$0x14800] =	vst v63  }
0x263: {  	_ =	swait.ge [sflag:s22], $0x400  }
0x264: {  	[sflag:s22] =	ssyncset.done $0x0  }
0x265: {  	[sflag:s22] =	ssyncadd.s32 $0xFFFFFC00  }
0x266: {  	s1 =	simm.s32 $0x10;
	v45 =	vld [tilespmem:s21+$0x0]  }
.LBB2_30:
0x267: {  	p1 =	sne.s32 s1, $0x3F0;
	v46 =	vmov s30  }
0x268: {  	v47 =	vor.u32 s30, v42;
	s30 =	smov.u32 s1;
	v46 =	vshll.u32 v46, $0x3  }
0x269: {  	v47 =	vand.u32 $0x7F, v47;
	v46 =	vand.u32 $0x1C00, v46  }
0x26a: {  	v46 =	vor.u32 v46, v47  }
0x26b: {  	vm0 =	vge.s32 v45, v12;
	v47 =	vsub.s32 v45, v12;
	v48 =	vshll.u32 v45, $0x7  }
0x26c: {  	vm1 =	vlt.s32 v45, v13;
	v45 =	vshll.u32 v47, $0xA;
	v47 =	vand.u32 $0x380, v48  }
0x26d: {  	vm0 =	vmand vm0, vm1;
	v45 =	vand.u32 $0xFFFFE000, v45;
	v46 =	vor.u32 v47, v46  }
0x26e: {  	v45 =	vor.u32 v45, v46;
	_ =	sdelay $0x1  }
.Ltmp16:
0x26f: {  	(pc) =	sbr.rel @p1 .LBB2_30-.Ltmp16, $3  }
0x270: {  	_ =	sdelay $0x1  }
0x271: {  	s21 =	sadd.s32 $0x10, s21;
	[tilespmem:v45+s20+$0x0] =	vst.idx.msk vm0, v44  }
0x272: {  	s1 =	sadd.s32 $0x10, s1;
	v45 =	vld [tilespmem:s21+$0x0]  }
0x273: {  	v46 =	vmov s30  }
0x274: {  	v47 =	vor.u32 s30, v42;
	v46 =	vshll.u32 v46, $0x3  }
0x275: {  	v47 =	vand.u32 $0x7F, v47;
	v46 =	vand.u32 $0x1C00, v46  }
0x276: {  	v46 =	vor.u32 v46, v47  }
0x277: {  	vm0 =	vge.s32 v45, v12;
	v61 =	vsub.s32 v45, v12;
	v48 =	vshll.u32 v45, $0x7  }
0x278: {  	vm1 =	vlt.s32 v45, v13;
	v62 =	vshll.u32 v61, $0xA;
	v63 =	vand.u32 $0x380, v48  }
0x279: {  	vm0 =	vmand vm0, vm1;
	v45 =	vand.u32 $0xFFFFE000, v62;
	v46 =	vor.u32 v63, v46  }
0x27a: {  	v45 =	vor.u32 v45, v46;
	_ =	sdelay $0x4  }
0x27b: {  	s30 =	simm.s32 $0x0;
	[tilespmem:v45+s20+$0x0] =	vst.idx.msk vm0, v44  }
0x27c: {  	[tilespmem:s30], [sflag:$0x3] =	stream.strided.gather [hbm4b:s4+s24], $0x400, s25, s24, $0x38;
	[tilespmem:$0x14800] =	vst v63  }
0x27d: {  	_ =	swait.ge [sflag:s22], $0x400  }
0x27e: {  	[sflag:s22] =	ssyncset.done $0x0  }
0x27f: {  	[sflag:s22] =	ssyncadd.s32 $0xFFFFFC00  }
0x280: {  	s21 =	simm.s32 $0x10;
	s1 =	simm.s32 $0x0;
	v45 =	vld [tilespmem:s30+$0x0]  }
.LBB2_32:
0x281: {  	p1 =	sne.s32 s21, $0x3F0;
	v46 =	vmov s30  }
0x282: {  	v47 =	vor.u32 s30, v42;
	s30 =	smov.u32 s21;
	v46 =	vshll.u32 v46, $0x3  }
0x283: {  	v47 =	vand.u32 $0x7F, v47;
	v46 =	vand.u32 $0x1C00, v46  }
0x284: {  	v46 =	vor.u32 v46, v47  }
0x285: {  	vm0 =	vge.s32 v45, v16;
	v47 =	vsub.s32 v45, v16;
	v48 =	vshll.u32 v45, $0x7  }
0x286: {  	vm1 =	vlt.s32 v45, v17;
	v45 =	vshll.u32 v47, $0xA;
	v47 =	vand.u32 $0x380, v48  }
0x287: {  	vm0 =	vmand vm0, vm1;
	v45 =	vand.u32 $0xFFFFE000, v45;
	v46 =	vor.u32 v47, v46  }
0x288: {  	v45 =	vor.u32 v45, v46;
	_ =	sdelay $0x1  }
.Ltmp17:
0x289: {  	(pc) =	sbr.rel @p1 .LBB2_32-.Ltmp17, $3  }
0x28a: {  	_ =	sdelay $0x1  }
0x28b: {  	s1 =	sadd.s32 $0x10, s1;
	[tilespmem:v45+s20+$0x0] =	vst.idx.msk vm0, v43  }
0x28c: {  	s21 =	sadd.s32 $0x10, s21;
	v45 =	vld [tilespmem:s1+$0x0]  }
0x28d: {  	v46 =	vmov s30  }
0x28e: {  	v47 =	vor.u32 s30, v42;
	v46 =	vshll.u32 v46, $0x3  }
0x28f: {  	v47 =	vand.u32 $0x7F, v47;
	v46 =	vand.u32 $0x1C00, v46  }
0x290: {  	v46 =	vor.u32 v46, v47  }
0x291: {  	vm0 =	vge.s32 v45, v16;
	v61 =	vsub.s32 v45, v16;
	v48 =	vshll.u32 v45, $0x7  }
0x292: {  	vm1 =	vlt.s32 v45, v17;
	v62 =	vshll.u32 v61, $0xA;
	v63 =	vand.u32 $0x380, v48  }
0x293: {  	vm0 =	vmand vm0, vm1;
	v45 =	vand.u32 $0xFFFFE000, v62;
	v46 =	vor.u32 v63, v46  }
0x294: {  	v45 =	vor.u32 v45, v46;
	_ =	sdelay $0x4  }
0x295: {  	s30 =	simm.s32 $0x0;
	s1 =	rddreg [dreg:$0x10];
	[tilespmem:v45+s20+$0x0] =	vst.idx.msk vm0, v43  }
0x296: {  	[hbm4b:s1+s30] =	stream.linear.scatter [tilespmem:s20], [sflag:$0x1], $0xA000, $0x38;
	[tilespmem:$0x14800] =	vst v63  }
0x297: {  	_ =	swait.ge [sflag:s28], $0xA000  }
0x298: {  	[sflag:s28] =	ssyncset.done $0x0  }
0x299: {  	s21 =	simm.s32 $0x400;
	[sflag:s28] =	ssyncadd.s32 $0xFFFF6000  }
0x29a: {  	[tilespmem:s21], [sflag:$0x3] =	stream.strided.gather [hbm4b:s3+s24], $0x400, s21, s24, $0x38;
	[tilespmem:$0x14800] =	vst v63  }
0x29b: {  	_ =	swait.ge [sflag:s22], $0x400  }
0x29c: {  	[sflag:s22] =	ssyncset.done $0x0  }
0x29d: {  	[sflag:s22] =	ssyncadd.s32 $0xFFFFFC00  }
0x29e: {  	s1 =	simm.s32 $0x10;
	v45 =	vld [tilespmem:s21+$0x0]  }
.LBB2_34:
0x29f: {  	p1 =	sne.s32 s1, $0x3F0;
	v46 =	vmov s30  }
0x2a0: {  	v47 =	vor.u32 s30, v42;
	s30 =	smov.u32 s1;
	v46 =	vshll.u32 v46, $0x3  }
0x2a1: {  	v47 =	vand.u32 $0x7F, v47;
	v46 =	vand.u32 $0x1C00, v46  }
0x2a2: {  	v46 =	vor.u32 v46, v47  }
0x2a3: {  	vm0 =	vge.s32 v45, v14;
	v47 =	vsub.s32 v45, v14;
	v48 =	vshll.u32 v45, $0x7  }
0x2a4: {  	vm1 =	vlt.s32 v45, v15;
	v45 =	vshll.u32 v47, $0xA;
	v47 =	vand.u32 $0x380, v48  }
0x2a5: {  	vm0 =	vmand vm0, vm1;
	v45 =	vand.u32 $0xFFFFE000, v45;
	v46 =	vor.u32 v47, v46  }
0x2a6: {  	v45 =	vor.u32 v45, v46;
	_ =	sdelay $0x1  }
.Ltmp18:
0x2a7: {  	(pc) =	sbr.rel @p1 .LBB2_34-.Ltmp18, $3  }
0x2a8: {  	_ =	sdelay $0x1  }
0x2a9: {  	s21 =	sadd.s32 $0x10, s21;
	[tilespmem:v45+s23+$0x0] =	vst.idx.msk vm0, v44  }
0x2aa: {  	s1 =	sadd.s32 $0x10, s1;
	v45 =	vld [tilespmem:s21+$0x0]  }
0x2ab: {  	v46 =	vmov s30  }
0x2ac: {  	v47 =	vor.u32 s30, v42;
	v46 =	vshll.u32 v46, $0x3  }
0x2ad: {  	v47 =	vand.u32 $0x7F, v47;
	v46 =	vand.u32 $0x1C00, v46  }
0x2ae: {  	v46 =	vor.u32 v46, v47  }
0x2af: {  	vm0 =	vge.s32 v45, v14;
	v61 =	vsub.s32 v45, v14;
	v48 =	vshll.u32 v45, $0x7  }
0x2b0: {  	vm1 =	vlt.s32 v45, v15;
	v62 =	vshll.u32 v61, $0xA;
	v63 =	vand.u32 $0x380, v48  }
0x2b1: {  	vm0 =	vmand vm0, vm1;
	v45 =	vand.u32 $0xFFFFE000, v62;
	v46 =	vor.u32 v63, v46  }
0x2b2: {  	v45 =	vor.u32 v45, v46;
	_ =	sdelay $0x4  }
0x2b3: {  	s30 =	simm.s32 $0x0;
	[tilespmem:v45+s23+$0x0] =	vst.idx.msk vm0, v44  }
0x2b4: {  	[tilespmem:s30], [sflag:$0x3] =	stream.strided.gather [hbm4b:s5+s24], $0x400, s25, s24, $0x38;
	[tilespmem:$0x14800] =	vst v63  }
0x2b5: {  	_ =	swait.ge [sflag:s22], $0x400  }
0x2b6: {  	[sflag:s22] =	ssyncset.done $0x0  }
0x2b7: {  	[sflag:s22] =	ssyncadd.s32 $0xFFFFFC00  }
0x2b8: {  	s21 =	simm.s32 $0x10;
	s1 =	simm.s32 $0x0;
	v45 =	vld [tilespmem:s30+$0x0]  }
.LBB2_36:
0x2b9: {  	p1 =	sne.s32 s21, $0x3F0;
	v46 =	vmov s30  }
0x2ba: {  	v47 =	vor.u32 s30, v42;
	s30 =	smov.u32 s21;
	v46 =	vshll.u32 v46, $0x3  }
0x2bb: {  	v47 =	vand.u32 $0x7F, v47;
	v46 =	vand.u32 $0x1C00, v46  }
0x2bc: {  	v46 =	vor.u32 v46, v47  }
0x2bd: {  	vm0 =	vge.s32 v45, v18;
	v47 =	vsub.s32 v45, v18;
	v48 =	vshll.u32 v45, $0x7  }
0x2be: {  	vm1 =	vlt.s32 v45, v19;
	v45 =	vshll.u32 v47, $0xA;
	v47 =	vand.u32 $0x380, v48  }
0x2bf: {  	vm0 =	vmand vm0, vm1;
	v45 =	vand.u32 $0xFFFFE000, v45;
	v46 =	vor.u32 v47, v46  }
0x2c0: {  	v45 =	vor.u32 v45, v46;
	_ =	sdelay $0x1  }
.Ltmp19:
0x2c1: {  	(pc) =	sbr.rel @p1 .LBB2_36-.Ltmp19, $3  }
0x2c2: {  	_ =	sdelay $0x1  }
0x2c3: {  	s1 =	sadd.s32 $0x10, s1;
	[tilespmem:v45+s23+$0x0] =	vst.idx.msk vm0, v43  }
0x2c4: {  	s21 =	sadd.s32 $0x10, s21;
	v45 =	vld [tilespmem:s1+$0x0]  }
0x2c5: {  	v46 =	vmov s30  }
0x2c6: {  	v47 =	vor.u32 s30, v42;
	v46 =	vshll.u32 v46, $0x3  }
0x2c7: {  	v47 =	vand.u32 $0x7F, v47;
	v46 =	vand.u32 $0x1C00, v46  }
0x2c8: {  	v46 =	vor.u32 v46, v47  }
0x2c9: {  	vm0 =	vge.s32 v45, v18;
	v61 =	vsub.s32 v45, v18;
	v48 =	vshll.u32 v45, $0x7  }
0x2ca: {  	vm1 =	vlt.s32 v45, v19;
	v62 =	vshll.u32 v61, $0xA;
	v63 =	vand.u32 $0x380, v48  }
0x2cb: {  	vm0 =	vmand vm0, vm1;
	v45 =	vand.u32 $0xFFFFE000, v62;
	v46 =	vor.u32 v63, v46  }
0x2cc: {  	v45 =	vor.u32 v45, v46;
	_ =	sdelay $0x4  }
0x2cd: {  	s30 =	simm.s32 $0x0;
	s1 =	rddreg [dreg:$0x11];
	[tilespmem:v45+s23+$0x0] =	vst.idx.msk vm0, v43  }
0x2ce: {  	[hbm4b:s1+s30] =	stream.linear.scatter [tilespmem:s23], [sflag:$0x2], $0xA000, $0x38;
	[tilespmem:$0x14800] =	vst v63  }
0x2cf: {  	_ =	swait.ge [sflag:s26], $0xA000  }
0x2d0: {  	[sflag:s26] =	ssyncset.done $0x0  }
0x2d1: {  	s21 =	simm.s32 $0x400;
	[sflag:s26] =	ssyncadd.s32 $0xFFFF6000  }
0x2d2: {  	[tilespmem:s21], [sflag:$0x3] =	stream.strided.gather [hbm4b:s4+s24], $0x400, s21, s24, $0x38;
	[tilespmem:$0x14800] =	vst v63  }
0x2d3: {  	_ =	swait.ge [sflag:s22], $0x400  }
0x2d4: {  	[sflag:s22] =	ssyncset.done $0x0  }
0x2d5: {  	[sflag:s22] =	ssyncadd.s32 $0xFFFFFC00  }
0x2d6: {  	s1 =	simm.s32 $0x10;
	v45 =	vld [tilespmem:s21+$0x0]  }
.LBB2_38:
0x2d7: {  	p1 =	sne.s32 s1, $0x3F0;
	v46 =	vmov s30  }
0x2d8: {  	v47 =	vor.u32 s30, v42;
	s30 =	smov.u32 s1;
	v46 =	vshll.u32 v46, $0x3  }
0x2d9: {  	v47 =	vand.u32 $0x7F, v47;
	v46 =	vand.u32 $0x1C00, v46  }
0x2da: {  	v46 =	vor.u32 v46, v47  }
0x2db: {  	vm0 =	vge.s32 v45, v16;
	v47 =	vsub.s32 v45, v16;
	v48 =	vshll.u32 v45, $0x7  }
0x2dc: {  	vm1 =	vlt.s32 v45, v17;
	v45 =	vshll.u32 v47, $0xA;
	v47 =	vand.u32 $0x380, v48  }
0x2dd: {  	vm0 =	vmand vm0, vm1;
	v45 =	vand.u32 $0xFFFFE000, v45;
	v46 =	vor.u32 v47, v46  }
0x2de: {  	v45 =	vor.u32 v45, v46;
	_ =	sdelay $0x1  }
.Ltmp20:
0x2df: {  	(pc) =	sbr.rel @p1 .LBB2_38-.Ltmp20, $3  }
0x2e0: {  	_ =	sdelay $0x1  }
0x2e1: {  	s21 =	sadd.s32 $0x10, s21;
	[tilespmem:v45+s20+$0x0] =	vst.idx.msk vm0, v44  }
0x2e2: {  	s1 =	sadd.s32 $0x10, s1;
	v45 =	vld [tilespmem:s21+$0x0]  }
0x2e3: {  	v46 =	vmov s30  }
0x2e4: {  	v47 =	vor.u32 s30, v42;
	v46 =	vshll.u32 v46, $0x3  }
0x2e5: {  	v47 =	vand.u32 $0x7F, v47;
	v46 =	vand.u32 $0x1C00, v46  }
0x2e6: {  	v46 =	vor.u32 v46, v47  }
0x2e7: {  	vm0 =	vge.s32 v45, v16;
	v61 =	vsub.s32 v45, v16;
	v48 =	vshll.u32 v45, $0x7  }
0x2e8: {  	vm1 =	vlt.s32 v45, v17;
	v62 =	vshll.u32 v61, $0xA;
	v63 =	vand.u32 $0x380, v48  }
0x2e9: {  	vm0 =	vmand vm0, vm1;
	v45 =	vand.u32 $0xFFFFE000, v62;
	v46 =	vor.u32 v63, v46  }
0x2ea: {  	v45 =	vor.u32 v45, v46;
	_ =	sdelay $0x4  }
0x2eb: {  	s30 =	simm.s32 $0x0;
	[tilespmem:v45+s20+$0x0] =	vst.idx.msk vm0, v44  }
0x2ec: {  	[tilespmem:s30], [sflag:$0x3] =	stream.strided.gather [hbm4b:s7+s24], $0x400, s25, s24, $0x38;
	[tilespmem:$0x14800] =	vst v63  }
0x2ed: {  	_ =	swait.ge [sflag:s22], $0x400  }
0x2ee: {  	[sflag:s22] =	ssyncset.done $0x0  }
0x2ef: {  	[sflag:s22] =	ssyncadd.s32 $0xFFFFFC00  }
0x2f0: {  	s21 =	simm.s32 $0x10;
	s1 =	simm.s32 $0x0;
	v45 =	vld [tilespmem:s30+$0x0]  }
.LBB2_40:
0x2f1: {  	p1 =	sne.s32 s21, $0x3F0;
	v46 =	vmov s30  }
0x2f2: {  	v47 =	vor.u32 s30, v42;
	s30 =	smov.u32 s21;
	v46 =	vshll.u32 v46, $0x3  }
0x2f3: {  	v47 =	vand.u32 $0x7F, v47;
	v46 =	vand.u32 $0x1C00, v46  }
0x2f4: {  	v46 =	vor.u32 v46, v47  }
0x2f5: {  	vm0 =	vge.s32 v45, v20;
	v47 =	vsub.s32 v45, v20;
	v48 =	vshll.u32 v45, $0x7  }
0x2f6: {  	vm1 =	vlt.s32 v45, v21;
	v45 =	vshll.u32 v47, $0xA;
	v47 =	vand.u32 $0x380, v48  }
0x2f7: {  	vm0 =	vmand vm0, vm1;
	v45 =	vand.u32 $0xFFFFE000, v45;
	v46 =	vor.u32 v47, v46  }
0x2f8: {  	v45 =	vor.u32 v45, v46;
	_ =	sdelay $0x1  }
.Ltmp21:
0x2f9: {  	(pc) =	sbr.rel @p1 .LBB2_40-.Ltmp21, $3  }
0x2fa: {  	_ =	sdelay $0x1  }
0x2fb: {  	s1 =	sadd.s32 $0x10, s1;
	[tilespmem:v45+s20+$0x0] =	vst.idx.msk vm0, v43  }
0x2fc: {  	s21 =	sadd.s32 $0x10, s21;
	v45 =	vld [tilespmem:s1+$0x0]  }
0x2fd: {  	v46 =	vmov s30  }
0x2fe: {  	v47 =	vor.u32 s30, v42;
	v46 =	vshll.u32 v46, $0x3  }
0x2ff: {  	v47 =	vand.u32 $0x7F, v47;
	v46 =	vand.u32 $0x1C00, v46  }
0x300: {  	v46 =	vor.u32 v46, v47  }
0x301: {  	vm0 =	vge.s32 v45, v20;
	v61 =	vsub.s32 v45, v20;
	v48 =	vshll.u32 v45, $0x7  }
0x302: {  	vm1 =	vlt.s32 v45, v21;
	v62 =	vshll.u32 v61, $0xA;
	v63 =	vand.u32 $0x380, v48  }
0x303: {  	vm0 =	vmand vm0, vm1;
	v45 =	vand.u32 $0xFFFFE000, v62;
	v46 =	vor.u32 v63, v46  }
0x304: {  	v45 =	vor.u32 v45, v46;
	_ =	sdelay $0x4  }
0x305: {  	s30 =	simm.s32 $0x0;
	s1 =	rddreg [dreg:$0x12];
	[tilespmem:v45+s20+$0x0] =	vst.idx.msk vm0, v43  }
0x306: {  	[hbm4b:s1+s30] =	stream.linear.scatter [tilespmem:s20], [sflag:$0x1], $0xA000, $0x38;
	[tilespmem:$0x14800] =	vst v63  }
0x307: {  	_ =	swait.ge [sflag:s28], $0xA000  }
0x308: {  	[sflag:s28] =	ssyncset.done $0x0  }
0x309: {  	s21 =	simm.s32 $0x400;
	[sflag:s28] =	ssyncadd.s32 $0xFFFF6000  }
0x30a: {  	[tilespmem:s21], [sflag:$0x3] =	stream.strided.gather [hbm4b:s5+s24], $0x400, s21, s24, $0x38;
	[tilespmem:$0x14800] =	vst v63  }
0x30b: {  	_ =	swait.ge [sflag:s22], $0x400  }
0x30c: {  	[sflag:s22] =	ssyncset.done $0x0  }
0x30d: {  	[sflag:s22] =	ssyncadd.s32 $0xFFFFFC00  }
0x30e: {  	s1 =	simm.s32 $0x10;
	v45 =	vld [tilespmem:s21+$0x0]  }
.LBB2_42:
0x30f: {  	p1 =	sne.s32 s1, $0x3F0;
	v46 =	vmov s30  }
0x310: {  	v47 =	vor.u32 s30, v42;
	s30 =	smov.u32 s1;
	v46 =	vshll.u32 v46, $0x3  }
0x311: {  	v47 =	vand.u32 $0x7F, v47;
	v46 =	vand.u32 $0x1C00, v46  }
0x312: {  	v46 =	vor.u32 v46, v47  }
0x313: {  	vm0 =	vge.s32 v45, v18;
	v47 =	vsub.s32 v45, v18;
	v48 =	vshll.u32 v45, $0x7  }
0x314: {  	vm1 =	vlt.s32 v45, v19;
	v45 =	vshll.u32 v47, $0xA;
	v47 =	vand.u32 $0x380, v48  }
0x315: {  	vm0 =	vmand vm0, vm1;
	v45 =	vand.u32 $0xFFFFE000, v45;
	v46 =	vor.u32 v47, v46  }
0x316: {  	v45 =	vor.u32 v45, v46;
	_ =	sdelay $0x1  }
.Ltmp22:
0x317: {  	(pc) =	sbr.rel @p1 .LBB2_42-.Ltmp22, $3  }
0x318: {  	_ =	sdelay $0x1  }
0x319: {  	s21 =	sadd.s32 $0x10, s21;
	[tilespmem:v45+s23+$0x0] =	vst.idx.msk vm0, v44  }
0x31a: {  	s1 =	sadd.s32 $0x10, s1;
	v45 =	vld [tilespmem:s21+$0x0]  }
0x31b: {  	v46 =	vmov s30  }
0x31c: {  	v47 =	vor.u32 s30, v42;
	v46 =	vshll.u32 v46, $0x3  }
0x31d: {  	v47 =	vand.u32 $0x7F, v47;
	v46 =	vand.u32 $0x1C00, v46  }
0x31e: {  	v46 =	vor.u32 v46, v47  }
0x31f: {  	vm0 =	vge.s32 v45, v18;
	v61 =	vsub.s32 v45, v18;
	v48 =	vshll.u32 v45, $0x7  }
0x320: {  	vm1 =	vlt.s32 v45, v19;
	v62 =	vshll.u32 v61, $0xA;
	v63 =	vand.u32 $0x380, v48  }
0x321: {  	vm0 =	vmand vm0, vm1;
	v45 =	vand.u32 $0xFFFFE000, v62;
	v46 =	vor.u32 v63, v46  }
0x322: {  	v45 =	vor.u32 v45, v46;
	_ =	sdelay $0x4  }
0x323: {  	s30 =	simm.s32 $0x0;
	[tilespmem:v45+s23+$0x0] =	vst.idx.msk vm0, v44  }
0x324: {  	[tilespmem:s30], [sflag:$0x3] =	stream.strided.gather [hbm4b:s8+s24], $0x400, s25, s24, $0x38;
	[tilespmem:$0x14800] =	vst v63  }
0x325: {  	_ =	swait.ge [sflag:s22], $0x400  }
0x326: {  	[sflag:s22] =	ssyncset.done $0x0  }
0x327: {  	[sflag:s22] =	ssyncadd.s32 $0xFFFFFC00  }
0x328: {  	s21 =	simm.s32 $0x10;
	s1 =	simm.s32 $0x0;
	v45 =	vld [tilespmem:s30+$0x0]  }
.LBB2_44:
0x329: {  	p1 =	sne.s32 s21, $0x3F0;
	v46 =	vmov s30  }
0x32a: {  	v47 =	vor.u32 s30, v42;
	s30 =	smov.u32 s21;
	v46 =	vshll.u32 v46, $0x3  }
0x32b: {  	v47 =	vand.u32 $0x7F, v47;
	v46 =	vand.u32 $0x1C00, v46  }
0x32c: {  	v46 =	vor.u32 v46, v47  }
0x32d: {  	vm0 =	vge.s32 v45, v22;
	v47 =	vsub.s32 v45, v22;
	v48 =	vshll.u32 v45, $0x7  }
0x32e: {  	vm1 =	vlt.s32 v45, v23;
	v45 =	vshll.u32 v47, $0xA;
	v47 =	vand.u32 $0x380, v48  }
0x32f: {  	vm0 =	vmand vm0, vm1;
	v45 =	vand.u32 $0xFFFFE000, v45;
	v46 =	vor.u32 v47, v46  }
0x330: {  	v45 =	vor.u32 v45, v46;
	_ =	sdelay $0x1  }
.Ltmp23:
0x331: {  	(pc) =	sbr.rel @p1 .LBB2_44-.Ltmp23, $3  }
0x332: {  	_ =	sdelay $0x1  }
0x333: {  	s1 =	sadd.s32 $0x10, s1;
	[tilespmem:v45+s23+$0x0] =	vst.idx.msk vm0, v43  }
0x334: {  	s21 =	sadd.s32 $0x10, s21;
	v45 =	vld [tilespmem:s1+$0x0]  }
0x335: {  	v46 =	vmov s30  }
0x336: {  	v47 =	vor.u32 s30, v42;
	v46 =	vshll.u32 v46, $0x3  }
0x337: {  	v47 =	vand.u32 $0x7F, v47;
	v46 =	vand.u32 $0x1C00, v46  }
0x338: {  	v46 =	vor.u32 v46, v47  }
0x339: {  	vm0 =	vge.s32 v45, v22;
	v61 =	vsub.s32 v45, v22;
	v48 =	vshll.u32 v45, $0x7  }
0x33a: {  	vm1 =	vlt.s32 v45, v23;
	v62 =	vshll.u32 v61, $0xA;
	v63 =	vand.u32 $0x380, v48  }
0x33b: {  	vm0 =	vmand vm0, vm1;
	v45 =	vand.u32 $0xFFFFE000, v62;
	v46 =	vor.u32 v63, v46  }
0x33c: {  	v45 =	vor.u32 v45, v46;
	_ =	sdelay $0x4  }
0x33d: {  	s30 =	simm.s32 $0x0;
	s1 =	rddreg [dreg:$0x13];
	[tilespmem:v45+s23+$0x0] =	vst.idx.msk vm0, v43  }
0x33e: {  	[hbm4b:s1+s30] =	stream.linear.scatter [tilespmem:s23], [sflag:$0x2], $0xA000, $0x38;
	[tilespmem:$0x14800] =	vst v63  }
0x33f: {  	_ =	swait.ge [sflag:s26], $0xA000  }
0x340: {  	[sflag:s26] =	ssyncset.done $0x0  }
0x341: {  	s21 =	simm.s32 $0x400;
	[sflag:s26] =	ssyncadd.s32 $0xFFFF6000  }
0x342: {  	[tilespmem:s21], [sflag:$0x3] =	stream.strided.gather [hbm4b:s7+s24], $0x400, s21, s24, $0x38;
	[tilespmem:$0x14800] =	vst v63  }
0x343: {  	_ =	swait.ge [sflag:s22], $0x400  }
0x344: {  	[sflag:s22] =	ssyncset.done $0x0  }
0x345: {  	[sflag:s22] =	ssyncadd.s32 $0xFFFFFC00  }
0x346: {  	s1 =	simm.s32 $0x10;
	v45 =	vld [tilespmem:s21+$0x0]  }
.LBB2_46:
0x347: {  	p1 =	sne.s32 s1, $0x3F0;
	v46 =	vmov s30  }
0x348: {  	v47 =	vor.u32 s30, v42;
	s30 =	smov.u32 s1;
	v46 =	vshll.u32 v46, $0x3  }
0x349: {  	v47 =	vand.u32 $0x7F, v47;
	v46 =	vand.u32 $0x1C00, v46  }
0x34a: {  	v46 =	vor.u32 v46, v47  }
0x34b: {  	vm0 =	vge.s32 v45, v20;
	v47 =	vsub.s32 v45, v20;
	v48 =	vshll.u32 v45, $0x7  }
0x34c: {  	vm1 =	vlt.s32 v45, v21;
	v45 =	vshll.u32 v47, $0xA;
	v47 =	vand.u32 $0x380, v48  }
0x34d: {  	vm0 =	vmand vm0, vm1;
	v45 =	vand.u32 $0xFFFFE000, v45;
	v46 =	vor.u32 v47, v46  }
0x34e: {  	v45 =	vor.u32 v45, v46;
	_ =	sdelay $0x1  }
.Ltmp24:
0x34f: {  	(pc) =	sbr.rel @p1 .LBB2_46-.Ltmp24, $3  }
0x350: {  	_ =	sdelay $0x1  }
0x351: {  	s21 =	sadd.s32 $0x10, s21;
	[tilespmem:v45+s20+$0x0] =	vst.idx.msk vm0, v44  }
0x352: {  	s1 =	sadd.s32 $0x10, s1;
	v45 =	vld [tilespmem:s21+$0x0]  }
0x353: {  	v46 =	vmov s30  }
0x354: {  	v47 =	vor.u32 s30, v42;
	v46 =	vshll.u32 v46, $0x3  }
0x355: {  	v47 =	vand.u32 $0x7F, v47;
	v46 =	vand.u32 $0x1C00, v46  }
0x356: {  	v46 =	vor.u32 v46, v47  }
0x357: {  	vm0 =	vge.s32 v45, v20;
	v61 =	vsub.s32 v45, v20;
	v48 =	vshll.u32 v45, $0x7  }
0x358: {  	vm1 =	vlt.s32 v45, v21;
	v62 =	vshll.u32 v61, $0xA;
	v63 =	vand.u32 $0x380, v48  }
0x359: {  	vm0 =	vmand vm0, vm1;
	v45 =	vand.u32 $0xFFFFE000, v62;
	v46 =	vor.u32 v63, v46  }
0x35a: {  	v45 =	vor.u32 v45, v46;
	_ =	sdelay $0x4  }
0x35b: {  	s30 =	simm.s32 $0x0;
	[tilespmem:v45+s20+$0x0] =	vst.idx.msk vm0, v44  }
0x35c: {  	[tilespmem:s30], [sflag:$0x3] =	stream.strided.gather [hbm4b:s9+s24], $0x400, s25, s24, $0x38;
	[tilespmem:$0x14800] =	vst v63  }
0x35d: {  	_ =	swait.ge [sflag:s22], $0x400  }
0x35e: {  	[sflag:s22] =	ssyncset.done $0x0  }
0x35f: {  	[sflag:s22] =	ssyncadd.s32 $0xFFFFFC00  }
0x360: {  	s21 =	simm.s32 $0x10;
	s1 =	simm.s32 $0x0;
	v45 =	vld [tilespmem:s30+$0x0]  }
.LBB2_48:
0x361: {  	p1 =	sne.s32 s21, $0x3F0;
	v46 =	vmov s30  }
0x362: {  	v47 =	vor.u32 s30, v42;
	s30 =	smov.u32 s21;
	v46 =	vshll.u32 v46, $0x3  }
0x363: {  	v47 =	vand.u32 $0x7F, v47;
	v46 =	vand.u32 $0x1C00, v46  }
0x364: {  	v46 =	vor.u32 v46, v47  }
0x365: {  	vm0 =	vge.s32 v45, v24;
	v47 =	vsub.s32 v45, v24;
	v48 =	vshll.u32 v45, $0x7  }
0x366: {  	vm1 =	vlt.s32 v45, v25;
	v45 =	vshll.u32 v47, $0xA;
	v47 =	vand.u32 $0x380, v48  }
0x367: {  	vm0 =	vmand vm0, vm1;
	v45 =	vand.u32 $0xFFFFE000, v45;
	v46 =	vor.u32 v47, v46  }
0x368: {  	v45 =	vor.u32 v45, v46;
	_ =	sdelay $0x1  }
.Ltmp25:
0x369: {  	(pc) =	sbr.rel @p1 .LBB2_48-.Ltmp25, $3  }
0x36a: {  	_ =	sdelay $0x1  }
0x36b: {  	s1 =	sadd.s32 $0x10, s1;
	[tilespmem:v45+s20+$0x0] =	vst.idx.msk vm0, v43  }
0x36c: {  	s21 =	sadd.s32 $0x10, s21;
	v45 =	vld [tilespmem:s1+$0x0]  }
0x36d: {  	v46 =	vmov s30  }
0x36e: {  	v47 =	vor.u32 s30, v42;
	v46 =	vshll.u32 v46, $0x3  }
0x36f: {  	v47 =	vand.u32 $0x7F, v47;
	v46 =	vand.u32 $0x1C00, v46  }
0x370: {  	v46 =	vor.u32 v46, v47  }
0x371: {  	vm0 =	vge.s32 v45, v24;
	v61 =	vsub.s32 v45, v24;
	v48 =	vshll.u32 v45, $0x7  }
0x372: {  	vm1 =	vlt.s32 v45, v25;
	v62 =	vshll.u32 v61, $0xA;
	v63 =	vand.u32 $0x380, v48  }
0x373: {  	vm0 =	vmand vm0, vm1;
	v45 =	vand.u32 $0xFFFFE000, v62;
	v46 =	vor.u32 v63, v46  }
0x374: {  	v45 =	vor.u32 v45, v46;
	_ =	sdelay $0x4  }
0x375: {  	s30 =	simm.s32 $0x0;
	s1 =	rddreg [dreg:$0x14];
	[tilespmem:v45+s20+$0x0] =	vst.idx.msk vm0, v43  }
0x376: {  	[hbm4b:s1+s30] =	stream.linear.scatter [tilespmem:s20], [sflag:$0x1], $0xA000, $0x38;
	[tilespmem:$0x14800] =	vst v63  }
0x377: {  	_ =	swait.ge [sflag:s28], $0xA000  }
0x378: {  	[sflag:s28] =	ssyncset.done $0x0  }
0x379: {  	s21 =	simm.s32 $0x400;
	[sflag:s28] =	ssyncadd.s32 $0xFFFF6000  }
0x37a: {  	[tilespmem:s21], [sflag:$0x3] =	stream.strided.gather [hbm4b:s8+s24], $0x400, s21, s24, $0x38;
	[tilespmem:$0x14800] =	vst v63  }
0x37b: {  	_ =	swait.ge [sflag:s22], $0x400  }
0x37c: {  	[sflag:s22] =	ssyncset.done $0x0  }
0x37d: {  	[sflag:s22] =	ssyncadd.s32 $0xFFFFFC00  }
0x37e: {  	s1 =	simm.s32 $0x10;
	v45 =	vld [tilespmem:s21+$0x0]  }
.LBB2_50:
0x37f: {  	p1 =	sne.s32 s1, $0x3F0;
	v46 =	vmov s30  }
0x380: {  	v47 =	vor.u32 s30, v42;
	s30 =	smov.u32 s1;
	v46 =	vshll.u32 v46, $0x3  }
0x381: {  	v47 =	vand.u32 $0x7F, v47;
	v46 =	vand.u32 $0x1C00, v46  }
0x382: {  	v46 =	vor.u32 v46, v47  }
0x383: {  	vm0 =	vge.s32 v45, v22;
	v47 =	vsub.s32 v45, v22;
	v48 =	vshll.u32 v45, $0x7  }
0x384: {  	vm1 =	vlt.s32 v45, v23;
	v45 =	vshll.u32 v47, $0xA;
	v47 =	vand.u32 $0x380, v48  }
0x385: {  	vm0 =	vmand vm0, vm1;
	v45 =	vand.u32 $0xFFFFE000, v45;
	v46 =	vor.u32 v47, v46  }
0x386: {  	v45 =	vor.u32 v45, v46;
	_ =	sdelay $0x1  }
.Ltmp26:
0x387: {  	(pc) =	sbr.rel @p1 .LBB2_50-.Ltmp26, $3  }
0x388: {  	_ =	sdelay $0x1  }
0x389: {  	s21 =	sadd.s32 $0x10, s21;
	[tilespmem:v45+s23+$0x0] =	vst.idx.msk vm0, v44  }
0x38a: {  	s1 =	sadd.s32 $0x10, s1;
	v45 =	vld [tilespmem:s21+$0x0]  }
0x38b: {  	v46 =	vmov s30  }
0x38c: {  	v47 =	vor.u32 s30, v42;
	v46 =	vshll.u32 v46, $0x3  }
0x38d: {  	v47 =	vand.u32 $0x7F, v47;
	v46 =	vand.u32 $0x1C00, v46  }
0x38e: {  	v46 =	vor.u32 v46, v47  }
0x38f: {  	vm0 =	vge.s32 v45, v22;
	v61 =	vsub.s32 v45, v22;
	v48 =	vshll.u32 v45, $0x7  }
0x390: {  	vm1 =	vlt.s32 v45, v23;
	v62 =	vshll.u32 v61, $0xA;
	v63 =	vand.u32 $0x380, v48  }
0x391: {  	vm0 =	vmand vm0, vm1;
	v45 =	vand.u32 $0xFFFFE000, v62;
	v46 =	vor.u32 v63, v46  }
0x392: {  	v45 =	vor.u32 v45, v46;
	_ =	sdelay $0x4  }
0x393: {  	s30 =	simm.s32 $0x0;
	[tilespmem:v45+s23+$0x0] =	vst.idx.msk vm0, v44  }
0x394: {  	[tilespmem:s30], [sflag:$0x3] =	stream.strided.gather [hbm4b:s10+s24], $0x400, s25, s24, $0x38;
	[tilespmem:$0x14800] =	vst v63  }
0x395: {  	_ =	swait.ge [sflag:s22], $0x400  }
0x396: {  	[sflag:s22] =	ssyncset.done $0x0  }
0x397: {  	[sflag:s22] =	ssyncadd.s32 $0xFFFFFC00  }
0x398: {  	s21 =	simm.s32 $0x10;
	s1 =	simm.s32 $0x0;
	v45 =	vld [tilespmem:s30+$0x0]  }
.LBB2_52:
0x399: {  	p1 =	sne.s32 s21, $0x3F0;
	v46 =	vmov s30  }
0x39a: {  	v47 =	vor.u32 s30, v42;
	s30 =	smov.u32 s21;
	v46 =	vshll.u32 v46, $0x3  }
0x39b: {  	v47 =	vand.u32 $0x7F, v47;
	v46 =	vand.u32 $0x1C00, v46  }
0x39c: {  	v46 =	vor.u32 v46, v47  }
0x39d: {  	vm0 =	vge.s32 v45, v26;
	v47 =	vsub.s32 v45, v26;
	v48 =	vshll.u32 v45, $0x7  }
0x39e: {  	vm1 =	vlt.s32 v45, v27;
	v45 =	vshll.u32 v47, $0xA;
	v47 =	vand.u32 $0x380, v48  }
0x39f: {  	vm0 =	vmand vm0, vm1;
	v45 =	vand.u32 $0xFFFFE000, v45;
	v46 =	vor.u32 v47, v46  }
0x3a0: {  	v45 =	vor.u32 v45, v46;
	_ =	sdelay $0x1  }
.Ltmp27:
0x3a1: {  	(pc) =	sbr.rel @p1 .LBB2_52-.Ltmp27, $3  }
0x3a2: {  	_ =	sdelay $0x1  }
0x3a3: {  	s1 =	sadd.s32 $0x10, s1;
	[tilespmem:v45+s23+$0x0] =	vst.idx.msk vm0, v43  }
0x3a4: {  	s21 =	sadd.s32 $0x10, s21;
	v45 =	vld [tilespmem:s1+$0x0]  }
0x3a5: {  	v46 =	vmov s30  }
0x3a6: {  	v47 =	vor.u32 s30, v42;
	v46 =	vshll.u32 v46, $0x3  }
0x3a7: {  	v47 =	vand.u32 $0x7F, v47;
	v46 =	vand.u32 $0x1C00, v46  }
0x3a8: {  	v46 =	vor.u32 v46, v47  }
0x3a9: {  	vm0 =	vge.s32 v45, v26;
	v61 =	vsub.s32 v45, v26;
	v48 =	vshll.u32 v45, $0x7  }
0x3aa: {  	vm1 =	vlt.s32 v45, v27;
	v62 =	vshll.u32 v61, $0xA;
	v63 =	vand.u32 $0x380, v48  }
0x3ab: {  	vm0 =	vmand vm0, vm1;
	v45 =	vand.u32 $0xFFFFE000, v62;
	v46 =	vor.u32 v63, v46  }
0x3ac: {  	v45 =	vor.u32 v45, v46;
	_ =	sdelay $0x4  }
0x3ad: {  	s30 =	simm.s32 $0x0;
	s1 =	rddreg [dreg:$0x15];
	[tilespmem:v45+s23+$0x0] =	vst.idx.msk vm0, v43  }
0x3ae: {  	[hbm4b:s1+s30] =	stream.linear.scatter [tilespmem:s23], [sflag:$0x2], $0xA000, $0x38;
	[tilespmem:$0x14800] =	vst v63  }
0x3af: {  	_ =	swait.ge [sflag:s26], $0xA000  }
0x3b0: {  	[sflag:s26] =	ssyncset.done $0x0  }
0x3b1: {  	s21 =	simm.s32 $0x400;
	[sflag:s26] =	ssyncadd.s32 $0xFFFF6000  }
0x3b2: {  	[tilespmem:s21], [sflag:$0x3] =	stream.strided.gather [hbm4b:s9+s24], $0x400, s21, s24, $0x38;
	[tilespmem:$0x14800] =	vst v63  }
0x3b3: {  	_ =	swait.ge [sflag:s22], $0x400  }
0x3b4: {  	[sflag:s22] =	ssyncset.done $0x0  }
0x3b5: {  	[sflag:s22] =	ssyncadd.s32 $0xFFFFFC00  }
0x3b6: {  	s1 =	simm.s32 $0x10;
	v45 =	vld [tilespmem:s21+$0x0]  }
.LBB2_54:
0x3b7: {  	p1 =	sne.s32 s1, $0x3F0;
	v46 =	vmov s30  }
0x3b8: {  	v47 =	vor.u32 s30, v42;
	s30 =	smov.u32 s1;
	v46 =	vshll.u32 v46, $0x3  }
0x3b9: {  	v47 =	vand.u32 $0x7F, v47;
	v46 =	vand.u32 $0x1C00, v46  }
0x3ba: {  	v46 =	vor.u32 v46, v47  }
0x3bb: {  	vm0 =	vge.s32 v45, v24;
	v47 =	vsub.s32 v45, v24;
	v48 =	vshll.u32 v45, $0x7  }
0x3bc: {  	vm1 =	vlt.s32 v45, v25;
	v45 =	vshll.u32 v47, $0xA;
	v47 =	vand.u32 $0x380, v48  }
0x3bd: {  	vm0 =	vmand vm0, vm1;
	v45 =	vand.u32 $0xFFFFE000, v45;
	v46 =	vor.u32 v47, v46  }
0x3be: {  	v45 =	vor.u32 v45, v46;
	_ =	sdelay $0x1  }
.Ltmp28:
0x3bf: {  	(pc) =	sbr.rel @p1 .LBB2_54-.Ltmp28, $3  }
0x3c0: {  	_ =	sdelay $0x1  }
0x3c1: {  	s21 =	sadd.s32 $0x10, s21;
	[tilespmem:v45+s20+$0x0] =	vst.idx.msk vm0, v44  }
0x3c2: {  	s1 =	sadd.s32 $0x10, s1;
	v45 =	vld [tilespmem:s21+$0x0]  }
0x3c3: {  	v46 =	vmov s30  }
0x3c4: {  	v47 =	vor.u32 s30, v42;
	v46 =	vshll.u32 v46, $0x3  }
0x3c5: {  	v47 =	vand.u32 $0x7F, v47;
	v46 =	vand.u32 $0x1C00, v46  }
0x3c6: {  	v46 =	vor.u32 v46, v47  }
0x3c7: {  	vm0 =	vge.s32 v45, v24;
	v61 =	vsub.s32 v45, v24;
	v48 =	vshll.u32 v45, $0x7  }
0x3c8: {  	vm1 =	vlt.s32 v45, v25;
	v62 =	vshll.u32 v61, $0xA;
	v63 =	vand.u32 $0x380, v48  }
0x3c9: {  	vm0 =	vmand vm0, vm1;
	v45 =	vand.u32 $0xFFFFE000, v62;
	v46 =	vor.u32 v63, v46  }
0x3ca: {  	v45 =	vor.u32 v45, v46;
	_ =	sdelay $0x4  }
0x3cb: {  	s30 =	simm.s32 $0x0;
	[tilespmem:v45+s20+$0x0] =	vst.idx.msk vm0, v44  }
0x3cc: {  	[tilespmem:s30], [sflag:$0x3] =	stream.strided.gather [hbm4b:s11+s24], $0x400, s25, s24, $0x38;
	[tilespmem:$0x14800] =	vst v63  }
0x3cd: {  	_ =	swait.ge [sflag:s22], $0x400  }
0x3ce: {  	[sflag:s22] =	ssyncset.done $0x0  }
0x3cf: {  	[sflag:s22] =	ssyncadd.s32 $0xFFFFFC00  }
0x3d0: {  	s21 =	simm.s32 $0x10;
	s1 =	simm.s32 $0x0;
	v45 =	vld [tilespmem:s30+$0x0]  }
.LBB2_56:
0x3d1: {  	p1 =	sne.s32 s21, $0x3F0;
	v46 =	vmov s30  }
0x3d2: {  	v47 =	vor.u32 s30, v42;
	s30 =	smov.u32 s21;
	v46 =	vshll.u32 v46, $0x3  }
0x3d3: {  	v47 =	vand.u32 $0x7F, v47;
	v46 =	vand.u32 $0x1C00, v46  }
0x3d4: {  	v46 =	vor.u32 v46, v47  }
0x3d5: {  	vm0 =	vge.s32 v45, v28;
	v47 =	vsub.s32 v45, v28;
	v48 =	vshll.u32 v45, $0x7  }
0x3d6: {  	vm1 =	vlt.s32 v45, v29;
	v45 =	vshll.u32 v47, $0xA;
	v47 =	vand.u32 $0x380, v48  }
0x3d7: {  	vm0 =	vmand vm0, vm1;
	v45 =	vand.u32 $0xFFFFE000, v45;
	v46 =	vor.u32 v47, v46  }
0x3d8: {  	v45 =	vor.u32 v45, v46;
	_ =	sdelay $0x1  }
.Ltmp29:
0x3d9: {  	(pc) =	sbr.rel @p1 .LBB2_56-.Ltmp29, $3  }
0x3da: {  	_ =	sdelay $0x1  }
0x3db: {  	s1 =	sadd.s32 $0x10, s1;
	[tilespmem:v45+s20+$0x0] =	vst.idx.msk vm0, v43  }
0x3dc: {  	s21 =	sadd.s32 $0x10, s21;
	v45 =	vld [tilespmem:s1+$0x0]  }
0x3dd: {  	v46 =	vmov s30  }
0x3de: {  	v47 =	vor.u32 s30, v42;
	v46 =	vshll.u32 v46, $0x3  }
0x3df: {  	v47 =	vand.u32 $0x7F, v47;
	v46 =	vand.u32 $0x1C00, v46  }
0x3e0: {  	v46 =	vor.u32 v46, v47  }
0x3e1: {  	vm0 =	vge.s32 v45, v28;
	v61 =	vsub.s32 v45, v28;
	v48 =	vshll.u32 v45, $0x7  }
0x3e2: {  	vm1 =	vlt.s32 v45, v29;
	v62 =	vshll.u32 v61, $0xA;
	v63 =	vand.u32 $0x380, v48  }
0x3e3: {  	vm0 =	vmand vm0, vm1;
	v45 =	vand.u32 $0xFFFFE000, v62;
	v46 =	vor.u32 v63, v46  }
0x3e4: {  	v45 =	vor.u32 v45, v46;
	_ =	sdelay $0x4  }
0x3e5: {  	s30 =	simm.s32 $0x0;
	s1 =	rddreg [dreg:$0x16];
	[tilespmem:v45+s20+$0x0] =	vst.idx.msk vm0, v43  }
0x3e6: {  	[hbm4b:s1+s30] =	stream.linear.scatter [tilespmem:s20], [sflag:$0x1], $0xA000, $0x38;
	[tilespmem:$0x14800] =	vst v63  }
0x3e7: {  	_ =	swait.ge [sflag:s28], $0xA000  }
0x3e8: {  	[sflag:s28] =	ssyncset.done $0x0  }
0x3e9: {  	s21 =	simm.s32 $0x400;
	[sflag:s28] =	ssyncadd.s32 $0xFFFF6000  }
0x3ea: {  	[tilespmem:s21], [sflag:$0x3] =	stream.strided.gather [hbm4b:s10+s24], $0x400, s21, s24, $0x38;
	[tilespmem:$0x14800] =	vst v63  }
0x3eb: {  	_ =	swait.ge [sflag:s22], $0x400  }
0x3ec: {  	[sflag:s22] =	ssyncset.done $0x0  }
0x3ed: {  	[sflag:s22] =	ssyncadd.s32 $0xFFFFFC00  }
0x3ee: {  	s1 =	simm.s32 $0x10;
	v45 =	vld [tilespmem:s21+$0x0]  }
.LBB2_58:
0x3ef: {  	p1 =	sne.s32 s1, $0x3F0;
	v46 =	vmov s30  }
0x3f0: {  	v47 =	vor.u32 s30, v42;
	s30 =	smov.u32 s1;
	v46 =	vshll.u32 v46, $0x3  }
0x3f1: {  	v47 =	vand.u32 $0x7F, v47;
	v46 =	vand.u32 $0x1C00, v46  }
0x3f2: {  	v46 =	vor.u32 v46, v47  }
0x3f3: {  	vm0 =	vge.s32 v45, v26;
	v47 =	vsub.s32 v45, v26;
	v48 =	vshll.u32 v45, $0x7  }
0x3f4: {  	vm1 =	vlt.s32 v45, v27;
	v45 =	vshll.u32 v47, $0xA;
	v47 =	vand.u32 $0x380, v48  }
0x3f5: {  	vm0 =	vmand vm0, vm1;
	v45 =	vand.u32 $0xFFFFE000, v45;
	v46 =	vor.u32 v47, v46  }
0x3f6: {  	v45 =	vor.u32 v45, v46;
	_ =	sdelay $0x1  }
.Ltmp30:
0x3f7: {  	(pc) =	sbr.rel @p1 .LBB2_58-.Ltmp30, $3  }
0x3f8: {  	_ =	sdelay $0x1  }
0x3f9: {  	s21 =	sadd.s32 $0x10, s21;
	[tilespmem:v45+s23+$0x0] =	vst.idx.msk vm0, v44  }
0x3fa: {  	s1 =	sadd.s32 $0x10, s1;
	v45 =	vld [tilespmem:s21+$0x0]  }
0x3fb: {  	v46 =	vmov s30  }
0x3fc: {  	v47 =	vor.u32 s30, v42;
	v46 =	vshll.u32 v46, $0x3  }
0x3fd: {  	v47 =	vand.u32 $0x7F, v47;
	v46 =	vand.u32 $0x1C00, v46  }
0x3fe: {  	v46 =	vor.u32 v46, v47  }
0x3ff: {  	vm0 =	vge.s32 v45, v26;
	v61 =	vsub.s32 v45, v26;
	v48 =	vshll.u32 v45, $0x7  }
0x400: {  	vm1 =	vlt.s32 v45, v27;
	v62 =	vshll.u32 v61, $0xA;
	v63 =	vand.u32 $0x380, v48  }
0x401: {  	vm0 =	vmand vm0, vm1;
	v45 =	vand.u32 $0xFFFFE000, v62;
	v46 =	vor.u32 v63, v46  }
0x402: {  	v45 =	vor.u32 v45, v46;
	_ =	sdelay $0x4  }
0x403: {  	s30 =	simm.s32 $0x0;
	[tilespmem:v45+s23+$0x0] =	vst.idx.msk vm0, v44  }
0x404: {  	[tilespmem:s30], [sflag:$0x3] =	stream.strided.gather [hbm4b:s12+s24], $0x400, s25, s24, $0x38;
	[tilespmem:$0x14800] =	vst v63  }
0x405: {  	_ =	swait.ge [sflag:s22], $0x400  }
0x406: {  	[sflag:s22] =	ssyncset.done $0x0  }
0x407: {  	[sflag:s22] =	ssyncadd.s32 $0xFFFFFC00  }
0x408: {  	s21 =	simm.s32 $0x10;
	s1 =	simm.s32 $0x0;
	v45 =	vld [tilespmem:s30+$0x0]  }
.LBB2_60:
0x409: {  	p1 =	sne.s32 s21, $0x3F0;
	v46 =	vmov s30  }
0x40a: {  	v47 =	vor.u32 s30, v42;
	s30 =	smov.u32 s21;
	v46 =	vshll.u32 v46, $0x3  }
0x40b: {  	v47 =	vand.u32 $0x7F, v47;
	v46 =	vand.u32 $0x1C00, v46  }
0x40c: {  	v46 =	vor.u32 v46, v47  }
0x40d: {  	vm0 =	vge.s32 v45, v30;
	v47 =	vsub.s32 v45, v30;
	v48 =	vshll.u32 v45, $0x7  }
0x40e: {  	vm1 =	vlt.s32 v45, v31;
	v45 =	vshll.u32 v47, $0xA;
	v47 =	vand.u32 $0x380, v48  }
0x40f: {  	vm0 =	vmand vm0, vm1;
	v45 =	vand.u32 $0xFFFFE000, v45;
	v46 =	vor.u32 v47, v46  }
0x410: {  	v45 =	vor.u32 v45, v46;
	_ =	sdelay $0x1  }
.Ltmp31:
0x411: {  	(pc) =	sbr.rel @p1 .LBB2_60-.Ltmp31, $3  }
0x412: {  	_ =	sdelay $0x1  }
0x413: {  	s1 =	sadd.s32 $0x10, s1;
	[tilespmem:v45+s23+$0x0] =	vst.idx.msk vm0, v43  }
0x414: {  	s21 =	sadd.s32 $0x10, s21;
	v45 =	vld [tilespmem:s1+$0x0]  }
0x415: {  	v46 =	vmov s30  }
0x416: {  	v47 =	vor.u32 s30, v42;
	v46 =	vshll.u32 v46, $0x3  }
0x417: {  	v47 =	vand.u32 $0x7F, v47;
	v46 =	vand.u32 $0x1C00, v46  }
0x418: {  	v46 =	vor.u32 v46, v47  }
0x419: {  	vm0 =	vge.s32 v45, v30;
	v61 =	vsub.s32 v45, v30;
	v48 =	vshll.u32 v45, $0x7  }
0x41a: {  	vm1 =	vlt.s32 v45, v31;
	v62 =	vshll.u32 v61, $0xA;
	v63 =	vand.u32 $0x380, v48  }
0x41b: {  	vm0 =	vmand vm0, vm1;
	v45 =	vand.u32 $0xFFFFE000, v62;
	v46 =	vor.u32 v63, v46  }
0x41c: {  	v45 =	vor.u32 v45, v46;
	_ =	sdelay $0x4  }
0x41d: {  	s30 =	simm.s32 $0x0;
	s1 =	rddreg [dreg:$0x17];
	[tilespmem:v45+s23+$0x0] =	vst.idx.msk vm0, v43  }
0x41e: {  	[hbm4b:s1+s30] =	stream.linear.scatter [tilespmem:s23], [sflag:$0x2], $0xA000, $0x38;
	[tilespmem:$0x14800] =	vst v63  }
0x41f: {  	_ =	swait.ge [sflag:s26], $0xA000  }
0x420: {  	[sflag:s26] =	ssyncset.done $0x0  }
0x421: {  	s21 =	simm.s32 $0x400;
	[sflag:s26] =	ssyncadd.s32 $0xFFFF6000  }
0x422: {  	[tilespmem:s21], [sflag:$0x3] =	stream.strided.gather [hbm4b:s11+s24], $0x400, s21, s24, $0x38;
	[tilespmem:$0x14800] =	vst v63  }
0x423: {  	_ =	swait.ge [sflag:s22], $0x400  }
0x424: {  	[sflag:s22] =	ssyncset.done $0x0  }
0x425: {  	[sflag:s22] =	ssyncadd.s32 $0xFFFFFC00  }
0x426: {  	s1 =	simm.s32 $0x10;
	v45 =	vld [tilespmem:s21+$0x0]  }
.LBB2_62:
0x427: {  	p1 =	sne.s32 s1, $0x3F0;
	v46 =	vmov s30  }
0x428: {  	v47 =	vor.u32 s30, v42;
	s30 =	smov.u32 s1;
	v46 =	vshll.u32 v46, $0x3  }
0x429: {  	v47 =	vand.u32 $0x7F, v47;
	v46 =	vand.u32 $0x1C00, v46  }
0x42a: {  	v46 =	vor.u32 v46, v47  }
0x42b: {  	vm0 =	vge.s32 v45, v28;
	v47 =	vsub.s32 v45, v28;
	v48 =	vshll.u32 v45, $0x7  }
0x42c: {  	vm1 =	vlt.s32 v45, v29;
	v45 =	vshll.u32 v47, $0xA;
	v47 =	vand.u32 $0x380, v48  }
0x42d: {  	vm0 =	vmand vm0, vm1;
	v45 =	vand.u32 $0xFFFFE000, v45;
	v46 =	vor.u32 v47, v46  }
0x42e: {  	v45 =	vor.u32 v45, v46;
	_ =	sdelay $0x1  }
.Ltmp32:
0x42f: {  	(pc) =	sbr.rel @p1 .LBB2_62-.Ltmp32, $3  }
0x430: {  	_ =	sdelay $0x1  }
0x431: {  	s21 =	sadd.s32 $0x10, s21;
	[tilespmem:v45+s20+$0x0] =	vst.idx.msk vm0, v44  }
0x432: {  	s1 =	sadd.s32 $0x10, s1;
	v45 =	vld [tilespmem:s21+$0x0]  }
0x433: {  	v46 =	vmov s30  }
0x434: {  	v47 =	vor.u32 s30, v42;
	v46 =	vshll.u32 v46, $0x3  }
0x435: {  	v47 =	vand.u32 $0x7F, v47;
	v46 =	vand.u32 $0x1C00, v46  }
0x436: {  	v46 =	vor.u32 v46, v47  }
0x437: {  	vm0 =	vge.s32 v45, v28;
	v61 =	vsub.s32 v45, v28;
	v48 =	vshll.u32 v45, $0x7  }
0x438: {  	vm1 =	vlt.s32 v45, v29;
	v62 =	vshll.u32 v61, $0xA;
	v63 =	vand.u32 $0x380, v48  }
0x439: {  	vm0 =	vmand vm0, vm1;
	v45 =	vand.u32 $0xFFFFE000, v62;
	v46 =	vor.u32 v63, v46  }
0x43a: {  	v45 =	vor.u32 v45, v46;
	_ =	sdelay $0x4  }
0x43b: {  	s30 =	simm.s32 $0x0;
	s1 =	rddreg [dreg:$0x4];
	[tilespmem:v45+s20+$0x0] =	vst.idx.msk vm0, v44  }
0x43c: {  	[tilespmem:s30], [sflag:$0x3] =	stream.strided.gather [hbm4b:s1+s24], $0x400, s25, s24, $0x38;
	[tilespmem:$0x14800] =	vst v63  }
0x43d: {  	_ =	swait.ge [sflag:s22], $0x400  }
0x43e: {  	[sflag:s22] =	ssyncset.done $0x0  }
0x43f: {  	[sflag:s22] =	ssyncadd.s32 $0xFFFFFC00  }
0x440: {  	s21 =	simm.s32 $0x10;
	s1 =	simm.s32 $0x0;
	v45 =	vld [tilespmem:s30+$0x0]  }
.LBB2_64:
0x441: {  	p1 =	sne.s32 s21, $0x3F0;
	v46 =	vmov s30  }
0x442: {  	v47 =	vor.u32 s30, v42;
	s30 =	smov.u32 s21;
	v46 =	vshll.u32 v46, $0x3  }
0x443: {  	v47 =	vand.u32 $0x7F, v47;
	v46 =	vand.u32 $0x1C00, v46  }
0x444: {  	v46 =	vor.u32 v46, v47  }
0x445: {  	vm0 =	vge.s32 v45, v32;
	v47 =	vsub.s32 v45, v32;
	v48 =	vshll.u32 v45, $0x7  }
0x446: {  	vm1 =	vlt.s32 v45, v33;
	v45 =	vshll.u32 v47, $0xA;
	v47 =	vand.u32 $0x380, v48  }
0x447: {  	vm0 =	vmand vm0, vm1;
	v45 =	vand.u32 $0xFFFFE000, v45;
	v46 =	vor.u32 v47, v46  }
0x448: {  	v45 =	vor.u32 v45, v46;
	_ =	sdelay $0x1  }
.Ltmp33:
0x449: {  	(pc) =	sbr.rel @p1 .LBB2_64-.Ltmp33, $3  }
0x44a: {  	_ =	sdelay $0x1  }
0x44b: {  	s1 =	sadd.s32 $0x10, s1;
	[tilespmem:v45+s20+$0x0] =	vst.idx.msk vm0, v43  }
0x44c: {  	s21 =	sadd.s32 $0x10, s21;
	v45 =	vld [tilespmem:s1+$0x0]  }
0x44d: {  	v46 =	vmov s30  }
0x44e: {  	v47 =	vor.u32 s30, v42;
	v46 =	vshll.u32 v46, $0x3  }
0x44f: {  	v47 =	vand.u32 $0x7F, v47;
	v46 =	vand.u32 $0x1C00, v46  }
0x450: {  	v46 =	vor.u32 v46, v47  }
0x451: {  	vm0 =	vge.s32 v45, v32;
	v61 =	vsub.s32 v45, v32;
	v48 =	vshll.u32 v45, $0x7  }
0x452: {  	vm1 =	vlt.s32 v45, v33;
	v62 =	vshll.u32 v61, $0xA;
	v63 =	vand.u32 $0x380, v48  }
0x453: {  	vm0 =	vmand vm0, vm1;
	v45 =	vand.u32 $0xFFFFE000, v62;
	v46 =	vor.u32 v63, v46  }
0x454: {  	v45 =	vor.u32 v45, v46;
	_ =	sdelay $0x4  }
0x455: {  	s30 =	simm.s32 $0x0;
	s1 =	rddreg [dreg:$0x18];
	[tilespmem:v45+s20+$0x0] =	vst.idx.msk vm0, v43  }
0x456: {  	[hbm4b:s1+s30] =	stream.linear.scatter [tilespmem:s20], [sflag:$0x1], $0xA000, $0x38;
	[tilespmem:$0x14800] =	vst v63  }
0x457: {  	_ =	swait.ge [sflag:s28], $0xA000  }
0x458: {  	[sflag:s28] =	ssyncset.done $0x0  }
0x459: {  	s21 =	simm.s32 $0x400;
	[sflag:s28] =	ssyncadd.s32 $0xFFFF6000  }
0x45a: {  	[tilespmem:s21], [sflag:$0x3] =	stream.strided.gather [hbm4b:s12+s24], $0x400, s21, s24, $0x38;
	[tilespmem:$0x14800] =	vst v63  }
0x45b: {  	_ =	swait.ge [sflag:s22], $0x400  }
0x45c: {  	[sflag:s22] =	ssyncset.done $0x0  }
0x45d: {  	[sflag:s22] =	ssyncadd.s32 $0xFFFFFC00  }
0x45e: {  	s1 =	simm.s32 $0x10;
	v45 =	vld [tilespmem:s21+$0x0]  }
.LBB2_66:
0x45f: {  	p1 =	sne.s32 s1, $0x3F0;
	v46 =	vmov s30  }
0x460: {  	v47 =	vor.u32 s30, v42;
	s30 =	smov.u32 s1;
	v46 =	vshll.u32 v46, $0x3  }
0x461: {  	v47 =	vand.u32 $0x7F, v47;
	v46 =	vand.u32 $0x1C00, v46  }
0x462: {  	v46 =	vor.u32 v46, v47  }
0x463: {  	vm0 =	vge.s32 v45, v30;
	v47 =	vsub.s32 v45, v30;
	v48 =	vshll.u32 v45, $0x7  }
0x464: {  	vm1 =	vlt.s32 v45, v31;
	v45 =	vshll.u32 v47, $0xA;
	v47 =	vand.u32 $0x380, v48  }
0x465: {  	vm0 =	vmand vm0, vm1;
	v45 =	vand.u32 $0xFFFFE000, v45;
	v46 =	vor.u32 v47, v46  }
0x466: {  	v45 =	vor.u32 v45, v46;
	_ =	sdelay $0x1  }
.Ltmp34:
0x467: {  	(pc) =	sbr.rel @p1 .LBB2_66-.Ltmp34, $3  }
0x468: {  	_ =	sdelay $0x1  }
0x469: {  	s21 =	sadd.s32 $0x10, s21;
	[tilespmem:v45+s23+$0x0] =	vst.idx.msk vm0, v44  }
0x46a: {  	s1 =	sadd.s32 $0x10, s1;
	v45 =	vld [tilespmem:s21+$0x0]  }
0x46b: {  	v46 =	vmov s30  }
0x46c: {  	v47 =	vor.u32 s30, v42;
	v46 =	vshll.u32 v46, $0x3  }
0x46d: {  	v47 =	vand.u32 $0x7F, v47;
	v46 =	vand.u32 $0x1C00, v46  }
0x46e: {  	v46 =	vor.u32 v46, v47  }
0x46f: {  	vm0 =	vge.s32 v45, v30;
	v61 =	vsub.s32 v45, v30;
	v48 =	vshll.u32 v45, $0x7  }
0x470: {  	vm1 =	vlt.s32 v45, v31;
	v62 =	vshll.u32 v61, $0xA;
	v63 =	vand.u32 $0x380, v48  }
0x471: {  	vm0 =	vmand vm0, vm1;
	v45 =	vand.u32 $0xFFFFE000, v62;
	v46 =	vor.u32 v63, v46  }
0x472: {  	v45 =	vor.u32 v45, v46;
	_ =	sdelay $0x4  }
0x473: {  	s30 =	simm.s32 $0x0;
	s1 =	rddreg [dreg:$0x5];
	[tilespmem:v45+s23+$0x0] =	vst.idx.msk vm0, v44  }
0x474: {  	[tilespmem:s30], [sflag:$0x3] =	stream.strided.gather [hbm4b:s1+s24], $0x400, s25, s24, $0x38;
	[tilespmem:$0x14800] =	vst v63  }
0x475: {  	_ =	swait.ge [sflag:s22], $0x400  }
0x476: {  	[sflag:s22] =	ssyncset.done $0x0  }
0x477: {  	[sflag:s22] =	ssyncadd.s32 $0xFFFFFC00  }
0x478: {  	s21 =	simm.s32 $0x10;
	s1 =	simm.s32 $0x0;
	v45 =	vld [tilespmem:s30+$0x0]  }
.LBB2_68:
0x479: {  	p1 =	sne.s32 s21, $0x3F0;
	v46 =	vmov s30  }
0x47a: {  	v47 =	vor.u32 s30, v42;
	s30 =	smov.u32 s21;
	v46 =	vshll.u32 v46, $0x3  }
0x47b: {  	v47 =	vand.u32 $0x7F, v47;
	v46 =	vand.u32 $0x1C00, v46  }
0x47c: {  	v46 =	vor.u32 v46, v47  }
0x47d: {  	vm0 =	vge.s32 v45, v34;
	v47 =	vsub.s32 v45, v34;
	v48 =	vshll.u32 v45, $0x7  }
0x47e: {  	vm1 =	vlt.s32 v45, v35;
	v45 =	vshll.u32 v47, $0xA;
	v47 =	vand.u32 $0x380, v48  }
0x47f: {  	vm0 =	vmand vm0, vm1;
	v45 =	vand.u32 $0xFFFFE000, v45;
	v46 =	vor.u32 v47, v46  }
0x480: {  	v45 =	vor.u32 v45, v46;
	_ =	sdelay $0x1  }
.Ltmp35:
0x481: {  	(pc) =	sbr.rel @p1 .LBB2_68-.Ltmp35, $3  }
0x482: {  	_ =	sdelay $0x1  }
0x483: {  	s1 =	sadd.s32 $0x10, s1;
	[tilespmem:v45+s23+$0x0] =	vst.idx.msk vm0, v43  }
0x484: {  	s21 =	sadd.s32 $0x10, s21;
	v45 =	vld [tilespmem:s1+$0x0]  }
0x485: {  	v46 =	vmov s30  }
0x486: {  	v47 =	vor.u32 s30, v42;
	v46 =	vshll.u32 v46, $0x3  }
0x487: {  	v47 =	vand.u32 $0x7F, v47;
	v46 =	vand.u32 $0x1C00, v46  }
0x488: {  	v46 =	vor.u32 v46, v47  }
0x489: {  	vm0 =	vge.s32 v45, v34;
	v61 =	vsub.s32 v45, v34;
	v48 =	vshll.u32 v45, $0x7  }
0x48a: {  	vm1 =	vlt.s32 v45, v35;
	v62 =	vshll.u32 v61, $0xA;
	v63 =	vand.u32 $0x380, v48  }
0x48b: {  	vm0 =	vmand vm0, vm1;
	v45 =	vand.u32 $0xFFFFE000, v62;
	v46 =	vor.u32 v63, v46  }
0x48c: {  	v45 =	vor.u32 v45, v46;
	_ =	sdelay $0x4  }
0x48d: {  	s30 =	simm.s32 $0x0;
	s1 =	rddreg [dreg:$0x19];
	[tilespmem:v45+s23+$0x0] =	vst.idx.msk vm0, v43  }
0x48e: {  	[hbm4b:s1+s30] =	stream.linear.scatter [tilespmem:s23], [sflag:$0x2], $0xA000, $0x38;
	[tilespmem:$0x14800] =	vst v63  }
0x48f: {  	_ =	swait.ge [sflag:s26], $0xA000  }
0x490: {  	[sflag:s26] =	ssyncset.done $0x0  }
0x491: {  	s21 =	simm.s32 $0x400;
	s1 =	rddreg [dreg:$0x4];
	[sflag:s26] =	ssyncadd.s32 $0xFFFF6000  }
0x492: {  	[tilespmem:s21], [sflag:$0x3] =	stream.strided.gather [hbm4b:s1+s24], $0x400, s21, s24, $0x38;
	[tilespmem:$0x14800] =	vst v63  }
0x493: {  	_ =	swait.ge [sflag:s22], $0x400  }
0x494: {  	[sflag:s22] =	ssyncset.done $0x0  }
0x495: {  	[sflag:s22] =	ssyncadd.s32 $0xFFFFFC00  }
0x496: {  	s1 =	simm.s32 $0x10;
	v45 =	vld [tilespmem:s21+$0x0]  }
.LBB2_70:
0x497: {  	p1 =	sne.s32 s1, $0x3F0;
	v46 =	vmov s30  }
0x498: {  	v47 =	vor.u32 s30, v42;
	s30 =	smov.u32 s1;
	v46 =	vshll.u32 v46, $0x3  }
0x499: {  	v47 =	vand.u32 $0x7F, v47;
	v46 =	vand.u32 $0x1C00, v46  }
0x49a: {  	v46 =	vor.u32 v46, v47  }
0x49b: {  	vm0 =	vge.s32 v45, v32;
	v47 =	vsub.s32 v45, v32;
	v48 =	vshll.u32 v45, $0x7  }
0x49c: {  	vm1 =	vlt.s32 v45, v33;
	v45 =	vshll.u32 v47, $0xA;
	v47 =	vand.u32 $0x380, v48  }
0x49d: {  	vm0 =	vmand vm0, vm1;
	v45 =	vand.u32 $0xFFFFE000, v45;
	v46 =	vor.u32 v47, v46  }
0x49e: {  	v45 =	vor.u32 v45, v46;
	_ =	sdelay $0x1  }
.Ltmp36:
0x49f: {  	(pc) =	sbr.rel @p1 .LBB2_70-.Ltmp36, $3  }
0x4a0: {  	_ =	sdelay $0x1  }
0x4a1: {  	s21 =	sadd.s32 $0x10, s21;
	[tilespmem:v45+s20+$0x0] =	vst.idx.msk vm0, v44  }
0x4a2: {  	s1 =	sadd.s32 $0x10, s1;
	v45 =	vld [tilespmem:s21+$0x0]  }
0x4a3: {  	v46 =	vmov s30  }
0x4a4: {  	v47 =	vor.u32 s30, v42;
	v46 =	vshll.u32 v46, $0x3  }
0x4a5: {  	v47 =	vand.u32 $0x7F, v47;
	v46 =	vand.u32 $0x1C00, v46  }
0x4a6: {  	v46 =	vor.u32 v46, v47  }
0x4a7: {  	vm0 =	vge.s32 v45, v32;
	v61 =	vsub.s32 v45, v32;
	v48 =	vshll.u32 v45, $0x7  }
0x4a8: {  	vm1 =	vlt.s32 v45, v33;
	v62 =	vshll.u32 v61, $0xA;
	v63 =	vand.u32 $0x380, v48  }
0x4a9: {  	vm0 =	vmand vm0, vm1;
	v45 =	vand.u32 $0xFFFFE000, v62;
	v46 =	vor.u32 v63, v46  }
0x4aa: {  	v45 =	vor.u32 v45, v46;
	_ =	sdelay $0x4  }
0x4ab: {  	s30 =	simm.s32 $0x0;
	[tilespmem:v45+s20+$0x0] =	vst.idx.msk vm0, v44  }
0x4ac: {  	[tilespmem:s30], [sflag:$0x3] =	stream.strided.gather [hbm4b:s13+s24], $0x400, s25, s24, $0x38;
	[tilespmem:$0x14800] =	vst v63  }
0x4ad: {  	_ =	swait.ge [sflag:s22], $0x400  }
0x4ae: {  	[sflag:s22] =	ssyncset.done $0x0  }
0x4af: {  	[sflag:s22] =	ssyncadd.s32 $0xFFFFFC00  }
0x4b0: {  	s21 =	simm.s32 $0x10;
	s1 =	simm.s32 $0x0;
	v45 =	vld [tilespmem:s30+$0x0]  }
.LBB2_72:
0x4b1: {  	p1 =	sne.s32 s21, $0x3F0;
	v46 =	vmov s30  }
0x4b2: {  	v47 =	vor.u32 s30, v42;
	s30 =	smov.u32 s21;
	v46 =	vshll.u32 v46, $0x3  }
0x4b3: {  	v47 =	vand.u32 $0x7F, v47;
	v46 =	vand.u32 $0x1C00, v46  }
0x4b4: {  	v46 =	vor.u32 v46, v47  }
0x4b5: {  	vm0 =	vge.s32 v45, v36;
	v47 =	vsub.s32 v45, v36;
	v48 =	vshll.u32 v45, $0x7  }
0x4b6: {  	vm1 =	vlt.s32 v45, v37;
	v45 =	vshll.u32 v47, $0xA;
	v47 =	vand.u32 $0x380, v48  }
0x4b7: {  	vm0 =	vmand vm0, vm1;
	v45 =	vand.u32 $0xFFFFE000, v45;
	v46 =	vor.u32 v47, v46  }
0x4b8: {  	v45 =	vor.u32 v45, v46;
	_ =	sdelay $0x1  }
.Ltmp37:
0x4b9: {  	(pc) =	sbr.rel @p1 .LBB2_72-.Ltmp37, $3  }
0x4ba: {  	_ =	sdelay $0x1  }
0x4bb: {  	s1 =	sadd.s32 $0x10, s1;
	[tilespmem:v45+s20+$0x0] =	vst.idx.msk vm0, v43  }
0x4bc: {  	s21 =	sadd.s32 $0x10, s21;
	v45 =	vld [tilespmem:s1+$0x0]  }
0x4bd: {  	v46 =	vmov s30  }
0x4be: {  	v47 =	vor.u32 s30, v42;
	v46 =	vshll.u32 v46, $0x3  }
0x4bf: {  	v47 =	vand.u32 $0x7F, v47;
	v46 =	vand.u32 $0x1C00, v46  }
0x4c0: {  	v46 =	vor.u32 v46, v47  }
0x4c1: {  	vm0 =	vge.s32 v45, v36;
	v61 =	vsub.s32 v45, v36;
	v48 =	vshll.u32 v45, $0x7  }
0x4c2: {  	vm1 =	vlt.s32 v45, v37;
	v62 =	vshll.u32 v61, $0xA;
	v63 =	vand.u32 $0x380, v48  }
0x4c3: {  	vm0 =	vmand vm0, vm1;
	v45 =	vand.u32 $0xFFFFE000, v62;
	v46 =	vor.u32 v63, v46  }
0x4c4: {  	v45 =	vor.u32 v45, v46;
	_ =	sdelay $0x4  }
0x4c5: {  	s30 =	simm.s32 $0x0;
	s1 =	rddreg [dreg:$0x1a];
	[tilespmem:v45+s20+$0x0] =	vst.idx.msk vm0, v43  }
0x4c6: {  	[hbm4b:s1+s30] =	stream.linear.scatter [tilespmem:s20], [sflag:$0x1], $0xA000, $0x38;
	[tilespmem:$0x14800] =	vst v63  }
0x4c7: {  	_ =	swait.ge [sflag:s28], $0xA000  }
0x4c8: {  	[sflag:s28] =	ssyncset.done $0x0  }
0x4c9: {  	s21 =	simm.s32 $0x400;
	s1 =	rddreg [dreg:$0x5];
	[sflag:s28] =	ssyncadd.s32 $0xFFFF6000  }
0x4ca: {  	[tilespmem:s21], [sflag:$0x3] =	stream.strided.gather [hbm4b:s1+s24], $0x400, s21, s24, $0x38;
	[tilespmem:$0x14800] =	vst v63  }
0x4cb: {  	_ =	swait.ge [sflag:s22], $0x400  }
0x4cc: {  	[sflag:s22] =	ssyncset.done $0x0  }
0x4cd: {  	[sflag:s22] =	ssyncadd.s32 $0xFFFFFC00  }
0x4ce: {  	s1 =	simm.s32 $0x10;
	v45 =	vld [tilespmem:s21+$0x0]  }
.LBB2_74:
0x4cf: {  	p1 =	sne.s32 s1, $0x3F0;
	v46 =	vmov s30  }
0x4d0: {  	v47 =	vor.u32 s30, v42;
	s30 =	smov.u32 s1;
	v46 =	vshll.u32 v46, $0x3  }
0x4d1: {  	v47 =	vand.u32 $0x7F, v47;
	v46 =	vand.u32 $0x1C00, v46  }
0x4d2: {  	v46 =	vor.u32 v46, v47  }
0x4d3: {  	vm0 =	vge.s32 v45, v34;
	v47 =	vsub.s32 v45, v34;
	v48 =	vshll.u32 v45, $0x7  }
0x4d4: {  	vm1 =	vlt.s32 v45, v35;
	v45 =	vshll.u32 v47, $0xA;
	v47 =	vand.u32 $0x380, v48  }
0x4d5: {  	vm0 =	vmand vm0, vm1;
	v45 =	vand.u32 $0xFFFFE000, v45;
	v46 =	vor.u32 v47, v46  }
0x4d6: {  	v45 =	vor.u32 v45, v46;
	_ =	sdelay $0x1  }
.Ltmp38:
0x4d7: {  	(pc) =	sbr.rel @p1 .LBB2_74-.Ltmp38, $3  }
0x4d8: {  	_ =	sdelay $0x1  }
0x4d9: {  	s21 =	sadd.s32 $0x10, s21;
	[tilespmem:v45+s23+$0x0] =	vst.idx.msk vm0, v44  }
0x4da: {  	s1 =	sadd.s32 $0x10, s1;
	v45 =	vld [tilespmem:s21+$0x0]  }
0x4db: {  	v46 =	vmov s30  }
0x4dc: {  	v47 =	vor.u32 s30, v42;
	v46 =	vshll.u32 v46, $0x3  }
0x4dd: {  	v47 =	vand.u32 $0x7F, v47;
	v46 =	vand.u32 $0x1C00, v46  }
0x4de: {  	v46 =	vor.u32 v46, v47  }
0x4df: {  	vm0 =	vge.s32 v45, v34;
	v61 =	vsub.s32 v45, v34;
	v48 =	vshll.u32 v45, $0x7  }
0x4e0: {  	vm1 =	vlt.s32 v45, v35;
	v62 =	vshll.u32 v61, $0xA;
	v63 =	vand.u32 $0x380, v48  }
0x4e1: {  	vm0 =	vmand vm0, vm1;
	v45 =	vand.u32 $0xFFFFE000, v62;
	v46 =	vor.u32 v63, v46  }
0x4e2: {  	v45 =	vor.u32 v45, v46;
	_ =	sdelay $0x4  }
0x4e3: {  	s30 =	simm.s32 $0x0;
	s1 =	rddreg [dreg:$0x6];
	[tilespmem:v45+s23+$0x0] =	vst.idx.msk vm0, v44  }
0x4e4: {  	[tilespmem:s30], [sflag:$0x3] =	stream.strided.gather [hbm4b:s1+s24], $0x400, s25, s24, $0x38;
	[tilespmem:$0x14800] =	vst v63  }
0x4e5: {  	_ =	swait.ge [sflag:s22], $0x400  }
0x4e6: {  	[sflag:s22] =	ssyncset.done $0x0  }
0x4e7: {  	[sflag:s22] =	ssyncadd.s32 $0xFFFFFC00  }
0x4e8: {  	s21 =	simm.s32 $0x10;
	s1 =	simm.s32 $0x0;
	v45 =	vld [tilespmem:s30+$0x0]  }
.LBB2_76:
0x4e9: {  	p1 =	sne.s32 s21, $0x3F0;
	v46 =	vmov s30  }
0x4ea: {  	v47 =	vor.u32 s30, v42;
	s30 =	smov.u32 s21;
	v46 =	vshll.u32 v46, $0x3  }
0x4eb: {  	v47 =	vand.u32 $0x7F, v47;
	v46 =	vand.u32 $0x1C00, v46  }
0x4ec: {  	v46 =	vor.u32 v46, v47  }
0x4ed: {  	vm0 =	vge.s32 v45, v38;
	v47 =	vsub.s32 v45, v38;
	v48 =	vshll.u32 v45, $0x7  }
0x4ee: {  	vm1 =	vlt.s32 v45, v39;
	v45 =	vshll.u32 v47, $0xA;
	v47 =	vand.u32 $0x380, v48  }
0x4ef: {  	vm0 =	vmand vm0, vm1;
	v45 =	vand.u32 $0xFFFFE000, v45;
	v46 =	vor.u32 v47, v46  }
0x4f0: {  	v45 =	vor.u32 v45, v46;
	_ =	sdelay $0x1  }
.Ltmp39:
0x4f1: {  	(pc) =	sbr.rel @p1 .LBB2_76-.Ltmp39, $3  }
0x4f2: {  	_ =	sdelay $0x1  }
0x4f3: {  	s1 =	sadd.s32 $0x10, s1;
	[tilespmem:v45+s23+$0x0] =	vst.idx.msk vm0, v43  }
0x4f4: {  	s21 =	sadd.s32 $0x10, s21;
	v45 =	vld [tilespmem:s1+$0x0]  }
0x4f5: {  	v46 =	vmov s30  }
0x4f6: {  	v47 =	vor.u32 s30, v42;
	v46 =	vshll.u32 v46, $0x3  }
0x4f7: {  	v47 =	vand.u32 $0x7F, v47;
	v46 =	vand.u32 $0x1C00, v46  }
0x4f8: {  	v46 =	vor.u32 v46, v47  }
0x4f9: {  	vm0 =	vge.s32 v45, v38;
	v61 =	vsub.s32 v45, v38;
	v48 =	vshll.u32 v45, $0x7  }
0x4fa: {  	vm1 =	vlt.s32 v45, v39;
	v62 =	vshll.u32 v61, $0xA;
	v63 =	vand.u32 $0x380, v48  }
0x4fb: {  	vm0 =	vmand vm0, vm1;
	v45 =	vand.u32 $0xFFFFE000, v62;
	v46 =	vor.u32 v63, v46  }
0x4fc: {  	v45 =	vor.u32 v45, v46;
	_ =	sdelay $0x4  }
0x4fd: {  	s30 =	simm.s32 $0x0;
	s1 =	rddreg [dreg:$0x1b];
	[tilespmem:v45+s23+$0x0] =	vst.idx.msk vm0, v43  }
0x4fe: {  	[hbm4b:s1+s30] =	stream.linear.scatter [tilespmem:s23], [sflag:$0x2], $0xA000, $0x38;
	[tilespmem:$0x14800] =	vst v63  }
0x4ff: {  	_ =	swait.ge [sflag:s26], $0xA000  }
0x500: {  	[sflag:s26] =	ssyncset.done $0x0  }
0x501: {  	s21 =	simm.s32 $0x400;
	[sflag:s26] =	ssyncadd.s32 $0xFFFF6000  }
0x502: {  	[tilespmem:s21], [sflag:$0x3] =	stream.strided.gather [hbm4b:s13+s24], $0x400, s21, s24, $0x38;
	[tilespmem:$0x14800] =	vst v63  }
0x503: {  	_ =	swait.ge [sflag:s22], $0x400  }
0x504: {  	[sflag:s22] =	ssyncset.done $0x0  }
0x505: {  	[sflag:s22] =	ssyncadd.s32 $0xFFFFFC00  }
0x506: {  	s1 =	simm.s32 $0x10;
	v45 =	vld [tilespmem:s21+$0x0]  }
.LBB2_78:
0x507: {  	p1 =	sne.s32 s1, $0x3F0;
	v46 =	vmov s30  }
0x508: {  	v47 =	vor.u32 s30, v42;
	s30 =	smov.u32 s1;
	v46 =	vshll.u32 v46, $0x3  }
0x509: {  	v47 =	vand.u32 $0x7F, v47;
	v46 =	vand.u32 $0x1C00, v46  }
0x50a: {  	v46 =	vor.u32 v46, v47  }
0x50b: {  	vm0 =	vge.s32 v45, v36;
	v47 =	vsub.s32 v45, v36;
	v48 =	vshll.u32 v45, $0x7  }
0x50c: {  	vm1 =	vlt.s32 v45, v37;
	v45 =	vshll.u32 v47, $0xA;
	v47 =	vand.u32 $0x380, v48  }
0x50d: {  	vm0 =	vmand vm0, vm1;
	v45 =	vand.u32 $0xFFFFE000, v45;
	v46 =	vor.u32 v47, v46  }
0x50e: {  	v45 =	vor.u32 v45, v46;
	_ =	sdelay $0x1  }
.Ltmp40:
0x50f: {  	(pc) =	sbr.rel @p1 .LBB2_78-.Ltmp40, $3  }
0x510: {  	_ =	sdelay $0x1  }
0x511: {  	s21 =	sadd.s32 $0x10, s21;
	[tilespmem:v45+s20+$0x0] =	vst.idx.msk vm0, v44  }
0x512: {  	s1 =	sadd.s32 $0x10, s1;
	v45 =	vld [tilespmem:s21+$0x0]  }
0x513: {  	v46 =	vmov s30  }
0x514: {  	v47 =	vor.u32 s30, v42;
	v46 =	vshll.u32 v46, $0x3  }
0x515: {  	v47 =	vand.u32 $0x7F, v47;
	v46 =	vand.u32 $0x1C00, v46  }
0x516: {  	v46 =	vor.u32 v46, v47  }
0x517: {  	vm0 =	vge.s32 v45, v36;
	v61 =	vsub.s32 v45, v36;
	v48 =	vshll.u32 v45, $0x7  }
0x518: {  	vm1 =	vlt.s32 v45, v37;
	v62 =	vshll.u32 v61, $0xA;
	v63 =	vand.u32 $0x380, v48  }
0x519: {  	vm0 =	vmand vm0, vm1;
	v45 =	vand.u32 $0xFFFFE000, v62;
	v46 =	vor.u32 v63, v46  }
0x51a: {  	v45 =	vor.u32 v45, v46  }
.Ltmp41:
0x51b: {  	_ = 	snop;
	(pc) =	sbr.rel @p0 .LBB2_83-.Ltmp41, $2  }
0x51c: {  	_ =	sdelay $0x2  }
0x51d: {  	s1 =	simm.s32 $0x2;
	[tilespmem:v45+s20+$0x0] =	vst.idx.msk vm0, v44  }
0x51e: {  	s30 =	simm.s32 $0x0;
	s1 =	rddreg [dreg:$0x7]  }
0x51f: {  	[tilespmem:s30], [sflag:$0x3] =	stream.strided.gather [hbm4b:s1+s24], $0x400, s25, s24, $0x38;
	[tilespmem:$0x14800] =	vst v63  }
0x520: {  	_ =	swait.ge [sflag:s22], $0x400  }
0x521: {  	[sflag:s22] =	ssyncset.done $0x0  }
0x522: {  	[sflag:s22] =	ssyncadd.s32 $0xFFFFFC00  }
0x523: {  	s21 =	simm.s32 $0x10;
	s1 =	simm.s32 $0x0;
	v45 =	vld [tilespmem:s30+$0x0]  }
.LBB2_81:
0x524: {  	p1 =	sne.s32 s21, $0x3F0;
	v46 =	vmov s30  }
0x525: {  	v47 =	vor.u32 s30, v42;
	s30 =	smov.u32 s21;
	v46 =	vshll.u32 v46, $0x3  }
0x526: {  	v47 =	vand.u32 $0x7F, v47;
	v46 =	vand.u32 $0x1C00, v46  }
0x527: {  	v46 =	vor.u32 v46, v47  }
0x528: {  	vm0 =	vge.s32 v45, v40;
	v48 =	vshll.u32 v45, $0x7;
	v47 =	vsub.s32 v45, v40  }
0x529: {  	vm1 =	vlt.s32 v45, v41;
	v45 =	vshll.u32 v47, $0xA;
	v47 =	vand.u32 $0x380, v48  }
0x52a: {  	vm0 =	vmand vm0, vm1;
	v45 =	vand.u32 $0xFFFFE000, v45;
	v46 =	vor.u32 v47, v46  }
0x52b: {  	v45 =	vor.u32 v45, v46;
	_ =	sdelay $0x1  }
.Ltmp42:
0x52c: {  	(pc) =	sbr.rel @p1 .LBB2_81-.Ltmp42, $3  }
0x52d: {  	_ =	sdelay $0x1  }
0x52e: {  	s1 =	sadd.s32 $0x10, s1;
	[tilespmem:v45+s20+$0x0] =	vst.idx.msk vm0, v43  }
0x52f: {  	s21 =	sadd.s32 $0x10, s21;
	v45 =	vld [tilespmem:s1+$0x0]  }
.Ltmp43:
0x530: {  	_ = 	snop;
	(pc) =	sbr.rel .LBB2_82-.Ltmp43, $1  }
0x531: {  	_ =	sdelay $0x3  }
.LBB2_84:
0x532: {  	_ =	sfence.sel $0x180000  }
0x533: {  	[bflag:$0x0] =	sbarrier.arrive $0xFFFF  }
0x534: {  	_ =	strace $0x90000047  }
0x535: {  	[bflag:$0x2] =	sbarrier.arrive $0xFFFF  }
0x536: {  	p0 =	sne.s32 s6, $0x0;
	s0 =	rddreg [dreg:$0x3]  }
0x537: {  	s0 =	sadd.s32 @!p0 $0x100000, s0  }
0x538: {  	[sflag:s0] =	ssyncadd.tile.s32 @!p0 $0x1;
	_ =	shalt  }
.Lfunc_end2:
_tile_overlayer_lowered:
.L_overlay_start_2:
0x539: {  	(tag) =	ssettag $0x2  }
0x53a: {  	s0 =	rddreg [dreg:$0x0];
	s2 =	stileid.u32  }
0x53b: {  	s1 =	rddreg [dreg:$0x1];
	p0 =	sne.s32 s2, $0x0  }
0x53c: {  	s3 =	rddreg [dreg:$0x2];
	[bflag:$0x3] =	sbarrier.arrive $0xFFFF;
	s2 =	simm.s32 @!p0 $0x1C03  }
0x53d: {  	[timem:s3], [sflag:s2] =	dma.local @!p0 [hbm:s0], s1  }
0x53e: {  	s0 =	simm.s32 @!p0 $0x3  }
0x53f: {  	_ =	swait.ge @!p0 [sflag:s0], s1  }
0x540: {  	s1 =	ssub.s32 @!p0 $0x0, s1;
	[sflag:s0] =	ssyncset.done @!p0 $0x0  }
0x541: {  	[sflag:s0] =	ssyncadd.s32 @!p0 s1  }
0x542: {  	[bflag:$0x3] =	sbarrier.arrive $0xFFFF  }
0x543: {  	_ =	shalt  }

</sc_bundles>
